<compile_context>
chip_gen: v7x
topology: tpu7x:2x2x1
jax: 0.10.2.dev20260603
libtpu: 0.0.44.dev20260713+nightly
codegen_flags: <defaults>
</compile_context>

<pallas_src>
import functools

import jax
import jax.numpy as jnp
from jax import lax
from jax.experimental import pallas as pl
from jax.experimental.pallas import tpu as pltpu
from jax.experimental.pallas import tpu_sc as plsc

K = 256
H = 4096
ROWS_PER_BLOCK = 16



HH = H // 2


def _half_stages():
    st = []
    kk = 2
    while kk <= K:
        j = kk // 2
        while j >= 1:
            st.append((j, kk))
            j //= 2
        kk *= 2
    for level in (1, 2):
        st.append((256 << (level - 1), None))
        j = 128
        while j >= 1:
            st.append((j, 256 << level))
            j //= 2
    st.append((1024, None))
    return st


_HSTAGES = _half_stages()


def _lane_dist(d):
    return 128 * d if d < 16 else d // 16


def _run_stage(key, idx, bit, d, dp):
    dist = _lane_dist(d)
    bitd = bit[dist]
    pk = jnp.where(bitd, jnp.roll(key, dist, axis=1),
                   jnp.roll(key, -dist, axis=1))
    pi = jnp.where(bitd, jnp.roll(idx, dist, axis=1),
                   jnp.roll(idx, -dist, axis=1))
    beats = (key > pk) | ((key == pk) & (idx < pi))
    if dp is None:
        sw = beats ^ bitd
        return jnp.where(sw, key, pk), jnp.where(sw, idx, pi)
    if dp == "asc":
        sw = beats ^ bitd
    else:
        sw = beats ^ bitd ^ bit[_lane_dist(dp)]
    return jnp.where(sw, pk, key), jnp.where(sw, pi, idx)


def _topk_sort_block(x, perm):
    r = x.shape[0]
    lane = lax.broadcasted_iota(jnp.int32, (r, HH), 1)
    dists = sorted({_lane_dist(d) for d, _ in _HSTAGES}
                   | {_lane_dist(dp) for _, dp in _HSTAGES
                      if dp not in (None, "asc")}
                   | {_lane_dist(1 << b) for b in range(8)})
    bit = {dd: (lane & dd) != 0 for dd in dists}

    ka, ia = x[:, :HH], lane
    kb, ib = x[:, HH:], lane + HH
    for d, dp in _HSTAGES:
        ka, ia = _run_stage(ka, ia, bit, d, dp)
        kb, ib = _run_stage(kb, ib, bit, d, dp)
    j = 128
    while j >= 1:
        ka, ia = _run_stage(ka, ia, bit, j, "asc")
        kb, ib = _run_stage(kb, ib, bit, j, None)
        j //= 2
    beats = (ka > kb) | ((ka == kb) & (ia < ib))
    key = jnp.where(beats, ka, kb)
    idx = jnp.where(beats, ia, ib)
    j = 128
    while j >= 1:
        key, idx = _run_stage(key, idx, bit, j, None)
        j //= 2

    dn = (((1,), (0,)), ((), ()))
    vals = lax.dot_general(key, perm, dn, precision=lax.Precision.HIGHEST,
                           preferred_element_type=jnp.float32)
    idxf = lax.dot_general(idx.astype(jnp.float32), perm, dn,
                           precision=lax.Precision.HIGHEST,
                           preferred_element_type=jnp.float32)
    return vals, idxf.astype(jnp.int32)


def _topk_body(w_ref, p_ref, vals_ref, idx_ref):
    vals, idx = _topk_sort_block(w_ref[...], p_ref[...])
    vals_ref[...] = vals
    idx_ref[...] = idx


def _row_topk(embed_weight):
    v, h = embed_weight.shape
    lane = jnp.arange(HH, dtype=jnp.int32)
    s = (lane & 127) * 16 + (lane >> 7)
    perm = ((s[:, None] == jnp.arange(K, dtype=jnp.int32)[None, :])
            & ((lane & 127) < 16)[:, None]).astype(jnp.float32)
    return pl.pallas_call(
        _topk_body,
        grid=(v // ROWS_PER_BLOCK,),
        in_specs=[
            pl.BlockSpec((ROWS_PER_BLOCK, h), lambda i: (i, 0)),
            pl.BlockSpec((HH, K), lambda i: (0, 0)),
        ],
        out_specs=[
            pl.BlockSpec((ROWS_PER_BLOCK, K), lambda i: (i, 0)),
            pl.BlockSpec((ROWS_PER_BLOCK, K), lambda i: (i, 0)),
        ],
        out_shape=[
            jax.ShapeDtypeStruct((v, K), jnp.float32),
            jax.ShapeDtypeStruct((v, K), jnp.int32),
        ],
    )(embed_weight, perm)



CHUNK = 128


@functools.cache
def _gather_fn(n_tokens):
    info = plsc.get_sparse_core_info()
    nc, ns = info.num_cores, info.num_subcores
    nw = nc * ns
    bpw = n_tokens // nw
    nchunks = bpw // CHUNK
    mesh = plsc.VectorSubcoreMesh(core_axis_name="c", subcore_axis_name="s")

    @functools.partial(
        pl.kernel,
        mesh=mesh,
        out_type=(
            jax.ShapeDtypeStruct((n_tokens, K), jnp.float32),
            jax.ShapeDtypeStruct((n_tokens, K), jnp.int32),
        ),
        scratch_types=[
            pltpu.VMEM((CHUNK,), jnp.int32),
            pltpu.VMEM((CHUNK, K), jnp.float32),
            pltpu.VMEM((CHUNK, K), jnp.int32),
            pltpu.SemaphoreType.DMA,
            pltpu.SemaphoreType.DMA,
        ],
    )
    def gather(tv_hbm, ti_hbm, ids_hbm, ov_hbm, oi_hbm, ids_v, vv, iv, s1, s2):
        wid = lax.axis_index("s") * nc + lax.axis_index("c")
        base = wid * bpw
        for c in range(nchunks):
            off = base + c * CHUNK
            pltpu.sync_copy(ids_hbm.at[pl.ds(off, CHUNK)], ids_v)
            cp1 = pltpu.async_copy(tv_hbm.at[ids_v], vv, s1)
            cp2 = pltpu.async_copy(ti_hbm.at[ids_v], iv, s2)
            cp1.wait()
            cp2.wait()
            pltpu.sync_copy(vv, ov_hbm.at[pl.ds(off, CHUNK)])
            pltpu.sync_copy(iv, oi_hbm.at[pl.ds(off, CHUNK)])

    return gather


def kernel(input_ids, embed_weight):
    b, s = input_ids.shape
    v = embed_weight.shape[0]
    vpad = -v % ROWS_PER_BLOCK
    if vpad:
        embed_weight = jnp.pad(embed_weight, ((0, vpad), (0, 0)))
    tvals, tidx = _row_topk(embed_weight)
    ov, oi = _gather_fn(b * s)(tvals, tidx, input_ids.reshape(-1))
    return ov.reshape(b, s, K), oi.reshape(b, s, K)

# --- scband reference (transcript-rebuilt; emitter-appended) ---
"""Pipeline reference for scband-embedding-model-61503931678942 (READ-ONLY COPY).

The authoritative reference and input builder live on the scoring server;
editing this copy changes nothing except your own understanding.
"""

import jax, jax.numpy as jnp
import numpy as np

VOCAB = 1000
HIDDEN = 4096
PAD_TOKEN_ID = 0
GLOBAL_TOPK = 256
BATCH = 4
SEQ = 2048


def setup_inputs(seed: int = 0) -> dict:
    key = jax.random.key(seed)
    k1, k2 = jax.random.split(key)
    input_ids = jax.random.randint(k1, (BATCH, SEQ), 0, VOCAB, dtype=jnp.int32)
    embed_weight = jax.random.normal(k2, (VOCAB, HIDDEN), dtype=jnp.float32) * 0.02
    # nn.Embedding with padding_idx zeroes the pad row
    embed_weight = embed_weight.at[PAD_TOKEN_ID].set(0.0)
    return {"input_ids": input_ids, "embed_weight": embed_weight}


def reference(input_ids, embed_weight):
    # embedding lookup: logits[b, s, :] = embed_weight[input_ids[b, s], :]
    logits = jnp.take(embed_weight, input_ids, axis=0)  # [B, S, HIDDEN]
    # topk over dim=2 with k=global_topk
    values, indices = jax.lax.top_k(logits, GLOBAL_TOPK)
    return (values, indices.astype(jnp.int32))

if __name__ == "__main__":
    import jax
    _d = setup_inputs()
    print(jax.jit(kernel)(*tuple(_d.values())))

</pallas_src>

<mosaic_0001>
#map = affine_map<(d0, d1) -> (0, 0)>
#map1 = affine_map<(d0, d1) -> (0)>
module attributes {stable_mosaic.version = 14 : i64} {
  func.func @gather(%arg0: i32, %arg1: i32, %arg2: memref<1008x256xf32, #tpu.memory_space<hbm>>, %arg3: memref<1008x256xi32, #tpu.memory_space<hbm>>, %arg4: memref<8192xi32, #tpu.memory_space<hbm>>, %arg5: memref<8192x256xf32, #tpu.memory_space<hbm>>, %arg6: memref<8192x256xi32, #tpu.memory_space<hbm>>, %arg7: memref<128xi32, #tpu.memory_space<vmem>>, %arg8: memref<128x256xf32, #tpu.memory_space<vmem>>, %arg9: memref<128x256xi32, #tpu.memory_space<vmem>>, %arg10: memref<!tpu.dma_semaphore, #tpu.memory_space<semaphore_mem>>, %arg11: memref<!tpu.dma_semaphore, #tpu.memory_space<semaphore_mem>>) attributes {dimension_semantics = [#tpu.dimension_semantics<core_parallel>, #tpu.dimension_semantics<subcore_parallel>], iteration_bounds = array<i64: 2, 16>, scalar_prefetch = 0 : i64, scratch_operands = 5 : i64, tpu.core_type = #tpu.core_type<sc_vector_subcore>, window_params = [{transform_indices = #map}, {transform_indices = #map}, {transform_indices = #map1}, {transform_indices = #map}, {transform_indices = #map}]} {
    %mul3A = arith.constant 2 : i32
    %mul3A_0 = arith.muli %arg1, %mul3A : i32
    %add3A = arith.addi %mul3A_0, %arg0 : i32
    %mul3A_1 = arith.constant 256 : i32
    %mul3A_2 = arith.muli %add3A, %mul3A_1 : i32
    %add3A_3 = arith.constant 0 : i32
    %add3A_4 = arith.addi %mul3A_2, %add3A_3 : i32
    "tpu.region"() ({
      %run_scoped3A = tpu.sem_alloc : memref<!tpu.dma_semaphore, #tpu.memory_space<semaphore_mem>>
      %dma_start3A_29 = tpu.memref_slice %arg4[%add3A_4] : memref<8192xi32, #tpu.memory_space<hbm>> -> memref<128xi32, #tpu.memory_space<hbm>>
      %dma_start3A_30 = tpu.memref_slice %arg4[%add3A_4] : memref<8192xi32, #tpu.memory_space<hbm>> -> memref<128xi32, #tpu.memory_space<hbm>>
      tpu.enqueue_dma source(%dma_start3A_30 : memref<128xi32, #tpu.memory_space<hbm>>) target(%arg7 : memref<128xi32, #tpu.memory_space<vmem>>) target_semaphore(%run_scoped3A : memref<!tpu.dma_semaphore, #tpu.memory_space<semaphore_mem>>)
      %dma_wait3A_31 = tpu.memref_slice %arg4[%add3A_4] : memref<8192xi32, #tpu.memory_space<hbm>> -> memref<128xi32, #tpu.memory_space<hbm>>
      %dma_wait3A_32 = tpu.memref_slice %arg4[%add3A_4] : memref<8192xi32, #tpu.memory_space<hbm>> -> memref<128xi32, #tpu.memory_space<hbm>>
      tpu.wait_dma2 semaphore(%run_scoped3A : memref<!tpu.dma_semaphore, #tpu.memory_space<semaphore_mem>>) src(%dma_wait3A_32 : memref<128xi32, #tpu.memory_space<hbm>>) dst(%arg7 : memref<128xi32, #tpu.memory_space<vmem>>)
      tpu.yield
    }) : () -> ()
    %dma_start3A = arith.constant 0 : i32
    %dma_start3A_5 = arith.constant 0 : i32
    %dma_start3A_6 = tpu.memref_slice %arg2[%dma_start3A, %dma_start3A_5] : memref<1008x256xf32, #tpu.memory_space<hbm>> -> memref<1008x256xf32, #tpu.memory_space<hbm>>
    tpu.enqueue_indirect_dma source(%dma_start3A_6 : memref<1008x256xf32, #tpu.memory_space<hbm>>) target(%arg8 : memref<128x256xf32, #tpu.memory_space<vmem>>) offsets(%arg7 : memref<128xi32, #tpu.memory_space<vmem>>) semaphore(%arg10 : memref<!tpu.dma_semaphore, #tpu.memory_space<semaphore_mem>>)
    %dma_start3A_7 = arith.constant 0 : i32
    %dma_start3A_8 = arith.constant 0 : i32
    %dma_start3A_9 = tpu.memref_slice %arg3[%dma_start3A_7, %dma_start3A_8] : memref<1008x256xi32, #tpu.memory_space<hbm>> -> memref<1008x256xi32, #tpu.memory_space<hbm>>
    tpu.enqueue_indirect_dma source(%dma_start3A_9 : memref<1008x256xi32, #tpu.memory_space<hbm>>) target(%arg9 : memref<128x256xi32, #tpu.memory_space<vmem>>) offsets(%arg7 : memref<128xi32, #tpu.memory_space<vmem>>) semaphore(%arg11 : memref<!tpu.dma_semaphore, #tpu.memory_space<semaphore_mem>>)
    %dma_wait3A = arith.constant 0 : i32
    %dma_wait3A_10 = arith.constant 0 : i32
    %dma_wait3A_11 = tpu.memref_slice %arg2[%dma_wait3A, %dma_wait3A_10] : memref<1008x256xf32, #tpu.memory_space<hbm>> -> memref<1008x256xf32, #tpu.memory_space<hbm>>
    tpu.wait_indirect_dma semaphore(%arg10 : memref<!tpu.dma_semaphore, #tpu.memory_space<semaphore_mem>>) src(%dma_wait3A_11 : memref<1008x256xf32, #tpu.memory_space<hbm>>) dst(%arg8 : memref<128x256xf32, #tpu.memory_space<vmem>>)
    %dma_wait3A_12 = arith.constant 0 : i32
    %dma_wait3A_13 = arith.constant 0 : i32
    %dma_wait3A_14 = tpu.memref_slice %arg3[%dma_wait3A_12, %dma_wait3A_13] : memref<1008x256xi32, #tpu.memory_space<hbm>> -> memref<1008x256xi32, #tpu.memory_space<hbm>>
    tpu.wait_indirect_dma semaphore(%arg11 : memref<!tpu.dma_semaphore, #tpu.memory_space<semaphore_mem>>) src(%dma_wait3A_14 : memref<1008x256xi32, #tpu.memory_space<hbm>>) dst(%arg9 : memref<128x256xi32, #tpu.memory_space<vmem>>)
    "tpu.region"() ({
      %run_scoped3A = tpu.sem_alloc : memref<!tpu.dma_semaphore, #tpu.memory_space<semaphore_mem>>
      %dma_start3A_29 = arith.constant 0 : i32
      %dma_start3A_30 = tpu.memref_slice %arg5[%add3A_4, %dma_start3A_29] : memref<8192x256xf32, #tpu.memory_space<hbm>> -> memref<128x256xf32, #tpu.memory_space<hbm>>
      %dma_start3A_31 = arith.constant 0 : i32
      %dma_start3A_32 = tpu.memref_slice %arg5[%add3A_4, %dma_start3A_31] : memref<8192x256xf32, #tpu.memory_space<hbm>> -> memref<128x256xf32, #tpu.memory_space<hbm>>
      tpu.enqueue_dma source(%arg8 : memref<128x256xf32, #tpu.memory_space<vmem>>) target(%dma_start3A_32 : memref<128x256xf32, #tpu.memory_space<hbm>>) target_semaphore(%run_scoped3A : memref<!tpu.dma_semaphore, #tpu.memory_space<semaphore_mem>>)
      %dma_wait3A_33 = arith.constant 0 : i32
      %dma_wait3A_34 = tpu.memref_slice %arg5[%add3A_4, %dma_wait3A_33] : memref<8192x256xf32, #tpu.memory_space<hbm>> -> memref<128x256xf32, #tpu.memory_space<hbm>>
      %dma_wait3A_35 = arith.constant 0 : i32
      %dma_wait3A_36 = tpu.memref_slice %arg5[%add3A_4, %dma_wait3A_35] : memref<8192x256xf32, #tpu.memory_space<hbm>> -> memref<128x256xf32, #tpu.memory_space<hbm>>
      tpu.wait_dma2 semaphore(%run_scoped3A : memref<!tpu.dma_semaphore, #tpu.memory_space<semaphore_mem>>) src(%arg8 : memref<128x256xf32, #tpu.memory_space<vmem>>) dst(%dma_wait3A_36 : memref<128x256xf32, #tpu.memory_space<hbm>>)
      tpu.yield
    }) : () -> ()
    "tpu.region"() ({
      %run_scoped3A = tpu.sem_alloc : memref<!tpu.dma_semaphore, #tpu.memory_space<semaphore_mem>>
      %dma_start3A_29 = arith.constant 0 : i32
      %dma_start3A_30 = tpu.memref_slice %arg6[%add3A_4, %dma_start3A_29] : memref<8192x256xi32, #tpu.memory_space<hbm>> -> memref<128x256xi32, #tpu.memory_space<hbm>>
      %dma_start3A_31 = arith.constant 0 : i32
      %dma_start3A_32 = tpu.memref_slice %arg6[%add3A_4, %dma_start3A_31] : memref<8192x256xi32, #tpu.memory_space<hbm>> -> memref<128x256xi32, #tpu.memory_space<hbm>>
      tpu.enqueue_dma source(%arg9 : memref<128x256xi32, #tpu.memory_space<vmem>>) target(%dma_start3A_32 : memref<128x256xi32, #tpu.memory_space<hbm>>) target_semaphore(%run_scoped3A : memref<!tpu.dma_semaphore, #tpu.memory_space<semaphore_mem>>)
      %dma_wait3A_33 = arith.constant 0 : i32
      %dma_wait3A_34 = tpu.memref_slice %arg6[%add3A_4, %dma_wait3A_33] : memref<8192x256xi32, #tpu.memory_space<hbm>> -> memref<128x256xi32, #tpu.memory_space<hbm>>
      %dma_wait3A_35 = arith.constant 0 : i32
      %dma_wait3A_36 = tpu.memref_slice %arg6[%add3A_4, %dma_wait3A_35] : memref<8192x256xi32, #tpu.memory_space<hbm>> -> memref<128x256xi32, #tpu.memory_space<hbm>>
      tpu.wait_dma2 semaphore(%run_scoped3A : memref<!tpu.dma_semaphore, #tpu.memory_space<semaphore_mem>>) src(%arg9 : memref<128x256xi32, #tpu.memory_space<vmem>>) dst(%dma_wait3A_36 : memref<128x256xi32, #tpu.memory_space<hbm>>)
      tpu.yield
    }) : () -> ()
    %add3A_15 = arith.constant 128 : i32
    %add3A_16 = arith.addi %mul3A_2, %add3A_15 : i32
    "tpu.region"() ({
      %run_scoped3A = tpu.sem_alloc : memref<!tpu.dma_semaphore, #tpu.memory_space<semaphore_mem>>
      %dma_start3A_29 = tpu.memref_slice %arg4[%add3A_16] : memref<8192xi32, #tpu.memory_space<hbm>> -> memref<128xi32, #tpu.memory_space<hbm>>
      %dma_start3A_30 = tpu.memref_slice %arg4[%add3A_16] : memref<8192xi32, #tpu.memory_space<hbm>> -> memref<128xi32, #tpu.memory_space<hbm>>
      tpu.enqueue_dma source(%dma_start3A_30 : memref<128xi32, #tpu.memory_space<hbm>>) target(%arg7 : memref<128xi32, #tpu.memory_space<vmem>>) target_semaphore(%run_scoped3A : memref<!tpu.dma_semaphore, #tpu.memory_space<semaphore_mem>>)
      %dma_wait3A_31 = tpu.memref_slice %arg4[%add3A_16] : memref<8192xi32, #tpu.memory_space<hbm>> -> memref<128xi32, #tpu.memory_space<hbm>>
      %dma_wait3A_32 = tpu.memref_slice %arg4[%add3A_16] : memref<8192xi32, #tpu.memory_space<hbm>> -> memref<128xi32, #tpu.memory_space<hbm>>
      tpu.wait_dma2 semaphore(%run_scoped3A : memref<!tpu.dma_semaphore, #tpu.memory_space<semaphore_mem>>) src(%dma_wait3A_32 : memref<128xi32, #tpu.memory_space<hbm>>) dst(%arg7 : memref<128xi32, #tpu.memory_space<vmem>>)
      tpu.yield
    }) : () -> ()
    %dma_start3A_17 = arith.constant 0 : i32
    %dma_start3A_18 = arith.constant 0 : i32
    %dma_start3A_19 = tpu.memref_slice %arg2[%dma_start3A_17, %dma_start3A_18] : memref<1008x256xf32, #tpu.memory_space<hbm>> -> memref<1008x256xf32, #tpu.memory_space<hbm>>
    tpu.enqueue_indirect_dma source(%dma_start3A_19 : memref<1008x256xf32, #tpu.memory_space<hbm>>) target(%arg8 : memref<128x256xf32, #tpu.memory_space<vmem>>) offsets(%arg7 : memref<128xi32, #tpu.memory_space<vmem>>) semaphore(%arg10 : memref<!tpu.dma_semaphore, #tpu.memory_space<semaphore_mem>>)
    %dma_start3A_20 = arith.constant 0 : i32
    %dma_start3A_21 = arith.constant 0 : i32
    %dma_start3A_22 = tpu.memref_slice %arg3[%dma_start3A_20, %dma_start3A_21] : memref<1008x256xi32, #tpu.memory_space<hbm>> -> memref<1008x256xi32, #tpu.memory_space<hbm>>
    tpu.enqueue_indirect_dma source(%dma_start3A_22 : memref<1008x256xi32, #tpu.memory_space<hbm>>) target(%arg9 : memref<128x256xi32, #tpu.memory_space<vmem>>) offsets(%arg7 : memref<128xi32, #tpu.memory_space<vmem>>) semaphore(%arg11 : memref<!tpu.dma_semaphore, #tpu.memory_space<semaphore_mem>>)
    %dma_wait3A_23 = arith.constant 0 : i32
    %dma_wait3A_24 = arith.constant 0 : i32
    %dma_wait3A_25 = tpu.memref_slice %arg2[%dma_wait3A_23, %dma_wait3A_24] : memref<1008x256xf32, #tpu.memory_space<hbm>> -> memref<1008x256xf32, #tpu.memory_space<hbm>>
    tpu.wait_indirect_dma semaphore(%arg10 : memref<!tpu.dma_semaphore, #tpu.memory_space<semaphore_mem>>) src(%dma_wait3A_25 : memref<1008x256xf32, #tpu.memory_space<hbm>>) dst(%arg8 : memref<128x256xf32, #tpu.memory_space<vmem>>)
    %dma_wait3A_26 = arith.constant 0 : i32
    %dma_wait3A_27 = arith.constant 0 : i32
    %dma_wait3A_28 = tpu.memref_slice %arg3[%dma_wait3A_26, %dma_wait3A_27] : memref<1008x256xi32, #tpu.memory_space<hbm>> -> memref<1008x256xi32, #tpu.memory_space<hbm>>
    tpu.wait_indirect_dma semaphore(%arg11 : memref<!tpu.dma_semaphore, #tpu.memory_space<semaphore_mem>>) src(%dma_wait3A_28 : memref<1008x256xi32, #tpu.memory_space<hbm>>) dst(%arg9 : memref<128x256xi32, #tpu.memory_space<vmem>>)
    "tpu.region"() ({
      %run_scoped3A = tpu.sem_alloc : memref<!tpu.dma_semaphore, #tpu.memory_space<semaphore_mem>>
      %dma_start3A_29 = arith.constant 0 : i32
      %dma_start3A_30 = tpu.memref_slice %arg5[%add3A_16, %dma_start3A_29] : memref<8192x256xf32, #tpu.memory_space<hbm>> -> memref<128x256xf32, #tpu.memory_space<hbm>>
      %dma_start3A_31 = arith.constant 0 : i32
      %dma_start3A_32 = tpu.memref_slice %arg5[%add3A_16, %dma_start3A_31] : memref<8192x256xf32, #tpu.memory_space<hbm>> -> memref<128x256xf32, #tpu.memory_space<hbm>>
      tpu.enqueue_dma source(%arg8 : memref<128x256xf32, #tpu.memory_space<vmem>>) target(%dma_start3A_32 : memref<128x256xf32, #tpu.memory_space<hbm>>) target_semaphore(%run_scoped3A : memref<!tpu.dma_semaphore, #tpu.memory_space<semaphore_mem>>)
      %dma_wait3A_33 = arith.constant 0 : i32
      %dma_wait3A_34 = tpu.memref_slice %arg5[%add3A_16, %dma_wait3A_33] : memref<8192x256xf32, #tpu.memory_space<hbm>> -> memref<128x256xf32, #tpu.memory_space<hbm>>
      %dma_wait3A_35 = arith.constant 0 : i32
      %dma_wait3A_36 = tpu.memref_slice %arg5[%add3A_16, %dma_wait3A_35] : memref<8192x256xf32, #tpu.memory_space<hbm>> -> memref<128x256xf32, #tpu.memory_space<hbm>>
      tpu.wait_dma2 semaphore(%run_scoped3A : memref<!tpu.dma_semaphore, #tpu.memory_space<semaphore_mem>>) src(%arg8 : memref<128x256xf32, #tpu.memory_space<vmem>>) dst(%dma_wait3A_36 : memref<128x256xf32, #tpu.memory_space<hbm>>)
      tpu.yield
    }) : () -> ()
    "tpu.region"() ({
      %run_scoped3A = tpu.sem_alloc : memref<!tpu.dma_semaphore, #tpu.memory_space<semaphore_mem>>
      %dma_start3A_29 = arith.constant 0 : i32
      %dma_start3A_30 = tpu.memref_slice %arg6[%add3A_16, %dma_start3A_29] : memref<8192x256xi32, #tpu.memory_space<hbm>> -> memref<128x256xi32, #tpu.memory_space<hbm>>
      %dma_start3A_31 = arith.constant 0 : i32
      %dma_start3A_32 = tpu.memref_slice %arg6[%add3A_16, %dma_start3A_31] : memref<8192x256xi32, #tpu.memory_space<hbm>> -> memref<128x256xi32, #tpu.memory_space<hbm>>
      tpu.enqueue_dma source(%arg9 : memref<128x256xi32, #tpu.memory_space<vmem>>) target(%dma_start3A_32 : memref<128x256xi32, #tpu.memory_space<hbm>>) target_semaphore(%run_scoped3A : memref<!tpu.dma_semaphore, #tpu.memory_space<semaphore_mem>>)
      %dma_wait3A_33 = arith.constant 0 : i32
      %dma_wait3A_34 = tpu.memref_slice %arg6[%add3A_16, %dma_wait3A_33] : memref<8192x256xi32, #tpu.memory_space<hbm>> -> memref<128x256xi32, #tpu.memory_space<hbm>>
      %dma_wait3A_35 = arith.constant 0 : i32
      %dma_wait3A_36 = tpu.memref_slice %arg6[%add3A_16, %dma_wait3A_35] : memref<8192x256xi32, #tpu.memory_space<hbm>> -> memref<128x256xi32, #tpu.memory_space<hbm>>
      tpu.wait_dma2 semaphore(%run_scoped3A : memref<!tpu.dma_semaphore, #tpu.memory_space<semaphore_mem>>) src(%arg9 : memref<128x256xi32, #tpu.memory_space<vmem>>) dst(%dma_wait3A_36 : memref<128x256xi32, #tpu.memory_space<hbm>>)
      tpu.yield
    }) : () -> ()
    return
  }
}

module attributes {stable_mosaic.version = 14 : i64} {
  func.func @_topk_body(%arg0: i32, %arg1: memref<16x4096xf32, #tpu.memory_space<vmem>>, %arg2: memref<2048x256xf32, #tpu.memory_space<vmem>>, %arg3: memref<16x256xf32, #tpu.memory_space<vmem>>, %arg4: memref<16x256xi32, #tpu.memory_space<vmem>>) attributes {dimension_semantics = [#tpu.dimension_semantics<arbitrary>], iteration_bounds = array<i64: 63>, scalar_prefetch = 0 : i64, scratch_operands = 0 : i64, tpu.core_type = #tpu.core_type<tc>, window_params = [{transform_indices = @transform_0, window_bounds = array<i64: 16, 4096>}, {pipeline_mode = #tpu.pipeline_mode<synchronous>, transform_indices = @transform_1, window_bounds = array<i64: 2048, 256>}, {transform_indices = @transform_2, window_bounds = array<i64: 16, 256>}, {transform_indices = @transform_3, window_bounds = array<i64: 16, 256>}]} {
    %get3A = arith.constant 0 : index
    %get3A_0 = arith.constant 0 : index
    %get3A_1 = vector.load %arg1[%get3A, %get3A_0] : memref<16x4096xf32, #tpu.memory_space<vmem>>, vector<16x4096xf32>
    %get3A_2 = arith.constant 0 : index
    %get3A_3 = arith.constant 0 : index
    %get3A_4 = vector.load %arg2[%get3A_2, %get3A_3] : memref<2048x256xf32, #tpu.memory_space<vmem>>, vector<2048x256xf32>
    %iota3A = tpu.iota {dimensions = array<i32: 1>} : vector<16x2048xi32>
    %and3A = arith.constant 1 : i32
    %and3A_5 = vector.broadcast %and3A : i32 to vector<16x2048xi32>
    %and3A_6 = arith.andi %iota3A, %and3A_5 : vector<16x2048xi32>
    %ne3A = arith.constant 0 : i32
    %ne3A_7 = vector.broadcast %ne3A : i32 to vector<16x2048xi32>
    %ne3A_8 = arith.cmpi ne, %and3A_6, %ne3A_7 : vector<16x2048xi32>
    %and3A_9 = arith.constant 2 : i32
    %and3A_10 = vector.broadcast %and3A_9 : i32 to vector<16x2048xi32>
    %and3A_11 = arith.andi %iota3A, %and3A_10 : vector<16x2048xi32>
    %ne3A_12 = arith.constant 0 : i32
    %ne3A_13 = vector.broadcast %ne3A_12 : i32 to vector<16x2048xi32>
    %ne3A_14 = arith.cmpi ne, %and3A_11, %ne3A_13 : vector<16x2048xi32>
    %and3A_15 = arith.constant 4 : i32
    %and3A_16 = vector.broadcast %and3A_15 : i32 to vector<16x2048xi32>
    %and3A_17 = arith.andi %iota3A, %and3A_16 : vector<16x2048xi32>
    %ne3A_18 = arith.constant 0 : i32
    %ne3A_19 = vector.broadcast %ne3A_18 : i32 to vector<16x2048xi32>
    %ne3A_20 = arith.cmpi ne, %and3A_17, %ne3A_19 : vector<16x2048xi32>
    %and3A_21 = arith.constant 8 : i32
    %and3A_22 = vector.broadcast %and3A_21 : i32 to vector<16x2048xi32>
    %and3A_23 = arith.andi %iota3A, %and3A_22 : vector<16x2048xi32>
    %ne3A_24 = arith.constant 0 : i32
    %ne3A_25 = vector.broadcast %ne3A_24 : i32 to vector<16x2048xi32>
    %ne3A_26 = arith.cmpi ne, %and3A_23, %ne3A_25 : vector<16x2048xi32>
    %and3A_27 = arith.constant 16 : i32
    %and3A_28 = vector.broadcast %and3A_27 : i32 to vector<16x2048xi32>
    %and3A_29 = arith.andi %iota3A, %and3A_28 : vector<16x2048xi32>
    %ne3A_30 = arith.constant 0 : i32
    %ne3A_31 = vector.broadcast %ne3A_30 : i32 to vector<16x2048xi32>
    %ne3A_32 = arith.cmpi ne, %and3A_29, %ne3A_31 : vector<16x2048xi32>
    %and3A_33 = arith.constant 32 : i32
    %and3A_34 = vector.broadcast %and3A_33 : i32 to vector<16x2048xi32>
    %and3A_35 = arith.andi %iota3A, %and3A_34 : vector<16x2048xi32>
    %ne3A_36 = arith.constant 0 : i32
    %ne3A_37 = vector.broadcast %ne3A_36 : i32 to vector<16x2048xi32>
    %ne3A_38 = arith.cmpi ne, %and3A_35, %ne3A_37 : vector<16x2048xi32>
    %and3A_39 = arith.constant 64 : i32
    %and3A_40 = vector.broadcast %and3A_39 : i32 to vector<16x2048xi32>
    %and3A_41 = arith.andi %iota3A, %and3A_40 : vector<16x2048xi32>
    %ne3A_42 = arith.constant 0 : i32
    %ne3A_43 = vector.broadcast %ne3A_42 : i32 to vector<16x2048xi32>
    %ne3A_44 = arith.cmpi ne, %and3A_41, %ne3A_43 : vector<16x2048xi32>
    %and3A_45 = arith.constant 128 : i32
    %and3A_46 = vector.broadcast %and3A_45 : i32 to vector<16x2048xi32>
    %and3A_47 = arith.andi %iota3A, %and3A_46 : vector<16x2048xi32>
    %ne3A_48 = arith.constant 0 : i32
    %ne3A_49 = vector.broadcast %ne3A_48 : i32 to vector<16x2048xi32>
    %ne3A_50 = arith.cmpi ne, %and3A_47, %ne3A_49 : vector<16x2048xi32>
    %and3A_51 = arith.constant 256 : i32
    %and3A_52 = vector.broadcast %and3A_51 : i32 to vector<16x2048xi32>
    %and3A_53 = arith.andi %iota3A, %and3A_52 : vector<16x2048xi32>
    %ne3A_54 = arith.constant 0 : i32
    %ne3A_55 = vector.broadcast %ne3A_54 : i32 to vector<16x2048xi32>
    %ne3A_56 = arith.cmpi ne, %and3A_53, %ne3A_55 : vector<16x2048xi32>
    %and3A_57 = arith.constant 512 : i32
    %and3A_58 = vector.broadcast %and3A_57 : i32 to vector<16x2048xi32>
    %and3A_59 = arith.andi %iota3A, %and3A_58 : vector<16x2048xi32>
    %ne3A_60 = arith.constant 0 : i32
    %ne3A_61 = vector.broadcast %ne3A_60 : i32 to vector<16x2048xi32>
    %ne3A_62 = arith.cmpi ne, %and3A_59, %ne3A_61 : vector<16x2048xi32>
    %and3A_63 = arith.constant 1024 : i32
    %and3A_64 = vector.broadcast %and3A_63 : i32 to vector<16x2048xi32>
    %and3A_65 = arith.andi %iota3A, %and3A_64 : vector<16x2048xi32>
    %ne3A_66 = arith.constant 0 : i32
    %ne3A_67 = vector.broadcast %ne3A_66 : i32 to vector<16x2048xi32>
    %ne3A_68 = arith.cmpi ne, %and3A_65, %ne3A_67 : vector<16x2048xi32>
    %slice3A = vector.extract_strided_slice %get3A_1 {offsets = [0, 0], sizes = [16, 2048], strides = [1, 1]} : vector<16x4096xf32> to vector<16x2048xf32>
    %slice3A_69 = vector.extract_strided_slice %get3A_1 {offsets = [0, 2048], sizes = [16, 2048], strides = [1, 1]} : vector<16x4096xf32> to vector<16x2048xf32>
    %add3A = arith.constant 2048 : i32
    %add3A_70 = vector.broadcast %add3A : i32 to vector<16x2048xi32>
    %add3A_71 = arith.addi %iota3A, %add3A_70 : vector<16x2048xi32>
    %slice3A_72 = vector.extract_strided_slice %slice3A {offsets = [0, 1920], sizes = [16, 128], strides = [1, 1]} : vector<16x2048xf32> to vector<16x128xf32>
    %slice3A_73 = vector.extract_strided_slice %slice3A {offsets = [0, 0], sizes = [16, 1920], strides = [1, 1]} : vector<16x2048xf32> to vector<16x1920xf32>
    %concatenate3A = tpu.concatenate %slice3A_72, %slice3A_73 in 1 : vector<16x128xf32>, vector<16x1920xf32> -> vector<16x2048xf32>
    %slice3A_74 = vector.extract_strided_slice %slice3A {offsets = [0, 128], sizes = [16, 1920], strides = [1, 1]} : vector<16x2048xf32> to vector<16x1920xf32>
    %slice3A_75 = vector.extract_strided_slice %slice3A {offsets = [0, 0], sizes = [16, 128], strides = [1, 1]} : vector<16x2048xf32> to vector<16x128xf32>
    %concatenate3A_76 = tpu.concatenate %slice3A_74, %slice3A_75 in 1 : vector<16x1920xf32>, vector<16x128xf32> -> vector<16x2048xf32>
    %select_n3A = arith.select %ne3A_50, %concatenate3A, %concatenate3A_76 : vector<16x2048xi1>, vector<16x2048xf32>
    %slice3A_77 = vector.extract_strided_slice %iota3A {offsets = [0, 1920], sizes = [16, 128], strides = [1, 1]} : vector<16x2048xi32> to vector<16x128xi32>
    %slice3A_78 = vector.extract_strided_slice %iota3A {offsets = [0, 0], sizes = [16, 1920], strides = [1, 1]} : vector<16x2048xi32> to vector<16x1920xi32>
    %concatenate3A_79 = tpu.concatenate %slice3A_77, %slice3A_78 in 1 : vector<16x128xi32>, vector<16x1920xi32> -> vector<16x2048xi32>
    %slice3A_80 = vector.extract_strided_slice %iota3A {offsets = [0, 128], sizes = [16, 1920], strides = [1, 1]} : vector<16x2048xi32> to vector<16x1920xi32>
    %slice3A_81 = vector.extract_strided_slice %iota3A {offsets = [0, 0], sizes = [16, 128], strides = [1, 1]} : vector<16x2048xi32> to vector<16x128xi32>
    %concatenate3A_82 = tpu.concatenate %slice3A_80, %slice3A_81 in 1 : vector<16x1920xi32>, vector<16x128xi32> -> vector<16x2048xi32>
    %select_n3A_83 = arith.select %ne3A_50, %concatenate3A_79, %concatenate3A_82 : vector<16x2048xi1>, vector<16x2048xi32>
    %gt3A = arith.cmpf ogt, %slice3A, %select_n3A : vector<16x2048xf32>
    %eq3A = arith.cmpf oeq, %slice3A, %select_n3A : vector<16x2048xf32>
    %lt3A = arith.cmpi slt, %iota3A, %select_n3A_83 : vector<16x2048xi32>
    %and3A_84 = arith.andi %eq3A, %lt3A : vector<16x2048xi1>
    %or3A = arith.ori %gt3A, %and3A_84 : vector<16x2048xi1>
    %xor3A = arith.xori %or3A, %ne3A_50 : vector<16x2048xi1>
    %xor3A_85 = arith.xori %xor3A, %ne3A_56 : vector<16x2048xi1>
    %select_n3A_86 = arith.select %xor3A_85, %select_n3A, %slice3A : vector<16x2048xi1>, vector<16x2048xf32>
    %select_n3A_87 = arith.select %xor3A_85, %select_n3A_83, %iota3A : vector<16x2048xi1>, vector<16x2048xi32>
    %slice3A_88 = vector.extract_strided_slice %slice3A_69 {offsets = [0, 1920], sizes = [16, 128], strides = [1, 1]} : vector<16x2048xf32> to vector<16x128xf32>
    %slice3A_89 = vector.extract_strided_slice %slice3A_69 {offsets = [0, 0], sizes = [16, 1920], strides = [1, 1]} : vector<16x2048xf32> to vector<16x1920xf32>
    %concatenate3A_90 = tpu.concatenate %slice3A_88, %slice3A_89 in 1 : vector<16x128xf32>, vector<16x1920xf32> -> vector<16x2048xf32>
    %slice3A_91 = vector.extract_strided_slice %slice3A_69 {offsets = [0, 128], sizes = [16, 1920], strides = [1, 1]} : vector<16x2048xf32> to vector<16x1920xf32>
    %slice3A_92 = vector.extract_strided_slice %slice3A_69 {offsets = [0, 0], sizes = [16, 128], strides = [1, 1]} : vector<16x2048xf32> to vector<16x128xf32>
    %concatenate3A_93 = tpu.concatenate %slice3A_91, %slice3A_92 in 1 : vector<16x1920xf32>, vector<16x128xf32> -> vector<16x2048xf32>
    %select_n3A_94 = arith.select %ne3A_50, %concatenate3A_90, %concatenate3A_93 : vector<16x2048xi1>, vector<16x2048xf32>
    %slice3A_95 = vector.extract_strided_slice %add3A_71 {offsets = [0, 1920], sizes = [16, 128], strides = [1, 1]} : vector<16x2048xi32> to vector<16x128xi32>
    %slice3A_96 = vector.extract_strided_slice %add3A_71 {offsets = [0, 0], sizes = [16, 1920], strides = [1, 1]} : vector<16x2048xi32> to vector<16x1920xi32>
    %concatenate3A_97 = tpu.concatenate %slice3A_95, %slice3A_96 in 1 : vector<16x128xi32>, vector<16x1920xi32> -> vector<16x2048xi32>
    %slice3A_98 = vector.extract_strided_slice %add3A_71 {offsets = [0, 128], sizes = [16, 1920], strides = [1, 1]} : vector<16x2048xi32> to vector<16x1920xi32>
    %slice3A_99 = vector.extract_strided_slice %add3A_71 {offsets = [0, 0], sizes = [16, 128], strides = [1, 1]} : vector<16x2048xi32> to vector<16x128xi32>
    %concatenate3A_100 = tpu.concatenate %slice3A_98, %slice3A_99 in 1 : vector<16x1920xi32>, vector<16x128xi32> -> vector<16x2048xi32>
    %select_n3A_101 = arith.select %ne3A_50, %concatenate3A_97, %concatenate3A_100 : vector<16x2048xi1>, vector<16x2048xi32>
    %gt3A_102 = arith.cmpf ogt, %slice3A_69, %select_n3A_94 : vector<16x2048xf32>
    %eq3A_103 = arith.cmpf oeq, %slice3A_69, %select_n3A_94 : vector<16x2048xf32>
    %lt3A_104 = arith.cmpi slt, %add3A_71, %select_n3A_101 : vector<16x2048xi32>
    %and3A_105 = arith.andi %eq3A_103, %lt3A_104 : vector<16x2048xi1>
    %or3A_106 = arith.ori %gt3A_102, %and3A_105 : vector<16x2048xi1>
    %xor3A_107 = arith.xori %or3A_106, %ne3A_50 : vector<16x2048xi1>
    %xor3A_108 = arith.xori %xor3A_107, %ne3A_56 : vector<16x2048xi1>
    %select_n3A_109 = arith.select %xor3A_108, %select_n3A_94, %slice3A_69 : vector<16x2048xi1>, vector<16x2048xf32>
    %select_n3A_110 = arith.select %xor3A_108, %select_n3A_101, %add3A_71 : vector<16x2048xi1>, vector<16x2048xi32>
    %slice3A_111 = vector.extract_strided_slice %select_n3A_86 {offsets = [0, 1792], sizes = [16, 256], strides = [1, 1]} : vector<16x2048xf32> to vector<16x256xf32>
    %slice3A_112 = vector.extract_strided_slice %select_n3A_86 {offsets = [0, 0], sizes = [16, 1792], strides = [1, 1]} : vector<16x2048xf32> to vector<16x1792xf32>
    %concatenate3A_113 = tpu.concatenate %slice3A_111, %slice3A_112 in 1 : vector<16x256xf32>, vector<16x1792xf32> -> vector<16x2048xf32>
    %slice3A_114 = vector.extract_strided_slice %select_n3A_86 {offsets = [0, 256], sizes = [16, 1792], strides = [1, 1]} : vector<16x2048xf32> to vector<16x1792xf32>
    %slice3A_115 = vector.extract_strided_slice %select_n3A_86 {offsets = [0, 0], sizes = [16, 256], strides = [1, 1]} : vector<16x2048xf32> to vector<16x256xf32>
    %concatenate3A_116 = tpu.concatenate %slice3A_114, %slice3A_115 in 1 : vector<16x1792xf32>, vector<16x256xf32> -> vector<16x2048xf32>
    %select_n3A_117 = arith.select %ne3A_56, %concatenate3A_113, %concatenate3A_116 : vector<16x2048xi1>, vector<16x2048xf32>
    %slice3A_118 = vector.extract_strided_slice %select_n3A_87 {offsets = [0, 1792], sizes = [16, 256], strides = [1, 1]} : vector<16x2048xi32> to vector<16x256xi32>
    %slice3A_119 = vector.extract_strided_slice %select_n3A_87 {offsets = [0, 0], sizes = [16, 1792], strides = [1, 1]} : vector<16x2048xi32> to vector<16x1792xi32>
    %concatenate3A_120 = tpu.concatenate %slice3A_118, %slice3A_119 in 1 : vector<16x256xi32>, vector<16x1792xi32> -> vector<16x2048xi32>
    %slice3A_121 = vector.extract_strided_slice %select_n3A_87 {offsets = [0, 256], sizes = [16, 1792], strides = [1, 1]} : vector<16x2048xi32> to vector<16x1792xi32>
    %slice3A_122 = vector.extract_strided_slice %select_n3A_87 {offsets = [0, 0], sizes = [16, 256], strides = [1, 1]} : vector<16x2048xi32> to vector<16x256xi32>
    %concatenate3A_123 = tpu.concatenate %slice3A_121, %slice3A_122 in 1 : vector<16x1792xi32>, vector<16x256xi32> -> vector<16x2048xi32>
    %select_n3A_124 = arith.select %ne3A_56, %concatenate3A_120, %concatenate3A_123 : vector<16x2048xi1>, vector<16x2048xi32>
    %gt3A_125 = arith.cmpf ogt, %select_n3A_86, %select_n3A_117 : vector<16x2048xf32>
    %eq3A_126 = arith.cmpf oeq, %select_n3A_86, %select_n3A_117 : vector<16x2048xf32>
    %lt3A_127 = arith.cmpi slt, %select_n3A_87, %select_n3A_124 : vector<16x2048xi32>
    %and3A_128 = arith.andi %eq3A_126, %lt3A_127 : vector<16x2048xi1>
    %or3A_129 = arith.ori %gt3A_125, %and3A_128 : vector<16x2048xi1>
    %xor3A_130 = arith.xori %or3A_129, %ne3A_56 : vector<16x2048xi1>
    %xor3A_131 = arith.xori %xor3A_130, %ne3A_62 : vector<16x2048xi1>
    %select_n3A_132 = arith.select %xor3A_131, %select_n3A_117, %select_n3A_86 : vector<16x2048xi1>, vector<16x2048xf32>
    %select_n3A_133 = arith.select %xor3A_131, %select_n3A_124, %select_n3A_87 : vector<16x2048xi1>, vector<16x2048xi32>
    %slice3A_134 = vector.extract_strided_slice %select_n3A_109 {offsets = [0, 1792], sizes = [16, 256], strides = [1, 1]} : vector<16x2048xf32> to vector<16x256xf32>
    %slice3A_135 = vector.extract_strided_slice %select_n3A_109 {offsets = [0, 0], sizes = [16, 1792], strides = [1, 1]} : vector<16x2048xf32> to vector<16x1792xf32>
    %concatenate3A_136 = tpu.concatenate %slice3A_134, %slice3A_135 in 1 : vector<16x256xf32>, vector<16x1792xf32> -> vector<16x2048xf32>
    %slice3A_137 = vector.extract_strided_slice %select_n3A_109 {offsets = [0, 256], sizes = [16, 1792], strides = [1, 1]} : vector<16x2048xf32> to vector<16x1792xf32>
    %slice3A_138 = vector.extract_strided_slice %select_n3A_109 {offsets = [0, 0], sizes = [16, 256], strides = [1, 1]} : vector<16x2048xf32> to vector<16x256xf32>
    %concatenate3A_139 = tpu.concatenate %slice3A_137, %slice3A_138 in 1 : vector<16x1792xf32>, vector<16x256xf32> -> vector<16x2048xf32>
    %select_n3A_140 = arith.select %ne3A_56, %concatenate3A_136, %concatenate3A_139 : vector<16x2048xi1>, vector<16x2048xf32>
    %slice3A_141 = vector.extract_strided_slice %select_n3A_110 {offsets = [0, 1792], sizes = [16, 256], strides = [1, 1]} : vector<16x2048xi32> to vector<16x256xi32>
    %slice3A_142 = vector.extract_strided_slice %select_n3A_110 {offsets = [0, 0], sizes = [16, 1792], strides = [1, 1]} : vector<16x2048xi32> to vector<16x1792xi32>
    %concatenate3A_143 = tpu.concatenate %slice3A_141, %slice3A_142 in 1 : vector<16x256xi32>, vector<16x1792xi32> -> vector<16x2048xi32>
    %slice3A_144 = vector.extract_strided_slice %select_n3A_110 {offsets = [0, 256], sizes = [16, 1792], strides = [1, 1]} : vector<16x2048xi32> to vector<16x1792xi32>
    %slice3A_145 = vector.extract_strided_slice %select_n3A_110 {offsets = [0, 0], sizes = [16, 256], strides = [1, 1]} : vector<16x2048xi32> to vector<16x256xi32>
    %concatenate3A_146 = tpu.concatenate %slice3A_144, %slice3A_145 in 1 : vector<16x1792xi32>, vector<16x256xi32> -> vector<16x2048xi32>
    %select_n3A_147 = arith.select %ne3A_56, %concatenate3A_143, %concatenate3A_146 : vector<16x2048xi1>, vector<16x2048xi32>
    %gt3A_148 = arith.cmpf ogt, %select_n3A_109, %select_n3A_140 : vector<16x2048xf32>
    %eq3A_149 = arith.cmpf oeq, %select_n3A_109, %select_n3A_140 : vector<16x2048xf32>
    %lt3A_150 = arith.cmpi slt, %select_n3A_110, %select_n3A_147 : vector<16x2048xi32>
    %and3A_151 = arith.andi %eq3A_149, %lt3A_150 : vector<16x2048xi1>
    %or3A_152 = arith.ori %gt3A_148, %and3A_151 : vector<16x2048xi1>
    %xor3A_153 = arith.xori %or3A_152, %ne3A_56 : vector<16x2048xi1>
    %xor3A_154 = arith.xori %xor3A_153, %ne3A_62 : vector<16x2048xi1>
    %select_n3A_155 = arith.select %xor3A_154, %select_n3A_140, %select_n3A_109 : vector<16x2048xi1>, vector<16x2048xf32>
    %select_n3A_156 = arith.select %xor3A_154, %select_n3A_147, %select_n3A_110 : vector<16x2048xi1>, vector<16x2048xi32>
    %slice3A_157 = vector.extract_strided_slice %select_n3A_132 {offsets = [0, 1920], sizes = [16, 128], strides = [1, 1]} : vector<16x2048xf32> to vector<16x128xf32>
    %slice3A_158 = vector.extract_strided_slice %select_n3A_132 {offsets = [0, 0], sizes = [16, 1920], strides = [1, 1]} : vector<16x2048xf32> to vector<16x1920xf32>
    %concatenate3A_159 = tpu.concatenate %slice3A_157, %slice3A_158 in 1 : vector<16x128xf32>, vector<16x1920xf32> -> vector<16x2048xf32>
    %slice3A_160 = vector.extract_strided_slice %select_n3A_132 {offsets = [0, 128], sizes = [16, 1920], strides = [1, 1]} : vector<16x2048xf32> to vector<16x1920xf32>
    %slice3A_161 = vector.extract_strided_slice %select_n3A_132 {offsets = [0, 0], sizes = [16, 128], strides = [1, 1]} : vector<16x2048xf32> to vector<16x128xf32>
    %concatenate3A_162 = tpu.concatenate %slice3A_160, %slice3A_161 in 1 : vector<16x1920xf32>, vector<16x128xf32> -> vector<16x2048xf32>
    %select_n3A_163 = arith.select %ne3A_50, %concatenate3A_159, %concatenate3A_162 : vector<16x2048xi1>, vector<16x2048xf32>
    %slice3A_164 = vector.extract_strided_slice %select_n3A_133 {offsets = [0, 1920], sizes = [16, 128], strides = [1, 1]} : vector<16x2048xi32> to vector<16x128xi32>
    %slice3A_165 = vector.extract_strided_slice %select_n3A_133 {offsets = [0, 0], sizes = [16, 1920], strides = [1, 1]} : vector<16x2048xi32> to vector<16x1920xi32>
    %concatenate3A_166 = tpu.concatenate %slice3A_164, %slice3A_165 in 1 : vector<16x128xi32>, vector<16x1920xi32> -> vector<16x2048xi32>
    %slice3A_167 = vector.extract_strided_slice %select_n3A_133 {offsets = [0, 128], sizes = [16, 1920], strides = [1, 1]} : vector<16x2048xi32> to vector<16x1920xi32>
    %slice3A_168 = vector.extract_strided_slice %select_n3A_133 {offsets = [0, 0], sizes = [16, 128], strides = [1, 1]} : vector<16x2048xi32> to vector<16x128xi32>
    %concatenate3A_169 = tpu.concatenate %slice3A_167, %slice3A_168 in 1 : vector<16x1920xi32>, vector<16x128xi32> -> vector<16x2048xi32>
    %select_n3A_170 = arith.select %ne3A_50, %concatenate3A_166, %concatenate3A_169 : vector<16x2048xi1>, vector<16x2048xi32>
    %gt3A_171 = arith.cmpf ogt, %select_n3A_132, %select_n3A_163 : vector<16x2048xf32>
    %eq3A_172 = arith.cmpf oeq, %select_n3A_132, %select_n3A_163 : vector<16x2048xf32>
    %lt3A_173 = arith.cmpi slt, %select_n3A_133, %select_n3A_170 : vector<16x2048xi32>
    %and3A_174 = arith.andi %eq3A_172, %lt3A_173 : vector<16x2048xi1>
    %or3A_175 = arith.ori %gt3A_171, %and3A_174 : vector<16x2048xi1>
    %xor3A_176 = arith.xori %or3A_175, %ne3A_50 : vector<16x2048xi1>
    %xor3A_177 = arith.xori %xor3A_176, %ne3A_62 : vector<16x2048xi1>
    %select_n3A_178 = arith.select %xor3A_177, %select_n3A_163, %select_n3A_132 : vector<16x2048xi1>, vector<16x2048xf32>
    %select_n3A_179 = arith.select %xor3A_177, %select_n3A_170, %select_n3A_133 : vector<16x2048xi1>, vector<16x2048xi32>
    %slice3A_180 = vector.extract_strided_slice %select_n3A_155 {offsets = [0, 1920], sizes = [16, 128], strides = [1, 1]} : vector<16x2048xf32> to vector<16x128xf32>
    %slice3A_181 = vector.extract_strided_slice %select_n3A_155 {offsets = [0, 0], sizes = [16, 1920], strides = [1, 1]} : vector<16x2048xf32> to vector<16x1920xf32>
    %concatenate3A_182 = tpu.concatenate %slice3A_180, %slice3A_181 in 1 : vector<16x128xf32>, vector<16x1920xf32> -> vector<16x2048xf32>
    %slice3A_183 = vector.extract_strided_slice %select_n3A_155 {offsets = [0, 128], sizes = [16, 1920], strides = [1, 1]} : vector<16x2048xf32> to vector<16x1920xf32>
    %slice3A_184 = vector.extract_strided_slice %select_n3A_155 {offsets = [0, 0], sizes = [16, 128], strides = [1, 1]} : vector<16x2048xf32> to vector<16x128xf32>
    %concatenate3A_185 = tpu.concatenate %slice3A_183, %slice3A_184 in 1 : vector<16x1920xf32>, vector<16x128xf32> -> vector<16x2048xf32>
    %select_n3A_186 = arith.select %ne3A_50, %concatenate3A_182, %concatenate3A_185 : vector<16x2048xi1>, vector<16x2048xf32>
    %slice3A_187 = vector.extract_strided_slice %select_n3A_156 {offsets = [0, 1920], sizes = [16, 128], strides = [1, 1]} : vector<16x2048xi32> to vector<16x128xi32>
    %slice3A_188 = vector.extract_strided_slice %select_n3A_156 {offsets = [0, 0], sizes = [16, 1920], strides = [1, 1]} : vector<16x2048xi32> to vector<16x1920xi32>
    %concatenate3A_189 = tpu.concatenate %slice3A_187, %slice3A_188 in 1 : vector<16x128xi32>, vector<16x1920xi32> -> vector<16x2048xi32>
    %slice3A_190 = vector.extract_strided_slice %select_n3A_156 {offsets = [0, 128], sizes = [16, 1920], strides = [1, 1]} : vector<16x2048xi32> to vector<16x1920xi32>
    %slice3A_191 = vector.extract_strided_slice %select_n3A_156 {offsets = [0, 0], sizes = [16, 128], strides = [1, 1]} : vector<16x2048xi32> to vector<16x128xi32>
    %concatenate3A_192 = tpu.concatenate %slice3A_190, %slice3A_191 in 1 : vector<16x1920xi32>, vector<16x128xi32> -> vector<16x2048xi32>
    %select_n3A_193 = arith.select %ne3A_50, %concatenate3A_189, %concatenate3A_192 : vector<16x2048xi1>, vector<16x2048xi32>
    %gt3A_194 = arith.cmpf ogt, %select_n3A_155, %select_n3A_186 : vector<16x2048xf32>
    %eq3A_195 = arith.cmpf oeq, %select_n3A_155, %select_n3A_186 : vector<16x2048xf32>
    %lt3A_196 = arith.cmpi slt, %select_n3A_156, %select_n3A_193 : vector<16x2048xi32>
    %and3A_197 = arith.andi %eq3A_195, %lt3A_196 : vector<16x2048xi1>
    %or3A_198 = arith.ori %gt3A_194, %and3A_197 : vector<16x2048xi1>
    %xor3A_199 = arith.xori %or3A_198, %ne3A_50 : vector<16x2048xi1>
    %xor3A_200 = arith.xori %xor3A_199, %ne3A_62 : vector<16x2048xi1>
    %select_n3A_201 = arith.select %xor3A_200, %select_n3A_186, %select_n3A_155 : vector<16x2048xi1>, vector<16x2048xf32>
    %select_n3A_202 = arith.select %xor3A_200, %select_n3A_193, %select_n3A_156 : vector<16x2048xi1>, vector<16x2048xi32>
    %slice3A_203 = vector.extract_strided_slice %select_n3A_178 {offsets = [0, 1536], sizes = [16, 512], strides = [1, 1]} : vector<16x2048xf32> to vector<16x512xf32>
    %slice3A_204 = vector.extract_strided_slice %select_n3A_178 {offsets = [0, 0], sizes = [16, 1536], strides = [1, 1]} : vector<16x2048xf32> to vector<16x1536xf32>
    %concatenate3A_205 = tpu.concatenate %slice3A_203, %slice3A_204 in 1 : vector<16x512xf32>, vector<16x1536xf32> -> vector<16x2048xf32>
    %slice3A_206 = vector.extract_strided_slice %select_n3A_178 {offsets = [0, 512], sizes = [16, 1536], strides = [1, 1]} : vector<16x2048xf32> to vector<16x1536xf32>
    %slice3A_207 = vector.extract_strided_slice %select_n3A_178 {offsets = [0, 0], sizes = [16, 512], strides = [1, 1]} : vector<16x2048xf32> to vector<16x512xf32>
    %concatenate3A_208 = tpu.concatenate %slice3A_206, %slice3A_207 in 1 : vector<16x1536xf32>, vector<16x512xf32> -> vector<16x2048xf32>
    %select_n3A_209 = arith.select %ne3A_62, %concatenate3A_205, %concatenate3A_208 : vector<16x2048xi1>, vector<16x2048xf32>
    %slice3A_210 = vector.extract_strided_slice %select_n3A_179 {offsets = [0, 1536], sizes = [16, 512], strides = [1, 1]} : vector<16x2048xi32> to vector<16x512xi32>
    %slice3A_211 = vector.extract_strided_slice %select_n3A_179 {offsets = [0, 0], sizes = [16, 1536], strides = [1, 1]} : vector<16x2048xi32> to vector<16x1536xi32>
    %concatenate3A_212 = tpu.concatenate %slice3A_210, %slice3A_211 in 1 : vector<16x512xi32>, vector<16x1536xi32> -> vector<16x2048xi32>
    %slice3A_213 = vector.extract_strided_slice %select_n3A_179 {offsets = [0, 512], sizes = [16, 1536], strides = [1, 1]} : vector<16x2048xi32> to vector<16x1536xi32>
    %slice3A_214 = vector.extract_strided_slice %select_n3A_179 {offsets = [0, 0], sizes = [16, 512], strides = [1, 1]} : vector<16x2048xi32> to vector<16x512xi32>
    %concatenate3A_215 = tpu.concatenate %slice3A_213, %slice3A_214 in 1 : vector<16x1536xi32>, vector<16x512xi32> -> vector<16x2048xi32>
    %select_n3A_216 = arith.select %ne3A_62, %concatenate3A_212, %concatenate3A_215 : vector<16x2048xi1>, vector<16x2048xi32>
    %gt3A_217 = arith.cmpf ogt, %select_n3A_178, %select_n3A_209 : vector<16x2048xf32>
    %eq3A_218 = arith.cmpf oeq, %select_n3A_178, %select_n3A_209 : vector<16x2048xf32>
    %lt3A_219 = arith.cmpi slt, %select_n3A_179, %select_n3A_216 : vector<16x2048xi32>
    %and3A_220 = arith.andi %eq3A_218, %lt3A_219 : vector<16x2048xi1>
    %or3A_221 = arith.ori %gt3A_217, %and3A_220 : vector<16x2048xi1>
    %xor3A_222 = arith.xori %or3A_221, %ne3A_62 : vector<16x2048xi1>
    %xor3A_223 = arith.xori %xor3A_222, %ne3A_68 : vector<16x2048xi1>
    %select_n3A_224 = arith.select %xor3A_223, %select_n3A_209, %select_n3A_178 : vector<16x2048xi1>, vector<16x2048xf32>
    %select_n3A_225 = arith.select %xor3A_223, %select_n3A_216, %select_n3A_179 : vector<16x2048xi1>, vector<16x2048xi32>
    %slice3A_226 = vector.extract_strided_slice %select_n3A_201 {offsets = [0, 1536], sizes = [16, 512], strides = [1, 1]} : vector<16x2048xf32> to vector<16x512xf32>
    %slice3A_227 = vector.extract_strided_slice %select_n3A_201 {offsets = [0, 0], sizes = [16, 1536], strides = [1, 1]} : vector<16x2048xf32> to vector<16x1536xf32>
    %concatenate3A_228 = tpu.concatenate %slice3A_226, %slice3A_227 in 1 : vector<16x512xf32>, vector<16x1536xf32> -> vector<16x2048xf32>
    %slice3A_229 = vector.extract_strided_slice %select_n3A_201 {offsets = [0, 512], sizes = [16, 1536], strides = [1, 1]} : vector<16x2048xf32> to vector<16x1536xf32>
    %slice3A_230 = vector.extract_strided_slice %select_n3A_201 {offsets = [0, 0], sizes = [16, 512], strides = [1, 1]} : vector<16x2048xf32> to vector<16x512xf32>
    %concatenate3A_231 = tpu.concatenate %slice3A_229, %slice3A_230 in 1 : vector<16x1536xf32>, vector<16x512xf32> -> vector<16x2048xf32>
    %select_n3A_232 = arith.select %ne3A_62, %concatenate3A_228, %concatenate3A_231 : vector<16x2048xi1>, vector<16x2048xf32>
    %slice3A_233 = vector.extract_strided_slice %select_n3A_202 {offsets = [0, 1536], sizes = [16, 512], strides = [1, 1]} : vector<16x2048xi32> to vector<16x512xi32>
    %slice3A_234 = vector.extract_strided_slice %select_n3A_202 {offsets = [0, 0], sizes = [16, 1536], strides = [1, 1]} : vector<16x2048xi32> to vector<16x1536xi32>
    %concatenate3A_235 = tpu.concatenate %slice3A_233, %slice3A_234 in 1 : vector<16x512xi32>, vector<16x1536xi32> -> vector<16x2048xi32>
    %slice3A_236 = vector.extract_strided_slice %select_n3A_202 {offsets = [0, 512], sizes = [16, 1536], strides = [1, 1]} : vector<16x2048xi32> to vector<16x1536xi32>
    %slice3A_237 = vector.extract_strided_slice %select_n3A_202 {offsets = [0, 0], sizes = [16, 512], strides = [1, 1]} : vector<16x2048xi32> to vector<16x512xi32>
    %concatenate3A_238 = tpu.concatenate %slice3A_236, %slice3A_237 in 1 : vector<16x1536xi32>, vector<16x512xi32> -> vector<16x2048xi32>
    %select_n3A_239 = arith.select %ne3A_62, %concatenate3A_235, %concatenate3A_238 : vector<16x2048xi1>, vector<16x2048xi32>
    %gt3A_240 = arith.cmpf ogt, %select_n3A_201, %select_n3A_232 : vector<16x2048xf32>
    %eq3A_241 = arith.cmpf oeq, %select_n3A_201, %select_n3A_232 : vector<16x2048xf32>
    %lt3A_242 = arith.cmpi slt, %select_n3A_202, %select_n3A_239 : vector<16x2048xi32>
    %and3A_243 = arith.andi %eq3A_241, %lt3A_242 : vector<16x2048xi1>
    %or3A_244 = arith.ori %gt3A_240, %and3A_243 : vector<16x2048xi1>
    %xor3A_245 = arith.xori %or3A_244, %ne3A_62 : vector<16x2048xi1>
    %xor3A_246 = arith.xori %xor3A_245, %ne3A_68 : vector<16x2048xi1>
    %select_n3A_247 = arith.select %xor3A_246, %select_n3A_232, %select_n3A_201 : vector<16x2048xi1>, vector<16x2048xf32>
    %select_n3A_248 = arith.select %xor3A_246, %select_n3A_239, %select_n3A_202 : vector<16x2048xi1>, vector<16x2048xi32>
    %slice3A_249 = vector.extract_strided_slice %select_n3A_224 {offsets = [0, 1792], sizes = [16, 256], strides = [1, 1]} : vector<16x2048xf32> to vector<16x256xf32>
    %slice3A_250 = vector.extract_strided_slice %select_n3A_224 {offsets = [0, 0], sizes = [16, 1792], strides = [1, 1]} : vector<16x2048xf32> to vector<16x1792xf32>
    %concatenate3A_251 = tpu.concatenate %slice3A_249, %slice3A_250 in 1 : vector<16x256xf32>, vector<16x1792xf32> -> vector<16x2048xf32>
    %slice3A_252 = vector.extract_strided_slice %select_n3A_224 {offsets = [0, 256], sizes = [16, 1792], strides = [1, 1]} : vector<16x2048xf32> to vector<16x1792xf32>
    %slice3A_253 = vector.extract_strided_slice %select_n3A_224 {offsets = [0, 0], sizes = [16, 256], strides = [1, 1]} : vector<16x2048xf32> to vector<16x256xf32>
    %concatenate3A_254 = tpu.concatenate %slice3A_252, %slice3A_253 in 1 : vector<16x1792xf32>, vector<16x256xf32> -> vector<16x2048xf32>
    %select_n3A_255 = arith.select %ne3A_56, %concatenate3A_251, %concatenate3A_254 : vector<16x2048xi1>, vector<16x2048xf32>
    %slice3A_256 = vector.extract_strided_slice %select_n3A_225 {offsets = [0, 1792], sizes = [16, 256], strides = [1, 1]} : vector<16x2048xi32> to vector<16x256xi32>
    %slice3A_257 = vector.extract_strided_slice %select_n3A_225 {offsets = [0, 0], sizes = [16, 1792], strides = [1, 1]} : vector<16x2048xi32> to vector<16x1792xi32>
    %concatenate3A_258 = tpu.concatenate %slice3A_256, %slice3A_257 in 1 : vector<16x256xi32>, vector<16x1792xi32> -> vector<16x2048xi32>
    %slice3A_259 = vector.extract_strided_slice %select_n3A_225 {offsets = [0, 256], sizes = [16, 1792], strides = [1, 1]} : vector<16x2048xi32> to vector<16x1792xi32>
    %slice3A_260 = vector.extract_strided_slice %select_n3A_225 {offsets = [0, 0], sizes = [16, 256], strides = [1, 1]} : vector<16x2048xi32> to vector<16x256xi32>
    %concatenate3A_261 = tpu.concatenate %slice3A_259, %slice3A_260 in 1 : vector<16x1792xi32>, vector<16x256xi32> -> vector<16x2048xi32>
    %select_n3A_262 = arith.select %ne3A_56, %concatenate3A_258, %concatenate3A_261 : vector<16x2048xi1>, vector<16x2048xi32>
    %gt3A_263 = arith.cmpf ogt, %select_n3A_224, %select_n3A_255 : vector<16x2048xf32>
    %eq3A_264 = arith.cmpf oeq, %select_n3A_224, %select_n3A_255 : vector<16x2048xf32>
    %lt3A_265 = arith.cmpi slt, %select_n3A_225, %select_n3A_262 : vector<16x2048xi32>
    %and3A_266 = arith.andi %eq3A_264, %lt3A_265 : vector<16x2048xi1>
    %or3A_267 = arith.ori %gt3A_263, %and3A_266 : vector<16x2048xi1>
    %xor3A_268 = arith.xori %or3A_267, %ne3A_56 : vector<16x2048xi1>
    %xor3A_269 = arith.xori %xor3A_268, %ne3A_68 : vector<16x2048xi1>
    %select_n3A_270 = arith.select %xor3A_269, %select_n3A_255, %select_n3A_224 : vector<16x2048xi1>, vector<16x2048xf32>
    %select_n3A_271 = arith.select %xor3A_269, %select_n3A_262, %select_n3A_225 : vector<16x2048xi1>, vector<16x2048xi32>
    %slice3A_272 = vector.extract_strided_slice %select_n3A_247 {offsets = [0, 1792], sizes = [16, 256], strides = [1, 1]} : vector<16x2048xf32> to vector<16x256xf32>
    %slice3A_273 = vector.extract_strided_slice %select_n3A_247 {offsets = [0, 0], sizes = [16, 1792], strides = [1, 1]} : vector<16x2048xf32> to vector<16x1792xf32>
    %concatenate3A_274 = tpu.concatenate %slice3A_272, %slice3A_273 in 1 : vector<16x256xf32>, vector<16x1792xf32> -> vector<16x2048xf32>
    %slice3A_275 = vector.extract_strided_slice %select_n3A_247 {offsets = [0, 256], sizes = [16, 1792], strides = [1, 1]} : vector<16x2048xf32> to vector<16x1792xf32>
    %slice3A_276 = vector.extract_strided_slice %select_n3A_247 {offsets = [0, 0], sizes = [16, 256], strides = [1, 1]} : vector<16x2048xf32> to vector<16x256xf32>
    %concatenate3A_277 = tpu.concatenate %slice3A_275, %slice3A_276 in 1 : vector<16x1792xf32>, vector<16x256xf32> -> vector<16x2048xf32>
    %select_n3A_278 = arith.select %ne3A_56, %concatenate3A_274, %concatenate3A_277 : vector<16x2048xi1>, vector<16x2048xf32>
    %slice3A_279 = vector.extract_strided_slice %select_n3A_248 {offsets = [0, 1792], sizes = [16, 256], strides = [1, 1]} : vector<16x2048xi32> to vector<16x256xi32>
    %slice3A_280 = vector.extract_strided_slice %select_n3A_248 {offsets = [0, 0], sizes = [16, 1792], strides = [1, 1]} : vector<16x2048xi32> to vector<16x1792xi32>
    %concatenate3A_281 = tpu.concatenate %slice3A_279, %slice3A_280 in 1 : vector<16x256xi32>, vector<16x1792xi32> -> vector<16x2048xi32>
    %slice3A_282 = vector.extract_strided_slice %select_n3A_248 {offsets = [0, 256], sizes = [16, 1792], strides = [1, 1]} : vector<16x2048xi32> to vector<16x1792xi32>
    %slice3A_283 = vector.extract_strided_slice %select_n3A_248 {offsets = [0, 0], sizes = [16, 256], strides = [1, 1]} : vector<16x2048xi32> to vector<16x256xi32>
    %concatenate3A_284 = tpu.concatenate %slice3A_282, %slice3A_283 in 1 : vector<16x1792xi32>, vector<16x256xi32> -> vector<16x2048xi32>
    %select_n3A_285 = arith.select %ne3A_56, %concatenate3A_281, %concatenate3A_284 : vector<16x2048xi1>, vector<16x2048xi32>
    %gt3A_286 = arith.cmpf ogt, %select_n3A_247, %select_n3A_278 : vector<16x2048xf32>
    %eq3A_287 = arith.cmpf oeq, %select_n3A_247, %select_n3A_278 : vector<16x2048xf32>
    %lt3A_288 = arith.cmpi slt, %select_n3A_248, %select_n3A_285 : vector<16x2048xi32>
    %and3A_289 = arith.andi %eq3A_287, %lt3A_288 : vector<16x2048xi1>
    %or3A_290 = arith.ori %gt3A_286, %and3A_289 : vector<16x2048xi1>
    %xor3A_291 = arith.xori %or3A_290, %ne3A_56 : vector<16x2048xi1>
    %xor3A_292 = arith.xori %xor3A_291, %ne3A_68 : vector<16x2048xi1>
    %select_n3A_293 = arith.select %xor3A_292, %select_n3A_278, %select_n3A_247 : vector<16x2048xi1>, vector<16x2048xf32>
    %select_n3A_294 = arith.select %xor3A_292, %select_n3A_285, %select_n3A_248 : vector<16x2048xi1>, vector<16x2048xi32>
    %slice3A_295 = vector.extract_strided_slice %select_n3A_270 {offsets = [0, 1920], sizes = [16, 128], strides = [1, 1]} : vector<16x2048xf32> to vector<16x128xf32>
    %slice3A_296 = vector.extract_strided_slice %select_n3A_270 {offsets = [0, 0], sizes = [16, 1920], strides = [1, 1]} : vector<16x2048xf32> to vector<16x1920xf32>
    %concatenate3A_297 = tpu.concatenate %slice3A_295, %slice3A_296 in 1 : vector<16x128xf32>, vector<16x1920xf32> -> vector<16x2048xf32>
    %slice3A_298 = vector.extract_strided_slice %select_n3A_270 {offsets = [0, 128], sizes = [16, 1920], strides = [1, 1]} : vector<16x2048xf32> to vector<16x1920xf32>
    %slice3A_299 = vector.extract_strided_slice %select_n3A_270 {offsets = [0, 0], sizes = [16, 128], strides = [1, 1]} : vector<16x2048xf32> to vector<16x128xf32>
    %concatenate3A_300 = tpu.concatenate %slice3A_298, %slice3A_299 in 1 : vector<16x1920xf32>, vector<16x128xf32> -> vector<16x2048xf32>
    %select_n3A_301 = arith.select %ne3A_50, %concatenate3A_297, %concatenate3A_300 : vector<16x2048xi1>, vector<16x2048xf32>
    %slice3A_302 = vector.extract_strided_slice %select_n3A_271 {offsets = [0, 1920], sizes = [16, 128], strides = [1, 1]} : vector<16x2048xi32> to vector<16x128xi32>
    %slice3A_303 = vector.extract_strided_slice %select_n3A_271 {offsets = [0, 0], sizes = [16, 1920], strides = [1, 1]} : vector<16x2048xi32> to vector<16x1920xi32>
    %concatenate3A_304 = tpu.concatenate %slice3A_302, %slice3A_303 in 1 : vector<16x128xi32>, vector<16x1920xi32> -> vector<16x2048xi32>
    %slice3A_305 = vector.extract_strided_slice %select_n3A_271 {offsets = [0, 128], sizes = [16, 1920], strides = [1, 1]} : vector<16x2048xi32> to vector<16x1920xi32>
    %slice3A_306 = vector.extract_strided_slice %select_n3A_271 {offsets = [0, 0], sizes = [16, 128], strides = [1, 1]} : vector<16x2048xi32> to vector<16x128xi32>
    %concatenate3A_307 = tpu.concatenate %slice3A_305, %slice3A_306 in 1 : vector<16x1920xi32>, vector<16x128xi32> -> vector<16x2048xi32>
    %select_n3A_308 = arith.select %ne3A_50, %concatenate3A_304, %concatenate3A_307 : vector<16x2048xi1>, vector<16x2048xi32>
    %gt3A_309 = arith.cmpf ogt, %select_n3A_270, %select_n3A_301 : vector<16x2048xf32>
    %eq3A_310 = arith.cmpf oeq, %select_n3A_270, %select_n3A_301 : vector<16x2048xf32>
    %lt3A_311 = arith.cmpi slt, %select_n3A_271, %select_n3A_308 : vector<16x2048xi32>
    %and3A_312 = arith.andi %eq3A_310, %lt3A_311 : vector<16x2048xi1>
    %or3A_313 = arith.ori %gt3A_309, %and3A_312 : vector<16x2048xi1>
    %xor3A_314 = arith.xori %or3A_313, %ne3A_50 : vector<16x2048xi1>
    %xor3A_315 = arith.xori %xor3A_314, %ne3A_68 : vector<16x2048xi1>
    %select_n3A_316 = arith.select %xor3A_315, %select_n3A_301, %select_n3A_270 : vector<16x2048xi1>, vector<16x2048xf32>
    %select_n3A_317 = arith.select %xor3A_315, %select_n3A_308, %select_n3A_271 : vector<16x2048xi1>, vector<16x2048xi32>
    %slice3A_318 = vector.extract_strided_slice %select_n3A_293 {offsets = [0, 1920], sizes = [16, 128], strides = [1, 1]} : vector<16x2048xf32> to vector<16x128xf32>
    %slice3A_319 = vector.extract_strided_slice %select_n3A_293 {offsets = [0, 0], sizes = [16, 1920], strides = [1, 1]} : vector<16x2048xf32> to vector<16x1920xf32>
    %concatenate3A_320 = tpu.concatenate %slice3A_318, %slice3A_319 in 1 : vector<16x128xf32>, vector<16x1920xf32> -> vector<16x2048xf32>
    %slice3A_321 = vector.extract_strided_slice %select_n3A_293 {offsets = [0, 128], sizes = [16, 1920], strides = [1, 1]} : vector<16x2048xf32> to vector<16x1920xf32>
    %slice3A_322 = vector.extract_strided_slice %select_n3A_293 {offsets = [0, 0], sizes = [16, 128], strides = [1, 1]} : vector<16x2048xf32> to vector<16x128xf32>
    %concatenate3A_323 = tpu.concatenate %slice3A_321, %slice3A_322 in 1 : vector<16x1920xf32>, vector<16x128xf32> -> vector<16x2048xf32>
    %select_n3A_324 = arith.select %ne3A_50, %concatenate3A_320, %concatenate3A_323 : vector<16x2048xi1>, vector<16x2048xf32>
    %slice3A_325 = vector.extract_strided_slice %select_n3A_294 {offsets = [0, 1920], sizes = [16, 128], strides = [1, 1]} : vector<16x2048xi32> to vector<16x128xi32>
    %slice3A_326 = vector.extract_strided_slice %select_n3A_294 {offsets = [0, 0], sizes = [16, 1920], strides = [1, 1]} : vector<16x2048xi32> to vector<16x1920xi32>
    %concatenate3A_327 = tpu.concatenate %slice3A_325, %slice3A_326 in 1 : vector<16x128xi32>, vector<16x1920xi32> -> vector<16x2048xi32>
    %slice3A_328 = vector.extract_strided_slice %select_n3A_294 {offsets = [0, 128], sizes = [16, 1920], strides = [1, 1]} : vector<16x2048xi32> to vector<16x1920xi32>
    %slice3A_329 = vector.extract_strided_slice %select_n3A_294 {offsets = [0, 0], sizes = [16, 128], strides = [1, 1]} : vector<16x2048xi32> to vector<16x128xi32>
    %concatenate3A_330 = tpu.concatenate %slice3A_328, %slice3A_329 in 1 : vector<16x1920xi32>, vector<16x128xi32> -> vector<16x2048xi32>
    %select_n3A_331 = arith.select %ne3A_50, %concatenate3A_327, %concatenate3A_330 : vector<16x2048xi1>, vector<16x2048xi32>
    %gt3A_332 = arith.cmpf ogt, %select_n3A_293, %select_n3A_324 : vector<16x2048xf32>
    %eq3A_333 = arith.cmpf oeq, %select_n3A_293, %select_n3A_324 : vector<16x2048xf32>
    %lt3A_334 = arith.cmpi slt, %select_n3A_294, %select_n3A_331 : vector<16x2048xi32>
    %and3A_335 = arith.andi %eq3A_333, %lt3A_334 : vector<16x2048xi1>
    %or3A_336 = arith.ori %gt3A_332, %and3A_335 : vector<16x2048xi1>
    %xor3A_337 = arith.xori %or3A_336, %ne3A_50 : vector<16x2048xi1>
    %xor3A_338 = arith.xori %xor3A_337, %ne3A_68 : vector<16x2048xi1>
    %select_n3A_339 = arith.select %xor3A_338, %select_n3A_324, %select_n3A_293 : vector<16x2048xi1>, vector<16x2048xf32>
    %select_n3A_340 = arith.select %xor3A_338, %select_n3A_331, %select_n3A_294 : vector<16x2048xi1>, vector<16x2048xi32>
    %slice3A_341 = vector.extract_strided_slice %select_n3A_316 {offsets = [0, 1024], sizes = [16, 1024], strides = [1, 1]} : vector<16x2048xf32> to vector<16x1024xf32>
    %slice3A_342 = vector.extract_strided_slice %select_n3A_316 {offsets = [0, 0], sizes = [16, 1024], strides = [1, 1]} : vector<16x2048xf32> to vector<16x1024xf32>
    %concatenate3A_343 = tpu.concatenate %slice3A_341, %slice3A_342 in 1 : vector<16x1024xf32>, vector<16x1024xf32> -> vector<16x2048xf32>
    %slice3A_344 = vector.extract_strided_slice %select_n3A_316 {offsets = [0, 1024], sizes = [16, 1024], strides = [1, 1]} : vector<16x2048xf32> to vector<16x1024xf32>
    %slice3A_345 = vector.extract_strided_slice %select_n3A_316 {offsets = [0, 0], sizes = [16, 1024], strides = [1, 1]} : vector<16x2048xf32> to vector<16x1024xf32>
    %concatenate3A_346 = tpu.concatenate %slice3A_344, %slice3A_345 in 1 : vector<16x1024xf32>, vector<16x1024xf32> -> vector<16x2048xf32>
    %select_n3A_347 = arith.select %ne3A_68, %concatenate3A_343, %concatenate3A_346 : vector<16x2048xi1>, vector<16x2048xf32>
    %slice3A_348 = vector.extract_strided_slice %select_n3A_317 {offsets = [0, 1024], sizes = [16, 1024], strides = [1, 1]} : vector<16x2048xi32> to vector<16x1024xi32>
    %slice3A_349 = vector.extract_strided_slice %select_n3A_317 {offsets = [0, 0], sizes = [16, 1024], strides = [1, 1]} : vector<16x2048xi32> to vector<16x1024xi32>
    %concatenate3A_350 = tpu.concatenate %slice3A_348, %slice3A_349 in 1 : vector<16x1024xi32>, vector<16x1024xi32> -> vector<16x2048xi32>
    %slice3A_351 = vector.extract_strided_slice %select_n3A_317 {offsets = [0, 1024], sizes = [16, 1024], strides = [1, 1]} : vector<16x2048xi32> to vector<16x1024xi32>
    %slice3A_352 = vector.extract_strided_slice %select_n3A_317 {offsets = [0, 0], sizes = [16, 1024], strides = [1, 1]} : vector<16x2048xi32> to vector<16x1024xi32>
    %concatenate3A_353 = tpu.concatenate %slice3A_351, %slice3A_352 in 1 : vector<16x1024xi32>, vector<16x1024xi32> -> vector<16x2048xi32>
    %select_n3A_354 = arith.select %ne3A_68, %concatenate3A_350, %concatenate3A_353 : vector<16x2048xi1>, vector<16x2048xi32>
    %gt3A_355 = arith.cmpf ogt, %select_n3A_316, %select_n3A_347 : vector<16x2048xf32>
    %eq3A_356 = arith.cmpf oeq, %select_n3A_316, %select_n3A_347 : vector<16x2048xf32>
    %lt3A_357 = arith.cmpi slt, %select_n3A_317, %select_n3A_354 : vector<16x2048xi32>
    %and3A_358 = arith.andi %eq3A_356, %lt3A_357 : vector<16x2048xi1>
    %or3A_359 = arith.ori %gt3A_355, %and3A_358 : vector<16x2048xi1>
    %xor3A_360 = arith.xori %or3A_359, %ne3A_68 : vector<16x2048xi1>
    %xor3A_361 = arith.xori %xor3A_360, %ne3A_8 : vector<16x2048xi1>
    %select_n3A_362 = arith.select %xor3A_361, %select_n3A_347, %select_n3A_316 : vector<16x2048xi1>, vector<16x2048xf32>
    %select_n3A_363 = arith.select %xor3A_361, %select_n3A_354, %select_n3A_317 : vector<16x2048xi1>, vector<16x2048xi32>
    %slice3A_364 = vector.extract_strided_slice %select_n3A_339 {offsets = [0, 1024], sizes = [16, 1024], strides = [1, 1]} : vector<16x2048xf32> to vector<16x1024xf32>
    %slice3A_365 = vector.extract_strided_slice %select_n3A_339 {offsets = [0, 0], sizes = [16, 1024], strides = [1, 1]} : vector<16x2048xf32> to vector<16x1024xf32>
    %concatenate3A_366 = tpu.concatenate %slice3A_364, %slice3A_365 in 1 : vector<16x1024xf32>, vector<16x1024xf32> -> vector<16x2048xf32>
    %slice3A_367 = vector.extract_strided_slice %select_n3A_339 {offsets = [0, 1024], sizes = [16, 1024], strides = [1, 1]} : vector<16x2048xf32> to vector<16x1024xf32>
    %slice3A_368 = vector.extract_strided_slice %select_n3A_339 {offsets = [0, 0], sizes = [16, 1024], strides = [1, 1]} : vector<16x2048xf32> to vector<16x1024xf32>
    %concatenate3A_369 = tpu.concatenate %slice3A_367, %slice3A_368 in 1 : vector<16x1024xf32>, vector<16x1024xf32> -> vector<16x2048xf32>
    %select_n3A_370 = arith.select %ne3A_68, %concatenate3A_366, %concatenate3A_369 : vector<16x2048xi1>, vector<16x2048xf32>
    %slice3A_371 = vector.extract_strided_slice %select_n3A_340 {offsets = [0, 1024], sizes = [16, 1024], strides = [1, 1]} : vector<16x2048xi32> to vector<16x1024xi32>
    %slice3A_372 = vector.extract_strided_slice %select_n3A_340 {offsets = [0, 0], sizes = [16, 1024], strides = [1, 1]} : vector<16x2048xi32> to vector<16x1024xi32>
    %concatenate3A_373 = tpu.concatenate %slice3A_371, %slice3A_372 in 1 : vector<16x1024xi32>, vector<16x1024xi32> -> vector<16x2048xi32>
    %slice3A_374 = vector.extract_strided_slice %select_n3A_340 {offsets = [0, 1024], sizes = [16, 1024], strides = [1, 1]} : vector<16x2048xi32> to vector<16x1024xi32>
    %slice3A_375 = vector.extract_strided_slice %select_n3A_340 {offsets = [0, 0], sizes = [16, 1024], strides = [1, 1]} : vector<16x2048xi32> to vector<16x1024xi32>
    %concatenate3A_376 = tpu.concatenate %slice3A_374, %slice3A_375 in 1 : vector<16x1024xi32>, vector<16x1024xi32> -> vector<16x2048xi32>
    %select_n3A_377 = arith.select %ne3A_68, %concatenate3A_373, %concatenate3A_376 : vector<16x2048xi1>, vector<16x2048xi32>
    %gt3A_378 = arith.cmpf ogt, %select_n3A_339, %select_n3A_370 : vector<16x2048xf32>
    %eq3A_379 = arith.cmpf oeq, %select_n3A_339, %select_n3A_370 : vector<16x2048xf32>
    %lt3A_380 = arith.cmpi slt, %select_n3A_340, %select_n3A_377 : vector<16x2048xi32>
    %and3A_381 = arith.andi %eq3A_379, %lt3A_380 : vector<16x2048xi1>
    %or3A_382 = arith.ori %gt3A_378, %and3A_381 : vector<16x2048xi1>
    %xor3A_383 = arith.xori %or3A_382, %ne3A_68 : vector<16x2048xi1>
    %xor3A_384 = arith.xori %xor3A_383, %ne3A_8 : vector<16x2048xi1>
    %select_n3A_385 = arith.select %xor3A_384, %select_n3A_370, %select_n3A_339 : vector<16x2048xi1>, vector<16x2048xf32>
    %select_n3A_386 = arith.select %xor3A_384, %select_n3A_377, %select_n3A_340 : vector<16x2048xi1>, vector<16x2048xi32>
    %slice3A_387 = vector.extract_strided_slice %select_n3A_362 {offsets = [0, 1536], sizes = [16, 512], strides = [1, 1]} : vector<16x2048xf32> to vector<16x512xf32>
    %slice3A_388 = vector.extract_strided_slice %select_n3A_362 {offsets = [0, 0], sizes = [16, 1536], strides = [1, 1]} : vector<16x2048xf32> to vector<16x1536xf32>
    %concatenate3A_389 = tpu.concatenate %slice3A_387, %slice3A_388 in 1 : vector<16x512xf32>, vector<16x1536xf32> -> vector<16x2048xf32>
    %slice3A_390 = vector.extract_strided_slice %select_n3A_362 {offsets = [0, 512], sizes = [16, 1536], strides = [1, 1]} : vector<16x2048xf32> to vector<16x1536xf32>
    %slice3A_391 = vector.extract_strided_slice %select_n3A_362 {offsets = [0, 0], sizes = [16, 512], strides = [1, 1]} : vector<16x2048xf32> to vector<16x512xf32>
    %concatenate3A_392 = tpu.concatenate %slice3A_390, %slice3A_391 in 1 : vector<16x1536xf32>, vector<16x512xf32> -> vector<16x2048xf32>
    %select_n3A_393 = arith.select %ne3A_62, %concatenate3A_389, %concatenate3A_392 : vector<16x2048xi1>, vector<16x2048xf32>
    %slice3A_394 = vector.extract_strided_slice %select_n3A_363 {offsets = [0, 1536], sizes = [16, 512], strides = [1, 1]} : vector<16x2048xi32> to vector<16x512xi32>
    %slice3A_395 = vector.extract_strided_slice %select_n3A_363 {offsets = [0, 0], sizes = [16, 1536], strides = [1, 1]} : vector<16x2048xi32> to vector<16x1536xi32>
    %concatenate3A_396 = tpu.concatenate %slice3A_394, %slice3A_395 in 1 : vector<16x512xi32>, vector<16x1536xi32> -> vector<16x2048xi32>
    %slice3A_397 = vector.extract_strided_slice %select_n3A_363 {offsets = [0, 512], sizes = [16, 1536], strides = [1, 1]} : vector<16x2048xi32> to vector<16x1536xi32>
    %slice3A_398 = vector.extract_strided_slice %select_n3A_363 {offsets = [0, 0], sizes = [16, 512], strides = [1, 1]} : vector<16x2048xi32> to vector<16x512xi32>
    %concatenate3A_399 = tpu.concatenate %slice3A_397, %slice3A_398 in 1 : vector<16x1536xi32>, vector<16x512xi32> -> vector<16x2048xi32>
    %select_n3A_400 = arith.select %ne3A_62, %concatenate3A_396, %concatenate3A_399 : vector<16x2048xi1>, vector<16x2048xi32>
    %gt3A_401 = arith.cmpf ogt, %select_n3A_362, %select_n3A_393 : vector<16x2048xf32>
    %eq3A_402 = arith.cmpf oeq, %select_n3A_362, %select_n3A_393 : vector<16x2048xf32>
    %lt3A_403 = arith.cmpi slt, %select_n3A_363, %select_n3A_400 : vector<16x2048xi32>
    %and3A_404 = arith.andi %eq3A_402, %lt3A_403 : vector<16x2048xi1>
    %or3A_405 = arith.ori %gt3A_401, %and3A_404 : vector<16x2048xi1>
    %xor3A_406 = arith.xori %or3A_405, %ne3A_62 : vector<16x2048xi1>
    %xor3A_407 = arith.xori %xor3A_406, %ne3A_8 : vector<16x2048xi1>
    %select_n3A_408 = arith.select %xor3A_407, %select_n3A_393, %select_n3A_362 : vector<16x2048xi1>, vector<16x2048xf32>
    %select_n3A_409 = arith.select %xor3A_407, %select_n3A_400, %select_n3A_363 : vector<16x2048xi1>, vector<16x2048xi32>
    %slice3A_410 = vector.extract_strided_slice %select_n3A_385 {offsets = [0, 1536], sizes = [16, 512], strides = [1, 1]} : vector<16x2048xf32> to vector<16x512xf32>
    %slice3A_411 = vector.extract_strided_slice %select_n3A_385 {offsets = [0, 0], sizes = [16, 1536], strides = [1, 1]} : vector<16x2048xf32> to vector<16x1536xf32>
    %concatenate3A_412 = tpu.concatenate %slice3A_410, %slice3A_411 in 1 : vector<16x512xf32>, vector<16x1536xf32> -> vector<16x2048xf32>
    %slice3A_413 = vector.extract_strided_slice %select_n3A_385 {offsets = [0, 512], sizes = [16, 1536], strides = [1, 1]} : vector<16x2048xf32> to vector<16x1536xf32>
    %slice3A_414 = vector.extract_strided_slice %select_n3A_385 {offsets = [0, 0], sizes = [16, 512], strides = [1, 1]} : vector<16x2048xf32> to vector<16x512xf32>
    %concatenate3A_415 = tpu.concatenate %slice3A_413, %slice3A_414 in 1 : vector<16x1536xf32>, vector<16x512xf32> -> vector<16x2048xf32>
    %select_n3A_416 = arith.select %ne3A_62, %concatenate3A_412, %concatenate3A_415 : vector<16x2048xi1>, vector<16x2048xf32>
    %slice3A_417 = vector.extract_strided_slice %select_n3A_386 {offsets = [0, 1536], sizes = [16, 512], strides = [1, 1]} : vector<16x2048xi32> to vector<16x512xi32>
    %slice3A_418 = vector.extract_strided_slice %select_n3A_386 {offsets = [0, 0], sizes = [16, 1536], strides = [1, 1]} : vector<16x2048xi32> to vector<16x1536xi32>
    %concatenate3A_419 = tpu.concatenate %slice3A_417, %slice3A_418 in 1 : vector<16x512xi32>, vector<16x1536xi32> -> vector<16x2048xi32>
    %slice3A_420 = vector.extract_strided_slice %select_n3A_386 {offsets = [0, 512], sizes = [16, 1536], strides = [1, 1]} : vector<16x2048xi32> to vector<16x1536xi32>
    %slice3A_421 = vector.extract_strided_slice %select_n3A_386 {offsets = [0, 0], sizes = [16, 512], strides = [1, 1]} : vector<16x2048xi32> to vector<16x512xi32>
    %concatenate3A_422 = tpu.concatenate %slice3A_420, %slice3A_421 in 1 : vector<16x1536xi32>, vector<16x512xi32> -> vector<16x2048xi32>
    %select_n3A_423 = arith.select %ne3A_62, %concatenate3A_419, %concatenate3A_422 : vector<16x2048xi1>, vector<16x2048xi32>
    %gt3A_424 = arith.cmpf ogt, %select_n3A_385, %select_n3A_416 : vector<16x2048xf32>
    %eq3A_425 = arith.cmpf oeq, %select_n3A_385, %select_n3A_416 : vector<16x2048xf32>
    %lt3A_426 = arith.cmpi slt, %select_n3A_386, %select_n3A_423 : vector<16x2048xi32>
    %and3A_427 = arith.andi %eq3A_425, %lt3A_426 : vector<16x2048xi1>
    %or3A_428 = arith.ori %gt3A_424, %and3A_427 : vector<16x2048xi1>
    %xor3A_429 = arith.xori %or3A_428, %ne3A_62 : vector<16x2048xi1>
    %xor3A_430 = arith.xori %xor3A_429, %ne3A_8 : vector<16x2048xi1>
    %select_n3A_431 = arith.select %xor3A_430, %select_n3A_416, %select_n3A_385 : vector<16x2048xi1>, vector<16x2048xf32>
    %select_n3A_432 = arith.select %xor3A_430, %select_n3A_423, %select_n3A_386 : vector<16x2048xi1>, vector<16x2048xi32>
    %slice3A_433 = vector.extract_strided_slice %select_n3A_408 {offsets = [0, 1792], sizes = [16, 256], strides = [1, 1]} : vector<16x2048xf32> to vector<16x256xf32>
    %slice3A_434 = vector.extract_strided_slice %select_n3A_408 {offsets = [0, 0], sizes = [16, 1792], strides = [1, 1]} : vector<16x2048xf32> to vector<16x1792xf32>
    %concatenate3A_435 = tpu.concatenate %slice3A_433, %slice3A_434 in 1 : vector<16x256xf32>, vector<16x1792xf32> -> vector<16x2048xf32>
    %slice3A_436 = vector.extract_strided_slice %select_n3A_408 {offsets = [0, 256], sizes = [16, 1792], strides = [1, 1]} : vector<16x2048xf32> to vector<16x1792xf32>
    %slice3A_437 = vector.extract_strided_slice %select_n3A_408 {offsets = [0, 0], sizes = [16, 256], strides = [1, 1]} : vector<16x2048xf32> to vector<16x256xf32>
    %concatenate3A_438 = tpu.concatenate %slice3A_436, %slice3A_437 in 1 : vector<16x1792xf32>, vector<16x256xf32> -> vector<16x2048xf32>
    %select_n3A_439 = arith.select %ne3A_56, %concatenate3A_435, %concatenate3A_438 : vector<16x2048xi1>, vector<16x2048xf32>
    %slice3A_440 = vector.extract_strided_slice %select_n3A_409 {offsets = [0, 1792], sizes = [16, 256], strides = [1, 1]} : vector<16x2048xi32> to vector<16x256xi32>
    %slice3A_441 = vector.extract_strided_slice %select_n3A_409 {offsets = [0, 0], sizes = [16, 1792], strides = [1, 1]} : vector<16x2048xi32> to vector<16x1792xi32>
    %concatenate3A_442 = tpu.concatenate %slice3A_440, %slice3A_441 in 1 : vector<16x256xi32>, vector<16x1792xi32> -> vector<16x2048xi32>
    %slice3A_443 = vector.extract_strided_slice %select_n3A_409 {offsets = [0, 256], sizes = [16, 1792], strides = [1, 1]} : vector<16x2048xi32> to vector<16x1792xi32>
    %slice3A_444 = vector.extract_strided_slice %select_n3A_409 {offsets = [0, 0], sizes = [16, 256], strides = [1, 1]} : vector<16x2048xi32> to vector<16x256xi32>
    %concatenate3A_445 = tpu.concatenate %slice3A_443, %slice3A_444 in 1 : vector<16x1792xi32>, vector<16x256xi32> -> vector<16x2048xi32>
    %select_n3A_446 = arith.select %ne3A_56, %concatenate3A_442, %concatenate3A_445 : vector<16x2048xi1>, vector<16x2048xi32>
    %gt3A_447 = arith.cmpf ogt, %select_n3A_408, %select_n3A_439 : vector<16x2048xf32>
    %eq3A_448 = arith.cmpf oeq, %select_n3A_408, %select_n3A_439 : vector<16x2048xf32>
    %lt3A_449 = arith.cmpi slt, %select_n3A_409, %select_n3A_446 : vector<16x2048xi32>
    %and3A_450 = arith.andi %eq3A_448, %lt3A_449 : vector<16x2048xi1>
    %or3A_451 = arith.ori %gt3A_447, %and3A_450 : vector<16x2048xi1>
    %xor3A_452 = arith.xori %or3A_451, %ne3A_56 : vector<16x2048xi1>
    %xor3A_453 = arith.xori %xor3A_452, %ne3A_8 : vector<16x2048xi1>
    %select_n3A_454 = arith.select %xor3A_453, %select_n3A_439, %select_n3A_408 : vector<16x2048xi1>, vector<16x2048xf32>
    %select_n3A_455 = arith.select %xor3A_453, %select_n3A_446, %select_n3A_409 : vector<16x2048xi1>, vector<16x2048xi32>
    %slice3A_456 = vector.extract_strided_slice %select_n3A_431 {offsets = [0, 1792], sizes = [16, 256], strides = [1, 1]} : vector<16x2048xf32> to vector<16x256xf32>
    %slice3A_457 = vector.extract_strided_slice %select_n3A_431 {offsets = [0, 0], sizes = [16, 1792], strides = [1, 1]} : vector<16x2048xf32> to vector<16x1792xf32>
    %concatenate3A_458 = tpu.concatenate %slice3A_456, %slice3A_457 in 1 : vector<16x256xf32>, vector<16x1792xf32> -> vector<16x2048xf32>
    %slice3A_459 = vector.extract_strided_slice %select_n3A_431 {offsets = [0, 256], sizes = [16, 1792], strides = [1, 1]} : vector<16x2048xf32> to vector<16x1792xf32>
    %slice3A_460 = vector.extract_strided_slice %select_n3A_431 {offsets = [0, 0], sizes = [16, 256], strides = [1, 1]} : vector<16x2048xf32> to vector<16x256xf32>
    %concatenate3A_461 = tpu.concatenate %slice3A_459, %slice3A_460 in 1 : vector<16x1792xf32>, vector<16x256xf32> -> vector<16x2048xf32>
    %select_n3A_462 = arith.select %ne3A_56, %concatenate3A_458, %concatenate3A_461 : vector<16x2048xi1>, vector<16x2048xf32>
    %slice3A_463 = vector.extract_strided_slice %select_n3A_432 {offsets = [0, 1792], sizes = [16, 256], strides = [1, 1]} : vector<16x2048xi32> to vector<16x256xi32>
    %slice3A_464 = vector.extract_strided_slice %select_n3A_432 {offsets = [0, 0], sizes = [16, 1792], strides = [1, 1]} : vector<16x2048xi32> to vector<16x1792xi32>
    %concatenate3A_465 = tpu.concatenate %slice3A_463, %slice3A_464 in 1 : vector<16x256xi32>, vector<16x1792xi32> -> vector<16x2048xi32>
    %slice3A_466 = vector.extract_strided_slice %select_n3A_432 {offsets = [0, 256], sizes = [16, 1792], strides = [1, 1]} : vector<16x2048xi32> to vector<16x1792xi32>
    %slice3A_467 = vector.extract_strided_slice %select_n3A_432 {offsets = [0, 0], sizes = [16, 256], strides = [1, 1]} : vector<16x2048xi32> to vector<16x256xi32>
    %concatenate3A_468 = tpu.concatenate %slice3A_466, %slice3A_467 in 1 : vector<16x1792xi32>, vector<16x256xi32> -> vector<16x2048xi32>
    %select_n3A_469 = arith.select %ne3A_56, %concatenate3A_465, %concatenate3A_468 : vector<16x2048xi1>, vector<16x2048xi32>
    %gt3A_470 = arith.cmpf ogt, %select_n3A_431, %select_n3A_462 : vector<16x2048xf32>
    %eq3A_471 = arith.cmpf oeq, %select_n3A_431, %select_n3A_462 : vector<16x2048xf32>
    %lt3A_472 = arith.cmpi slt, %select_n3A_432, %select_n3A_469 : vector<16x2048xi32>
    %and3A_473 = arith.andi %eq3A_471, %lt3A_472 : vector<16x2048xi1>
    %or3A_474 = arith.ori %gt3A_470, %and3A_473 : vector<16x2048xi1>
    %xor3A_475 = arith.xori %or3A_474, %ne3A_56 : vector<16x2048xi1>
    %xor3A_476 = arith.xori %xor3A_475, %ne3A_8 : vector<16x2048xi1>
    %select_n3A_477 = arith.select %xor3A_476, %select_n3A_462, %select_n3A_431 : vector<16x2048xi1>, vector<16x2048xf32>
    %select_n3A_478 = arith.select %xor3A_476, %select_n3A_469, %select_n3A_432 : vector<16x2048xi1>, vector<16x2048xi32>
    %slice3A_479 = vector.extract_strided_slice %select_n3A_454 {offsets = [0, 1920], sizes = [16, 128], strides = [1, 1]} : vector<16x2048xf32> to vector<16x128xf32>
    %slice3A_480 = vector.extract_strided_slice %select_n3A_454 {offsets = [0, 0], sizes = [16, 1920], strides = [1, 1]} : vector<16x2048xf32> to vector<16x1920xf32>
    %concatenate3A_481 = tpu.concatenate %slice3A_479, %slice3A_480 in 1 : vector<16x128xf32>, vector<16x1920xf32> -> vector<16x2048xf32>
    %slice3A_482 = vector.extract_strided_slice %select_n3A_454 {offsets = [0, 128], sizes = [16, 1920], strides = [1, 1]} : vector<16x2048xf32> to vector<16x1920xf32>
    %slice3A_483 = vector.extract_strided_slice %select_n3A_454 {offsets = [0, 0], sizes = [16, 128], strides = [1, 1]} : vector<16x2048xf32> to vector<16x128xf32>
    %concatenate3A_484 = tpu.concatenate %slice3A_482, %slice3A_483 in 1 : vector<16x1920xf32>, vector<16x128xf32> -> vector<16x2048xf32>
    %select_n3A_485 = arith.select %ne3A_50, %concatenate3A_481, %concatenate3A_484 : vector<16x2048xi1>, vector<16x2048xf32>
    %slice3A_486 = vector.extract_strided_slice %select_n3A_455 {offsets = [0, 1920], sizes = [16, 128], strides = [1, 1]} : vector<16x2048xi32> to vector<16x128xi32>
    %slice3A_487 = vector.extract_strided_slice %select_n3A_455 {offsets = [0, 0], sizes = [16, 1920], strides = [1, 1]} : vector<16x2048xi32> to vector<16x1920xi32>
    %concatenate3A_488 = tpu.concatenate %slice3A_486, %slice3A_487 in 1 : vector<16x128xi32>, vector<16x1920xi32> -> vector<16x2048xi32>
    %slice3A_489 = vector.extract_strided_slice %select_n3A_455 {offsets = [0, 128], sizes = [16, 1920], strides = [1, 1]} : vector<16x2048xi32> to vector<16x1920xi32>
    %slice3A_490 = vector.extract_strided_slice %select_n3A_455 {offsets = [0, 0], sizes = [16, 128], strides = [1, 1]} : vector<16x2048xi32> to vector<16x128xi32>
    %concatenate3A_491 = tpu.concatenate %slice3A_489, %slice3A_490 in 1 : vector<16x1920xi32>, vector<16x128xi32> -> vector<16x2048xi32>
    %select_n3A_492 = arith.select %ne3A_50, %concatenate3A_488, %concatenate3A_491 : vector<16x2048xi1>, vector<16x2048xi32>
    %gt3A_493 = arith.cmpf ogt, %select_n3A_454, %select_n3A_485 : vector<16x2048xf32>
    %eq3A_494 = arith.cmpf oeq, %select_n3A_454, %select_n3A_485 : vector<16x2048xf32>
    %lt3A_495 = arith.cmpi slt, %select_n3A_455, %select_n3A_492 : vector<16x2048xi32>
    %and3A_496 = arith.andi %eq3A_494, %lt3A_495 : vector<16x2048xi1>
    %or3A_497 = arith.ori %gt3A_493, %and3A_496 : vector<16x2048xi1>
    %xor3A_498 = arith.xori %or3A_497, %ne3A_50 : vector<16x2048xi1>
    %xor3A_499 = arith.xori %xor3A_498, %ne3A_8 : vector<16x2048xi1>
    %select_n3A_500 = arith.select %xor3A_499, %select_n3A_485, %select_n3A_454 : vector<16x2048xi1>, vector<16x2048xf32>
    %select_n3A_501 = arith.select %xor3A_499, %select_n3A_492, %select_n3A_455 : vector<16x2048xi1>, vector<16x2048xi32>
    %slice3A_502 = vector.extract_strided_slice %select_n3A_477 {offsets = [0, 1920], sizes = [16, 128], strides = [1, 1]} : vector<16x2048xf32> to vector<16x128xf32>
    %slice3A_503 = vector.extract_strided_slice %select_n3A_477 {offsets = [0, 0], sizes = [16, 1920], strides = [1, 1]} : vector<16x2048xf32> to vector<16x1920xf32>
    %concatenate3A_504 = tpu.concatenate %slice3A_502, %slice3A_503 in 1 : vector<16x128xf32>, vector<16x1920xf32> -> vector<16x2048xf32>
    %slice3A_505 = vector.extract_strided_slice %select_n3A_477 {offsets = [0, 128], sizes = [16, 1920], strides = [1, 1]} : vector<16x2048xf32> to vector<16x1920xf32>
    %slice3A_506 = vector.extract_strided_slice %select_n3A_477 {offsets = [0, 0], sizes = [16, 128], strides = [1, 1]} : vector<16x2048xf32> to vector<16x128xf32>
    %concatenate3A_507 = tpu.concatenate %slice3A_505, %slice3A_506 in 1 : vector<16x1920xf32>, vector<16x128xf32> -> vector<16x2048xf32>
    %select_n3A_508 = arith.select %ne3A_50, %concatenate3A_504, %concatenate3A_507 : vector<16x2048xi1>, vector<16x2048xf32>
    %slice3A_509 = vector.extract_strided_slice %select_n3A_478 {offsets = [0, 1920], sizes = [16, 128], strides = [1, 1]} : vector<16x2048xi32> to vector<16x128xi32>
    %slice3A_510 = vector.extract_strided_slice %select_n3A_478 {offsets = [0, 0], sizes = [16, 1920], strides = [1, 1]} : vector<16x2048xi32> to vector<16x1920xi32>
    %concatenate3A_511 = tpu.concatenate %slice3A_509, %slice3A_510 in 1 : vector<16x128xi32>, vector<16x1920xi32> -> vector<16x2048xi32>
    %slice3A_512 = vector.extract_strided_slice %select_n3A_478 {offsets = [0, 128], sizes = [16, 1920], strides = [1, 1]} : vector<16x2048xi32> to vector<16x1920xi32>
    %slice3A_513 = vector.extract_strided_slice %select_n3A_478 {offsets = [0, 0], sizes = [16, 128], strides = [1, 1]} : vector<16x2048xi32> to vector<16x128xi32>
    %concatenate3A_514 = tpu.concatenate %slice3A_512, %slice3A_513 in 1 : vector<16x1920xi32>, vector<16x128xi32> -> vector<16x2048xi32>
    %select_n3A_515 = arith.select %ne3A_50, %concatenate3A_511, %concatenate3A_514 : vector<16x2048xi1>, vector<16x2048xi32>
    %gt3A_516 = arith.cmpf ogt, %select_n3A_477, %select_n3A_508 : vector<16x2048xf32>
    %eq3A_517 = arith.cmpf oeq, %select_n3A_477, %select_n3A_508 : vector<16x2048xf32>
    %lt3A_518 = arith.cmpi slt, %select_n3A_478, %select_n3A_515 : vector<16x2048xi32>
    %and3A_519 = arith.andi %eq3A_517, %lt3A_518 : vector<16x2048xi1>
    %or3A_520 = arith.ori %gt3A_516, %and3A_519 : vector<16x2048xi1>
    %xor3A_521 = arith.xori %or3A_520, %ne3A_50 : vector<16x2048xi1>
    %xor3A_522 = arith.xori %xor3A_521, %ne3A_8 : vector<16x2048xi1>
    %select_n3A_523 = arith.select %xor3A_522, %select_n3A_508, %select_n3A_477 : vector<16x2048xi1>, vector<16x2048xf32>
    %select_n3A_524 = arith.select %xor3A_522, %select_n3A_515, %select_n3A_478 : vector<16x2048xi1>, vector<16x2048xi32>
    %slice3A_525 = vector.extract_strided_slice %select_n3A_500 {offsets = [0, 2047], sizes = [16, 1], strides = [1, 1]} : vector<16x2048xf32> to vector<16x1xf32>
    %slice3A_526 = vector.extract_strided_slice %select_n3A_500 {offsets = [0, 0], sizes = [16, 2047], strides = [1, 1]} : vector<16x2048xf32> to vector<16x2047xf32>
    %concatenate3A_527 = tpu.concatenate %slice3A_525, %slice3A_526 in 1 : vector<16x1xf32>, vector<16x2047xf32> -> vector<16x2048xf32>
    %slice3A_528 = vector.extract_strided_slice %select_n3A_500 {offsets = [0, 1], sizes = [16, 2047], strides = [1, 1]} : vector<16x2048xf32> to vector<16x2047xf32>
    %slice3A_529 = vector.extract_strided_slice %select_n3A_500 {offsets = [0, 0], sizes = [16, 1], strides = [1, 1]} : vector<16x2048xf32> to vector<16x1xf32>
    %concatenate3A_530 = tpu.concatenate %slice3A_528, %slice3A_529 in 1 : vector<16x2047xf32>, vector<16x1xf32> -> vector<16x2048xf32>
    %select_n3A_531 = arith.select %ne3A_8, %concatenate3A_527, %concatenate3A_530 : vector<16x2048xi1>, vector<16x2048xf32>
    %slice3A_532 = vector.extract_strided_slice %select_n3A_501 {offsets = [0, 2047], sizes = [16, 1], strides = [1, 1]} : vector<16x2048xi32> to vector<16x1xi32>
    %slice3A_533 = vector.extract_strided_slice %select_n3A_501 {offsets = [0, 0], sizes = [16, 2047], strides = [1, 1]} : vector<16x2048xi32> to vector<16x2047xi32>
    %concatenate3A_534 = tpu.concatenate %slice3A_532, %slice3A_533 in 1 : vector<16x1xi32>, vector<16x2047xi32> -> vector<16x2048xi32>
    %slice3A_535 = vector.extract_strided_slice %select_n3A_501 {offsets = [0, 1], sizes = [16, 2047], strides = [1, 1]} : vector<16x2048xi32> to vector<16x2047xi32>
    %slice3A_536 = vector.extract_strided_slice %select_n3A_501 {offsets = [0, 0], sizes = [16, 1], strides = [1, 1]} : vector<16x2048xi32> to vector<16x1xi32>
    %concatenate3A_537 = tpu.concatenate %slice3A_535, %slice3A_536 in 1 : vector<16x2047xi32>, vector<16x1xi32> -> vector<16x2048xi32>
    %select_n3A_538 = arith.select %ne3A_8, %concatenate3A_534, %concatenate3A_537 : vector<16x2048xi1>, vector<16x2048xi32>
    %gt3A_539 = arith.cmpf ogt, %select_n3A_500, %select_n3A_531 : vector<16x2048xf32>
    %eq3A_540 = arith.cmpf oeq, %select_n3A_500, %select_n3A_531 : vector<16x2048xf32>
    %lt3A_541 = arith.cmpi slt, %select_n3A_501, %select_n3A_538 : vector<16x2048xi32>
    %and3A_542 = arith.andi %eq3A_540, %lt3A_541 : vector<16x2048xi1>
    %or3A_543 = arith.ori %gt3A_539, %and3A_542 : vector<16x2048xi1>
    %xor3A_544 = arith.xori %or3A_543, %ne3A_8 : vector<16x2048xi1>
    %xor3A_545 = arith.xori %xor3A_544, %ne3A_14 : vector<16x2048xi1>
    %select_n3A_546 = arith.select %xor3A_545, %select_n3A_531, %select_n3A_500 : vector<16x2048xi1>, vector<16x2048xf32>
    %select_n3A_547 = arith.select %xor3A_545, %select_n3A_538, %select_n3A_501 : vector<16x2048xi1>, vector<16x2048xi32>
    %slice3A_548 = vector.extract_strided_slice %select_n3A_523 {offsets = [0, 2047], sizes = [16, 1], strides = [1, 1]} : vector<16x2048xf32> to vector<16x1xf32>
    %slice3A_549 = vector.extract_strided_slice %select_n3A_523 {offsets = [0, 0], sizes = [16, 2047], strides = [1, 1]} : vector<16x2048xf32> to vector<16x2047xf32>
    %concatenate3A_550 = tpu.concatenate %slice3A_548, %slice3A_549 in 1 : vector<16x1xf32>, vector<16x2047xf32> -> vector<16x2048xf32>
    %slice3A_551 = vector.extract_strided_slice %select_n3A_523 {offsets = [0, 1], sizes = [16, 2047], strides = [1, 1]} : vector<16x2048xf32> to vector<16x2047xf32>
    %slice3A_552 = vector.extract_strided_slice %select_n3A_523 {offsets = [0, 0], sizes = [16, 1], strides = [1, 1]} : vector<16x2048xf32> to vector<16x1xf32>
    %concatenate3A_553 = tpu.concatenate %slice3A_551, %slice3A_552 in 1 : vector<16x2047xf32>, vector<16x1xf32> -> vector<16x2048xf32>
    %select_n3A_554 = arith.select %ne3A_8, %concatenate3A_550, %concatenate3A_553 : vector<16x2048xi1>, vector<16x2048xf32>
    %slice3A_555 = vector.extract_strided_slice %select_n3A_524 {offsets = [0, 2047], sizes = [16, 1], strides = [1, 1]} : vector<16x2048xi32> to vector<16x1xi32>
    %slice3A_556 = vector.extract_strided_slice %select_n3A_524 {offsets = [0, 0], sizes = [16, 2047], strides = [1, 1]} : vector<16x2048xi32> to vector<16x2047xi32>
    %concatenate3A_557 = tpu.concatenate %slice3A_555, %slice3A_556 in 1 : vector<16x1xi32>, vector<16x2047xi32> -> vector<16x2048xi32>
    %slice3A_558 = vector.extract_strided_slice %select_n3A_524 {offsets = [0, 1], sizes = [16, 2047], strides = [1, 1]} : vector<16x2048xi32> to vector<16x2047xi32>
    %slice3A_559 = vector.extract_strided_slice %select_n3A_524 {offsets = [0, 0], sizes = [16, 1], strides = [1, 1]} : vector<16x2048xi32> to vector<16x1xi32>
    %concatenate3A_560 = tpu.concatenate %slice3A_558, %slice3A_559 in 1 : vector<16x2047xi32>, vector<16x1xi32> -> vector<16x2048xi32>
    %select_n3A_561 = arith.select %ne3A_8, %concatenate3A_557, %concatenate3A_560 : vector<16x2048xi1>, vector<16x2048xi32>
    %gt3A_562 = arith.cmpf ogt, %select_n3A_523, %select_n3A_554 : vector<16x2048xf32>
    %eq3A_563 = arith.cmpf oeq, %select_n3A_523, %select_n3A_554 : vector<16x2048xf32>
    %lt3A_564 = arith.cmpi slt, %select_n3A_524, %select_n3A_561 : vector<16x2048xi32>
    %and3A_565 = arith.andi %eq3A_563, %lt3A_564 : vector<16x2048xi1>
    %or3A_566 = arith.ori %gt3A_562, %and3A_565 : vector<16x2048xi1>
    %xor3A_567 = arith.xori %or3A_566, %ne3A_8 : vector<16x2048xi1>
    %xor3A_568 = arith.xori %xor3A_567, %ne3A_14 : vector<16x2048xi1>
    %select_n3A_569 = arith.select %xor3A_568, %select_n3A_554, %select_n3A_523 : vector<16x2048xi1>, vector<16x2048xf32>
    %select_n3A_570 = arith.select %xor3A_568, %select_n3A_561, %select_n3A_524 : vector<16x2048xi1>, vector<16x2048xi32>
    %slice3A_571 = vector.extract_strided_slice %select_n3A_546 {offsets = [0, 1024], sizes = [16, 1024], strides = [1, 1]} : vector<16x2048xf32> to vector<16x1024xf32>
    %slice3A_572 = vector.extract_strided_slice %select_n3A_546 {offsets = [0, 0], sizes = [16, 1024], strides = [1, 1]} : vector<16x2048xf32> to vector<16x1024xf32>
    %concatenate3A_573 = tpu.concatenate %slice3A_571, %slice3A_572 in 1 : vector<16x1024xf32>, vector<16x1024xf32> -> vector<16x2048xf32>
    %slice3A_574 = vector.extract_strided_slice %select_n3A_546 {offsets = [0, 1024], sizes = [16, 1024], strides = [1, 1]} : vector<16x2048xf32> to vector<16x1024xf32>
    %slice3A_575 = vector.extract_strided_slice %select_n3A_546 {offsets = [0, 0], sizes = [16, 1024], strides = [1, 1]} : vector<16x2048xf32> to vector<16x1024xf32>
    %concatenate3A_576 = tpu.concatenate %slice3A_574, %slice3A_575 in 1 : vector<16x1024xf32>, vector<16x1024xf32> -> vector<16x2048xf32>
    %select_n3A_577 = arith.select %ne3A_68, %concatenate3A_573, %concatenate3A_576 : vector<16x2048xi1>, vector<16x2048xf32>
    %slice3A_578 = vector.extract_strided_slice %select_n3A_547 {offsets = [0, 1024], sizes = [16, 1024], strides = [1, 1]} : vector<16x2048xi32> to vector<16x1024xi32>
    %slice3A_579 = vector.extract_strided_slice %select_n3A_547 {offsets = [0, 0], sizes = [16, 1024], strides = [1, 1]} : vector<16x2048xi32> to vector<16x1024xi32>
    %concatenate3A_580 = tpu.concatenate %slice3A_578, %slice3A_579 in 1 : vector<16x1024xi32>, vector<16x1024xi32> -> vector<16x2048xi32>
    %slice3A_581 = vector.extract_strided_slice %select_n3A_547 {offsets = [0, 1024], sizes = [16, 1024], strides = [1, 1]} : vector<16x2048xi32> to vector<16x1024xi32>
    %slice3A_582 = vector.extract_strided_slice %select_n3A_547 {offsets = [0, 0], sizes = [16, 1024], strides = [1, 1]} : vector<16x2048xi32> to vector<16x1024xi32>
    %concatenate3A_583 = tpu.concatenate %slice3A_581, %slice3A_582 in 1 : vector<16x1024xi32>, vector<16x1024xi32> -> vector<16x2048xi32>
    %select_n3A_584 = arith.select %ne3A_68, %concatenate3A_580, %concatenate3A_583 : vector<16x2048xi1>, vector<16x2048xi32>
    %gt3A_585 = arith.cmpf ogt, %select_n3A_546, %select_n3A_577 : vector<16x2048xf32>
    %eq3A_586 = arith.cmpf oeq, %select_n3A_546, %select_n3A_577 : vector<16x2048xf32>
    %lt3A_587 = arith.cmpi slt, %select_n3A_547, %select_n3A_584 : vector<16x2048xi32>
    %and3A_588 = arith.andi %eq3A_586, %lt3A_587 : vector<16x2048xi1>
    %or3A_589 = arith.ori %gt3A_585, %and3A_588 : vector<16x2048xi1>
    %xor3A_590 = arith.xori %or3A_589, %ne3A_68 : vector<16x2048xi1>
    %xor3A_591 = arith.xori %xor3A_590, %ne3A_14 : vector<16x2048xi1>
    %select_n3A_592 = arith.select %xor3A_591, %select_n3A_577, %select_n3A_546 : vector<16x2048xi1>, vector<16x2048xf32>
    %select_n3A_593 = arith.select %xor3A_591, %select_n3A_584, %select_n3A_547 : vector<16x2048xi1>, vector<16x2048xi32>
    %slice3A_594 = vector.extract_strided_slice %select_n3A_569 {offsets = [0, 1024], sizes = [16, 1024], strides = [1, 1]} : vector<16x2048xf32> to vector<16x1024xf32>
    %slice3A_595 = vector.extract_strided_slice %select_n3A_569 {offsets = [0, 0], sizes = [16, 1024], strides = [1, 1]} : vector<16x2048xf32> to vector<16x1024xf32>
    %concatenate3A_596 = tpu.concatenate %slice3A_594, %slice3A_595 in 1 : vector<16x1024xf32>, vector<16x1024xf32> -> vector<16x2048xf32>
    %slice3A_597 = vector.extract_strided_slice %select_n3A_569 {offsets = [0, 1024], sizes = [16, 1024], strides = [1, 1]} : vector<16x2048xf32> to vector<16x1024xf32>
    %slice3A_598 = vector.extract_strided_slice %select_n3A_569 {offsets = [0, 0], sizes = [16, 1024], strides = [1, 1]} : vector<16x2048xf32> to vector<16x1024xf32>
    %concatenate3A_599 = tpu.concatenate %slice3A_597, %slice3A_598 in 1 : vector<16x1024xf32>, vector<16x1024xf32> -> vector<16x2048xf32>
    %select_n3A_600 = arith.select %ne3A_68, %concatenate3A_596, %concatenate3A_599 : vector<16x2048xi1>, vector<16x2048xf32>
    %slice3A_601 = vector.extract_strided_slice %select_n3A_570 {offsets = [0, 1024], sizes = [16, 1024], strides = [1, 1]} : vector<16x2048xi32> to vector<16x1024xi32>
    %slice3A_602 = vector.extract_strided_slice %select_n3A_570 {offsets = [0, 0], sizes = [16, 1024], strides = [1, 1]} : vector<16x2048xi32> to vector<16x1024xi32>
    %concatenate3A_603 = tpu.concatenate %slice3A_601, %slice3A_602 in 1 : vector<16x1024xi32>, vector<16x1024xi32> -> vector<16x2048xi32>
    %slice3A_604 = vector.extract_strided_slice %select_n3A_570 {offsets = [0, 1024], sizes = [16, 1024], strides = [1, 1]} : vector<16x2048xi32> to vector<16x1024xi32>
    %slice3A_605 = vector.extract_strided_slice %select_n3A_570 {offsets = [0, 0], sizes = [16, 1024], strides = [1, 1]} : vector<16x2048xi32> to vector<16x1024xi32>
    %concatenate3A_606 = tpu.concatenate %slice3A_604, %slice3A_605 in 1 : vector<16x1024xi32>, vector<16x1024xi32> -> vector<16x2048xi32>
    %select_n3A_607 = arith.select %ne3A_68, %concatenate3A_603, %concatenate3A_606 : vector<16x2048xi1>, vector<16x2048xi32>
    %gt3A_608 = arith.cmpf ogt, %select_n3A_569, %select_n3A_600 : vector<16x2048xf32>
    %eq3A_609 = arith.cmpf oeq, %select_n3A_569, %select_n3A_600 : vector<16x2048xf32>
    %lt3A_610 = arith.cmpi slt, %select_n3A_570, %select_n3A_607 : vector<16x2048xi32>
    %and3A_611 = arith.andi %eq3A_609, %lt3A_610 : vector<16x2048xi1>
    %or3A_612 = arith.ori %gt3A_608, %and3A_611 : vector<16x2048xi1>
    %xor3A_613 = arith.xori %or3A_612, %ne3A_68 : vector<16x2048xi1>
    %xor3A_614 = arith.xori %xor3A_613, %ne3A_14 : vector<16x2048xi1>
    %select_n3A_615 = arith.select %xor3A_614, %select_n3A_600, %select_n3A_569 : vector<16x2048xi1>, vector<16x2048xf32>
    %select_n3A_616 = arith.select %xor3A_614, %select_n3A_607, %select_n3A_570 : vector<16x2048xi1>, vector<16x2048xi32>
    %slice3A_617 = vector.extract_strided_slice %select_n3A_592 {offsets = [0, 1536], sizes = [16, 512], strides = [1, 1]} : vector<16x2048xf32> to vector<16x512xf32>
    %slice3A_618 = vector.extract_strided_slice %select_n3A_592 {offsets = [0, 0], sizes = [16, 1536], strides = [1, 1]} : vector<16x2048xf32> to vector<16x1536xf32>
    %concatenate3A_619 = tpu.concatenate %slice3A_617, %slice3A_618 in 1 : vector<16x512xf32>, vector<16x1536xf32> -> vector<16x2048xf32>
    %slice3A_620 = vector.extract_strided_slice %select_n3A_592 {offsets = [0, 512], sizes = [16, 1536], strides = [1, 1]} : vector<16x2048xf32> to vector<16x1536xf32>
    %slice3A_621 = vector.extract_strided_slice %select_n3A_592 {offsets = [0, 0], sizes = [16, 512], strides = [1, 1]} : vector<16x2048xf32> to vector<16x512xf32>
    %concatenate3A_622 = tpu.concatenate %slice3A_620, %slice3A_621 in 1 : vector<16x1536xf32>, vector<16x512xf32> -> vector<16x2048xf32>
    %select_n3A_623 = arith.select %ne3A_62, %concatenate3A_619, %concatenate3A_622 : vector<16x2048xi1>, vector<16x2048xf32>
    %slice3A_624 = vector.extract_strided_slice %select_n3A_593 {offsets = [0, 1536], sizes = [16, 512], strides = [1, 1]} : vector<16x2048xi32> to vector<16x512xi32>
    %slice3A_625 = vector.extract_strided_slice %select_n3A_593 {offsets = [0, 0], sizes = [16, 1536], strides = [1, 1]} : vector<16x2048xi32> to vector<16x1536xi32>
    %concatenate3A_626 = tpu.concatenate %slice3A_624, %slice3A_625 in 1 : vector<16x512xi32>, vector<16x1536xi32> -> vector<16x2048xi32>
    %slice3A_627 = vector.extract_strided_slice %select_n3A_593 {offsets = [0, 512], sizes = [16, 1536], strides = [1, 1]} : vector<16x2048xi32> to vector<16x1536xi32>
    %slice3A_628 = vector.extract_strided_slice %select_n3A_593 {offsets = [0, 0], sizes = [16, 512], strides = [1, 1]} : vector<16x2048xi32> to vector<16x512xi32>
    %concatenate3A_629 = tpu.concatenate %slice3A_627, %slice3A_628 in 1 : vector<16x1536xi32>, vector<16x512xi32> -> vector<16x2048xi32>
    %select_n3A_630 = arith.select %ne3A_62, %concatenate3A_626, %concatenate3A_629 : vector<16x2048xi1>, vector<16x2048xi32>
    %gt3A_631 = arith.cmpf ogt, %select_n3A_592, %select_n3A_623 : vector<16x2048xf32>
    %eq3A_632 = arith.cmpf oeq, %select_n3A_592, %select_n3A_623 : vector<16x2048xf32>
    %lt3A_633 = arith.cmpi slt, %select_n3A_593, %select_n3A_630 : vector<16x2048xi32>
    %and3A_634 = arith.andi %eq3A_632, %lt3A_633 : vector<16x2048xi1>
    %or3A_635 = arith.ori %gt3A_631, %and3A_634 : vector<16x2048xi1>
    %xor3A_636 = arith.xori %or3A_635, %ne3A_62 : vector<16x2048xi1>
    %xor3A_637 = arith.xori %xor3A_636, %ne3A_14 : vector<16x2048xi1>
    %select_n3A_638 = arith.select %xor3A_637, %select_n3A_623, %select_n3A_592 : vector<16x2048xi1>, vector<16x2048xf32>
    %select_n3A_639 = arith.select %xor3A_637, %select_n3A_630, %select_n3A_593 : vector<16x2048xi1>, vector<16x2048xi32>
    %slice3A_640 = vector.extract_strided_slice %select_n3A_615 {offsets = [0, 1536], sizes = [16, 512], strides = [1, 1]} : vector<16x2048xf32> to vector<16x512xf32>
    %slice3A_641 = vector.extract_strided_slice %select_n3A_615 {offsets = [0, 0], sizes = [16, 1536], strides = [1, 1]} : vector<16x2048xf32> to vector<16x1536xf32>
    %concatenate3A_642 = tpu.concatenate %slice3A_640, %slice3A_641 in 1 : vector<16x512xf32>, vector<16x1536xf32> -> vector<16x2048xf32>
    %slice3A_643 = vector.extract_strided_slice %select_n3A_615 {offsets = [0, 512], sizes = [16, 1536], strides = [1, 1]} : vector<16x2048xf32> to vector<16x1536xf32>
    %slice3A_644 = vector.extract_strided_slice %select_n3A_615 {offsets = [0, 0], sizes = [16, 512], strides = [1, 1]} : vector<16x2048xf32> to vector<16x512xf32>
    %concatenate3A_645 = tpu.concatenate %slice3A_643, %slice3A_644 in 1 : vector<16x1536xf32>, vector<16x512xf32> -> vector<16x2048xf32>
    %select_n3A_646 = arith.select %ne3A_62, %concatenate3A_642, %concatenate3A_645 : vector<16x2048xi1>, vector<16x2048xf32>
    %slice3A_647 = vector.extract_strided_slice %select_n3A_616 {offsets = [0, 1536], sizes = [16, 512], strides = [1, 1]} : vector<16x2048xi32> to vector<16x512xi32>
    %slice3A_648 = vector.extract_strided_slice %select_n3A_616 {offsets = [0, 0], sizes = [16, 1536], strides = [1, 1]} : vector<16x2048xi32> to vector<16x1536xi32>
    %concatenate3A_649 = tpu.concatenate %slice3A_647, %slice3A_648 in 1 : vector<16x512xi32>, vector<16x1536xi32> -> vector<16x2048xi32>
    %slice3A_650 = vector.extract_strided_slice %select_n3A_616 {offsets = [0, 512], sizes = [16, 1536], strides = [1, 1]} : vector<16x2048xi32> to vector<16x1536xi32>
    %slice3A_651 = vector.extract_strided_slice %select_n3A_616 {offsets = [0, 0], sizes = [16, 512], strides = [1, 1]} : vector<16x2048xi32> to vector<16x512xi32>
    %concatenate3A_652 = tpu.concatenate %slice3A_650, %slice3A_651 in 1 : vector<16x1536xi32>, vector<16x512xi32> -> vector<16x2048xi32>
    %select_n3A_653 = arith.select %ne3A_62, %concatenate3A_649, %concatenate3A_652 : vector<16x2048xi1>, vector<16x2048xi32>
    %gt3A_654 = arith.cmpf ogt, %select_n3A_615, %select_n3A_646 : vector<16x2048xf32>
    %eq3A_655 = arith.cmpf oeq, %select_n3A_615, %select_n3A_646 : vector<16x2048xf32>
    %lt3A_656 = arith.cmpi slt, %select_n3A_616, %select_n3A_653 : vector<16x2048xi32>
    %and3A_657 = arith.andi %eq3A_655, %lt3A_656 : vector<16x2048xi1>
    %or3A_658 = arith.ori %gt3A_654, %and3A_657 : vector<16x2048xi1>
    %xor3A_659 = arith.xori %or3A_658, %ne3A_62 : vector<16x2048xi1>
    %xor3A_660 = arith.xori %xor3A_659, %ne3A_14 : vector<16x2048xi1>
    %select_n3A_661 = arith.select %xor3A_660, %select_n3A_646, %select_n3A_615 : vector<16x2048xi1>, vector<16x2048xf32>
    %select_n3A_662 = arith.select %xor3A_660, %select_n3A_653, %select_n3A_616 : vector<16x2048xi1>, vector<16x2048xi32>
    %slice3A_663 = vector.extract_strided_slice %select_n3A_638 {offsets = [0, 1792], sizes = [16, 256], strides = [1, 1]} : vector<16x2048xf32> to vector<16x256xf32>
    %slice3A_664 = vector.extract_strided_slice %select_n3A_638 {offsets = [0, 0], sizes = [16, 1792], strides = [1, 1]} : vector<16x2048xf32> to vector<16x1792xf32>
    %concatenate3A_665 = tpu.concatenate %slice3A_663, %slice3A_664 in 1 : vector<16x256xf32>, vector<16x1792xf32> -> vector<16x2048xf32>
    %slice3A_666 = vector.extract_strided_slice %select_n3A_638 {offsets = [0, 256], sizes = [16, 1792], strides = [1, 1]} : vector<16x2048xf32> to vector<16x1792xf32>
    %slice3A_667 = vector.extract_strided_slice %select_n3A_638 {offsets = [0, 0], sizes = [16, 256], strides = [1, 1]} : vector<16x2048xf32> to vector<16x256xf32>
    %concatenate3A_668 = tpu.concatenate %slice3A_666, %slice3A_667 in 1 : vector<16x1792xf32>, vector<16x256xf32> -> vector<16x2048xf32>
    %select_n3A_669 = arith.select %ne3A_56, %concatenate3A_665, %concatenate3A_668 : vector<16x2048xi1>, vector<16x2048xf32>
    %slice3A_670 = vector.extract_strided_slice %select_n3A_639 {offsets = [0, 1792], sizes = [16, 256], strides = [1, 1]} : vector<16x2048xi32> to vector<16x256xi32>
    %slice3A_671 = vector.extract_strided_slice %select_n3A_639 {offsets = [0, 0], sizes = [16, 1792], strides = [1, 1]} : vector<16x2048xi32> to vector<16x1792xi32>
    %concatenate3A_672 = tpu.concatenate %slice3A_670, %slice3A_671 in 1 : vector<16x256xi32>, vector<16x1792xi32> -> vector<16x2048xi32>
    %slice3A_673 = vector.extract_strided_slice %select_n3A_639 {offsets = [0, 256], sizes = [16, 1792], strides = [1, 1]} : vector<16x2048xi32> to vector<16x1792xi32>
    %slice3A_674 = vector.extract_strided_slice %select_n3A_639 {offsets = [0, 0], sizes = [16, 256], strides = [1, 1]} : vector<16x2048xi32> to vector<16x256xi32>
    %concatenate3A_675 = tpu.concatenate %slice3A_673, %slice3A_674 in 1 : vector<16x1792xi32>, vector<16x256xi32> -> vector<16x2048xi32>
    %select_n3A_676 = arith.select %ne3A_56, %concatenate3A_672, %concatenate3A_675 : vector<16x2048xi1>, vector<16x2048xi32>
    %gt3A_677 = arith.cmpf ogt, %select_n3A_638, %select_n3A_669 : vector<16x2048xf32>
    %eq3A_678 = arith.cmpf oeq, %select_n3A_638, %select_n3A_669 : vector<16x2048xf32>
    %lt3A_679 = arith.cmpi slt, %select_n3A_639, %select_n3A_676 : vector<16x2048xi32>
    %and3A_680 = arith.andi %eq3A_678, %lt3A_679 : vector<16x2048xi1>
    %or3A_681 = arith.ori %gt3A_677, %and3A_680 : vector<16x2048xi1>
    %xor3A_682 = arith.xori %or3A_681, %ne3A_56 : vector<16x2048xi1>
    %xor3A_683 = arith.xori %xor3A_682, %ne3A_14 : vector<16x2048xi1>
    %select_n3A_684 = arith.select %xor3A_683, %select_n3A_669, %select_n3A_638 : vector<16x2048xi1>, vector<16x2048xf32>
    %select_n3A_685 = arith.select %xor3A_683, %select_n3A_676, %select_n3A_639 : vector<16x2048xi1>, vector<16x2048xi32>
    %slice3A_686 = vector.extract_strided_slice %select_n3A_661 {offsets = [0, 1792], sizes = [16, 256], strides = [1, 1]} : vector<16x2048xf32> to vector<16x256xf32>
    %slice3A_687 = vector.extract_strided_slice %select_n3A_661 {offsets = [0, 0], sizes = [16, 1792], strides = [1, 1]} : vector<16x2048xf32> to vector<16x1792xf32>
    %concatenate3A_688 = tpu.concatenate %slice3A_686, %slice3A_687 in 1 : vector<16x256xf32>, vector<16x1792xf32> -> vector<16x2048xf32>
    %slice3A_689 = vector.extract_strided_slice %select_n3A_661 {offsets = [0, 256], sizes = [16, 1792], strides = [1, 1]} : vector<16x2048xf32> to vector<16x1792xf32>
    %slice3A_690 = vector.extract_strided_slice %select_n3A_661 {offsets = [0, 0], sizes = [16, 256], strides = [1, 1]} : vector<16x2048xf32> to vector<16x256xf32>
    %concatenate3A_691 = tpu.concatenate %slice3A_689, %slice3A_690 in 1 : vector<16x1792xf32>, vector<16x256xf32> -> vector<16x2048xf32>
    %select_n3A_692 = arith.select %ne3A_56, %concatenate3A_688, %concatenate3A_691 : vector<16x2048xi1>, vector<16x2048xf32>
    %slice3A_693 = vector.extract_strided_slice %select_n3A_662 {offsets = [0, 1792], sizes = [16, 256], strides = [1, 1]} : vector<16x2048xi32> to vector<16x256xi32>
    %slice3A_694 = vector.extract_strided_slice %select_n3A_662 {offsets = [0, 0], sizes = [16, 1792], strides = [1, 1]} : vector<16x2048xi32> to vector<16x1792xi32>
    %concatenate3A_695 = tpu.concatenate %slice3A_693, %slice3A_694 in 1 : vector<16x256xi32>, vector<16x1792xi32> -> vector<16x2048xi32>
    %slice3A_696 = vector.extract_strided_slice %select_n3A_662 {offsets = [0, 256], sizes = [16, 1792], strides = [1, 1]} : vector<16x2048xi32> to vector<16x1792xi32>
    %slice3A_697 = vector.extract_strided_slice %select_n3A_662 {offsets = [0, 0], sizes = [16, 256], strides = [1, 1]} : vector<16x2048xi32> to vector<16x256xi32>
    %concatenate3A_698 = tpu.concatenate %slice3A_696, %slice3A_697 in 1 : vector<16x1792xi32>, vector<16x256xi32> -> vector<16x2048xi32>
    %select_n3A_699 = arith.select %ne3A_56, %concatenate3A_695, %concatenate3A_698 : vector<16x2048xi1>, vector<16x2048xi32>
    %gt3A_700 = arith.cmpf ogt, %select_n3A_661, %select_n3A_692 : vector<16x2048xf32>
    %eq3A_701 = arith.cmpf oeq, %select_n3A_661, %select_n3A_692 : vector<16x2048xf32>
    %lt3A_702 = arith.cmpi slt, %select_n3A_662, %select_n3A_699 : vector<16x2048xi32>
    %and3A_703 = arith.andi %eq3A_701, %lt3A_702 : vector<16x2048xi1>
    %or3A_704 = arith.ori %gt3A_700, %and3A_703 : vector<16x2048xi1>
    %xor3A_705 = arith.xori %or3A_704, %ne3A_56 : vector<16x2048xi1>
    %xor3A_706 = arith.xori %xor3A_705, %ne3A_14 : vector<16x2048xi1>
    %select_n3A_707 = arith.select %xor3A_706, %select_n3A_692, %select_n3A_661 : vector<16x2048xi1>, vector<16x2048xf32>
    %select_n3A_708 = arith.select %xor3A_706, %select_n3A_699, %select_n3A_662 : vector<16x2048xi1>, vector<16x2048xi32>
    %slice3A_709 = vector.extract_strided_slice %select_n3A_684 {offsets = [0, 1920], sizes = [16, 128], strides = [1, 1]} : vector<16x2048xf32> to vector<16x128xf32>
    %slice3A_710 = vector.extract_strided_slice %select_n3A_684 {offsets = [0, 0], sizes = [16, 1920], strides = [1, 1]} : vector<16x2048xf32> to vector<16x1920xf32>
    %concatenate3A_711 = tpu.concatenate %slice3A_709, %slice3A_710 in 1 : vector<16x128xf32>, vector<16x1920xf32> -> vector<16x2048xf32>
    %slice3A_712 = vector.extract_strided_slice %select_n3A_684 {offsets = [0, 128], sizes = [16, 1920], strides = [1, 1]} : vector<16x2048xf32> to vector<16x1920xf32>
    %slice3A_713 = vector.extract_strided_slice %select_n3A_684 {offsets = [0, 0], sizes = [16, 128], strides = [1, 1]} : vector<16x2048xf32> to vector<16x128xf32>
    %concatenate3A_714 = tpu.concatenate %slice3A_712, %slice3A_713 in 1 : vector<16x1920xf32>, vector<16x128xf32> -> vector<16x2048xf32>
    %select_n3A_715 = arith.select %ne3A_50, %concatenate3A_711, %concatenate3A_714 : vector<16x2048xi1>, vector<16x2048xf32>
    %slice3A_716 = vector.extract_strided_slice %select_n3A_685 {offsets = [0, 1920], sizes = [16, 128], strides = [1, 1]} : vector<16x2048xi32> to vector<16x128xi32>
    %slice3A_717 = vector.extract_strided_slice %select_n3A_685 {offsets = [0, 0], sizes = [16, 1920], strides = [1, 1]} : vector<16x2048xi32> to vector<16x1920xi32>
    %concatenate3A_718 = tpu.concatenate %slice3A_716, %slice3A_717 in 1 : vector<16x128xi32>, vector<16x1920xi32> -> vector<16x2048xi32>
    %slice3A_719 = vector.extract_strided_slice %select_n3A_685 {offsets = [0, 128], sizes = [16, 1920], strides = [1, 1]} : vector<16x2048xi32> to vector<16x1920xi32>
    %slice3A_720 = vector.extract_strided_slice %select_n3A_685 {offsets = [0, 0], sizes = [16, 128], strides = [1, 1]} : vector<16x2048xi32> to vector<16x128xi32>
    %concatenate3A_721 = tpu.concatenate %slice3A_719, %slice3A_720 in 1 : vector<16x1920xi32>, vector<16x128xi32> -> vector<16x2048xi32>
    %select_n3A_722 = arith.select %ne3A_50, %concatenate3A_718, %concatenate3A_721 : vector<16x2048xi1>, vector<16x2048xi32>
    %gt3A_723 = arith.cmpf ogt, %select_n3A_684, %select_n3A_715 : vector<16x2048xf32>
    %eq3A_724 = arith.cmpf oeq, %select_n3A_684, %select_n3A_715 : vector<16x2048xf32>
    %lt3A_725 = arith.cmpi slt, %select_n3A_685, %select_n3A_722 : vector<16x2048xi32>
    %and3A_726 = arith.andi %eq3A_724, %lt3A_725 : vector<16x2048xi1>
    %or3A_727 = arith.ori %gt3A_723, %and3A_726 : vector<16x2048xi1>
    %xor3A_728 = arith.xori %or3A_727, %ne3A_50 : vector<16x2048xi1>
    %xor3A_729 = arith.xori %xor3A_728, %ne3A_14 : vector<16x2048xi1>
    %select_n3A_730 = arith.select %xor3A_729, %select_n3A_715, %select_n3A_684 : vector<16x2048xi1>, vector<16x2048xf32>
    %select_n3A_731 = arith.select %xor3A_729, %select_n3A_722, %select_n3A_685 : vector<16x2048xi1>, vector<16x2048xi32>
    %slice3A_732 = vector.extract_strided_slice %select_n3A_707 {offsets = [0, 1920], sizes = [16, 128], strides = [1, 1]} : vector<16x2048xf32> to vector<16x128xf32>
    %slice3A_733 = vector.extract_strided_slice %select_n3A_707 {offsets = [0, 0], sizes = [16, 1920], strides = [1, 1]} : vector<16x2048xf32> to vector<16x1920xf32>
    %concatenate3A_734 = tpu.concatenate %slice3A_732, %slice3A_733 in 1 : vector<16x128xf32>, vector<16x1920xf32> -> vector<16x2048xf32>
    %slice3A_735 = vector.extract_strided_slice %select_n3A_707 {offsets = [0, 128], sizes = [16, 1920], strides = [1, 1]} : vector<16x2048xf32> to vector<16x1920xf32>
    %slice3A_736 = vector.extract_strided_slice %select_n3A_707 {offsets = [0, 0], sizes = [16, 128], strides = [1, 1]} : vector<16x2048xf32> to vector<16x128xf32>
    %concatenate3A_737 = tpu.concatenate %slice3A_735, %slice3A_736 in 1 : vector<16x1920xf32>, vector<16x128xf32> -> vector<16x2048xf32>
    %select_n3A_738 = arith.select %ne3A_50, %concatenate3A_734, %concatenate3A_737 : vector<16x2048xi1>, vector<16x2048xf32>
    %slice3A_739 = vector.extract_strided_slice %select_n3A_708 {offsets = [0, 1920], sizes = [16, 128], strides = [1, 1]} : vector<16x2048xi32> to vector<16x128xi32>
    %slice3A_740 = vector.extract_strided_slice %select_n3A_708 {offsets = [0, 0], sizes = [16, 1920], strides = [1, 1]} : vector<16x2048xi32> to vector<16x1920xi32>
    %concatenate3A_741 = tpu.concatenate %slice3A_739, %slice3A_740 in 1 : vector<16x128xi32>, vector<16x1920xi32> -> vector<16x2048xi32>
    %slice3A_742 = vector.extract_strided_slice %select_n3A_708 {offsets = [0, 128], sizes = [16, 1920], strides = [1, 1]} : vector<16x2048xi32> to vector<16x1920xi32>
    %slice3A_743 = vector.extract_strided_slice %select_n3A_708 {offsets = [0, 0], sizes = [16, 128], strides = [1, 1]} : vector<16x2048xi32> to vector<16x128xi32>
    %concatenate3A_744 = tpu.concatenate %slice3A_742, %slice3A_743 in 1 : vector<16x1920xi32>, vector<16x128xi32> -> vector<16x2048xi32>
    %select_n3A_745 = arith.select %ne3A_50, %concatenate3A_741, %concatenate3A_744 : vector<16x2048xi1>, vector<16x2048xi32>
    %gt3A_746 = arith.cmpf ogt, %select_n3A_707, %select_n3A_738 : vector<16x2048xf32>
    %eq3A_747 = arith.cmpf oeq, %select_n3A_707, %select_n3A_738 : vector<16x2048xf32>
    %lt3A_748 = arith.cmpi slt, %select_n3A_708, %select_n3A_745 : vector<16x2048xi32>
    %and3A_749 = arith.andi %eq3A_747, %lt3A_748 : vector<16x2048xi1>
    %or3A_750 = arith.ori %gt3A_746, %and3A_749 : vector<16x2048xi1>
    %xor3A_751 = arith.xori %or3A_750, %ne3A_50 : vector<16x2048xi1>
    %xor3A_752 = arith.xori %xor3A_751, %ne3A_14 : vector<16x2048xi1>
    %select_n3A_753 = arith.select %xor3A_752, %select_n3A_738, %select_n3A_707 : vector<16x2048xi1>, vector<16x2048xf32>
    %select_n3A_754 = arith.select %xor3A_752, %select_n3A_745, %select_n3A_708 : vector<16x2048xi1>, vector<16x2048xi32>
    %slice3A_755 = vector.extract_strided_slice %select_n3A_730 {offsets = [0, 2046], sizes = [16, 2], strides = [1, 1]} : vector<16x2048xf32> to vector<16x2xf32>
    %slice3A_756 = vector.extract_strided_slice %select_n3A_730 {offsets = [0, 0], sizes = [16, 2046], strides = [1, 1]} : vector<16x2048xf32> to vector<16x2046xf32>
    %concatenate3A_757 = tpu.concatenate %slice3A_755, %slice3A_756 in 1 : vector<16x2xf32>, vector<16x2046xf32> -> vector<16x2048xf32>
    %slice3A_758 = vector.extract_strided_slice %select_n3A_730 {offsets = [0, 2], sizes = [16, 2046], strides = [1, 1]} : vector<16x2048xf32> to vector<16x2046xf32>
    %slice3A_759 = vector.extract_strided_slice %select_n3A_730 {offsets = [0, 0], sizes = [16, 2], strides = [1, 1]} : vector<16x2048xf32> to vector<16x2xf32>
    %concatenate3A_760 = tpu.concatenate %slice3A_758, %slice3A_759 in 1 : vector<16x2046xf32>, vector<16x2xf32> -> vector<16x2048xf32>
    %select_n3A_761 = arith.select %ne3A_14, %concatenate3A_757, %concatenate3A_760 : vector<16x2048xi1>, vector<16x2048xf32>
    %slice3A_762 = vector.extract_strided_slice %select_n3A_731 {offsets = [0, 2046], sizes = [16, 2], strides = [1, 1]} : vector<16x2048xi32> to vector<16x2xi32>
    %slice3A_763 = vector.extract_strided_slice %select_n3A_731 {offsets = [0, 0], sizes = [16, 2046], strides = [1, 1]} : vector<16x2048xi32> to vector<16x2046xi32>
    %concatenate3A_764 = tpu.concatenate %slice3A_762, %slice3A_763 in 1 : vector<16x2xi32>, vector<16x2046xi32> -> vector<16x2048xi32>
    %slice3A_765 = vector.extract_strided_slice %select_n3A_731 {offsets = [0, 2], sizes = [16, 2046], strides = [1, 1]} : vector<16x2048xi32> to vector<16x2046xi32>
    %slice3A_766 = vector.extract_strided_slice %select_n3A_731 {offsets = [0, 0], sizes = [16, 2], strides = [1, 1]} : vector<16x2048xi32> to vector<16x2xi32>
    %concatenate3A_767 = tpu.concatenate %slice3A_765, %slice3A_766 in 1 : vector<16x2046xi32>, vector<16x2xi32> -> vector<16x2048xi32>
    %select_n3A_768 = arith.select %ne3A_14, %concatenate3A_764, %concatenate3A_767 : vector<16x2048xi1>, vector<16x2048xi32>
    %gt3A_769 = arith.cmpf ogt, %select_n3A_730, %select_n3A_761 : vector<16x2048xf32>
    %eq3A_770 = arith.cmpf oeq, %select_n3A_730, %select_n3A_761 : vector<16x2048xf32>
    %lt3A_771 = arith.cmpi slt, %select_n3A_731, %select_n3A_768 : vector<16x2048xi32>
    %and3A_772 = arith.andi %eq3A_770, %lt3A_771 : vector<16x2048xi1>
    %or3A_773 = arith.ori %gt3A_769, %and3A_772 : vector<16x2048xi1>
    %xor3A_774 = arith.xori %or3A_773, %ne3A_14 : vector<16x2048xi1>
    %xor3A_775 = arith.xori %xor3A_774, %ne3A_20 : vector<16x2048xi1>
    %select_n3A_776 = arith.select %xor3A_775, %select_n3A_761, %select_n3A_730 : vector<16x2048xi1>, vector<16x2048xf32>
    %select_n3A_777 = arith.select %xor3A_775, %select_n3A_768, %select_n3A_731 : vector<16x2048xi1>, vector<16x2048xi32>
    %slice3A_778 = vector.extract_strided_slice %select_n3A_753 {offsets = [0, 2046], sizes = [16, 2], strides = [1, 1]} : vector<16x2048xf32> to vector<16x2xf32>
    %slice3A_779 = vector.extract_strided_slice %select_n3A_753 {offsets = [0, 0], sizes = [16, 2046], strides = [1, 1]} : vector<16x2048xf32> to vector<16x2046xf32>
    %concatenate3A_780 = tpu.concatenate %slice3A_778, %slice3A_779 in 1 : vector<16x2xf32>, vector<16x2046xf32> -> vector<16x2048xf32>
    %slice3A_781 = vector.extract_strided_slice %select_n3A_753 {offsets = [0, 2], sizes = [16, 2046], strides = [1, 1]} : vector<16x2048xf32> to vector<16x2046xf32>
    %slice3A_782 = vector.extract_strided_slice %select_n3A_753 {offsets = [0, 0], sizes = [16, 2], strides = [1, 1]} : vector<16x2048xf32> to vector<16x2xf32>
    %concatenate3A_783 = tpu.concatenate %slice3A_781, %slice3A_782 in 1 : vector<16x2046xf32>, vector<16x2xf32> -> vector<16x2048xf32>
    %select_n3A_784 = arith.select %ne3A_14, %concatenate3A_780, %concatenate3A_783 : vector<16x2048xi1>, vector<16x2048xf32>
    %slice3A_785 = vector.extract_strided_slice %select_n3A_754 {offsets = [0, 2046], sizes = [16, 2], strides = [1, 1]} : vector<16x2048xi32> to vector<16x2xi32>
    %slice3A_786 = vector.extract_strided_slice %select_n3A_754 {offsets = [0, 0], sizes = [16, 2046], strides = [1, 1]} : vector<16x2048xi32> to vector<16x2046xi32>
    %concatenate3A_787 = tpu.concatenate %slice3A_785, %slice3A_786 in 1 : vector<16x2xi32>, vector<16x2046xi32> -> vector<16x2048xi32>
    %slice3A_788 = vector.extract_strided_slice %select_n3A_754 {offsets = [0, 2], sizes = [16, 2046], strides = [1, 1]} : vector<16x2048xi32> to vector<16x2046xi32>
    %slice3A_789 = vector.extract_strided_slice %select_n3A_754 {offsets = [0, 0], sizes = [16, 2], strides = [1, 1]} : vector<16x2048xi32> to vector<16x2xi32>
    %concatenate3A_790 = tpu.concatenate %slice3A_788, %slice3A_789 in 1 : vector<16x2046xi32>, vector<16x2xi32> -> vector<16x2048xi32>
    %select_n3A_791 = arith.select %ne3A_14, %concatenate3A_787, %concatenate3A_790 : vector<16x2048xi1>, vector<16x2048xi32>
    %gt3A_792 = arith.cmpf ogt, %select_n3A_753, %select_n3A_784 : vector<16x2048xf32>
    %eq3A_793 = arith.cmpf oeq, %select_n3A_753, %select_n3A_784 : vector<16x2048xf32>
    %lt3A_794 = arith.cmpi slt, %select_n3A_754, %select_n3A_791 : vector<16x2048xi32>
    %and3A_795 = arith.andi %eq3A_793, %lt3A_794 : vector<16x2048xi1>
    %or3A_796 = arith.ori %gt3A_792, %and3A_795 : vector<16x2048xi1>
    %xor3A_797 = arith.xori %or3A_796, %ne3A_14 : vector<16x2048xi1>
    %xor3A_798 = arith.xori %xor3A_797, %ne3A_20 : vector<16x2048xi1>
    %select_n3A_799 = arith.select %xor3A_798, %select_n3A_784, %select_n3A_753 : vector<16x2048xi1>, vector<16x2048xf32>
    %select_n3A_800 = arith.select %xor3A_798, %select_n3A_791, %select_n3A_754 : vector<16x2048xi1>, vector<16x2048xi32>
    %slice3A_801 = vector.extract_strided_slice %select_n3A_776 {offsets = [0, 2047], sizes = [16, 1], strides = [1, 1]} : vector<16x2048xf32> to vector<16x1xf32>
    %slice3A_802 = vector.extract_strided_slice %select_n3A_776 {offsets = [0, 0], sizes = [16, 2047], strides = [1, 1]} : vector<16x2048xf32> to vector<16x2047xf32>
    %concatenate3A_803 = tpu.concatenate %slice3A_801, %slice3A_802 in 1 : vector<16x1xf32>, vector<16x2047xf32> -> vector<16x2048xf32>
    %slice3A_804 = vector.extract_strided_slice %select_n3A_776 {offsets = [0, 1], sizes = [16, 2047], strides = [1, 1]} : vector<16x2048xf32> to vector<16x2047xf32>
    %slice3A_805 = vector.extract_strided_slice %select_n3A_776 {offsets = [0, 0], sizes = [16, 1], strides = [1, 1]} : vector<16x2048xf32> to vector<16x1xf32>
    %concatenate3A_806 = tpu.concatenate %slice3A_804, %slice3A_805 in 1 : vector<16x2047xf32>, vector<16x1xf32> -> vector<16x2048xf32>
    %select_n3A_807 = arith.select %ne3A_8, %concatenate3A_803, %concatenate3A_806 : vector<16x2048xi1>, vector<16x2048xf32>
    %slice3A_808 = vector.extract_strided_slice %select_n3A_777 {offsets = [0, 2047], sizes = [16, 1], strides = [1, 1]} : vector<16x2048xi32> to vector<16x1xi32>
    %slice3A_809 = vector.extract_strided_slice %select_n3A_777 {offsets = [0, 0], sizes = [16, 2047], strides = [1, 1]} : vector<16x2048xi32> to vector<16x2047xi32>
    %concatenate3A_810 = tpu.concatenate %slice3A_808, %slice3A_809 in 1 : vector<16x1xi32>, vector<16x2047xi32> -> vector<16x2048xi32>
    %slice3A_811 = vector.extract_strided_slice %select_n3A_777 {offsets = [0, 1], sizes = [16, 2047], strides = [1, 1]} : vector<16x2048xi32> to vector<16x2047xi32>
    %slice3A_812 = vector.extract_strided_slice %select_n3A_777 {offsets = [0, 0], sizes = [16, 1], strides = [1, 1]} : vector<16x2048xi32> to vector<16x1xi32>
    %concatenate3A_813 = tpu.concatenate %slice3A_811, %slice3A_812 in 1 : vector<16x2047xi32>, vector<16x1xi32> -> vector<16x2048xi32>
    %select_n3A_814 = arith.select %ne3A_8, %concatenate3A_810, %concatenate3A_813 : vector<16x2048xi1>, vector<16x2048xi32>
    %gt3A_815 = arith.cmpf ogt, %select_n3A_776, %select_n3A_807 : vector<16x2048xf32>
    %eq3A_816 = arith.cmpf oeq, %select_n3A_776, %select_n3A_807 : vector<16x2048xf32>
    %lt3A_817 = arith.cmpi slt, %select_n3A_777, %select_n3A_814 : vector<16x2048xi32>
    %and3A_818 = arith.andi %eq3A_816, %lt3A_817 : vector<16x2048xi1>
    %or3A_819 = arith.ori %gt3A_815, %and3A_818 : vector<16x2048xi1>
    %xor3A_820 = arith.xori %or3A_819, %ne3A_8 : vector<16x2048xi1>
    %xor3A_821 = arith.xori %xor3A_820, %ne3A_20 : vector<16x2048xi1>
    %select_n3A_822 = arith.select %xor3A_821, %select_n3A_807, %select_n3A_776 : vector<16x2048xi1>, vector<16x2048xf32>
    %select_n3A_823 = arith.select %xor3A_821, %select_n3A_814, %select_n3A_777 : vector<16x2048xi1>, vector<16x2048xi32>
    %slice3A_824 = vector.extract_strided_slice %select_n3A_799 {offsets = [0, 2047], sizes = [16, 1], strides = [1, 1]} : vector<16x2048xf32> to vector<16x1xf32>
    %slice3A_825 = vector.extract_strided_slice %select_n3A_799 {offsets = [0, 0], sizes = [16, 2047], strides = [1, 1]} : vector<16x2048xf32> to vector<16x2047xf32>
    %concatenate3A_826 = tpu.concatenate %slice3A_824, %slice3A_825 in 1 : vector<16x1xf32>, vector<16x2047xf32> -> vector<16x2048xf32>
    %slice3A_827 = vector.extract_strided_slice %select_n3A_799 {offsets = [0, 1], sizes = [16, 2047], strides = [1, 1]} : vector<16x2048xf32> to vector<16x2047xf32>
    %slice3A_828 = vector.extract_strided_slice %select_n3A_799 {offsets = [0, 0], sizes = [16, 1], strides = [1, 1]} : vector<16x2048xf32> to vector<16x1xf32>
    %concatenate3A_829 = tpu.concatenate %slice3A_827, %slice3A_828 in 1 : vector<16x2047xf32>, vector<16x1xf32> -> vector<16x2048xf32>
    %select_n3A_830 = arith.select %ne3A_8, %concatenate3A_826, %concatenate3A_829 : vector<16x2048xi1>, vector<16x2048xf32>
    %slice3A_831 = vector.extract_strided_slice %select_n3A_800 {offsets = [0, 2047], sizes = [16, 1], strides = [1, 1]} : vector<16x2048xi32> to vector<16x1xi32>
    %slice3A_832 = vector.extract_strided_slice %select_n3A_800 {offsets = [0, 0], sizes = [16, 2047], strides = [1, 1]} : vector<16x2048xi32> to vector<16x2047xi32>
    %concatenate3A_833 = tpu.concatenate %slice3A_831, %slice3A_832 in 1 : vector<16x1xi32>, vector<16x2047xi32> -> vector<16x2048xi32>
    %slice3A_834 = vector.extract_strided_slice %select_n3A_800 {offsets = [0, 1], sizes = [16, 2047], strides = [1, 1]} : vector<16x2048xi32> to vector<16x2047xi32>
    %slice3A_835 = vector.extract_strided_slice %select_n3A_800 {offsets = [0, 0], sizes = [16, 1], strides = [1, 1]} : vector<16x2048xi32> to vector<16x1xi32>
    %concatenate3A_836 = tpu.concatenate %slice3A_834, %slice3A_835 in 1 : vector<16x2047xi32>, vector<16x1xi32> -> vector<16x2048xi32>
    %select_n3A_837 = arith.select %ne3A_8, %concatenate3A_833, %concatenate3A_836 : vector<16x2048xi1>, vector<16x2048xi32>
    %gt3A_838 = arith.cmpf ogt, %select_n3A_799, %select_n3A_830 : vector<16x2048xf32>
    %eq3A_839 = arith.cmpf oeq, %select_n3A_799, %select_n3A_830 : vector<16x2048xf32>
    %lt3A_840 = arith.cmpi slt, %select_n3A_800, %select_n3A_837 : vector<16x2048xi32>
    %and3A_841 = arith.andi %eq3A_839, %lt3A_840 : vector<16x2048xi1>
    %or3A_842 = arith.ori %gt3A_838, %and3A_841 : vector<16x2048xi1>
    %xor3A_843 = arith.xori %or3A_842, %ne3A_8 : vector<16x2048xi1>
    %xor3A_844 = arith.xori %xor3A_843, %ne3A_20 : vector<16x2048xi1>
    %select_n3A_845 = arith.select %xor3A_844, %select_n3A_830, %select_n3A_799 : vector<16x2048xi1>, vector<16x2048xf32>
    %select_n3A_846 = arith.select %xor3A_844, %select_n3A_837, %select_n3A_800 : vector<16x2048xi1>, vector<16x2048xi32>
    %slice3A_847 = vector.extract_strided_slice %select_n3A_822 {offsets = [0, 1024], sizes = [16, 1024], strides = [1, 1]} : vector<16x2048xf32> to vector<16x1024xf32>
    %slice3A_848 = vector.extract_strided_slice %select_n3A_822 {offsets = [0, 0], sizes = [16, 1024], strides = [1, 1]} : vector<16x2048xf32> to vector<16x1024xf32>
    %concatenate3A_849 = tpu.concatenate %slice3A_847, %slice3A_848 in 1 : vector<16x1024xf32>, vector<16x1024xf32> -> vector<16x2048xf32>
    %slice3A_850 = vector.extract_strided_slice %select_n3A_822 {offsets = [0, 1024], sizes = [16, 1024], strides = [1, 1]} : vector<16x2048xf32> to vector<16x1024xf32>
    %slice3A_851 = vector.extract_strided_slice %select_n3A_822 {offsets = [0, 0], sizes = [16, 1024], strides = [1, 1]} : vector<16x2048xf32> to vector<16x1024xf32>
    %concatenate3A_852 = tpu.concatenate %slice3A_850, %slice3A_851 in 1 : vector<16x1024xf32>, vector<16x1024xf32> -> vector<16x2048xf32>
    %select_n3A_853 = arith.select %ne3A_68, %concatenate3A_849, %concatenate3A_852 : vector<16x2048xi1>, vector<16x2048xf32>
    %slice3A_854 = vector.extract_strided_slice %select_n3A_823 {offsets = [0, 1024], sizes = [16, 1024], strides = [1, 1]} : vector<16x2048xi32> to vector<16x1024xi32>
    %slice3A_855 = vector.extract_strided_slice %select_n3A_823 {offsets = [0, 0], sizes = [16, 1024], strides = [1, 1]} : vector<16x2048xi32> to vector<16x1024xi32>
    %concatenate3A_856 = tpu.concatenate %slice3A_854, %slice3A_855 in 1 : vector<16x1024xi32>, vector<16x1024xi32> -> vector<16x2048xi32>
    %slice3A_857 = vector.extract_strided_slice %select_n3A_823 {offsets = [0, 1024], sizes = [16, 1024], strides = [1, 1]} : vector<16x2048xi32> to vector<16x1024xi32>
    %slice3A_858 = vector.extract_strided_slice %select_n3A_823 {offsets = [0, 0], sizes = [16, 1024], strides = [1, 1]} : vector<16x2048xi32> to vector<16x1024xi32>
    %concatenate3A_859 = tpu.concatenate %slice3A_857, %slice3A_858 in 1 : vector<16x1024xi32>, vector<16x1024xi32> -> vector<16x2048xi32>
    %select_n3A_860 = arith.select %ne3A_68, %concatenate3A_856, %concatenate3A_859 : vector<16x2048xi1>, vector<16x2048xi32>
    %gt3A_861 = arith.cmpf ogt, %select_n3A_822, %select_n3A_853 : vector<16x2048xf32>
    %eq3A_862 = arith.cmpf oeq, %select_n3A_822, %select_n3A_853 : vector<16x2048xf32>
    %lt3A_863 = arith.cmpi slt, %select_n3A_823, %select_n3A_860 : vector<16x2048xi32>
    %and3A_864 = arith.andi %eq3A_862, %lt3A_863 : vector<16x2048xi1>
    %or3A_865 = arith.ori %gt3A_861, %and3A_864 : vector<16x2048xi1>
    %xor3A_866 = arith.xori %or3A_865, %ne3A_68 : vector<16x2048xi1>
    %xor3A_867 = arith.xori %xor3A_866, %ne3A_20 : vector<16x2048xi1>
    %select_n3A_868 = arith.select %xor3A_867, %select_n3A_853, %select_n3A_822 : vector<16x2048xi1>, vector<16x2048xf32>
    %select_n3A_869 = arith.select %xor3A_867, %select_n3A_860, %select_n3A_823 : vector<16x2048xi1>, vector<16x2048xi32>
    %slice3A_870 = vector.extract_strided_slice %select_n3A_845 {offsets = [0, 1024], sizes = [16, 1024], strides = [1, 1]} : vector<16x2048xf32> to vector<16x1024xf32>
    %slice3A_871 = vector.extract_strided_slice %select_n3A_845 {offsets = [0, 0], sizes = [16, 1024], strides = [1, 1]} : vector<16x2048xf32> to vector<16x1024xf32>
    %concatenate3A_872 = tpu.concatenate %slice3A_870, %slice3A_871 in 1 : vector<16x1024xf32>, vector<16x1024xf32> -> vector<16x2048xf32>
    %slice3A_873 = vector.extract_strided_slice %select_n3A_845 {offsets = [0, 1024], sizes = [16, 1024], strides = [1, 1]} : vector<16x2048xf32> to vector<16x1024xf32>
    %slice3A_874 = vector.extract_strided_slice %select_n3A_845 {offsets = [0, 0], sizes = [16, 1024], strides = [1, 1]} : vector<16x2048xf32> to vector<16x1024xf32>
    %concatenate3A_875 = tpu.concatenate %slice3A_873, %slice3A_874 in 1 : vector<16x1024xf32>, vector<16x1024xf32> -> vector<16x2048xf32>
    %select_n3A_876 = arith.select %ne3A_68, %concatenate3A_872, %concatenate3A_875 : vector<16x2048xi1>, vector<16x2048xf32>
    %slice3A_877 = vector.extract_strided_slice %select_n3A_846 {offsets = [0, 1024], sizes = [16, 1024], strides = [1, 1]} : vector<16x2048xi32> to vector<16x1024xi32>
    %slice3A_878 = vector.extract_strided_slice %select_n3A_846 {offsets = [0, 0], sizes = [16, 1024], strides = [1, 1]} : vector<16x2048xi32> to vector<16x1024xi32>
    %concatenate3A_879 = tpu.concatenate %slice3A_877, %slice3A_878 in 1 : vector<16x1024xi32>, vector<16x1024xi32> -> vector<16x2048xi32>
    %slice3A_880 = vector.extract_strided_slice %select_n3A_846 {offsets = [0, 1024], sizes = [16, 1024], strides = [1, 1]} : vector<16x2048xi32> to vector<16x1024xi32>
    %slice3A_881 = vector.extract_strided_slice %select_n3A_846 {offsets = [0, 0], sizes = [16, 1024], strides = [1, 1]} : vector<16x2048xi32> to vector<16x1024xi32>
    %concatenate3A_882 = tpu.concatenate %slice3A_880, %slice3A_881 in 1 : vector<16x1024xi32>, vector<16x1024xi32> -> vector<16x2048xi32>
    %select_n3A_883 = arith.select %ne3A_68, %concatenate3A_879, %concatenate3A_882 : vector<16x2048xi1>, vector<16x2048xi32>
    %gt3A_884 = arith.cmpf ogt, %select_n3A_845, %select_n3A_876 : vector<16x2048xf32>
    %eq3A_885 = arith.cmpf oeq, %select_n3A_845, %select_n3A_876 : vector<16x2048xf32>
    %lt3A_886 = arith.cmpi slt, %select_n3A_846, %select_n3A_883 : vector<16x2048xi32>
    %and3A_887 = arith.andi %eq3A_885, %lt3A_886 : vector<16x2048xi1>
    %or3A_888 = arith.ori %gt3A_884, %and3A_887 : vector<16x2048xi1>
    %xor3A_889 = arith.xori %or3A_888, %ne3A_68 : vector<16x2048xi1>
    %xor3A_890 = arith.xori %xor3A_889, %ne3A_20 : vector<16x2048xi1>
    %select_n3A_891 = arith.select %xor3A_890, %select_n3A_876, %select_n3A_845 : vector<16x2048xi1>, vector<16x2048xf32>
    %select_n3A_892 = arith.select %xor3A_890, %select_n3A_883, %select_n3A_846 : vector<16x2048xi1>, vector<16x2048xi32>
    %slice3A_893 = vector.extract_strided_slice %select_n3A_868 {offsets = [0, 1536], sizes = [16, 512], strides = [1, 1]} : vector<16x2048xf32> to vector<16x512xf32>
    %slice3A_894 = vector.extract_strided_slice %select_n3A_868 {offsets = [0, 0], sizes = [16, 1536], strides = [1, 1]} : vector<16x2048xf32> to vector<16x1536xf32>
    %concatenate3A_895 = tpu.concatenate %slice3A_893, %slice3A_894 in 1 : vector<16x512xf32>, vector<16x1536xf32> -> vector<16x2048xf32>
    %slice3A_896 = vector.extract_strided_slice %select_n3A_868 {offsets = [0, 512], sizes = [16, 1536], strides = [1, 1]} : vector<16x2048xf32> to vector<16x1536xf32>
    %slice3A_897 = vector.extract_strided_slice %select_n3A_868 {offsets = [0, 0], sizes = [16, 512], strides = [1, 1]} : vector<16x2048xf32> to vector<16x512xf32>
    %concatenate3A_898 = tpu.concatenate %slice3A_896, %slice3A_897 in 1 : vector<16x1536xf32>, vector<16x512xf32> -> vector<16x2048xf32>
    %select_n3A_899 = arith.select %ne3A_62, %concatenate3A_895, %concatenate3A_898 : vector<16x2048xi1>, vector<16x2048xf32>
    %slice3A_900 = vector.extract_strided_slice %select_n3A_869 {offsets = [0, 1536], sizes = [16, 512], strides = [1, 1]} : vector<16x2048xi32> to vector<16x512xi32>
    %slice3A_901 = vector.extract_strided_slice %select_n3A_869 {offsets = [0, 0], sizes = [16, 1536], strides = [1, 1]} : vector<16x2048xi32> to vector<16x1536xi32>
    %concatenate3A_902 = tpu.concatenate %slice3A_900, %slice3A_901 in 1 : vector<16x512xi32>, vector<16x1536xi32> -> vector<16x2048xi32>
    %slice3A_903 = vector.extract_strided_slice %select_n3A_869 {offsets = [0, 512], sizes = [16, 1536], strides = [1, 1]} : vector<16x2048xi32> to vector<16x1536xi32>
    %slice3A_904 = vector.extract_strided_slice %select_n3A_869 {offsets = [0, 0], sizes = [16, 512], strides = [1, 1]} : vector<16x2048xi32> to vector<16x512xi32>
    %concatenate3A_905 = tpu.concatenate %slice3A_903, %slice3A_904 in 1 : vector<16x1536xi32>, vector<16x512xi32> -> vector<16x2048xi32>
    %select_n3A_906 = arith.select %ne3A_62, %concatenate3A_902, %concatenate3A_905 : vector<16x2048xi1>, vector<16x2048xi32>
    %gt3A_907 = arith.cmpf ogt, %select_n3A_868, %select_n3A_899 : vector<16x2048xf32>
    %eq3A_908 = arith.cmpf oeq, %select_n3A_868, %select_n3A_899 : vector<16x2048xf32>
    %lt3A_909 = arith.cmpi slt, %select_n3A_869, %select_n3A_906 : vector<16x2048xi32>
    %and3A_910 = arith.andi %eq3A_908, %lt3A_909 : vector<16x2048xi1>
    %or3A_911 = arith.ori %gt3A_907, %and3A_910 : vector<16x2048xi1>
    %xor3A_912 = arith.xori %or3A_911, %ne3A_62 : vector<16x2048xi1>
    %xor3A_913 = arith.xori %xor3A_912, %ne3A_20 : vector<16x2048xi1>
    %select_n3A_914 = arith.select %xor3A_913, %select_n3A_899, %select_n3A_868 : vector<16x2048xi1>, vector<16x2048xf32>
    %select_n3A_915 = arith.select %xor3A_913, %select_n3A_906, %select_n3A_869 : vector<16x2048xi1>, vector<16x2048xi32>
    %slice3A_916 = vector.extract_strided_slice %select_n3A_891 {offsets = [0, 1536], sizes = [16, 512], strides = [1, 1]} : vector<16x2048xf32> to vector<16x512xf32>
    %slice3A_917 = vector.extract_strided_slice %select_n3A_891 {offsets = [0, 0], sizes = [16, 1536], strides = [1, 1]} : vector<16x2048xf32> to vector<16x1536xf32>
    %concatenate3A_918 = tpu.concatenate %slice3A_916, %slice3A_917 in 1 : vector<16x512xf32>, vector<16x1536xf32> -> vector<16x2048xf32>
    %slice3A_919 = vector.extract_strided_slice %select_n3A_891 {offsets = [0, 512], sizes = [16, 1536], strides = [1, 1]} : vector<16x2048xf32> to vector<16x1536xf32>
    %slice3A_920 = vector.extract_strided_slice %select_n3A_891 {offsets = [0, 0], sizes = [16, 512], strides = [1, 1]} : vector<16x2048xf32> to vector<16x512xf32>
    %concatenate3A_921 = tpu.concatenate %slice3A_919, %slice3A_920 in 1 : vector<16x1536xf32>, vector<16x512xf32> -> vector<16x2048xf32>
    %select_n3A_922 = arith.select %ne3A_62, %concatenate3A_918, %concatenate3A_921 : vector<16x2048xi1>, vector<16x2048xf32>
    %slice3A_923 = vector.extract_strided_slice %select_n3A_892 {offsets = [0, 1536], sizes = [16, 512], strides = [1, 1]} : vector<16x2048xi32> to vector<16x512xi32>
    %slice3A_924 = vector.extract_strided_slice %select_n3A_892 {offsets = [0, 0], sizes = [16, 1536], strides = [1, 1]} : vector<16x2048xi32> to vector<16x1536xi32>
    %concatenate3A_925 = tpu.concatenate %slice3A_923, %slice3A_924 in 1 : vector<16x512xi32>, vector<16x1536xi32> -> vector<16x2048xi32>
    %slice3A_926 = vector.extract_strided_slice %select_n3A_892 {offsets = [0, 512], sizes = [16, 1536], strides = [1, 1]} : vector<16x2048xi32> to vector<16x1536xi32>
    %slice3A_927 = vector.extract_strided_slice %select_n3A_892 {offsets = [0, 0], sizes = [16, 512], strides = [1, 1]} : vector<16x2048xi32> to vector<16x512xi32>
    %concatenate3A_928 = tpu.concatenate %slice3A_926, %slice3A_927 in 1 : vector<16x1536xi32>, vector<16x512xi32> -> vector<16x2048xi32>
    %select_n3A_929 = arith.select %ne3A_62, %concatenate3A_925, %concatenate3A_928 : vector<16x2048xi1>, vector<16x2048xi32>
    %gt3A_930 = arith.cmpf ogt, %select_n3A_891, %select_n3A_922 : vector<16x2048xf32>
    %eq3A_931 = arith.cmpf oeq, %select_n3A_891, %select_n3A_922 : vector<16x2048xf32>
    %lt3A_932 = arith.cmpi slt, %select_n3A_892, %select_n3A_929 : vector<16x2048xi32>
    %and3A_933 = arith.andi %eq3A_931, %lt3A_932 : vector<16x2048xi1>
    %or3A_934 = arith.ori %gt3A_930, %and3A_933 : vector<16x2048xi1>
    %xor3A_935 = arith.xori %or3A_934, %ne3A_62 : vector<16x2048xi1>
    %xor3A_936 = arith.xori %xor3A_935, %ne3A_20 : vector<16x2048xi1>
    %select_n3A_937 = arith.select %xor3A_936, %select_n3A_922, %select_n3A_891 : vector<16x2048xi1>, vector<16x2048xf32>
    %select_n3A_938 = arith.select %xor3A_936, %select_n3A_929, %select_n3A_892 : vector<16x2048xi1>, vector<16x2048xi32>
    %slice3A_939 = vector.extract_strided_slice %select_n3A_914 {offsets = [0, 1792], sizes = [16, 256], strides = [1, 1]} : vector<16x2048xf32> to vector<16x256xf32>
    %slice3A_940 = vector.extract_strided_slice %select_n3A_914 {offsets = [0, 0], sizes = [16, 1792], strides = [1, 1]} : vector<16x2048xf32> to vector<16x1792xf32>
    %concatenate3A_941 = tpu.concatenate %slice3A_939, %slice3A_940 in 1 : vector<16x256xf32>, vector<16x1792xf32> -> vector<16x2048xf32>
    %slice3A_942 = vector.extract_strided_slice %select_n3A_914 {offsets = [0, 256], sizes = [16, 1792], strides = [1, 1]} : vector<16x2048xf32> to vector<16x1792xf32>
    %slice3A_943 = vector.extract_strided_slice %select_n3A_914 {offsets = [0, 0], sizes = [16, 256], strides = [1, 1]} : vector<16x2048xf32> to vector<16x256xf32>
    %concatenate3A_944 = tpu.concatenate %slice3A_942, %slice3A_943 in 1 : vector<16x1792xf32>, vector<16x256xf32> -> vector<16x2048xf32>
    %select_n3A_945 = arith.select %ne3A_56, %concatenate3A_941, %concatenate3A_944 : vector<16x2048xi1>, vector<16x2048xf32>
    %slice3A_946 = vector.extract_strided_slice %select_n3A_915 {offsets = [0, 1792], sizes = [16, 256], strides = [1, 1]} : vector<16x2048xi32> to vector<16x256xi32>
    %slice3A_947 = vector.extract_strided_slice %select_n3A_915 {offsets = [0, 0], sizes = [16, 1792], strides = [1, 1]} : vector<16x2048xi32> to vector<16x1792xi32>
    %concatenate3A_948 = tpu.concatenate %slice3A_946, %slice3A_947 in 1 : vector<16x256xi32>, vector<16x1792xi32> -> vector<16x2048xi32>
    %slice3A_949 = vector.extract_strided_slice %select_n3A_915 {offsets = [0, 256], sizes = [16, 1792], strides = [1, 1]} : vector<16x2048xi32> to vector<16x1792xi32>
    %slice3A_950 = vector.extract_strided_slice %select_n3A_915 {offsets = [0, 0], sizes = [16, 256], strides = [1, 1]} : vector<16x2048xi32> to vector<16x256xi32>
    %concatenate3A_951 = tpu.concatenate %slice3A_949, %slice3A_950 in 1 : vector<16x1792xi32>, vector<16x256xi32> -> vector<16x2048xi32>
    %select_n3A_952 = arith.select %ne3A_56, %concatenate3A_948, %concatenate3A_951 : vector<16x2048xi1>, vector<16x2048xi32>
    %gt3A_953 = arith.cmpf ogt, %select_n3A_914, %select_n3A_945 : vector<16x2048xf32>
    %eq3A_954 = arith.cmpf oeq, %select_n3A_914, %select_n3A_945 : vector<16x2048xf32>
    %lt3A_955 = arith.cmpi slt, %select_n3A_915, %select_n3A_952 : vector<16x2048xi32>
    %and3A_956 = arith.andi %eq3A_954, %lt3A_955 : vector<16x2048xi1>
    %or3A_957 = arith.ori %gt3A_953, %and3A_956 : vector<16x2048xi1>
    %xor3A_958 = arith.xori %or3A_957, %ne3A_56 : vector<16x2048xi1>
    %xor3A_959 = arith.xori %xor3A_958, %ne3A_20 : vector<16x2048xi1>
    %select_n3A_960 = arith.select %xor3A_959, %select_n3A_945, %select_n3A_914 : vector<16x2048xi1>, vector<16x2048xf32>
    %select_n3A_961 = arith.select %xor3A_959, %select_n3A_952, %select_n3A_915 : vector<16x2048xi1>, vector<16x2048xi32>
    %slice3A_962 = vector.extract_strided_slice %select_n3A_937 {offsets = [0, 1792], sizes = [16, 256], strides = [1, 1]} : vector<16x2048xf32> to vector<16x256xf32>
    %slice3A_963 = vector.extract_strided_slice %select_n3A_937 {offsets = [0, 0], sizes = [16, 1792], strides = [1, 1]} : vector<16x2048xf32> to vector<16x1792xf32>
    %concatenate3A_964 = tpu.concatenate %slice3A_962, %slice3A_963 in 1 : vector<16x256xf32>, vector<16x1792xf32> -> vector<16x2048xf32>
    %slice3A_965 = vector.extract_strided_slice %select_n3A_937 {offsets = [0, 256], sizes = [16, 1792], strides = [1, 1]} : vector<16x2048xf32> to vector<16x1792xf32>
    %slice3A_966 = vector.extract_strided_slice %select_n3A_937 {offsets = [0, 0], sizes = [16, 256], strides = [1, 1]} : vector<16x2048xf32> to vector<16x256xf32>
    %concatenate3A_967 = tpu.concatenate %slice3A_965, %slice3A_966 in 1 : vector<16x1792xf32>, vector<16x256xf32> -> vector<16x2048xf32>
    %select_n3A_968 = arith.select %ne3A_56, %concatenate3A_964, %concatenate3A_967 : vector<16x2048xi1>, vector<16x2048xf32>
    %slice3A_969 = vector.extract_strided_slice %select_n3A_938 {offsets = [0, 1792], sizes = [16, 256], strides = [1, 1]} : vector<16x2048xi32> to vector<16x256xi32>
    %slice3A_970 = vector.extract_strided_slice %select_n3A_938 {offsets = [0, 0], sizes = [16, 1792], strides = [1, 1]} : vector<16x2048xi32> to vector<16x1792xi32>
    %concatenate3A_971 = tpu.concatenate %slice3A_969, %slice3A_970 in 1 : vector<16x256xi32>, vector<16x1792xi32> -> vector<16x2048xi32>
    %slice3A_972 = vector.extract_strided_slice %select_n3A_938 {offsets = [0, 256], sizes = [16, 1792], strides = [1, 1]} : vector<16x2048xi32> to vector<16x1792xi32>
    %slice3A_973 = vector.extract_strided_slice %select_n3A_938 {offsets = [0, 0], sizes = [16, 256], strides = [1, 1]} : vector<16x2048xi32> to vector<16x256xi32>
    %concatenate3A_974 = tpu.concatenate %slice3A_972, %slice3A_973 in 1 : vector<16x1792xi32>, vector<16x256xi32> -> vector<16x2048xi32>
    %select_n3A_975 = arith.select %ne3A_56, %concatenate3A_971, %concatenate3A_974 : vector<16x2048xi1>, vector<16x2048xi32>
    %gt3A_976 = arith.cmpf ogt, %select_n3A_937, %select_n3A_968 : vector<16x2048xf32>
    %eq3A_977 = arith.cmpf oeq, %select_n3A_937, %select_n3A_968 : vector<16x2048xf32>
    %lt3A_978 = arith.cmpi slt, %select_n3A_938, %select_n3A_975 : vector<16x2048xi32>
    %and3A_979 = arith.andi %eq3A_977, %lt3A_978 : vector<16x2048xi1>
    %or3A_980 = arith.ori %gt3A_976, %and3A_979 : vector<16x2048xi1>
    %xor3A_981 = arith.xori %or3A_980, %ne3A_56 : vector<16x2048xi1>
    %xor3A_982 = arith.xori %xor3A_981, %ne3A_20 : vector<16x2048xi1>
    %select_n3A_983 = arith.select %xor3A_982, %select_n3A_968, %select_n3A_937 : vector<16x2048xi1>, vector<16x2048xf32>
    %select_n3A_984 = arith.select %xor3A_982, %select_n3A_975, %select_n3A_938 : vector<16x2048xi1>, vector<16x2048xi32>
    %slice3A_985 = vector.extract_strided_slice %select_n3A_960 {offsets = [0, 1920], sizes = [16, 128], strides = [1, 1]} : vector<16x2048xf32> to vector<16x128xf32>
    %slice3A_986 = vector.extract_strided_slice %select_n3A_960 {offsets = [0, 0], sizes = [16, 1920], strides = [1, 1]} : vector<16x2048xf32> to vector<16x1920xf32>
    %concatenate3A_987 = tpu.concatenate %slice3A_985, %slice3A_986 in 1 : vector<16x128xf32>, vector<16x1920xf32> -> vector<16x2048xf32>
    %slice3A_988 = vector.extract_strided_slice %select_n3A_960 {offsets = [0, 128], sizes = [16, 1920], strides = [1, 1]} : vector<16x2048xf32> to vector<16x1920xf32>
    %slice3A_989 = vector.extract_strided_slice %select_n3A_960 {offsets = [0, 0], sizes = [16, 128], strides = [1, 1]} : vector<16x2048xf32> to vector<16x128xf32>
    %concatenate3A_990 = tpu.concatenate %slice3A_988, %slice3A_989 in 1 : vector<16x1920xf32>, vector<16x128xf32> -> vector<16x2048xf32>
    %select_n3A_991 = arith.select %ne3A_50, %concatenate3A_987, %concatenate3A_990 : vector<16x2048xi1>, vector<16x2048xf32>
    %slice3A_992 = vector.extract_strided_slice %select_n3A_961 {offsets = [0, 1920], sizes = [16, 128], strides = [1, 1]} : vector<16x2048xi32> to vector<16x128xi32>
    %slice3A_993 = vector.extract_strided_slice %select_n3A_961 {offsets = [0, 0], sizes = [16, 1920], strides = [1, 1]} : vector<16x2048xi32> to vector<16x1920xi32>
    %concatenate3A_994 = tpu.concatenate %slice3A_992, %slice3A_993 in 1 : vector<16x128xi32>, vector<16x1920xi32> -> vector<16x2048xi32>
    %slice3A_995 = vector.extract_strided_slice %select_n3A_961 {offsets = [0, 128], sizes = [16, 1920], strides = [1, 1]} : vector<16x2048xi32> to vector<16x1920xi32>
    %slice3A_996 = vector.extract_strided_slice %select_n3A_961 {offsets = [0, 0], sizes = [16, 128], strides = [1, 1]} : vector<16x2048xi32> to vector<16x128xi32>
    %concatenate3A_997 = tpu.concatenate %slice3A_995, %slice3A_996 in 1 : vector<16x1920xi32>, vector<16x128xi32> -> vector<16x2048xi32>
    %select_n3A_998 = arith.select %ne3A_50, %concatenate3A_994, %concatenate3A_997 : vector<16x2048xi1>, vector<16x2048xi32>
    %gt3A_999 = arith.cmpf ogt, %select_n3A_960, %select_n3A_991 : vector<16x2048xf32>
    %eq3A_1000 = arith.cmpf oeq, %select_n3A_960, %select_n3A_991 : vector<16x2048xf32>
    %lt3A_1001 = arith.cmpi slt, %select_n3A_961, %select_n3A_998 : vector<16x2048xi32>
    %and3A_1002 = arith.andi %eq3A_1000, %lt3A_1001 : vector<16x2048xi1>
    %or3A_1003 = arith.ori %gt3A_999, %and3A_1002 : vector<16x2048xi1>
    %xor3A_1004 = arith.xori %or3A_1003, %ne3A_50 : vector<16x2048xi1>
    %xor3A_1005 = arith.xori %xor3A_1004, %ne3A_20 : vector<16x2048xi1>
    %select_n3A_1006 = arith.select %xor3A_1005, %select_n3A_991, %select_n3A_960 : vector<16x2048xi1>, vector<16x2048xf32>
    %select_n3A_1007 = arith.select %xor3A_1005, %select_n3A_998, %select_n3A_961 : vector<16x2048xi1>, vector<16x2048xi32>
    %slice3A_1008 = vector.extract_strided_slice %select_n3A_983 {offsets = [0, 1920], sizes = [16, 128], strides = [1, 1]} : vector<16x2048xf32> to vector<16x128xf32>
    %slice3A_1009 = vector.extract_strided_slice %select_n3A_983 {offsets = [0, 0], sizes = [16, 1920], strides = [1, 1]} : vector<16x2048xf32> to vector<16x1920xf32>
    %concatenate3A_1010 = tpu.concatenate %slice3A_1008, %slice3A_1009 in 1 : vector<16x128xf32>, vector<16x1920xf32> -> vector<16x2048xf32>
    %slice3A_1011 = vector.extract_strided_slice %select_n3A_983 {offsets = [0, 128], sizes = [16, 1920], strides = [1, 1]} : vector<16x2048xf32> to vector<16x1920xf32>
    %slice3A_1012 = vector.extract_strided_slice %select_n3A_983 {offsets = [0, 0], sizes = [16, 128], strides = [1, 1]} : vector<16x2048xf32> to vector<16x128xf32>
    %concatenate3A_1013 = tpu.concatenate %slice3A_1011, %slice3A_1012 in 1 : vector<16x1920xf32>, vector<16x128xf32> -> vector<16x2048xf32>
    %select_n3A_1014 = arith.select %ne3A_50, %concatenate3A_1010, %concatenate3A_1013 : vector<16x2048xi1>, vector<16x2048xf32>
    %slice3A_1015 = vector.extract_strided_slice %select_n3A_984 {offsets = [0, 1920], sizes = [16, 128], strides = [1, 1]} : vector<16x2048xi32> to vector<16x128xi32>
    %slice3A_1016 = vector.extract_strided_slice %select_n3A_984 {offsets = [0, 0], sizes = [16, 1920], strides = [1, 1]} : vector<16x2048xi32> to vector<16x1920xi32>
    %concatenate3A_1017 = tpu.concatenate %slice3A_1015, %slice3A_1016 in 1 : vector<16x128xi32>, vector<16x1920xi32> -> vector<16x2048xi32>
    %slice3A_1018 = vector.extract_strided_slice %select_n3A_984 {offsets = [0, 128], sizes = [16, 1920], strides = [1, 1]} : vector<16x2048xi32> to vector<16x1920xi32>
    %slice3A_1019 = vector.extract_strided_slice %select_n3A_984 {offsets = [0, 0], sizes = [16, 128], strides = [1, 1]} : vector<16x2048xi32> to vector<16x128xi32>
    %concatenate3A_1020 = tpu.concatenate %slice3A_1018, %slice3A_1019 in 1 : vector<16x1920xi32>, vector<16x128xi32> -> vector<16x2048xi32>
    %select_n3A_1021 = arith.select %ne3A_50, %concatenate3A_1017, %concatenate3A_1020 : vector<16x2048xi1>, vector<16x2048xi32>
    %gt3A_1022 = arith.cmpf ogt, %select_n3A_983, %select_n3A_1014 : vector<16x2048xf32>
    %eq3A_1023 = arith.cmpf oeq, %select_n3A_983, %select_n3A_1014 : vector<16x2048xf32>
    %lt3A_1024 = arith.cmpi slt, %select_n3A_984, %select_n3A_1021 : vector<16x2048xi32>
    %and3A_1025 = arith.andi %eq3A_1023, %lt3A_1024 : vector<16x2048xi1>
    %or3A_1026 = arith.ori %gt3A_1022, %and3A_1025 : vector<16x2048xi1>
    %xor3A_1027 = arith.xori %or3A_1026, %ne3A_50 : vector<16x2048xi1>
    %xor3A_1028 = arith.xori %xor3A_1027, %ne3A_20 : vector<16x2048xi1>
    %select_n3A_1029 = arith.select %xor3A_1028, %select_n3A_1014, %select_n3A_983 : vector<16x2048xi1>, vector<16x2048xf32>
    %select_n3A_1030 = arith.select %xor3A_1028, %select_n3A_1021, %select_n3A_984 : vector<16x2048xi1>, vector<16x2048xi32>
    %slice3A_1031 = vector.extract_strided_slice %select_n3A_1006 {offsets = [0, 2044], sizes = [16, 4], strides = [1, 1]} : vector<16x2048xf32> to vector<16x4xf32>
    %slice3A_1032 = vector.extract_strided_slice %select_n3A_1006 {offsets = [0, 0], sizes = [16, 2044], strides = [1, 1]} : vector<16x2048xf32> to vector<16x2044xf32>
    %concatenate3A_1033 = tpu.concatenate %slice3A_1031, %slice3A_1032 in 1 : vector<16x4xf32>, vector<16x2044xf32> -> vector<16x2048xf32>
    %slice3A_1034 = vector.extract_strided_slice %select_n3A_1006 {offsets = [0, 4], sizes = [16, 2044], strides = [1, 1]} : vector<16x2048xf32> to vector<16x2044xf32>
    %slice3A_1035 = vector.extract_strided_slice %select_n3A_1006 {offsets = [0, 0], sizes = [16, 4], strides = [1, 1]} : vector<16x2048xf32> to vector<16x4xf32>
    %concatenate3A_1036 = tpu.concatenate %slice3A_1034, %slice3A_1035 in 1 : vector<16x2044xf32>, vector<16x4xf32> -> vector<16x2048xf32>
    %select_n3A_1037 = arith.select %ne3A_20, %concatenate3A_1033, %concatenate3A_1036 : vector<16x2048xi1>, vector<16x2048xf32>
    %slice3A_1038 = vector.extract_strided_slice %select_n3A_1007 {offsets = [0, 2044], sizes = [16, 4], strides = [1, 1]} : vector<16x2048xi32> to vector<16x4xi32>
    %slice3A_1039 = vector.extract_strided_slice %select_n3A_1007 {offsets = [0, 0], sizes = [16, 2044], strides = [1, 1]} : vector<16x2048xi32> to vector<16x2044xi32>
    %concatenate3A_1040 = tpu.concatenate %slice3A_1038, %slice3A_1039 in 1 : vector<16x4xi32>, vector<16x2044xi32> -> vector<16x2048xi32>
    %slice3A_1041 = vector.extract_strided_slice %select_n3A_1007 {offsets = [0, 4], sizes = [16, 2044], strides = [1, 1]} : vector<16x2048xi32> to vector<16x2044xi32>
    %slice3A_1042 = vector.extract_strided_slice %select_n3A_1007 {offsets = [0, 0], sizes = [16, 4], strides = [1, 1]} : vector<16x2048xi32> to vector<16x4xi32>
    %concatenate3A_1043 = tpu.concatenate %slice3A_1041, %slice3A_1042 in 1 : vector<16x2044xi32>, vector<16x4xi32> -> vector<16x2048xi32>
    %select_n3A_1044 = arith.select %ne3A_20, %concatenate3A_1040, %concatenate3A_1043 : vector<16x2048xi1>, vector<16x2048xi32>
    %gt3A_1045 = arith.cmpf ogt, %select_n3A_1006, %select_n3A_1037 : vector<16x2048xf32>
    %eq3A_1046 = arith.cmpf oeq, %select_n3A_1006, %select_n3A_1037 : vector<16x2048xf32>
    %lt3A_1047 = arith.cmpi slt, %select_n3A_1007, %select_n3A_1044 : vector<16x2048xi32>
    %and3A_1048 = arith.andi %eq3A_1046, %lt3A_1047 : vector<16x2048xi1>
    %or3A_1049 = arith.ori %gt3A_1045, %and3A_1048 : vector<16x2048xi1>
    %xor3A_1050 = arith.xori %or3A_1049, %ne3A_20 : vector<16x2048xi1>
    %xor3A_1051 = arith.xori %xor3A_1050, %ne3A_26 : vector<16x2048xi1>
    %select_n3A_1052 = arith.select %xor3A_1051, %select_n3A_1037, %select_n3A_1006 : vector<16x2048xi1>, vector<16x2048xf32>
    %select_n3A_1053 = arith.select %xor3A_1051, %select_n3A_1044, %select_n3A_1007 : vector<16x2048xi1>, vector<16x2048xi32>
    %slice3A_1054 = vector.extract_strided_slice %select_n3A_1029 {offsets = [0, 2044], sizes = [16, 4], strides = [1, 1]} : vector<16x2048xf32> to vector<16x4xf32>
    %slice3A_1055 = vector.extract_strided_slice %select_n3A_1029 {offsets = [0, 0], sizes = [16, 2044], strides = [1, 1]} : vector<16x2048xf32> to vector<16x2044xf32>
    %concatenate3A_1056 = tpu.concatenate %slice3A_1054, %slice3A_1055 in 1 : vector<16x4xf32>, vector<16x2044xf32> -> vector<16x2048xf32>
    %slice3A_1057 = vector.extract_strided_slice %select_n3A_1029 {offsets = [0, 4], sizes = [16, 2044], strides = [1, 1]} : vector<16x2048xf32> to vector<16x2044xf32>
    %slice3A_1058 = vector.extract_strided_slice %select_n3A_1029 {offsets = [0, 0], sizes = [16, 4], strides = [1, 1]} : vector<16x2048xf32> to vector<16x4xf32>
    %concatenate3A_1059 = tpu.concatenate %slice3A_1057, %slice3A_1058 in 1 : vector<16x2044xf32>, vector<16x4xf32> -> vector<16x2048xf32>
    %select_n3A_1060 = arith.select %ne3A_20, %concatenate3A_1056, %concatenate3A_1059 : vector<16x2048xi1>, vector<16x2048xf32>
    %slice3A_1061 = vector.extract_strided_slice %select_n3A_1030 {offsets = [0, 2044], sizes = [16, 4], strides = [1, 1]} : vector<16x2048xi32> to vector<16x4xi32>
    %slice3A_1062 = vector.extract_strided_slice %select_n3A_1030 {offsets = [0, 0], sizes = [16, 2044], strides = [1, 1]} : vector<16x2048xi32> to vector<16x2044xi32>
    %concatenate3A_1063 = tpu.concatenate %slice3A_1061, %slice3A_1062 in 1 : vector<16x4xi32>, vector<16x2044xi32> -> vector<16x2048xi32>
    %slice3A_1064 = vector.extract_strided_slice %select_n3A_1030 {offsets = [0, 4], sizes = [16, 2044], strides = [1, 1]} : vector<16x2048xi32> to vector<16x2044xi32>
    %slice3A_1065 = vector.extract_strided_slice %select_n3A_1030 {offsets = [0, 0], sizes = [16, 4], strides = [1, 1]} : vector<16x2048xi32> to vector<16x4xi32>
    %concatenate3A_1066 = tpu.concatenate %slice3A_1064, %slice3A_1065 in 1 : vector<16x2044xi32>, vector<16x4xi32> -> vector<16x2048xi32>
    %select_n3A_1067 = arith.select %ne3A_20, %concatenate3A_1063, %concatenate3A_1066 : vector<16x2048xi1>, vector<16x2048xi32>
    %gt3A_1068 = arith.cmpf ogt, %select_n3A_1029, %select_n3A_1060 : vector<16x2048xf32>
    %eq3A_1069 = arith.cmpf oeq, %select_n3A_1029, %select_n3A_1060 : vector<16x2048xf32>
    %lt3A_1070 = arith.cmpi slt, %select_n3A_1030, %select_n3A_1067 : vector<16x2048xi32>
    %and3A_1071 = arith.andi %eq3A_1069, %lt3A_1070 : vector<16x2048xi1>
    %or3A_1072 = arith.ori %gt3A_1068, %and3A_1071 : vector<16x2048xi1>
    %xor3A_1073 = arith.xori %or3A_1072, %ne3A_20 : vector<16x2048xi1>
    %xor3A_1074 = arith.xori %xor3A_1073, %ne3A_26 : vector<16x2048xi1>
    %select_n3A_1075 = arith.select %xor3A_1074, %select_n3A_1060, %select_n3A_1029 : vector<16x2048xi1>, vector<16x2048xf32>
    %select_n3A_1076 = arith.select %xor3A_1074, %select_n3A_1067, %select_n3A_1030 : vector<16x2048xi1>, vector<16x2048xi32>
    %slice3A_1077 = vector.extract_strided_slice %select_n3A_1052 {offsets = [0, 2046], sizes = [16, 2], strides = [1, 1]} : vector<16x2048xf32> to vector<16x2xf32>
    %slice3A_1078 = vector.extract_strided_slice %select_n3A_1052 {offsets = [0, 0], sizes = [16, 2046], strides = [1, 1]} : vector<16x2048xf32> to vector<16x2046xf32>
    %concatenate3A_1079 = tpu.concatenate %slice3A_1077, %slice3A_1078 in 1 : vector<16x2xf32>, vector<16x2046xf32> -> vector<16x2048xf32>
    %slice3A_1080 = vector.extract_strided_slice %select_n3A_1052 {offsets = [0, 2], sizes = [16, 2046], strides = [1, 1]} : vector<16x2048xf32> to vector<16x2046xf32>
    %slice3A_1081 = vector.extract_strided_slice %select_n3A_1052 {offsets = [0, 0], sizes = [16, 2], strides = [1, 1]} : vector<16x2048xf32> to vector<16x2xf32>
    %concatenate3A_1082 = tpu.concatenate %slice3A_1080, %slice3A_1081 in 1 : vector<16x2046xf32>, vector<16x2xf32> -> vector<16x2048xf32>
    %select_n3A_1083 = arith.select %ne3A_14, %concatenate3A_1079, %concatenate3A_1082 : vector<16x2048xi1>, vector<16x2048xf32>
    %slice3A_1084 = vector.extract_strided_slice %select_n3A_1053 {offsets = [0, 2046], sizes = [16, 2], strides = [1, 1]} : vector<16x2048xi32> to vector<16x2xi32>
    %slice3A_1085 = vector.extract_strided_slice %select_n3A_1053 {offsets = [0, 0], sizes = [16, 2046], strides = [1, 1]} : vector<16x2048xi32> to vector<16x2046xi32>
    %concatenate3A_1086 = tpu.concatenate %slice3A_1084, %slice3A_1085 in 1 : vector<16x2xi32>, vector<16x2046xi32> -> vector<16x2048xi32>
    %slice3A_1087 = vector.extract_strided_slice %select_n3A_1053 {offsets = [0, 2], sizes = [16, 2046], strides = [1, 1]} : vector<16x2048xi32> to vector<16x2046xi32>
    %slice3A_1088 = vector.extract_strided_slice %select_n3A_1053 {offsets = [0, 0], sizes = [16, 2], strides = [1, 1]} : vector<16x2048xi32> to vector<16x2xi32>
    %concatenate3A_1089 = tpu.concatenate %slice3A_1087, %slice3A_1088 in 1 : vector<16x2046xi32>, vector<16x2xi32> -> vector<16x2048xi32>
    %select_n3A_1090 = arith.select %ne3A_14, %concatenate3A_1086, %concatenate3A_1089 : vector<16x2048xi1>, vector<16x2048xi32>
    %gt3A_1091 = arith.cmpf ogt, %select_n3A_1052, %select_n3A_1083 : vector<16x2048xf32>
    %eq3A_1092 = arith.cmpf oeq, %select_n3A_1052, %select_n3A_1083 : vector<16x2048xf32>
    %lt3A_1093 = arith.cmpi slt, %select_n3A_1053, %select_n3A_1090 : vector<16x2048xi32>
    %and3A_1094 = arith.andi %eq3A_1092, %lt3A_1093 : vector<16x2048xi1>
    %or3A_1095 = arith.ori %gt3A_1091, %and3A_1094 : vector<16x2048xi1>
    %xor3A_1096 = arith.xori %or3A_1095, %ne3A_14 : vector<16x2048xi1>
    %xor3A_1097 = arith.xori %xor3A_1096, %ne3A_26 : vector<16x2048xi1>
    %select_n3A_1098 = arith.select %xor3A_1097, %select_n3A_1083, %select_n3A_1052 : vector<16x2048xi1>, vector<16x2048xf32>
    %select_n3A_1099 = arith.select %xor3A_1097, %select_n3A_1090, %select_n3A_1053 : vector<16x2048xi1>, vector<16x2048xi32>
    %slice3A_1100 = vector.extract_strided_slice %select_n3A_1075 {offsets = [0, 2046], sizes = [16, 2], strides = [1, 1]} : vector<16x2048xf32> to vector<16x2xf32>
    %slice3A_1101 = vector.extract_strided_slice %select_n3A_1075 {offsets = [0, 0], sizes = [16, 2046], strides = [1, 1]} : vector<16x2048xf32> to vector<16x2046xf32>
    %concatenate3A_1102 = tpu.concatenate %slice3A_1100, %slice3A_1101 in 1 : vector<16x2xf32>, vector<16x2046xf32> -> vector<16x2048xf32>
    %slice3A_1103 = vector.extract_strided_slice %select_n3A_1075 {offsets = [0, 2], sizes = [16, 2046], strides = [1, 1]} : vector<16x2048xf32> to vector<16x2046xf32>
    %slice3A_1104 = vector.extract_strided_slice %select_n3A_1075 {offsets = [0, 0], sizes = [16, 2], strides = [1, 1]} : vector<16x2048xf32> to vector<16x2xf32>
    %concatenate3A_1105 = tpu.concatenate %slice3A_1103, %slice3A_1104 in 1 : vector<16x2046xf32>, vector<16x2xf32> -> vector<16x2048xf32>
    %select_n3A_1106 = arith.select %ne3A_14, %concatenate3A_1102, %concatenate3A_1105 : vector<16x2048xi1>, vector<16x2048xf32>
    %slice3A_1107 = vector.extract_strided_slice %select_n3A_1076 {offsets = [0, 2046], sizes = [16, 2], strides = [1, 1]} : vector<16x2048xi32> to vector<16x2xi32>
    %slice3A_1108 = vector.extract_strided_slice %select_n3A_1076 {offsets = [0, 0], sizes = [16, 2046], strides = [1, 1]} : vector<16x2048xi32> to vector<16x2046xi32>
    %concatenate3A_1109 = tpu.concatenate %slice3A_1107, %slice3A_1108 in 1 : vector<16x2xi32>, vector<16x2046xi32> -> vector<16x2048xi32>
    %slice3A_1110 = vector.extract_strided_slice %select_n3A_1076 {offsets = [0, 2], sizes = [16, 2046], strides = [1, 1]} : vector<16x2048xi32> to vector<16x2046xi32>
    %slice3A_1111 = vector.extract_strided_slice %select_n3A_1076 {offsets = [0, 0], sizes = [16, 2], strides = [1, 1]} : vector<16x2048xi32> to vector<16x2xi32>
    %concatenate3A_1112 = tpu.concatenate %slice3A_1110, %slice3A_1111 in 1 : vector<16x2046xi32>, vector<16x2xi32> -> vector<16x2048xi32>
    %select_n3A_1113 = arith.select %ne3A_14, %concatenate3A_1109, %concatenate3A_1112 : vector<16x2048xi1>, vector<16x2048xi32>
    %gt3A_1114 = arith.cmpf ogt, %select_n3A_1075, %select_n3A_1106 : vector<16x2048xf32>
    %eq3A_1115 = arith.cmpf oeq, %select_n3A_1075, %select_n3A_1106 : vector<16x2048xf32>
    %lt3A_1116 = arith.cmpi slt, %select_n3A_1076, %select_n3A_1113 : vector<16x2048xi32>
    %and3A_1117 = arith.andi %eq3A_1115, %lt3A_1116 : vector<16x2048xi1>
    %or3A_1118 = arith.ori %gt3A_1114, %and3A_1117 : vector<16x2048xi1>
    %xor3A_1119 = arith.xori %or3A_1118, %ne3A_14 : vector<16x2048xi1>
    %xor3A_1120 = arith.xori %xor3A_1119, %ne3A_26 : vector<16x2048xi1>
    %select_n3A_1121 = arith.select %xor3A_1120, %select_n3A_1106, %select_n3A_1075 : vector<16x2048xi1>, vector<16x2048xf32>
    %select_n3A_1122 = arith.select %xor3A_1120, %select_n3A_1113, %select_n3A_1076 : vector<16x2048xi1>, vector<16x2048xi32>
    %slice3A_1123 = vector.extract_strided_slice %select_n3A_1098 {offsets = [0, 2047], sizes = [16, 1], strides = [1, 1]} : vector<16x2048xf32> to vector<16x1xf32>
    %slice3A_1124 = vector.extract_strided_slice %select_n3A_1098 {offsets = [0, 0], sizes = [16, 2047], strides = [1, 1]} : vector<16x2048xf32> to vector<16x2047xf32>
    %concatenate3A_1125 = tpu.concatenate %slice3A_1123, %slice3A_1124 in 1 : vector<16x1xf32>, vector<16x2047xf32> -> vector<16x2048xf32>
    %slice3A_1126 = vector.extract_strided_slice %select_n3A_1098 {offsets = [0, 1], sizes = [16, 2047], strides = [1, 1]} : vector<16x2048xf32> to vector<16x2047xf32>
    %slice3A_1127 = vector.extract_strided_slice %select_n3A_1098 {offsets = [0, 0], sizes = [16, 1], strides = [1, 1]} : vector<16x2048xf32> to vector<16x1xf32>
    %concatenate3A_1128 = tpu.concatenate %slice3A_1126, %slice3A_1127 in 1 : vector<16x2047xf32>, vector<16x1xf32> -> vector<16x2048xf32>
    %select_n3A_1129 = arith.select %ne3A_8, %concatenate3A_1125, %concatenate3A_1128 : vector<16x2048xi1>, vector<16x2048xf32>
    %slice3A_1130 = vector.extract_strided_slice %select_n3A_1099 {offsets = [0, 2047], sizes = [16, 1], strides = [1, 1]} : vector<16x2048xi32> to vector<16x1xi32>
    %slice3A_1131 = vector.extract_strided_slice %select_n3A_1099 {offsets = [0, 0], sizes = [16, 2047], strides = [1, 1]} : vector<16x2048xi32> to vector<16x2047xi32>
    %concatenate3A_1132 = tpu.concatenate %slice3A_1130, %slice3A_1131 in 1 : vector<16x1xi32>, vector<16x2047xi32> -> vector<16x2048xi32>
    %slice3A_1133 = vector.extract_strided_slice %select_n3A_1099 {offsets = [0, 1], sizes = [16, 2047], strides = [1, 1]} : vector<16x2048xi32> to vector<16x2047xi32>
    %slice3A_1134 = vector.extract_strided_slice %select_n3A_1099 {offsets = [0, 0], sizes = [16, 1], strides = [1, 1]} : vector<16x2048xi32> to vector<16x1xi32>
    %concatenate3A_1135 = tpu.concatenate %slice3A_1133, %slice3A_1134 in 1 : vector<16x2047xi32>, vector<16x1xi32> -> vector<16x2048xi32>
    %select_n3A_1136 = arith.select %ne3A_8, %concatenate3A_1132, %concatenate3A_1135 : vector<16x2048xi1>, vector<16x2048xi32>
    %gt3A_1137 = arith.cmpf ogt, %select_n3A_1098, %select_n3A_1129 : vector<16x2048xf32>
    %eq3A_1138 = arith.cmpf oeq, %select_n3A_1098, %select_n3A_1129 : vector<16x2048xf32>
    %lt3A_1139 = arith.cmpi slt, %select_n3A_1099, %select_n3A_1136 : vector<16x2048xi32>
    %and3A_1140 = arith.andi %eq3A_1138, %lt3A_1139 : vector<16x2048xi1>
    %or3A_1141 = arith.ori %gt3A_1137, %and3A_1140 : vector<16x2048xi1>
    %xor3A_1142 = arith.xori %or3A_1141, %ne3A_8 : vector<16x2048xi1>
    %xor3A_1143 = arith.xori %xor3A_1142, %ne3A_26 : vector<16x2048xi1>
    %select_n3A_1144 = arith.select %xor3A_1143, %select_n3A_1129, %select_n3A_1098 : vector<16x2048xi1>, vector<16x2048xf32>
    %select_n3A_1145 = arith.select %xor3A_1143, %select_n3A_1136, %select_n3A_1099 : vector<16x2048xi1>, vector<16x2048xi32>
    %slice3A_1146 = vector.extract_strided_slice %select_n3A_1121 {offsets = [0, 2047], sizes = [16, 1], strides = [1, 1]} : vector<16x2048xf32> to vector<16x1xf32>
    %slice3A_1147 = vector.extract_strided_slice %select_n3A_1121 {offsets = [0, 0], sizes = [16, 2047], strides = [1, 1]} : vector<16x2048xf32> to vector<16x2047xf32>
    %concatenate3A_1148 = tpu.concatenate %slice3A_1146, %slice3A_1147 in 1 : vector<16x1xf32>, vector<16x2047xf32> -> vector<16x2048xf32>
    %slice3A_1149 = vector.extract_strided_slice %select_n3A_1121 {offsets = [0, 1], sizes = [16, 2047], strides = [1, 1]} : vector<16x2048xf32> to vector<16x2047xf32>
    %slice3A_1150 = vector.extract_strided_slice %select_n3A_1121 {offsets = [0, 0], sizes = [16, 1], strides = [1, 1]} : vector<16x2048xf32> to vector<16x1xf32>
    %concatenate3A_1151 = tpu.concatenate %slice3A_1149, %slice3A_1150 in 1 : vector<16x2047xf32>, vector<16x1xf32> -> vector<16x2048xf32>
    %select_n3A_1152 = arith.select %ne3A_8, %concatenate3A_1148, %concatenate3A_1151 : vector<16x2048xi1>, vector<16x2048xf32>
    %slice3A_1153 = vector.extract_strided_slice %select_n3A_1122 {offsets = [0, 2047], sizes = [16, 1], strides = [1, 1]} : vector<16x2048xi32> to vector<16x1xi32>
    %slice3A_1154 = vector.extract_strided_slice %select_n3A_1122 {offsets = [0, 0], sizes = [16, 2047], strides = [1, 1]} : vector<16x2048xi32> to vector<16x2047xi32>
    %concatenate3A_1155 = tpu.concatenate %slice3A_1153, %slice3A_1154 in 1 : vector<16x1xi32>, vector<16x2047xi32> -> vector<16x2048xi32>
    %slice3A_1156 = vector.extract_strided_slice %select_n3A_1122 {offsets = [0, 1], sizes = [16, 2047], strides = [1, 1]} : vector<16x2048xi32> to vector<16x2047xi32>
    %slice3A_1157 = vector.extract_strided_slice %select_n3A_1122 {offsets = [0, 0], sizes = [16, 1], strides = [1, 1]} : vector<16x2048xi32> to vector<16x1xi32>
    %concatenate3A_1158 = tpu.concatenate %slice3A_1156, %slice3A_1157 in 1 : vector<16x2047xi32>, vector<16x1xi32> -> vector<16x2048xi32>
    %select_n3A_1159 = arith.select %ne3A_8, %concatenate3A_1155, %concatenate3A_1158 : vector<16x2048xi1>, vector<16x2048xi32>
    %gt3A_1160 = arith.cmpf ogt, %select_n3A_1121, %select_n3A_1152 : vector<16x2048xf32>
    %eq3A_1161 = arith.cmpf oeq, %select_n3A_1121, %select_n3A_1152 : vector<16x2048xf32>
    %lt3A_1162 = arith.cmpi slt, %select_n3A_1122, %select_n3A_1159 : vector<16x2048xi32>
    %and3A_1163 = arith.andi %eq3A_1161, %lt3A_1162 : vector<16x2048xi1>
    %or3A_1164 = arith.ori %gt3A_1160, %and3A_1163 : vector<16x2048xi1>
    %xor3A_1165 = arith.xori %or3A_1164, %ne3A_8 : vector<16x2048xi1>
    %xor3A_1166 = arith.xori %xor3A_1165, %ne3A_26 : vector<16x2048xi1>
    %select_n3A_1167 = arith.select %xor3A_1166, %select_n3A_1152, %select_n3A_1121 : vector<16x2048xi1>, vector<16x2048xf32>
    %select_n3A_1168 = arith.select %xor3A_1166, %select_n3A_1159, %select_n3A_1122 : vector<16x2048xi1>, vector<16x2048xi32>
    %slice3A_1169 = vector.extract_strided_slice %select_n3A_1144 {offsets = [0, 1024], sizes = [16, 1024], strides = [1, 1]} : vector<16x2048xf32> to vector<16x1024xf32>
    %slice3A_1170 = vector.extract_strided_slice %select_n3A_1144 {offsets = [0, 0], sizes = [16, 1024], strides = [1, 1]} : vector<16x2048xf32> to vector<16x1024xf32>
    %concatenate3A_1171 = tpu.concatenate %slice3A_1169, %slice3A_1170 in 1 : vector<16x1024xf32>, vector<16x1024xf32> -> vector<16x2048xf32>
    %slice3A_1172 = vector.extract_strided_slice %select_n3A_1144 {offsets = [0, 1024], sizes = [16, 1024], strides = [1, 1]} : vector<16x2048xf32> to vector<16x1024xf32>
    %slice3A_1173 = vector.extract_strided_slice %select_n3A_1144 {offsets = [0, 0], sizes = [16, 1024], strides = [1, 1]} : vector<16x2048xf32> to vector<16x1024xf32>
    %concatenate3A_1174 = tpu.concatenate %slice3A_1172, %slice3A_1173 in 1 : vector<16x1024xf32>, vector<16x1024xf32> -> vector<16x2048xf32>
    %select_n3A_1175 = arith.select %ne3A_68, %concatenate3A_1171, %concatenate3A_1174 : vector<16x2048xi1>, vector<16x2048xf32>
    %slice3A_1176 = vector.extract_strided_slice %select_n3A_1145 {offsets = [0, 1024], sizes = [16, 1024], strides = [1, 1]} : vector<16x2048xi32> to vector<16x1024xi32>
    %slice3A_1177 = vector.extract_strided_slice %select_n3A_1145 {offsets = [0, 0], sizes = [16, 1024], strides = [1, 1]} : vector<16x2048xi32> to vector<16x1024xi32>
    %concatenate3A_1178 = tpu.concatenate %slice3A_1176, %slice3A_1177 in 1 : vector<16x1024xi32>, vector<16x1024xi32> -> vector<16x2048xi32>
    %slice3A_1179 = vector.extract_strided_slice %select_n3A_1145 {offsets = [0, 1024], sizes = [16, 1024], strides = [1, 1]} : vector<16x2048xi32> to vector<16x1024xi32>
    %slice3A_1180 = vector.extract_strided_slice %select_n3A_1145 {offsets = [0, 0], sizes = [16, 1024], strides = [1, 1]} : vector<16x2048xi32> to vector<16x1024xi32>
    %concatenate3A_1181 = tpu.concatenate %slice3A_1179, %slice3A_1180 in 1 : vector<16x1024xi32>, vector<16x1024xi32> -> vector<16x2048xi32>
    %select_n3A_1182 = arith.select %ne3A_68, %concatenate3A_1178, %concatenate3A_1181 : vector<16x2048xi1>, vector<16x2048xi32>
    %gt3A_1183 = arith.cmpf ogt, %select_n3A_1144, %select_n3A_1175 : vector<16x2048xf32>
    %eq3A_1184 = arith.cmpf oeq, %select_n3A_1144, %select_n3A_1175 : vector<16x2048xf32>
    %lt3A_1185 = arith.cmpi slt, %select_n3A_1145, %select_n3A_1182 : vector<16x2048xi32>
    %and3A_1186 = arith.andi %eq3A_1184, %lt3A_1185 : vector<16x2048xi1>
    %or3A_1187 = arith.ori %gt3A_1183, %and3A_1186 : vector<16x2048xi1>
    %xor3A_1188 = arith.xori %or3A_1187, %ne3A_68 : vector<16x2048xi1>
    %xor3A_1189 = arith.xori %xor3A_1188, %ne3A_26 : vector<16x2048xi1>
    %select_n3A_1190 = arith.select %xor3A_1189, %select_n3A_1175, %select_n3A_1144 : vector<16x2048xi1>, vector<16x2048xf32>
    %select_n3A_1191 = arith.select %xor3A_1189, %select_n3A_1182, %select_n3A_1145 : vector<16x2048xi1>, vector<16x2048xi32>
    %slice3A_1192 = vector.extract_strided_slice %select_n3A_1167 {offsets = [0, 1024], sizes = [16, 1024], strides = [1, 1]} : vector<16x2048xf32> to vector<16x1024xf32>
    %slice3A_1193 = vector.extract_strided_slice %select_n3A_1167 {offsets = [0, 0], sizes = [16, 1024], strides = [1, 1]} : vector<16x2048xf32> to vector<16x1024xf32>
    %concatenate3A_1194 = tpu.concatenate %slice3A_1192, %slice3A_1193 in 1 : vector<16x1024xf32>, vector<16x1024xf32> -> vector<16x2048xf32>
    %slice3A_1195 = vector.extract_strided_slice %select_n3A_1167 {offsets = [0, 1024], sizes = [16, 1024], strides = [1, 1]} : vector<16x2048xf32> to vector<16x1024xf32>
    %slice3A_1196 = vector.extract_strided_slice %select_n3A_1167 {offsets = [0, 0], sizes = [16, 1024], strides = [1, 1]} : vector<16x2048xf32> to vector<16x1024xf32>
    %concatenate3A_1197 = tpu.concatenate %slice3A_1195, %slice3A_1196 in 1 : vector<16x1024xf32>, vector<16x1024xf32> -> vector<16x2048xf32>
    %select_n3A_1198 = arith.select %ne3A_68, %concatenate3A_1194, %concatenate3A_1197 : vector<16x2048xi1>, vector<16x2048xf32>
    %slice3A_1199 = vector.extract_strided_slice %select_n3A_1168 {offsets = [0, 1024], sizes = [16, 1024], strides = [1, 1]} : vector<16x2048xi32> to vector<16x1024xi32>
    %slice3A_1200 = vector.extract_strided_slice %select_n3A_1168 {offsets = [0, 0], sizes = [16, 1024], strides = [1, 1]} : vector<16x2048xi32> to vector<16x1024xi32>
    %concatenate3A_1201 = tpu.concatenate %slice3A_1199, %slice3A_1200 in 1 : vector<16x1024xi32>, vector<16x1024xi32> -> vector<16x2048xi32>
    %slice3A_1202 = vector.extract_strided_slice %select_n3A_1168 {offsets = [0, 1024], sizes = [16, 1024], strides = [1, 1]} : vector<16x2048xi32> to vector<16x1024xi32>
    %slice3A_1203 = vector.extract_strided_slice %select_n3A_1168 {offsets = [0, 0], sizes = [16, 1024], strides = [1, 1]} : vector<16x2048xi32> to vector<16x1024xi32>
    %concatenate3A_1204 = tpu.concatenate %slice3A_1202, %slice3A_1203 in 1 : vector<16x1024xi32>, vector<16x1024xi32> -> vector<16x2048xi32>
    %select_n3A_1205 = arith.select %ne3A_68, %concatenate3A_1201, %concatenate3A_1204 : vector<16x2048xi1>, vector<16x2048xi32>
    %gt3A_1206 = arith.cmpf ogt, %select_n3A_1167, %select_n3A_1198 : vector<16x2048xf32>
    %eq3A_1207 = arith.cmpf oeq, %select_n3A_1167, %select_n3A_1198 : vector<16x2048xf32>
    %lt3A_1208 = arith.cmpi slt, %select_n3A_1168, %select_n3A_1205 : vector<16x2048xi32>
    %and3A_1209 = arith.andi %eq3A_1207, %lt3A_1208 : vector<16x2048xi1>
    %or3A_1210 = arith.ori %gt3A_1206, %and3A_1209 : vector<16x2048xi1>
    %xor3A_1211 = arith.xori %or3A_1210, %ne3A_68 : vector<16x2048xi1>
    %xor3A_1212 = arith.xori %xor3A_1211, %ne3A_26 : vector<16x2048xi1>
    %select_n3A_1213 = arith.select %xor3A_1212, %select_n3A_1198, %select_n3A_1167 : vector<16x2048xi1>, vector<16x2048xf32>
    %select_n3A_1214 = arith.select %xor3A_1212, %select_n3A_1205, %select_n3A_1168 : vector<16x2048xi1>, vector<16x2048xi32>
    %slice3A_1215 = vector.extract_strided_slice %select_n3A_1190 {offsets = [0, 1536], sizes = [16, 512], strides = [1, 1]} : vector<16x2048xf32> to vector<16x512xf32>
    %slice3A_1216 = vector.extract_strided_slice %select_n3A_1190 {offsets = [0, 0], sizes = [16, 1536], strides = [1, 1]} : vector<16x2048xf32> to vector<16x1536xf32>
    %concatenate3A_1217 = tpu.concatenate %slice3A_1215, %slice3A_1216 in 1 : vector<16x512xf32>, vector<16x1536xf32> -> vector<16x2048xf32>
    %slice3A_1218 = vector.extract_strided_slice %select_n3A_1190 {offsets = [0, 512], sizes = [16, 1536], strides = [1, 1]} : vector<16x2048xf32> to vector<16x1536xf32>
    %slice3A_1219 = vector.extract_strided_slice %select_n3A_1190 {offsets = [0, 0], sizes = [16, 512], strides = [1, 1]} : vector<16x2048xf32> to vector<16x512xf32>
    %concatenate3A_1220 = tpu.concatenate %slice3A_1218, %slice3A_1219 in 1 : vector<16x1536xf32>, vector<16x512xf32> -> vector<16x2048xf32>
    %select_n3A_1221 = arith.select %ne3A_62, %concatenate3A_1217, %concatenate3A_1220 : vector<16x2048xi1>, vector<16x2048xf32>
    %slice3A_1222 = vector.extract_strided_slice %select_n3A_1191 {offsets = [0, 1536], sizes = [16, 512], strides = [1, 1]} : vector<16x2048xi32> to vector<16x512xi32>
    %slice3A_1223 = vector.extract_strided_slice %select_n3A_1191 {offsets = [0, 0], sizes = [16, 1536], strides = [1, 1]} : vector<16x2048xi32> to vector<16x1536xi32>
    %concatenate3A_1224 = tpu.concatenate %slice3A_1222, %slice3A_1223 in 1 : vector<16x512xi32>, vector<16x1536xi32> -> vector<16x2048xi32>
    %slice3A_1225 = vector.extract_strided_slice %select_n3A_1191 {offsets = [0, 512], sizes = [16, 1536], strides = [1, 1]} : vector<16x2048xi32> to vector<16x1536xi32>
    %slice3A_1226 = vector.extract_strided_slice %select_n3A_1191 {offsets = [0, 0], sizes = [16, 512], strides = [1, 1]} : vector<16x2048xi32> to vector<16x512xi32>
    %concatenate3A_1227 = tpu.concatenate %slice3A_1225, %slice3A_1226 in 1 : vector<16x1536xi32>, vector<16x512xi32> -> vector<16x2048xi32>
    %select_n3A_1228 = arith.select %ne3A_62, %concatenate3A_1224, %concatenate3A_1227 : vector<16x2048xi1>, vector<16x2048xi32>
    %gt3A_1229 = arith.cmpf ogt, %select_n3A_1190, %select_n3A_1221 : vector<16x2048xf32>
    %eq3A_1230 = arith.cmpf oeq, %select_n3A_1190, %select_n3A_1221 : vector<16x2048xf32>
    %lt3A_1231 = arith.cmpi slt, %select_n3A_1191, %select_n3A_1228 : vector<16x2048xi32>
    %and3A_1232 = arith.andi %eq3A_1230, %lt3A_1231 : vector<16x2048xi1>
    %or3A_1233 = arith.ori %gt3A_1229, %and3A_1232 : vector<16x2048xi1>
    %xor3A_1234 = arith.xori %or3A_1233, %ne3A_62 : vector<16x2048xi1>
    %xor3A_1235 = arith.xori %xor3A_1234, %ne3A_26 : vector<16x2048xi1>
    %select_n3A_1236 = arith.select %xor3A_1235, %select_n3A_1221, %select_n3A_1190 : vector<16x2048xi1>, vector<16x2048xf32>
    %select_n3A_1237 = arith.select %xor3A_1235, %select_n3A_1228, %select_n3A_1191 : vector<16x2048xi1>, vector<16x2048xi32>
    %slice3A_1238 = vector.extract_strided_slice %select_n3A_1213 {offsets = [0, 1536], sizes = [16, 512], strides = [1, 1]} : vector<16x2048xf32> to vector<16x512xf32>
    %slice3A_1239 = vector.extract_strided_slice %select_n3A_1213 {offsets = [0, 0], sizes = [16, 1536], strides = [1, 1]} : vector<16x2048xf32> to vector<16x1536xf32>
    %concatenate3A_1240 = tpu.concatenate %slice3A_1238, %slice3A_1239 in 1 : vector<16x512xf32>, vector<16x1536xf32> -> vector<16x2048xf32>
    %slice3A_1241 = vector.extract_strided_slice %select_n3A_1213 {offsets = [0, 512], sizes = [16, 1536], strides = [1, 1]} : vector<16x2048xf32> to vector<16x1536xf32>
    %slice3A_1242 = vector.extract_strided_slice %select_n3A_1213 {offsets = [0, 0], sizes = [16, 512], strides = [1, 1]} : vector<16x2048xf32> to vector<16x512xf32>
    %concatenate3A_1243 = tpu.concatenate %slice3A_1241, %slice3A_1242 in 1 : vector<16x1536xf32>, vector<16x512xf32> -> vector<16x2048xf32>
    %select_n3A_1244 = arith.select %ne3A_62, %concatenate3A_1240, %concatenate3A_1243 : vector<16x2048xi1>, vector<16x2048xf32>
    %slice3A_1245 = vector.extract_strided_slice %select_n3A_1214 {offsets = [0, 1536], sizes = [16, 512], strides = [1, 1]} : vector<16x2048xi32> to vector<16x512xi32>
    %slice3A_1246 = vector.extract_strided_slice %select_n3A_1214 {offsets = [0, 0], sizes = [16, 1536], strides = [1, 1]} : vector<16x2048xi32> to vector<16x1536xi32>
    %concatenate3A_1247 = tpu.concatenate %slice3A_1245, %slice3A_1246 in 1 : vector<16x512xi32>, vector<16x1536xi32> -> vector<16x2048xi32>
    %slice3A_1248 = vector.extract_strided_slice %select_n3A_1214 {offsets = [0, 512], sizes = [16, 1536], strides = [1, 1]} : vector<16x2048xi32> to vector<16x1536xi32>
    %slice3A_1249 = vector.extract_strided_slice %select_n3A_1214 {offsets = [0, 0], sizes = [16, 512], strides = [1, 1]} : vector<16x2048xi32> to vector<16x512xi32>
    %concatenate3A_1250 = tpu.concatenate %slice3A_1248, %slice3A_1249 in 1 : vector<16x1536xi32>, vector<16x512xi32> -> vector<16x2048xi32>
    %select_n3A_1251 = arith.select %ne3A_62, %concatenate3A_1247, %concatenate3A_1250 : vector<16x2048xi1>, vector<16x2048xi32>
    %gt3A_1252 = arith.cmpf ogt, %select_n3A_1213, %select_n3A_1244 : vector<16x2048xf32>
    %eq3A_1253 = arith.cmpf oeq, %select_n3A_1213, %select_n3A_1244 : vector<16x2048xf32>
    %lt3A_1254 = arith.cmpi slt, %select_n3A_1214, %select_n3A_1251 : vector<16x2048xi32>
    %and3A_1255 = arith.andi %eq3A_1253, %lt3A_1254 : vector<16x2048xi1>
    %or3A_1256 = arith.ori %gt3A_1252, %and3A_1255 : vector<16x2048xi1>
    %xor3A_1257 = arith.xori %or3A_1256, %ne3A_62 : vector<16x2048xi1>
    %xor3A_1258 = arith.xori %xor3A_1257, %ne3A_26 : vector<16x2048xi1>
    %select_n3A_1259 = arith.select %xor3A_1258, %select_n3A_1244, %select_n3A_1213 : vector<16x2048xi1>, vector<16x2048xf32>
    %select_n3A_1260 = arith.select %xor3A_1258, %select_n3A_1251, %select_n3A_1214 : vector<16x2048xi1>, vector<16x2048xi32>
    %slice3A_1261 = vector.extract_strided_slice %select_n3A_1236 {offsets = [0, 1792], sizes = [16, 256], strides = [1, 1]} : vector<16x2048xf32> to vector<16x256xf32>
    %slice3A_1262 = vector.extract_strided_slice %select_n3A_1236 {offsets = [0, 0], sizes = [16, 1792], strides = [1, 1]} : vector<16x2048xf32> to vector<16x1792xf32>
    %concatenate3A_1263 = tpu.concatenate %slice3A_1261, %slice3A_1262 in 1 : vector<16x256xf32>, vector<16x1792xf32> -> vector<16x2048xf32>
    %slice3A_1264 = vector.extract_strided_slice %select_n3A_1236 {offsets = [0, 256], sizes = [16, 1792], strides = [1, 1]} : vector<16x2048xf32> to vector<16x1792xf32>
    %slice3A_1265 = vector.extract_strided_slice %select_n3A_1236 {offsets = [0, 0], sizes = [16, 256], strides = [1, 1]} : vector<16x2048xf32> to vector<16x256xf32>
    %concatenate3A_1266 = tpu.concatenate %slice3A_1264, %slice3A_1265 in 1 : vector<16x1792xf32>, vector<16x256xf32> -> vector<16x2048xf32>
    %select_n3A_1267 = arith.select %ne3A_56, %concatenate3A_1263, %concatenate3A_1266 : vector<16x2048xi1>, vector<16x2048xf32>
    %slice3A_1268 = vector.extract_strided_slice %select_n3A_1237 {offsets = [0, 1792], sizes = [16, 256], strides = [1, 1]} : vector<16x2048xi32> to vector<16x256xi32>
    %slice3A_1269 = vector.extract_strided_slice %select_n3A_1237 {offsets = [0, 0], sizes = [16, 1792], strides = [1, 1]} : vector<16x2048xi32> to vector<16x1792xi32>
    %concatenate3A_1270 = tpu.concatenate %slice3A_1268, %slice3A_1269 in 1 : vector<16x256xi32>, vector<16x1792xi32> -> vector<16x2048xi32>
    %slice3A_1271 = vector.extract_strided_slice %select_n3A_1237 {offsets = [0, 256], sizes = [16, 1792], strides = [1, 1]} : vector<16x2048xi32> to vector<16x1792xi32>
    %slice3A_1272 = vector.extract_strided_slice %select_n3A_1237 {offsets = [0, 0], sizes = [16, 256], strides = [1, 1]} : vector<16x2048xi32> to vector<16x256xi32>
    %concatenate3A_1273 = tpu.concatenate %slice3A_1271, %slice3A_1272 in 1 : vector<16x1792xi32>, vector<16x256xi32> -> vector<16x2048xi32>
    %select_n3A_1274 = arith.select %ne3A_56, %concatenate3A_1270, %concatenate3A_1273 : vector<16x2048xi1>, vector<16x2048xi32>
    %gt3A_1275 = arith.cmpf ogt, %select_n3A_1236, %select_n3A_1267 : vector<16x2048xf32>
    %eq3A_1276 = arith.cmpf oeq, %select_n3A_1236, %select_n3A_1267 : vector<16x2048xf32>
    %lt3A_1277 = arith.cmpi slt, %select_n3A_1237, %select_n3A_1274 : vector<16x2048xi32>
    %and3A_1278 = arith.andi %eq3A_1276, %lt3A_1277 : vector<16x2048xi1>
    %or3A_1279 = arith.ori %gt3A_1275, %and3A_1278 : vector<16x2048xi1>
    %xor3A_1280 = arith.xori %or3A_1279, %ne3A_56 : vector<16x2048xi1>
    %xor3A_1281 = arith.xori %xor3A_1280, %ne3A_26 : vector<16x2048xi1>
    %select_n3A_1282 = arith.select %xor3A_1281, %select_n3A_1267, %select_n3A_1236 : vector<16x2048xi1>, vector<16x2048xf32>
    %select_n3A_1283 = arith.select %xor3A_1281, %select_n3A_1274, %select_n3A_1237 : vector<16x2048xi1>, vector<16x2048xi32>
    %slice3A_1284 = vector.extract_strided_slice %select_n3A_1259 {offsets = [0, 1792], sizes = [16, 256], strides = [1, 1]} : vector<16x2048xf32> to vector<16x256xf32>
    %slice3A_1285 = vector.extract_strided_slice %select_n3A_1259 {offsets = [0, 0], sizes = [16, 1792], strides = [1, 1]} : vector<16x2048xf32> to vector<16x1792xf32>
    %concatenate3A_1286 = tpu.concatenate %slice3A_1284, %slice3A_1285 in 1 : vector<16x256xf32>, vector<16x1792xf32> -> vector<16x2048xf32>
    %slice3A_1287 = vector.extract_strided_slice %select_n3A_1259 {offsets = [0, 256], sizes = [16, 1792], strides = [1, 1]} : vector<16x2048xf32> to vector<16x1792xf32>
    %slice3A_1288 = vector.extract_strided_slice %select_n3A_1259 {offsets = [0, 0], sizes = [16, 256], strides = [1, 1]} : vector<16x2048xf32> to vector<16x256xf32>
    %concatenate3A_1289 = tpu.concatenate %slice3A_1287, %slice3A_1288 in 1 : vector<16x1792xf32>, vector<16x256xf32> -> vector<16x2048xf32>
    %select_n3A_1290 = arith.select %ne3A_56, %concatenate3A_1286, %concatenate3A_1289 : vector<16x2048xi1>, vector<16x2048xf32>
    %slice3A_1291 = vector.extract_strided_slice %select_n3A_1260 {offsets = [0, 1792], sizes = [16, 256], strides = [1, 1]} : vector<16x2048xi32> to vector<16x256xi32>
    %slice3A_1292 = vector.extract_strided_slice %select_n3A_1260 {offsets = [0, 0], sizes = [16, 1792], strides = [1, 1]} : vector<16x2048xi32> to vector<16x1792xi32>
    %concatenate3A_1293 = tpu.concatenate %slice3A_1291, %slice3A_1292 in 1 : vector<16x256xi32>, vector<16x1792xi32> -> vector<16x2048xi32>
    %slice3A_1294 = vector.extract_strided_slice %select_n3A_1260 {offsets = [0, 256], sizes = [16, 1792], strides = [1, 1]} : vector<16x2048xi32> to vector<16x1792xi32>
    %slice3A_1295 = vector.extract_strided_slice %select_n3A_1260 {offsets = [0, 0], sizes = [16, 256], strides = [1, 1]} : vector<16x2048xi32> to vector<16x256xi32>
    %concatenate3A_1296 = tpu.concatenate %slice3A_1294, %slice3A_1295 in 1 : vector<16x1792xi32>, vector<16x256xi32> -> vector<16x2048xi32>
    %select_n3A_1297 = arith.select %ne3A_56, %concatenate3A_1293, %concatenate3A_1296 : vector<16x2048xi1>, vector<16x2048xi32>
    %gt3A_1298 = arith.cmpf ogt, %select_n3A_1259, %select_n3A_1290 : vector<16x2048xf32>
    %eq3A_1299 = arith.cmpf oeq, %select_n3A_1259, %select_n3A_1290 : vector<16x2048xf32>
    %lt3A_1300 = arith.cmpi slt, %select_n3A_1260, %select_n3A_1297 : vector<16x2048xi32>
    %and3A_1301 = arith.andi %eq3A_1299, %lt3A_1300 : vector<16x2048xi1>
    %or3A_1302 = arith.ori %gt3A_1298, %and3A_1301 : vector<16x2048xi1>
    %xor3A_1303 = arith.xori %or3A_1302, %ne3A_56 : vector<16x2048xi1>
    %xor3A_1304 = arith.xori %xor3A_1303, %ne3A_26 : vector<16x2048xi1>
    %select_n3A_1305 = arith.select %xor3A_1304, %select_n3A_1290, %select_n3A_1259 : vector<16x2048xi1>, vector<16x2048xf32>
    %select_n3A_1306 = arith.select %xor3A_1304, %select_n3A_1297, %select_n3A_1260 : vector<16x2048xi1>, vector<16x2048xi32>
    %slice3A_1307 = vector.extract_strided_slice %select_n3A_1282 {offsets = [0, 1920], sizes = [16, 128], strides = [1, 1]} : vector<16x2048xf32> to vector<16x128xf32>
    %slice3A_1308 = vector.extract_strided_slice %select_n3A_1282 {offsets = [0, 0], sizes = [16, 1920], strides = [1, 1]} : vector<16x2048xf32> to vector<16x1920xf32>
    %concatenate3A_1309 = tpu.concatenate %slice3A_1307, %slice3A_1308 in 1 : vector<16x128xf32>, vector<16x1920xf32> -> vector<16x2048xf32>
    %slice3A_1310 = vector.extract_strided_slice %select_n3A_1282 {offsets = [0, 128], sizes = [16, 1920], strides = [1, 1]} : vector<16x2048xf32> to vector<16x1920xf32>
    %slice3A_1311 = vector.extract_strided_slice %select_n3A_1282 {offsets = [0, 0], sizes = [16, 128], strides = [1, 1]} : vector<16x2048xf32> to vector<16x128xf32>
    %concatenate3A_1312 = tpu.concatenate %slice3A_1310, %slice3A_1311 in 1 : vector<16x1920xf32>, vector<16x128xf32> -> vector<16x2048xf32>
    %select_n3A_1313 = arith.select %ne3A_50, %concatenate3A_1309, %concatenate3A_1312 : vector<16x2048xi1>, vector<16x2048xf32>
    %slice3A_1314 = vector.extract_strided_slice %select_n3A_1283 {offsets = [0, 1920], sizes = [16, 128], strides = [1, 1]} : vector<16x2048xi32> to vector<16x128xi32>
    %slice3A_1315 = vector.extract_strided_slice %select_n3A_1283 {offsets = [0, 0], sizes = [16, 1920], strides = [1, 1]} : vector<16x2048xi32> to vector<16x1920xi32>
    %concatenate3A_1316 = tpu.concatenate %slice3A_1314, %slice3A_1315 in 1 : vector<16x128xi32>, vector<16x1920xi32> -> vector<16x2048xi32>
    %slice3A_1317 = vector.extract_strided_slice %select_n3A_1283 {offsets = [0, 128], sizes = [16, 1920], strides = [1, 1]} : vector<16x2048xi32> to vector<16x1920xi32>
    %slice3A_1318 = vector.extract_strided_slice %select_n3A_1283 {offsets = [0, 0], sizes = [16, 128], strides = [1, 1]} : vector<16x2048xi32> to vector<16x128xi32>
    %concatenate3A_1319 = tpu.concatenate %slice3A_1317, %slice3A_1318 in 1 : vector<16x1920xi32>, vector<16x128xi32> -> vector<16x2048xi32>
    %select_n3A_1320 = arith.select %ne3A_50, %concatenate3A_1316, %concatenate3A_1319 : vector<16x2048xi1>, vector<16x2048xi32>
    %gt3A_1321 = arith.cmpf ogt, %select_n3A_1282, %select_n3A_1313 : vector<16x2048xf32>
    %eq3A_1322 = arith.cmpf oeq, %select_n3A_1282, %select_n3A_1313 : vector<16x2048xf32>
    %lt3A_1323 = arith.cmpi slt, %select_n3A_1283, %select_n3A_1320 : vector<16x2048xi32>
    %and3A_1324 = arith.andi %eq3A_1322, %lt3A_1323 : vector<16x2048xi1>
    %or3A_1325 = arith.ori %gt3A_1321, %and3A_1324 : vector<16x2048xi1>
    %xor3A_1326 = arith.xori %or3A_1325, %ne3A_50 : vector<16x2048xi1>
    %xor3A_1327 = arith.xori %xor3A_1326, %ne3A_26 : vector<16x2048xi1>
    %select_n3A_1328 = arith.select %xor3A_1327, %select_n3A_1313, %select_n3A_1282 : vector<16x2048xi1>, vector<16x2048xf32>
    %select_n3A_1329 = arith.select %xor3A_1327, %select_n3A_1320, %select_n3A_1283 : vector<16x2048xi1>, vector<16x2048xi32>
    %slice3A_1330 = vector.extract_strided_slice %select_n3A_1305 {offsets = [0, 1920], sizes = [16, 128], strides = [1, 1]} : vector<16x2048xf32> to vector<16x128xf32>
    %slice3A_1331 = vector.extract_strided_slice %select_n3A_1305 {offsets = [0, 0], sizes = [16, 1920], strides = [1, 1]} : vector<16x2048xf32> to vector<16x1920xf32>
    %concatenate3A_1332 = tpu.concatenate %slice3A_1330, %slice3A_1331 in 1 : vector<16x128xf32>, vector<16x1920xf32> -> vector<16x2048xf32>
    %slice3A_1333 = vector.extract_strided_slice %select_n3A_1305 {offsets = [0, 128], sizes = [16, 1920], strides = [1, 1]} : vector<16x2048xf32> to vector<16x1920xf32>
    %slice3A_1334 = vector.extract_strided_slice %select_n3A_1305 {offsets = [0, 0], sizes = [16, 128], strides = [1, 1]} : vector<16x2048xf32> to vector<16x128xf32>
    %concatenate3A_1335 = tpu.concatenate %slice3A_1333, %slice3A_1334 in 1 : vector<16x1920xf32>, vector<16x128xf32> -> vector<16x2048xf32>
    %select_n3A_1336 = arith.select %ne3A_50, %concatenate3A_1332, %concatenate3A_1335 : vector<16x2048xi1>, vector<16x2048xf32>
    %slice3A_1337 = vector.extract_strided_slice %select_n3A_1306 {offsets = [0, 1920], sizes = [16, 128], strides = [1, 1]} : vector<16x2048xi32> to vector<16x128xi32>
    %slice3A_1338 = vector.extract_strided_slice %select_n3A_1306 {offsets = [0, 0], sizes = [16, 1920], strides = [1, 1]} : vector<16x2048xi32> to vector<16x1920xi32>
    %concatenate3A_1339 = tpu.concatenate %slice3A_1337, %slice3A_1338 in 1 : vector<16x128xi32>, vector<16x1920xi32> -> vector<16x2048xi32>
    %slice3A_1340 = vector.extract_strided_slice %select_n3A_1306 {offsets = [0, 128], sizes = [16, 1920], strides = [1, 1]} : vector<16x2048xi32> to vector<16x1920xi32>
    %slice3A_1341 = vector.extract_strided_slice %select_n3A_1306 {offsets = [0, 0], sizes = [16, 128], strides = [1, 1]} : vector<16x2048xi32> to vector<16x128xi32>
    %concatenate3A_1342 = tpu.concatenate %slice3A_1340, %slice3A_1341 in 1 : vector<16x1920xi32>, vector<16x128xi32> -> vector<16x2048xi32>
    %select_n3A_1343 = arith.select %ne3A_50, %concatenate3A_1339, %concatenate3A_1342 : vector<16x2048xi1>, vector<16x2048xi32>
    %gt3A_1344 = arith.cmpf ogt, %select_n3A_1305, %select_n3A_1336 : vector<16x2048xf32>
    %eq3A_1345 = arith.cmpf oeq, %select_n3A_1305, %select_n3A_1336 : vector<16x2048xf32>
    %lt3A_1346 = arith.cmpi slt, %select_n3A_1306, %select_n3A_1343 : vector<16x2048xi32>
    %and3A_1347 = arith.andi %eq3A_1345, %lt3A_1346 : vector<16x2048xi1>
    %or3A_1348 = arith.ori %gt3A_1344, %and3A_1347 : vector<16x2048xi1>
    %xor3A_1349 = arith.xori %or3A_1348, %ne3A_50 : vector<16x2048xi1>
    %xor3A_1350 = arith.xori %xor3A_1349, %ne3A_26 : vector<16x2048xi1>
    %select_n3A_1351 = arith.select %xor3A_1350, %select_n3A_1336, %select_n3A_1305 : vector<16x2048xi1>, vector<16x2048xf32>
    %select_n3A_1352 = arith.select %xor3A_1350, %select_n3A_1343, %select_n3A_1306 : vector<16x2048xi1>, vector<16x2048xi32>
    %slice3A_1353 = vector.extract_strided_slice %select_n3A_1328 {offsets = [0, 2040], sizes = [16, 8], strides = [1, 1]} : vector<16x2048xf32> to vector<16x8xf32>
    %slice3A_1354 = vector.extract_strided_slice %select_n3A_1328 {offsets = [0, 0], sizes = [16, 2040], strides = [1, 1]} : vector<16x2048xf32> to vector<16x2040xf32>
    %concatenate3A_1355 = tpu.concatenate %slice3A_1353, %slice3A_1354 in 1 : vector<16x8xf32>, vector<16x2040xf32> -> vector<16x2048xf32>
    %slice3A_1356 = vector.extract_strided_slice %select_n3A_1328 {offsets = [0, 8], sizes = [16, 2040], strides = [1, 1]} : vector<16x2048xf32> to vector<16x2040xf32>
    %slice3A_1357 = vector.extract_strided_slice %select_n3A_1328 {offsets = [0, 0], sizes = [16, 8], strides = [1, 1]} : vector<16x2048xf32> to vector<16x8xf32>
    %concatenate3A_1358 = tpu.concatenate %slice3A_1356, %slice3A_1357 in 1 : vector<16x2040xf32>, vector<16x8xf32> -> vector<16x2048xf32>
    %select_n3A_1359 = arith.select %ne3A_26, %concatenate3A_1355, %concatenate3A_1358 : vector<16x2048xi1>, vector<16x2048xf32>
    %slice3A_1360 = vector.extract_strided_slice %select_n3A_1329 {offsets = [0, 2040], sizes = [16, 8], strides = [1, 1]} : vector<16x2048xi32> to vector<16x8xi32>
    %slice3A_1361 = vector.extract_strided_slice %select_n3A_1329 {offsets = [0, 0], sizes = [16, 2040], strides = [1, 1]} : vector<16x2048xi32> to vector<16x2040xi32>
    %concatenate3A_1362 = tpu.concatenate %slice3A_1360, %slice3A_1361 in 1 : vector<16x8xi32>, vector<16x2040xi32> -> vector<16x2048xi32>
    %slice3A_1363 = vector.extract_strided_slice %select_n3A_1329 {offsets = [0, 8], sizes = [16, 2040], strides = [1, 1]} : vector<16x2048xi32> to vector<16x2040xi32>
    %slice3A_1364 = vector.extract_strided_slice %select_n3A_1329 {offsets = [0, 0], sizes = [16, 8], strides = [1, 1]} : vector<16x2048xi32> to vector<16x8xi32>
    %concatenate3A_1365 = tpu.concatenate %slice3A_1363, %slice3A_1364 in 1 : vector<16x2040xi32>, vector<16x8xi32> -> vector<16x2048xi32>
    %select_n3A_1366 = arith.select %ne3A_26, %concatenate3A_1362, %concatenate3A_1365 : vector<16x2048xi1>, vector<16x2048xi32>
    %gt3A_1367 = arith.cmpf ogt, %select_n3A_1328, %select_n3A_1359 : vector<16x2048xf32>
    %eq3A_1368 = arith.cmpf oeq, %select_n3A_1328, %select_n3A_1359 : vector<16x2048xf32>
    %lt3A_1369 = arith.cmpi slt, %select_n3A_1329, %select_n3A_1366 : vector<16x2048xi32>
    %and3A_1370 = arith.andi %eq3A_1368, %lt3A_1369 : vector<16x2048xi1>
    %or3A_1371 = arith.ori %gt3A_1367, %and3A_1370 : vector<16x2048xi1>
    %xor3A_1372 = arith.xori %or3A_1371, %ne3A_26 : vector<16x2048xi1>
    %xor3A_1373 = arith.xori %xor3A_1372, %ne3A_32 : vector<16x2048xi1>
    %select_n3A_1374 = arith.select %xor3A_1373, %select_n3A_1359, %select_n3A_1328 : vector<16x2048xi1>, vector<16x2048xf32>
    %select_n3A_1375 = arith.select %xor3A_1373, %select_n3A_1366, %select_n3A_1329 : vector<16x2048xi1>, vector<16x2048xi32>
    %slice3A_1376 = vector.extract_strided_slice %select_n3A_1351 {offsets = [0, 2040], sizes = [16, 8], strides = [1, 1]} : vector<16x2048xf32> to vector<16x8xf32>
    %slice3A_1377 = vector.extract_strided_slice %select_n3A_1351 {offsets = [0, 0], sizes = [16, 2040], strides = [1, 1]} : vector<16x2048xf32> to vector<16x2040xf32>
    %concatenate3A_1378 = tpu.concatenate %slice3A_1376, %slice3A_1377 in 1 : vector<16x8xf32>, vector<16x2040xf32> -> vector<16x2048xf32>
    %slice3A_1379 = vector.extract_strided_slice %select_n3A_1351 {offsets = [0, 8], sizes = [16, 2040], strides = [1, 1]} : vector<16x2048xf32> to vector<16x2040xf32>
    %slice3A_1380 = vector.extract_strided_slice %select_n3A_1351 {offsets = [0, 0], sizes = [16, 8], strides = [1, 1]} : vector<16x2048xf32> to vector<16x8xf32>
    %concatenate3A_1381 = tpu.concatenate %slice3A_1379, %slice3A_1380 in 1 : vector<16x2040xf32>, vector<16x8xf32> -> vector<16x2048xf32>
    %select_n3A_1382 = arith.select %ne3A_26, %concatenate3A_1378, %concatenate3A_1381 : vector<16x2048xi1>, vector<16x2048xf32>
    %slice3A_1383 = vector.extract_strided_slice %select_n3A_1352 {offsets = [0, 2040], sizes = [16, 8], strides = [1, 1]} : vector<16x2048xi32> to vector<16x8xi32>
    %slice3A_1384 = vector.extract_strided_slice %select_n3A_1352 {offsets = [0, 0], sizes = [16, 2040], strides = [1, 1]} : vector<16x2048xi32> to vector<16x2040xi32>
    %concatenate3A_1385 = tpu.concatenate %slice3A_1383, %slice3A_1384 in 1 : vector<16x8xi32>, vector<16x2040xi32> -> vector<16x2048xi32>
    %slice3A_1386 = vector.extract_strided_slice %select_n3A_1352 {offsets = [0, 8], sizes = [16, 2040], strides = [1, 1]} : vector<16x2048xi32> to vector<16x2040xi32>
    %slice3A_1387 = vector.extract_strided_slice %select_n3A_1352 {offsets = [0, 0], sizes = [16, 8], strides = [1, 1]} : vector<16x2048xi32> to vector<16x8xi32>
    %concatenate3A_1388 = tpu.concatenate %slice3A_1386, %slice3A_1387 in 1 : vector<16x2040xi32>, vector<16x8xi32> -> vector<16x2048xi32>
    %select_n3A_1389 = arith.select %ne3A_26, %concatenate3A_1385, %concatenate3A_1388 : vector<16x2048xi1>, vector<16x2048xi32>
    %gt3A_1390 = arith.cmpf ogt, %select_n3A_1351, %select_n3A_1382 : vector<16x2048xf32>
    %eq3A_1391 = arith.cmpf oeq, %select_n3A_1351, %select_n3A_1382 : vector<16x2048xf32>
    %lt3A_1392 = arith.cmpi slt, %select_n3A_1352, %select_n3A_1389 : vector<16x2048xi32>
    %and3A_1393 = arith.andi %eq3A_1391, %lt3A_1392 : vector<16x2048xi1>
    %or3A_1394 = arith.ori %gt3A_1390, %and3A_1393 : vector<16x2048xi1>
    %xor3A_1395 = arith.xori %or3A_1394, %ne3A_26 : vector<16x2048xi1>
    %xor3A_1396 = arith.xori %xor3A_1395, %ne3A_32 : vector<16x2048xi1>
    %select_n3A_1397 = arith.select %xor3A_1396, %select_n3A_1382, %select_n3A_1351 : vector<16x2048xi1>, vector<16x2048xf32>
    %select_n3A_1398 = arith.select %xor3A_1396, %select_n3A_1389, %select_n3A_1352 : vector<16x2048xi1>, vector<16x2048xi32>
    %slice3A_1399 = vector.extract_strided_slice %select_n3A_1374 {offsets = [0, 2044], sizes = [16, 4], strides = [1, 1]} : vector<16x2048xf32> to vector<16x4xf32>
    %slice3A_1400 = vector.extract_strided_slice %select_n3A_1374 {offsets = [0, 0], sizes = [16, 2044], strides = [1, 1]} : vector<16x2048xf32> to vector<16x2044xf32>
    %concatenate3A_1401 = tpu.concatenate %slice3A_1399, %slice3A_1400 in 1 : vector<16x4xf32>, vector<16x2044xf32> -> vector<16x2048xf32>
    %slice3A_1402 = vector.extract_strided_slice %select_n3A_1374 {offsets = [0, 4], sizes = [16, 2044], strides = [1, 1]} : vector<16x2048xf32> to vector<16x2044xf32>
    %slice3A_1403 = vector.extract_strided_slice %select_n3A_1374 {offsets = [0, 0], sizes = [16, 4], strides = [1, 1]} : vector<16x2048xf32> to vector<16x4xf32>
    %concatenate3A_1404 = tpu.concatenate %slice3A_1402, %slice3A_1403 in 1 : vector<16x2044xf32>, vector<16x4xf32> -> vector<16x2048xf32>
    %select_n3A_1405 = arith.select %ne3A_20, %concatenate3A_1401, %concatenate3A_1404 : vector<16x2048xi1>, vector<16x2048xf32>
    %slice3A_1406 = vector.extract_strided_slice %select_n3A_1375 {offsets = [0, 2044], sizes = [16, 4], strides = [1, 1]} : vector<16x2048xi32> to vector<16x4xi32>
    %slice3A_1407 = vector.extract_strided_slice %select_n3A_1375 {offsets = [0, 0], sizes = [16, 2044], strides = [1, 1]} : vector<16x2048xi32> to vector<16x2044xi32>
    %concatenate3A_1408 = tpu.concatenate %slice3A_1406, %slice3A_1407 in 1 : vector<16x4xi32>, vector<16x2044xi32> -> vector<16x2048xi32>
    %slice3A_1409 = vector.extract_strided_slice %select_n3A_1375 {offsets = [0, 4], sizes = [16, 2044], strides = [1, 1]} : vector<16x2048xi32> to vector<16x2044xi32>
    %slice3A_1410 = vector.extract_strided_slice %select_n3A_1375 {offsets = [0, 0], sizes = [16, 4], strides = [1, 1]} : vector<16x2048xi32> to vector<16x4xi32>
    %concatenate3A_1411 = tpu.concatenate %slice3A_1409, %slice3A_1410 in 1 : vector<16x2044xi32>, vector<16x4xi32> -> vector<16x2048xi32>
    %select_n3A_1412 = arith.select %ne3A_20, %concatenate3A_1408, %concatenate3A_1411 : vector<16x2048xi1>, vector<16x2048xi32>
    %gt3A_1413 = arith.cmpf ogt, %select_n3A_1374, %select_n3A_1405 : vector<16x2048xf32>
    %eq3A_1414 = arith.cmpf oeq, %select_n3A_1374, %select_n3A_1405 : vector<16x2048xf32>
    %lt3A_1415 = arith.cmpi slt, %select_n3A_1375, %select_n3A_1412 : vector<16x2048xi32>
    %and3A_1416 = arith.andi %eq3A_1414, %lt3A_1415 : vector<16x2048xi1>
    %or3A_1417 = arith.ori %gt3A_1413, %and3A_1416 : vector<16x2048xi1>
    %xor3A_1418 = arith.xori %or3A_1417, %ne3A_20 : vector<16x2048xi1>
    %xor3A_1419 = arith.xori %xor3A_1418, %ne3A_32 : vector<16x2048xi1>
    %select_n3A_1420 = arith.select %xor3A_1419, %select_n3A_1405, %select_n3A_1374 : vector<16x2048xi1>, vector<16x2048xf32>
    %select_n3A_1421 = arith.select %xor3A_1419, %select_n3A_1412, %select_n3A_1375 : vector<16x2048xi1>, vector<16x2048xi32>
    %slice3A_1422 = vector.extract_strided_slice %select_n3A_1397 {offsets = [0, 2044], sizes = [16, 4], strides = [1, 1]} : vector<16x2048xf32> to vector<16x4xf32>
    %slice3A_1423 = vector.extract_strided_slice %select_n3A_1397 {offsets = [0, 0], sizes = [16, 2044], strides = [1, 1]} : vector<16x2048xf32> to vector<16x2044xf32>
    %concatenate3A_1424 = tpu.concatenate %slice3A_1422, %slice3A_1423 in 1 : vector<16x4xf32>, vector<16x2044xf32> -> vector<16x2048xf32>
    %slice3A_1425 = vector.extract_strided_slice %select_n3A_1397 {offsets = [0, 4], sizes = [16, 2044], strides = [1, 1]} : vector<16x2048xf32> to vector<16x2044xf32>
    %slice3A_1426 = vector.extract_strided_slice %select_n3A_1397 {offsets = [0, 0], sizes = [16, 4], strides = [1, 1]} : vector<16x2048xf32> to vector<16x4xf32>
    %concatenate3A_1427 = tpu.concatenate %slice3A_1425, %slice3A_1426 in 1 : vector<16x2044xf32>, vector<16x4xf32> -> vector<16x2048xf32>
    %select_n3A_1428 = arith.select %ne3A_20, %concatenate3A_1424, %concatenate3A_1427 : vector<16x2048xi1>, vector<16x2048xf32>
    %slice3A_1429 = vector.extract_strided_slice %select_n3A_1398 {offsets = [0, 2044], sizes = [16, 4], strides = [1, 1]} : vector<16x2048xi32> to vector<16x4xi32>
    %slice3A_1430 = vector.extract_strided_slice %select_n3A_1398 {offsets = [0, 0], sizes = [16, 2044], strides = [1, 1]} : vector<16x2048xi32> to vector<16x2044xi32>
    %concatenate3A_1431 = tpu.concatenate %slice3A_1429, %slice3A_1430 in 1 : vector<16x4xi32>, vector<16x2044xi32> -> vector<16x2048xi32>
    %slice3A_1432 = vector.extract_strided_slice %select_n3A_1398 {offsets = [0, 4], sizes = [16, 2044], strides = [1, 1]} : vector<16x2048xi32> to vector<16x2044xi32>
    %slice3A_1433 = vector.extract_strided_slice %select_n3A_1398 {offsets = [0, 0], sizes = [16, 4], strides = [1, 1]} : vector<16x2048xi32> to vector<16x4xi32>
    %concatenate3A_1434 = tpu.concatenate %slice3A_1432, %slice3A_1433 in 1 : vector<16x2044xi32>, vector<16x4xi32> -> vector<16x2048xi32>
    %select_n3A_1435 = arith.select %ne3A_20, %concatenate3A_1431, %concatenate3A_1434 : vector<16x2048xi1>, vector<16x2048xi32>
    %gt3A_1436 = arith.cmpf ogt, %select_n3A_1397, %select_n3A_1428 : vector<16x2048xf32>
    %eq3A_1437 = arith.cmpf oeq, %select_n3A_1397, %select_n3A_1428 : vector<16x2048xf32>
    %lt3A_1438 = arith.cmpi slt, %select_n3A_1398, %select_n3A_1435 : vector<16x2048xi32>
    %and3A_1439 = arith.andi %eq3A_1437, %lt3A_1438 : vector<16x2048xi1>
    %or3A_1440 = arith.ori %gt3A_1436, %and3A_1439 : vector<16x2048xi1>
    %xor3A_1441 = arith.xori %or3A_1440, %ne3A_20 : vector<16x2048xi1>
    %xor3A_1442 = arith.xori %xor3A_1441, %ne3A_32 : vector<16x2048xi1>
    %select_n3A_1443 = arith.select %xor3A_1442, %select_n3A_1428, %select_n3A_1397 : vector<16x2048xi1>, vector<16x2048xf32>
    %select_n3A_1444 = arith.select %xor3A_1442, %select_n3A_1435, %select_n3A_1398 : vector<16x2048xi1>, vector<16x2048xi32>
    %slice3A_1445 = vector.extract_strided_slice %select_n3A_1420 {offsets = [0, 2046], sizes = [16, 2], strides = [1, 1]} : vector<16x2048xf32> to vector<16x2xf32>
    %slice3A_1446 = vector.extract_strided_slice %select_n3A_1420 {offsets = [0, 0], sizes = [16, 2046], strides = [1, 1]} : vector<16x2048xf32> to vector<16x2046xf32>
    %concatenate3A_1447 = tpu.concatenate %slice3A_1445, %slice3A_1446 in 1 : vector<16x2xf32>, vector<16x2046xf32> -> vector<16x2048xf32>
    %slice3A_1448 = vector.extract_strided_slice %select_n3A_1420 {offsets = [0, 2], sizes = [16, 2046], strides = [1, 1]} : vector<16x2048xf32> to vector<16x2046xf32>
    %slice3A_1449 = vector.extract_strided_slice %select_n3A_1420 {offsets = [0, 0], sizes = [16, 2], strides = [1, 1]} : vector<16x2048xf32> to vector<16x2xf32>
    %concatenate3A_1450 = tpu.concatenate %slice3A_1448, %slice3A_1449 in 1 : vector<16x2046xf32>, vector<16x2xf32> -> vector<16x2048xf32>
    %select_n3A_1451 = arith.select %ne3A_14, %concatenate3A_1447, %concatenate3A_1450 : vector<16x2048xi1>, vector<16x2048xf32>
    %slice3A_1452 = vector.extract_strided_slice %select_n3A_1421 {offsets = [0, 2046], sizes = [16, 2], strides = [1, 1]} : vector<16x2048xi32> to vector<16x2xi32>
    %slice3A_1453 = vector.extract_strided_slice %select_n3A_1421 {offsets = [0, 0], sizes = [16, 2046], strides = [1, 1]} : vector<16x2048xi32> to vector<16x2046xi32>
    %concatenate3A_1454 = tpu.concatenate %slice3A_1452, %slice3A_1453 in 1 : vector<16x2xi32>, vector<16x2046xi32> -> vector<16x2048xi32>
    %slice3A_1455 = vector.extract_strided_slice %select_n3A_1421 {offsets = [0, 2], sizes = [16, 2046], strides = [1, 1]} : vector<16x2048xi32> to vector<16x2046xi32>
    %slice3A_1456 = vector.extract_strided_slice %select_n3A_1421 {offsets = [0, 0], sizes = [16, 2], strides = [1, 1]} : vector<16x2048xi32> to vector<16x2xi32>
    %concatenate3A_1457 = tpu.concatenate %slice3A_1455, %slice3A_1456 in 1 : vector<16x2046xi32>, vector<16x2xi32> -> vector<16x2048xi32>
    %select_n3A_1458 = arith.select %ne3A_14, %concatenate3A_1454, %concatenate3A_1457 : vector<16x2048xi1>, vector<16x2048xi32>
    %gt3A_1459 = arith.cmpf ogt, %select_n3A_1420, %select_n3A_1451 : vector<16x2048xf32>
    %eq3A_1460 = arith.cmpf oeq, %select_n3A_1420, %select_n3A_1451 : vector<16x2048xf32>
    %lt3A_1461 = arith.cmpi slt, %select_n3A_1421, %select_n3A_1458 : vector<16x2048xi32>
    %and3A_1462 = arith.andi %eq3A_1460, %lt3A_1461 : vector<16x2048xi1>
    %or3A_1463 = arith.ori %gt3A_1459, %and3A_1462 : vector<16x2048xi1>
    %xor3A_1464 = arith.xori %or3A_1463, %ne3A_14 : vector<16x2048xi1>
    %xor3A_1465 = arith.xori %xor3A_1464, %ne3A_32 : vector<16x2048xi1>
    %select_n3A_1466 = arith.select %xor3A_1465, %select_n3A_1451, %select_n3A_1420 : vector<16x2048xi1>, vector<16x2048xf32>
    %select_n3A_1467 = arith.select %xor3A_1465, %select_n3A_1458, %select_n3A_1421 : vector<16x2048xi1>, vector<16x2048xi32>
    %slice3A_1468 = vector.extract_strided_slice %select_n3A_1443 {offsets = [0, 2046], sizes = [16, 2], strides = [1, 1]} : vector<16x2048xf32> to vector<16x2xf32>
    %slice3A_1469 = vector.extract_strided_slice %select_n3A_1443 {offsets = [0, 0], sizes = [16, 2046], strides = [1, 1]} : vector<16x2048xf32> to vector<16x2046xf32>
    %concatenate3A_1470 = tpu.concatenate %slice3A_1468, %slice3A_1469 in 1 : vector<16x2xf32>, vector<16x2046xf32> -> vector<16x2048xf32>
    %slice3A_1471 = vector.extract_strided_slice %select_n3A_1443 {offsets = [0, 2], sizes = [16, 2046], strides = [1, 1]} : vector<16x2048xf32> to vector<16x2046xf32>
    %slice3A_1472 = vector.extract_strided_slice %select_n3A_1443 {offsets = [0, 0], sizes = [16, 2], strides = [1, 1]} : vector<16x2048xf32> to vector<16x2xf32>
    %concatenate3A_1473 = tpu.concatenate %slice3A_1471, %slice3A_1472 in 1 : vector<16x2046xf32>, vector<16x2xf32> -> vector<16x2048xf32>
    %select_n3A_1474 = arith.select %ne3A_14, %concatenate3A_1470, %concatenate3A_1473 : vector<16x2048xi1>, vector<16x2048xf32>
    %slice3A_1475 = vector.extract_strided_slice %select_n3A_1444 {offsets = [0, 2046], sizes = [16, 2], strides = [1, 1]} : vector<16x2048xi32> to vector<16x2xi32>
    %slice3A_1476 = vector.extract_strided_slice %select_n3A_1444 {offsets = [0, 0], sizes = [16, 2046], strides = [1, 1]} : vector<16x2048xi32> to vector<16x2046xi32>
    %concatenate3A_1477 = tpu.concatenate %slice3A_1475, %slice3A_1476 in 1 : vector<16x2xi32>, vector<16x2046xi32> -> vector<16x2048xi32>
    %slice3A_1478 = vector.extract_strided_slice %select_n3A_1444 {offsets = [0, 2], sizes = [16, 2046], strides = [1, 1]} : vector<16x2048xi32> to vector<16x2046xi32>
    %slice3A_1479 = vector.extract_strided_slice %select_n3A_1444 {offsets = [0, 0], sizes = [16, 2], strides = [1, 1]} : vector<16x2048xi32> to vector<16x2xi32>
    %concatenate3A_1480 = tpu.concatenate %slice3A_1478, %slice3A_1479 in 1 : vector<16x2046xi32>, vector<16x2xi32> -> vector<16x2048xi32>
    %select_n3A_1481 = arith.select %ne3A_14, %concatenate3A_1477, %concatenate3A_1480 : vector<16x2048xi1>, vector<16x2048xi32>
    %gt3A_1482 = arith.cmpf ogt, %select_n3A_1443, %select_n3A_1474 : vector<16x2048xf32>
    %eq3A_1483 = arith.cmpf oeq, %select_n3A_1443, %select_n3A_1474 : vector<16x2048xf32>
    %lt3A_1484 = arith.cmpi slt, %select_n3A_1444, %select_n3A_1481 : vector<16x2048xi32>
    %and3A_1485 = arith.andi %eq3A_1483, %lt3A_1484 : vector<16x2048xi1>
    %or3A_1486 = arith.ori %gt3A_1482, %and3A_1485 : vector<16x2048xi1>
    %xor3A_1487 = arith.xori %or3A_1486, %ne3A_14 : vector<16x2048xi1>
    %xor3A_1488 = arith.xori %xor3A_1487, %ne3A_32 : vector<16x2048xi1>
    %select_n3A_1489 = arith.select %xor3A_1488, %select_n3A_1474, %select_n3A_1443 : vector<16x2048xi1>, vector<16x2048xf32>
    %select_n3A_1490 = arith.select %xor3A_1488, %select_n3A_1481, %select_n3A_1444 : vector<16x2048xi1>, vector<16x2048xi32>
    %slice3A_1491 = vector.extract_strided_slice %select_n3A_1466 {offsets = [0, 2047], sizes = [16, 1], strides = [1, 1]} : vector<16x2048xf32> to vector<16x1xf32>
    %slice3A_1492 = vector.extract_strided_slice %select_n3A_1466 {offsets = [0, 0], sizes = [16, 2047], strides = [1, 1]} : vector<16x2048xf32> to vector<16x2047xf32>
    %concatenate3A_1493 = tpu.concatenate %slice3A_1491, %slice3A_1492 in 1 : vector<16x1xf32>, vector<16x2047xf32> -> vector<16x2048xf32>
    %slice3A_1494 = vector.extract_strided_slice %select_n3A_1466 {offsets = [0, 1], sizes = [16, 2047], strides = [1, 1]} : vector<16x2048xf32> to vector<16x2047xf32>
    %slice3A_1495 = vector.extract_strided_slice %select_n3A_1466 {offsets = [0, 0], sizes = [16, 1], strides = [1, 1]} : vector<16x2048xf32> to vector<16x1xf32>
    %concatenate3A_1496 = tpu.concatenate %slice3A_1494, %slice3A_1495 in 1 : vector<16x2047xf32>, vector<16x1xf32> -> vector<16x2048xf32>
    %select_n3A_1497 = arith.select %ne3A_8, %concatenate3A_1493, %concatenate3A_1496 : vector<16x2048xi1>, vector<16x2048xf32>
    %slice3A_1498 = vector.extract_strided_slice %select_n3A_1467 {offsets = [0, 2047], sizes = [16, 1], strides = [1, 1]} : vector<16x2048xi32> to vector<16x1xi32>
    %slice3A_1499 = vector.extract_strided_slice %select_n3A_1467 {offsets = [0, 0], sizes = [16, 2047], strides = [1, 1]} : vector<16x2048xi32> to vector<16x2047xi32>
    %concatenate3A_1500 = tpu.concatenate %slice3A_1498, %slice3A_1499 in 1 : vector<16x1xi32>, vector<16x2047xi32> -> vector<16x2048xi32>
    %slice3A_1501 = vector.extract_strided_slice %select_n3A_1467 {offsets = [0, 1], sizes = [16, 2047], strides = [1, 1]} : vector<16x2048xi32> to vector<16x2047xi32>
    %slice3A_1502 = vector.extract_strided_slice %select_n3A_1467 {offsets = [0, 0], sizes = [16, 1], strides = [1, 1]} : vector<16x2048xi32> to vector<16x1xi32>
    %concatenate3A_1503 = tpu.concatenate %slice3A_1501, %slice3A_1502 in 1 : vector<16x2047xi32>, vector<16x1xi32> -> vector<16x2048xi32>
    %select_n3A_1504 = arith.select %ne3A_8, %concatenate3A_1500, %concatenate3A_1503 : vector<16x2048xi1>, vector<16x2048xi32>
    %gt3A_1505 = arith.cmpf ogt, %select_n3A_1466, %select_n3A_1497 : vector<16x2048xf32>
    %eq3A_1506 = arith.cmpf oeq, %select_n3A_1466, %select_n3A_1497 : vector<16x2048xf32>
    %lt3A_1507 = arith.cmpi slt, %select_n3A_1467, %select_n3A_1504 : vector<16x2048xi32>
    %and3A_1508 = arith.andi %eq3A_1506, %lt3A_1507 : vector<16x2048xi1>
    %or3A_1509 = arith.ori %gt3A_1505, %and3A_1508 : vector<16x2048xi1>
    %xor3A_1510 = arith.xori %or3A_1509, %ne3A_8 : vector<16x2048xi1>
    %xor3A_1511 = arith.xori %xor3A_1510, %ne3A_32 : vector<16x2048xi1>
    %select_n3A_1512 = arith.select %xor3A_1511, %select_n3A_1497, %select_n3A_1466 : vector<16x2048xi1>, vector<16x2048xf32>
    %select_n3A_1513 = arith.select %xor3A_1511, %select_n3A_1504, %select_n3A_1467 : vector<16x2048xi1>, vector<16x2048xi32>
    %slice3A_1514 = vector.extract_strided_slice %select_n3A_1489 {offsets = [0, 2047], sizes = [16, 1], strides = [1, 1]} : vector<16x2048xf32> to vector<16x1xf32>
    %slice3A_1515 = vector.extract_strided_slice %select_n3A_1489 {offsets = [0, 0], sizes = [16, 2047], strides = [1, 1]} : vector<16x2048xf32> to vector<16x2047xf32>
    %concatenate3A_1516 = tpu.concatenate %slice3A_1514, %slice3A_1515 in 1 : vector<16x1xf32>, vector<16x2047xf32> -> vector<16x2048xf32>
    %slice3A_1517 = vector.extract_strided_slice %select_n3A_1489 {offsets = [0, 1], sizes = [16, 2047], strides = [1, 1]} : vector<16x2048xf32> to vector<16x2047xf32>
    %slice3A_1518 = vector.extract_strided_slice %select_n3A_1489 {offsets = [0, 0], sizes = [16, 1], strides = [1, 1]} : vector<16x2048xf32> to vector<16x1xf32>
    %concatenate3A_1519 = tpu.concatenate %slice3A_1517, %slice3A_1518 in 1 : vector<16x2047xf32>, vector<16x1xf32> -> vector<16x2048xf32>
    %select_n3A_1520 = arith.select %ne3A_8, %concatenate3A_1516, %concatenate3A_1519 : vector<16x2048xi1>, vector<16x2048xf32>
    %slice3A_1521 = vector.extract_strided_slice %select_n3A_1490 {offsets = [0, 2047], sizes = [16, 1], strides = [1, 1]} : vector<16x2048xi32> to vector<16x1xi32>
    %slice3A_1522 = vector.extract_strided_slice %select_n3A_1490 {offsets = [0, 0], sizes = [16, 2047], strides = [1, 1]} : vector<16x2048xi32> to vector<16x2047xi32>
    %concatenate3A_1523 = tpu.concatenate %slice3A_1521, %slice3A_1522 in 1 : vector<16x1xi32>, vector<16x2047xi32> -> vector<16x2048xi32>
    %slice3A_1524 = vector.extract_strided_slice %select_n3A_1490 {offsets = [0, 1], sizes = [16, 2047], strides = [1, 1]} : vector<16x2048xi32> to vector<16x2047xi32>
    %slice3A_1525 = vector.extract_strided_slice %select_n3A_1490 {offsets = [0, 0], sizes = [16, 1], strides = [1, 1]} : vector<16x2048xi32> to vector<16x1xi32>
    %concatenate3A_1526 = tpu.concatenate %slice3A_1524, %slice3A_1525 in 1 : vector<16x2047xi32>, vector<16x1xi32> -> vector<16x2048xi32>
    %select_n3A_1527 = arith.select %ne3A_8, %concatenate3A_1523, %concatenate3A_1526 : vector<16x2048xi1>, vector<16x2048xi32>
    %gt3A_1528 = arith.cmpf ogt, %select_n3A_1489, %select_n3A_1520 : vector<16x2048xf32>
    %eq3A_1529 = arith.cmpf oeq, %select_n3A_1489, %select_n3A_1520 : vector<16x2048xf32>
    %lt3A_1530 = arith.cmpi slt, %select_n3A_1490, %select_n3A_1527 : vector<16x2048xi32>
    %and3A_1531 = arith.andi %eq3A_1529, %lt3A_1530 : vector<16x2048xi1>
    %or3A_1532 = arith.ori %gt3A_1528, %and3A_1531 : vector<16x2048xi1>
    %xor3A_1533 = arith.xori %or3A_1532, %ne3A_8 : vector<16x2048xi1>
    %xor3A_1534 = arith.xori %xor3A_1533, %ne3A_32 : vector<16x2048xi1>
    %select_n3A_1535 = arith.select %xor3A_1534, %select_n3A_1520, %select_n3A_1489 : vector<16x2048xi1>, vector<16x2048xf32>
    %select_n3A_1536 = arith.select %xor3A_1534, %select_n3A_1527, %select_n3A_1490 : vector<16x2048xi1>, vector<16x2048xi32>
    %slice3A_1537 = vector.extract_strided_slice %select_n3A_1512 {offsets = [0, 1024], sizes = [16, 1024], strides = [1, 1]} : vector<16x2048xf32> to vector<16x1024xf32>
    %slice3A_1538 = vector.extract_strided_slice %select_n3A_1512 {offsets = [0, 0], sizes = [16, 1024], strides = [1, 1]} : vector<16x2048xf32> to vector<16x1024xf32>
    %concatenate3A_1539 = tpu.concatenate %slice3A_1537, %slice3A_1538 in 1 : vector<16x1024xf32>, vector<16x1024xf32> -> vector<16x2048xf32>
    %slice3A_1540 = vector.extract_strided_slice %select_n3A_1512 {offsets = [0, 1024], sizes = [16, 1024], strides = [1, 1]} : vector<16x2048xf32> to vector<16x1024xf32>
    %slice3A_1541 = vector.extract_strided_slice %select_n3A_1512 {offsets = [0, 0], sizes = [16, 1024], strides = [1, 1]} : vector<16x2048xf32> to vector<16x1024xf32>
    %concatenate3A_1542 = tpu.concatenate %slice3A_1540, %slice3A_1541 in 1 : vector<16x1024xf32>, vector<16x1024xf32> -> vector<16x2048xf32>
    %select_n3A_1543 = arith.select %ne3A_68, %concatenate3A_1539, %concatenate3A_1542 : vector<16x2048xi1>, vector<16x2048xf32>
    %slice3A_1544 = vector.extract_strided_slice %select_n3A_1513 {offsets = [0, 1024], sizes = [16, 1024], strides = [1, 1]} : vector<16x2048xi32> to vector<16x1024xi32>
    %slice3A_1545 = vector.extract_strided_slice %select_n3A_1513 {offsets = [0, 0], sizes = [16, 1024], strides = [1, 1]} : vector<16x2048xi32> to vector<16x1024xi32>
    %concatenate3A_1546 = tpu.concatenate %slice3A_1544, %slice3A_1545 in 1 : vector<16x1024xi32>, vector<16x1024xi32> -> vector<16x2048xi32>
    %slice3A_1547 = vector.extract_strided_slice %select_n3A_1513 {offsets = [0, 1024], sizes = [16, 1024], strides = [1, 1]} : vector<16x2048xi32> to vector<16x1024xi32>
    %slice3A_1548 = vector.extract_strided_slice %select_n3A_1513 {offsets = [0, 0], sizes = [16, 1024], strides = [1, 1]} : vector<16x2048xi32> to vector<16x1024xi32>
    %concatenate3A_1549 = tpu.concatenate %slice3A_1547, %slice3A_1548 in 1 : vector<16x1024xi32>, vector<16x1024xi32> -> vector<16x2048xi32>
    %select_n3A_1550 = arith.select %ne3A_68, %concatenate3A_1546, %concatenate3A_1549 : vector<16x2048xi1>, vector<16x2048xi32>
    %gt3A_1551 = arith.cmpf ogt, %select_n3A_1512, %select_n3A_1543 : vector<16x2048xf32>
    %eq3A_1552 = arith.cmpf oeq, %select_n3A_1512, %select_n3A_1543 : vector<16x2048xf32>
    %lt3A_1553 = arith.cmpi slt, %select_n3A_1513, %select_n3A_1550 : vector<16x2048xi32>
    %and3A_1554 = arith.andi %eq3A_1552, %lt3A_1553 : vector<16x2048xi1>
    %or3A_1555 = arith.ori %gt3A_1551, %and3A_1554 : vector<16x2048xi1>
    %xor3A_1556 = arith.xori %or3A_1555, %ne3A_68 : vector<16x2048xi1>
    %xor3A_1557 = arith.xori %xor3A_1556, %ne3A_32 : vector<16x2048xi1>
    %select_n3A_1558 = arith.select %xor3A_1557, %select_n3A_1543, %select_n3A_1512 : vector<16x2048xi1>, vector<16x2048xf32>
    %select_n3A_1559 = arith.select %xor3A_1557, %select_n3A_1550, %select_n3A_1513 : vector<16x2048xi1>, vector<16x2048xi32>
    %slice3A_1560 = vector.extract_strided_slice %select_n3A_1535 {offsets = [0, 1024], sizes = [16, 1024], strides = [1, 1]} : vector<16x2048xf32> to vector<16x1024xf32>
    %slice3A_1561 = vector.extract_strided_slice %select_n3A_1535 {offsets = [0, 0], sizes = [16, 1024], strides = [1, 1]} : vector<16x2048xf32> to vector<16x1024xf32>
    %concatenate3A_1562 = tpu.concatenate %slice3A_1560, %slice3A_1561 in 1 : vector<16x1024xf32>, vector<16x1024xf32> -> vector<16x2048xf32>
    %slice3A_1563 = vector.extract_strided_slice %select_n3A_1535 {offsets = [0, 1024], sizes = [16, 1024], strides = [1, 1]} : vector<16x2048xf32> to vector<16x1024xf32>
    %slice3A_1564 = vector.extract_strided_slice %select_n3A_1535 {offsets = [0, 0], sizes = [16, 1024], strides = [1, 1]} : vector<16x2048xf32> to vector<16x1024xf32>
    %concatenate3A_1565 = tpu.concatenate %slice3A_1563, %slice3A_1564 in 1 : vector<16x1024xf32>, vector<16x1024xf32> -> vector<16x2048xf32>
    %select_n3A_1566 = arith.select %ne3A_68, %concatenate3A_1562, %concatenate3A_1565 : vector<16x2048xi1>, vector<16x2048xf32>
    %slice3A_1567 = vector.extract_strided_slice %select_n3A_1536 {offsets = [0, 1024], sizes = [16, 1024], strides = [1, 1]} : vector<16x2048xi32> to vector<16x1024xi32>
    %slice3A_1568 = vector.extract_strided_slice %select_n3A_1536 {offsets = [0, 0], sizes = [16, 1024], strides = [1, 1]} : vector<16x2048xi32> to vector<16x1024xi32>
    %concatenate3A_1569 = tpu.concatenate %slice3A_1567, %slice3A_1568 in 1 : vector<16x1024xi32>, vector<16x1024xi32> -> vector<16x2048xi32>
    %slice3A_1570 = vector.extract_strided_slice %select_n3A_1536 {offsets = [0, 1024], sizes = [16, 1024], strides = [1, 1]} : vector<16x2048xi32> to vector<16x1024xi32>
    %slice3A_1571 = vector.extract_strided_slice %select_n3A_1536 {offsets = [0, 0], sizes = [16, 1024], strides = [1, 1]} : vector<16x2048xi32> to vector<16x1024xi32>
    %concatenate3A_1572 = tpu.concatenate %slice3A_1570, %slice3A_1571 in 1 : vector<16x1024xi32>, vector<16x1024xi32> -> vector<16x2048xi32>
    %select_n3A_1573 = arith.select %ne3A_68, %concatenate3A_1569, %concatenate3A_1572 : vector<16x2048xi1>, vector<16x2048xi32>
    %gt3A_1574 = arith.cmpf ogt, %select_n3A_1535, %select_n3A_1566 : vector<16x2048xf32>
    %eq3A_1575 = arith.cmpf oeq, %select_n3A_1535, %select_n3A_1566 : vector<16x2048xf32>
    %lt3A_1576 = arith.cmpi slt, %select_n3A_1536, %select_n3A_1573 : vector<16x2048xi32>
    %and3A_1577 = arith.andi %eq3A_1575, %lt3A_1576 : vector<16x2048xi1>
    %or3A_1578 = arith.ori %gt3A_1574, %and3A_1577 : vector<16x2048xi1>
    %xor3A_1579 = arith.xori %or3A_1578, %ne3A_68 : vector<16x2048xi1>
    %xor3A_1580 = arith.xori %xor3A_1579, %ne3A_32 : vector<16x2048xi1>
    %select_n3A_1581 = arith.select %xor3A_1580, %select_n3A_1566, %select_n3A_1535 : vector<16x2048xi1>, vector<16x2048xf32>
    %select_n3A_1582 = arith.select %xor3A_1580, %select_n3A_1573, %select_n3A_1536 : vector<16x2048xi1>, vector<16x2048xi32>
    %slice3A_1583 = vector.extract_strided_slice %select_n3A_1558 {offsets = [0, 1536], sizes = [16, 512], strides = [1, 1]} : vector<16x2048xf32> to vector<16x512xf32>
    %slice3A_1584 = vector.extract_strided_slice %select_n3A_1558 {offsets = [0, 0], sizes = [16, 1536], strides = [1, 1]} : vector<16x2048xf32> to vector<16x1536xf32>
    %concatenate3A_1585 = tpu.concatenate %slice3A_1583, %slice3A_1584 in 1 : vector<16x512xf32>, vector<16x1536xf32> -> vector<16x2048xf32>
    %slice3A_1586 = vector.extract_strided_slice %select_n3A_1558 {offsets = [0, 512], sizes = [16, 1536], strides = [1, 1]} : vector<16x2048xf32> to vector<16x1536xf32>
    %slice3A_1587 = vector.extract_strided_slice %select_n3A_1558 {offsets = [0, 0], sizes = [16, 512], strides = [1, 1]} : vector<16x2048xf32> to vector<16x512xf32>
    %concatenate3A_1588 = tpu.concatenate %slice3A_1586, %slice3A_1587 in 1 : vector<16x1536xf32>, vector<16x512xf32> -> vector<16x2048xf32>
    %select_n3A_1589 = arith.select %ne3A_62, %concatenate3A_1585, %concatenate3A_1588 : vector<16x2048xi1>, vector<16x2048xf32>
    %slice3A_1590 = vector.extract_strided_slice %select_n3A_1559 {offsets = [0, 1536], sizes = [16, 512], strides = [1, 1]} : vector<16x2048xi32> to vector<16x512xi32>
    %slice3A_1591 = vector.extract_strided_slice %select_n3A_1559 {offsets = [0, 0], sizes = [16, 1536], strides = [1, 1]} : vector<16x2048xi32> to vector<16x1536xi32>
    %concatenate3A_1592 = tpu.concatenate %slice3A_1590, %slice3A_1591 in 1 : vector<16x512xi32>, vector<16x1536xi32> -> vector<16x2048xi32>
    %slice3A_1593 = vector.extract_strided_slice %select_n3A_1559 {offsets = [0, 512], sizes = [16, 1536], strides = [1, 1]} : vector<16x2048xi32> to vector<16x1536xi32>
    %slice3A_1594 = vector.extract_strided_slice %select_n3A_1559 {offsets = [0, 0], sizes = [16, 512], strides = [1, 1]} : vector<16x2048xi32> to vector<16x512xi32>
    %concatenate3A_1595 = tpu.concatenate %slice3A_1593, %slice3A_1594 in 1 : vector<16x1536xi32>, vector<16x512xi32> -> vector<16x2048xi32>
    %select_n3A_1596 = arith.select %ne3A_62, %concatenate3A_1592, %concatenate3A_1595 : vector<16x2048xi1>, vector<16x2048xi32>
    %gt3A_1597 = arith.cmpf ogt, %select_n3A_1558, %select_n3A_1589 : vector<16x2048xf32>
    %eq3A_1598 = arith.cmpf oeq, %select_n3A_1558, %select_n3A_1589 : vector<16x2048xf32>
    %lt3A_1599 = arith.cmpi slt, %select_n3A_1559, %select_n3A_1596 : vector<16x2048xi32>
    %and3A_1600 = arith.andi %eq3A_1598, %lt3A_1599 : vector<16x2048xi1>
    %or3A_1601 = arith.ori %gt3A_1597, %and3A_1600 : vector<16x2048xi1>
    %xor3A_1602 = arith.xori %or3A_1601, %ne3A_62 : vector<16x2048xi1>
    %xor3A_1603 = arith.xori %xor3A_1602, %ne3A_32 : vector<16x2048xi1>
    %select_n3A_1604 = arith.select %xor3A_1603, %select_n3A_1589, %select_n3A_1558 : vector<16x2048xi1>, vector<16x2048xf32>
    %select_n3A_1605 = arith.select %xor3A_1603, %select_n3A_1596, %select_n3A_1559 : vector<16x2048xi1>, vector<16x2048xi32>
    %slice3A_1606 = vector.extract_strided_slice %select_n3A_1581 {offsets = [0, 1536], sizes = [16, 512], strides = [1, 1]} : vector<16x2048xf32> to vector<16x512xf32>
    %slice3A_1607 = vector.extract_strided_slice %select_n3A_1581 {offsets = [0, 0], sizes = [16, 1536], strides = [1, 1]} : vector<16x2048xf32> to vector<16x1536xf32>
    %concatenate3A_1608 = tpu.concatenate %slice3A_1606, %slice3A_1607 in 1 : vector<16x512xf32>, vector<16x1536xf32> -> vector<16x2048xf32>
    %slice3A_1609 = vector.extract_strided_slice %select_n3A_1581 {offsets = [0, 512], sizes = [16, 1536], strides = [1, 1]} : vector<16x2048xf32> to vector<16x1536xf32>
    %slice3A_1610 = vector.extract_strided_slice %select_n3A_1581 {offsets = [0, 0], sizes = [16, 512], strides = [1, 1]} : vector<16x2048xf32> to vector<16x512xf32>
    %concatenate3A_1611 = tpu.concatenate %slice3A_1609, %slice3A_1610 in 1 : vector<16x1536xf32>, vector<16x512xf32> -> vector<16x2048xf32>
    %select_n3A_1612 = arith.select %ne3A_62, %concatenate3A_1608, %concatenate3A_1611 : vector<16x2048xi1>, vector<16x2048xf32>
    %slice3A_1613 = vector.extract_strided_slice %select_n3A_1582 {offsets = [0, 1536], sizes = [16, 512], strides = [1, 1]} : vector<16x2048xi32> to vector<16x512xi32>
    %slice3A_1614 = vector.extract_strided_slice %select_n3A_1582 {offsets = [0, 0], sizes = [16, 1536], strides = [1, 1]} : vector<16x2048xi32> to vector<16x1536xi32>
    %concatenate3A_1615 = tpu.concatenate %slice3A_1613, %slice3A_1614 in 1 : vector<16x512xi32>, vector<16x1536xi32> -> vector<16x2048xi32>
    %slice3A_1616 = vector.extract_strided_slice %select_n3A_1582 {offsets = [0, 512], sizes = [16, 1536], strides = [1, 1]} : vector<16x2048xi32> to vector<16x1536xi32>
    %slice3A_1617 = vector.extract_strided_slice %select_n3A_1582 {offsets = [0, 0], sizes = [16, 512], strides = [1, 1]} : vector<16x2048xi32> to vector<16x512xi32>
    %concatenate3A_1618 = tpu.concatenate %slice3A_1616, %slice3A_1617 in 1 : vector<16x1536xi32>, vector<16x512xi32> -> vector<16x2048xi32>
    %select_n3A_1619 = arith.select %ne3A_62, %concatenate3A_1615, %concatenate3A_1618 : vector<16x2048xi1>, vector<16x2048xi32>
    %gt3A_1620 = arith.cmpf ogt, %select_n3A_1581, %select_n3A_1612 : vector<16x2048xf32>
    %eq3A_1621 = arith.cmpf oeq, %select_n3A_1581, %select_n3A_1612 : vector<16x2048xf32>
    %lt3A_1622 = arith.cmpi slt, %select_n3A_1582, %select_n3A_1619 : vector<16x2048xi32>
    %and3A_1623 = arith.andi %eq3A_1621, %lt3A_1622 : vector<16x2048xi1>
    %or3A_1624 = arith.ori %gt3A_1620, %and3A_1623 : vector<16x2048xi1>
    %xor3A_1625 = arith.xori %or3A_1624, %ne3A_62 : vector<16x2048xi1>
    %xor3A_1626 = arith.xori %xor3A_1625, %ne3A_32 : vector<16x2048xi1>
    %select_n3A_1627 = arith.select %xor3A_1626, %select_n3A_1612, %select_n3A_1581 : vector<16x2048xi1>, vector<16x2048xf32>
    %select_n3A_1628 = arith.select %xor3A_1626, %select_n3A_1619, %select_n3A_1582 : vector<16x2048xi1>, vector<16x2048xi32>
    %slice3A_1629 = vector.extract_strided_slice %select_n3A_1604 {offsets = [0, 1792], sizes = [16, 256], strides = [1, 1]} : vector<16x2048xf32> to vector<16x256xf32>
    %slice3A_1630 = vector.extract_strided_slice %select_n3A_1604 {offsets = [0, 0], sizes = [16, 1792], strides = [1, 1]} : vector<16x2048xf32> to vector<16x1792xf32>
    %concatenate3A_1631 = tpu.concatenate %slice3A_1629, %slice3A_1630 in 1 : vector<16x256xf32>, vector<16x1792xf32> -> vector<16x2048xf32>
    %slice3A_1632 = vector.extract_strided_slice %select_n3A_1604 {offsets = [0, 256], sizes = [16, 1792], strides = [1, 1]} : vector<16x2048xf32> to vector<16x1792xf32>
    %slice3A_1633 = vector.extract_strided_slice %select_n3A_1604 {offsets = [0, 0], sizes = [16, 256], strides = [1, 1]} : vector<16x2048xf32> to vector<16x256xf32>
    %concatenate3A_1634 = tpu.concatenate %slice3A_1632, %slice3A_1633 in 1 : vector<16x1792xf32>, vector<16x256xf32> -> vector<16x2048xf32>
    %select_n3A_1635 = arith.select %ne3A_56, %concatenate3A_1631, %concatenate3A_1634 : vector<16x2048xi1>, vector<16x2048xf32>
    %slice3A_1636 = vector.extract_strided_slice %select_n3A_1605 {offsets = [0, 1792], sizes = [16, 256], strides = [1, 1]} : vector<16x2048xi32> to vector<16x256xi32>
    %slice3A_1637 = vector.extract_strided_slice %select_n3A_1605 {offsets = [0, 0], sizes = [16, 1792], strides = [1, 1]} : vector<16x2048xi32> to vector<16x1792xi32>
    %concatenate3A_1638 = tpu.concatenate %slice3A_1636, %slice3A_1637 in 1 : vector<16x256xi32>, vector<16x1792xi32> -> vector<16x2048xi32>
    %slice3A_1639 = vector.extract_strided_slice %select_n3A_1605 {offsets = [0, 256], sizes = [16, 1792], strides = [1, 1]} : vector<16x2048xi32> to vector<16x1792xi32>
    %slice3A_1640 = vector.extract_strided_slice %select_n3A_1605 {offsets = [0, 0], sizes = [16, 256], strides = [1, 1]} : vector<16x2048xi32> to vector<16x256xi32>
    %concatenate3A_1641 = tpu.concatenate %slice3A_1639, %slice3A_1640 in 1 : vector<16x1792xi32>, vector<16x256xi32> -> vector<16x2048xi32>
    %select_n3A_1642 = arith.select %ne3A_56, %concatenate3A_1638, %concatenate3A_1641 : vector<16x2048xi1>, vector<16x2048xi32>
    %gt3A_1643 = arith.cmpf ogt, %select_n3A_1604, %select_n3A_1635 : vector<16x2048xf32>
    %eq3A_1644 = arith.cmpf oeq, %select_n3A_1604, %select_n3A_1635 : vector<16x2048xf32>
    %lt3A_1645 = arith.cmpi slt, %select_n3A_1605, %select_n3A_1642 : vector<16x2048xi32>
    %and3A_1646 = arith.andi %eq3A_1644, %lt3A_1645 : vector<16x2048xi1>
    %or3A_1647 = arith.ori %gt3A_1643, %and3A_1646 : vector<16x2048xi1>
    %xor3A_1648 = arith.xori %or3A_1647, %ne3A_56 : vector<16x2048xi1>
    %xor3A_1649 = arith.xori %xor3A_1648, %ne3A_32 : vector<16x2048xi1>
    %select_n3A_1650 = arith.select %xor3A_1649, %select_n3A_1635, %select_n3A_1604 : vector<16x2048xi1>, vector<16x2048xf32>
    %select_n3A_1651 = arith.select %xor3A_1649, %select_n3A_1642, %select_n3A_1605 : vector<16x2048xi1>, vector<16x2048xi32>
    %slice3A_1652 = vector.extract_strided_slice %select_n3A_1627 {offsets = [0, 1792], sizes = [16, 256], strides = [1, 1]} : vector<16x2048xf32> to vector<16x256xf32>
    %slice3A_1653 = vector.extract_strided_slice %select_n3A_1627 {offsets = [0, 0], sizes = [16, 1792], strides = [1, 1]} : vector<16x2048xf32> to vector<16x1792xf32>
    %concatenate3A_1654 = tpu.concatenate %slice3A_1652, %slice3A_1653 in 1 : vector<16x256xf32>, vector<16x1792xf32> -> vector<16x2048xf32>
    %slice3A_1655 = vector.extract_strided_slice %select_n3A_1627 {offsets = [0, 256], sizes = [16, 1792], strides = [1, 1]} : vector<16x2048xf32> to vector<16x1792xf32>
    %slice3A_1656 = vector.extract_strided_slice %select_n3A_1627 {offsets = [0, 0], sizes = [16, 256], strides = [1, 1]} : vector<16x2048xf32> to vector<16x256xf32>
    %concatenate3A_1657 = tpu.concatenate %slice3A_1655, %slice3A_1656 in 1 : vector<16x1792xf32>, vector<16x256xf32> -> vector<16x2048xf32>
    %select_n3A_1658 = arith.select %ne3A_56, %concatenate3A_1654, %concatenate3A_1657 : vector<16x2048xi1>, vector<16x2048xf32>
    %slice3A_1659 = vector.extract_strided_slice %select_n3A_1628 {offsets = [0, 1792], sizes = [16, 256], strides = [1, 1]} : vector<16x2048xi32> to vector<16x256xi32>
    %slice3A_1660 = vector.extract_strided_slice %select_n3A_1628 {offsets = [0, 0], sizes = [16, 1792], strides = [1, 1]} : vector<16x2048xi32> to vector<16x1792xi32>
    %concatenate3A_1661 = tpu.concatenate %slice3A_1659, %slice3A_1660 in 1 : vector<16x256xi32>, vector<16x1792xi32> -> vector<16x2048xi32>
    %slice3A_1662 = vector.extract_strided_slice %select_n3A_1628 {offsets = [0, 256], sizes = [16, 1792], strides = [1, 1]} : vector<16x2048xi32> to vector<16x1792xi32>
    %slice3A_1663 = vector.extract_strided_slice %select_n3A_1628 {offsets = [0, 0], sizes = [16, 256], strides = [1, 1]} : vector<16x2048xi32> to vector<16x256xi32>
    %concatenate3A_1664 = tpu.concatenate %slice3A_1662, %slice3A_1663 in 1 : vector<16x1792xi32>, vector<16x256xi32> -> vector<16x2048xi32>
    %select_n3A_1665 = arith.select %ne3A_56, %concatenate3A_1661, %concatenate3A_1664 : vector<16x2048xi1>, vector<16x2048xi32>
    %gt3A_1666 = arith.cmpf ogt, %select_n3A_1627, %select_n3A_1658 : vector<16x2048xf32>
    %eq3A_1667 = arith.cmpf oeq, %select_n3A_1627, %select_n3A_1658 : vector<16x2048xf32>
    %lt3A_1668 = arith.cmpi slt, %select_n3A_1628, %select_n3A_1665 : vector<16x2048xi32>
    %and3A_1669 = arith.andi %eq3A_1667, %lt3A_1668 : vector<16x2048xi1>
    %or3A_1670 = arith.ori %gt3A_1666, %and3A_1669 : vector<16x2048xi1>
    %xor3A_1671 = arith.xori %or3A_1670, %ne3A_56 : vector<16x2048xi1>
    %xor3A_1672 = arith.xori %xor3A_1671, %ne3A_32 : vector<16x2048xi1>
    %select_n3A_1673 = arith.select %xor3A_1672, %select_n3A_1658, %select_n3A_1627 : vector<16x2048xi1>, vector<16x2048xf32>
    %select_n3A_1674 = arith.select %xor3A_1672, %select_n3A_1665, %select_n3A_1628 : vector<16x2048xi1>, vector<16x2048xi32>
    %slice3A_1675 = vector.extract_strided_slice %select_n3A_1650 {offsets = [0, 1920], sizes = [16, 128], strides = [1, 1]} : vector<16x2048xf32> to vector<16x128xf32>
    %slice3A_1676 = vector.extract_strided_slice %select_n3A_1650 {offsets = [0, 0], sizes = [16, 1920], strides = [1, 1]} : vector<16x2048xf32> to vector<16x1920xf32>
    %concatenate3A_1677 = tpu.concatenate %slice3A_1675, %slice3A_1676 in 1 : vector<16x128xf32>, vector<16x1920xf32> -> vector<16x2048xf32>
    %slice3A_1678 = vector.extract_strided_slice %select_n3A_1650 {offsets = [0, 128], sizes = [16, 1920], strides = [1, 1]} : vector<16x2048xf32> to vector<16x1920xf32>
    %slice3A_1679 = vector.extract_strided_slice %select_n3A_1650 {offsets = [0, 0], sizes = [16, 128], strides = [1, 1]} : vector<16x2048xf32> to vector<16x128xf32>
    %concatenate3A_1680 = tpu.concatenate %slice3A_1678, %slice3A_1679 in 1 : vector<16x1920xf32>, vector<16x128xf32> -> vector<16x2048xf32>
    %select_n3A_1681 = arith.select %ne3A_50, %concatenate3A_1677, %concatenate3A_1680 : vector<16x2048xi1>, vector<16x2048xf32>
    %slice3A_1682 = vector.extract_strided_slice %select_n3A_1651 {offsets = [0, 1920], sizes = [16, 128], strides = [1, 1]} : vector<16x2048xi32> to vector<16x128xi32>
    %slice3A_1683 = vector.extract_strided_slice %select_n3A_1651 {offsets = [0, 0], sizes = [16, 1920], strides = [1, 1]} : vector<16x2048xi32> to vector<16x1920xi32>
    %concatenate3A_1684 = tpu.concatenate %slice3A_1682, %slice3A_1683 in 1 : vector<16x128xi32>, vector<16x1920xi32> -> vector<16x2048xi32>
    %slice3A_1685 = vector.extract_strided_slice %select_n3A_1651 {offsets = [0, 128], sizes = [16, 1920], strides = [1, 1]} : vector<16x2048xi32> to vector<16x1920xi32>
    %slice3A_1686 = vector.extract_strided_slice %select_n3A_1651 {offsets = [0, 0], sizes = [16, 128], strides = [1, 1]} : vector<16x2048xi32> to vector<16x128xi32>
    %concatenate3A_1687 = tpu.concatenate %slice3A_1685, %slice3A_1686 in 1 : vector<16x1920xi32>, vector<16x128xi32> -> vector<16x2048xi32>
    %select_n3A_1688 = arith.select %ne3A_50, %concatenate3A_1684, %concatenate3A_1687 : vector<16x2048xi1>, vector<16x2048xi32>
    %gt3A_1689 = arith.cmpf ogt, %select_n3A_1650, %select_n3A_1681 : vector<16x2048xf32>
    %eq3A_1690 = arith.cmpf oeq, %select_n3A_1650, %select_n3A_1681 : vector<16x2048xf32>
    %lt3A_1691 = arith.cmpi slt, %select_n3A_1651, %select_n3A_1688 : vector<16x2048xi32>
    %and3A_1692 = arith.andi %eq3A_1690, %lt3A_1691 : vector<16x2048xi1>
    %or3A_1693 = arith.ori %gt3A_1689, %and3A_1692 : vector<16x2048xi1>
    %xor3A_1694 = arith.xori %or3A_1693, %ne3A_50 : vector<16x2048xi1>
    %xor3A_1695 = arith.xori %xor3A_1694, %ne3A_32 : vector<16x2048xi1>
    %select_n3A_1696 = arith.select %xor3A_1695, %select_n3A_1681, %select_n3A_1650 : vector<16x2048xi1>, vector<16x2048xf32>
    %select_n3A_1697 = arith.select %xor3A_1695, %select_n3A_1688, %select_n3A_1651 : vector<16x2048xi1>, vector<16x2048xi32>
    %slice3A_1698 = vector.extract_strided_slice %select_n3A_1673 {offsets = [0, 1920], sizes = [16, 128], strides = [1, 1]} : vector<16x2048xf32> to vector<16x128xf32>
    %slice3A_1699 = vector.extract_strided_slice %select_n3A_1673 {offsets = [0, 0], sizes = [16, 1920], strides = [1, 1]} : vector<16x2048xf32> to vector<16x1920xf32>
    %concatenate3A_1700 = tpu.concatenate %slice3A_1698, %slice3A_1699 in 1 : vector<16x128xf32>, vector<16x1920xf32> -> vector<16x2048xf32>
    %slice3A_1701 = vector.extract_strided_slice %select_n3A_1673 {offsets = [0, 128], sizes = [16, 1920], strides = [1, 1]} : vector<16x2048xf32> to vector<16x1920xf32>
    %slice3A_1702 = vector.extract_strided_slice %select_n3A_1673 {offsets = [0, 0], sizes = [16, 128], strides = [1, 1]} : vector<16x2048xf32> to vector<16x128xf32>
    %concatenate3A_1703 = tpu.concatenate %slice3A_1701, %slice3A_1702 in 1 : vector<16x1920xf32>, vector<16x128xf32> -> vector<16x2048xf32>
    %select_n3A_1704 = arith.select %ne3A_50, %concatenate3A_1700, %concatenate3A_1703 : vector<16x2048xi1>, vector<16x2048xf32>
    %slice3A_1705 = vector.extract_strided_slice %select_n3A_1674 {offsets = [0, 1920], sizes = [16, 128], strides = [1, 1]} : vector<16x2048xi32> to vector<16x128xi32>
    %slice3A_1706 = vector.extract_strided_slice %select_n3A_1674 {offsets = [0, 0], sizes = [16, 1920], strides = [1, 1]} : vector<16x2048xi32> to vector<16x1920xi32>
    %concatenate3A_1707 = tpu.concatenate %slice3A_1705, %slice3A_1706 in 1 : vector<16x128xi32>, vector<16x1920xi32> -> vector<16x2048xi32>
    %slice3A_1708 = vector.extract_strided_slice %select_n3A_1674 {offsets = [0, 128], sizes = [16, 1920], strides = [1, 1]} : vector<16x2048xi32> to vector<16x1920xi32>
    %slice3A_1709 = vector.extract_strided_slice %select_n3A_1674 {offsets = [0, 0], sizes = [16, 128], strides = [1, 1]} : vector<16x2048xi32> to vector<16x128xi32>
    %concatenate3A_1710 = tpu.concatenate %slice3A_1708, %slice3A_1709 in 1 : vector<16x1920xi32>, vector<16x128xi32> -> vector<16x2048xi32>
    %select_n3A_1711 = arith.select %ne3A_50, %concatenate3A_1707, %concatenate3A_1710 : vector<16x2048xi1>, vector<16x2048xi32>
    %gt3A_1712 = arith.cmpf ogt, %select_n3A_1673, %select_n3A_1704 : vector<16x2048xf32>
    %eq3A_1713 = arith.cmpf oeq, %select_n3A_1673, %select_n3A_1704 : vector<16x2048xf32>
    %lt3A_1714 = arith.cmpi slt, %select_n3A_1674, %select_n3A_1711 : vector<16x2048xi32>
    %and3A_1715 = arith.andi %eq3A_1713, %lt3A_1714 : vector<16x2048xi1>
    %or3A_1716 = arith.ori %gt3A_1712, %and3A_1715 : vector<16x2048xi1>
    %xor3A_1717 = arith.xori %or3A_1716, %ne3A_50 : vector<16x2048xi1>
    %xor3A_1718 = arith.xori %xor3A_1717, %ne3A_32 : vector<16x2048xi1>
    %select_n3A_1719 = arith.select %xor3A_1718, %select_n3A_1704, %select_n3A_1673 : vector<16x2048xi1>, vector<16x2048xf32>
    %select_n3A_1720 = arith.select %xor3A_1718, %select_n3A_1711, %select_n3A_1674 : vector<16x2048xi1>, vector<16x2048xi32>
    %slice3A_1721 = vector.extract_strided_slice %select_n3A_1696 {offsets = [0, 2032], sizes = [16, 16], strides = [1, 1]} : vector<16x2048xf32> to vector<16x16xf32>
    %slice3A_1722 = vector.extract_strided_slice %select_n3A_1696 {offsets = [0, 0], sizes = [16, 2032], strides = [1, 1]} : vector<16x2048xf32> to vector<16x2032xf32>
    %concatenate3A_1723 = tpu.concatenate %slice3A_1721, %slice3A_1722 in 1 : vector<16x16xf32>, vector<16x2032xf32> -> vector<16x2048xf32>
    %slice3A_1724 = vector.extract_strided_slice %select_n3A_1696 {offsets = [0, 16], sizes = [16, 2032], strides = [1, 1]} : vector<16x2048xf32> to vector<16x2032xf32>
    %slice3A_1725 = vector.extract_strided_slice %select_n3A_1696 {offsets = [0, 0], sizes = [16, 16], strides = [1, 1]} : vector<16x2048xf32> to vector<16x16xf32>
    %concatenate3A_1726 = tpu.concatenate %slice3A_1724, %slice3A_1725 in 1 : vector<16x2032xf32>, vector<16x16xf32> -> vector<16x2048xf32>
    %select_n3A_1727 = arith.select %ne3A_32, %concatenate3A_1723, %concatenate3A_1726 : vector<16x2048xi1>, vector<16x2048xf32>
    %slice3A_1728 = vector.extract_strided_slice %select_n3A_1697 {offsets = [0, 2032], sizes = [16, 16], strides = [1, 1]} : vector<16x2048xi32> to vector<16x16xi32>
    %slice3A_1729 = vector.extract_strided_slice %select_n3A_1697 {offsets = [0, 0], sizes = [16, 2032], strides = [1, 1]} : vector<16x2048xi32> to vector<16x2032xi32>
    %concatenate3A_1730 = tpu.concatenate %slice3A_1728, %slice3A_1729 in 1 : vector<16x16xi32>, vector<16x2032xi32> -> vector<16x2048xi32>
    %slice3A_1731 = vector.extract_strided_slice %select_n3A_1697 {offsets = [0, 16], sizes = [16, 2032], strides = [1, 1]} : vector<16x2048xi32> to vector<16x2032xi32>
    %slice3A_1732 = vector.extract_strided_slice %select_n3A_1697 {offsets = [0, 0], sizes = [16, 16], strides = [1, 1]} : vector<16x2048xi32> to vector<16x16xi32>
    %concatenate3A_1733 = tpu.concatenate %slice3A_1731, %slice3A_1732 in 1 : vector<16x2032xi32>, vector<16x16xi32> -> vector<16x2048xi32>
    %select_n3A_1734 = arith.select %ne3A_32, %concatenate3A_1730, %concatenate3A_1733 : vector<16x2048xi1>, vector<16x2048xi32>
    %gt3A_1735 = arith.cmpf ogt, %select_n3A_1696, %select_n3A_1727 : vector<16x2048xf32>
    %eq3A_1736 = arith.cmpf oeq, %select_n3A_1696, %select_n3A_1727 : vector<16x2048xf32>
    %lt3A_1737 = arith.cmpi slt, %select_n3A_1697, %select_n3A_1734 : vector<16x2048xi32>
    %and3A_1738 = arith.andi %eq3A_1736, %lt3A_1737 : vector<16x2048xi1>
    %or3A_1739 = arith.ori %gt3A_1735, %and3A_1738 : vector<16x2048xi1>
    %xor3A_1740 = arith.xori %or3A_1739, %ne3A_32 : vector<16x2048xi1>
    %select_n3A_1741 = arith.select %xor3A_1740, %select_n3A_1696, %select_n3A_1727 : vector<16x2048xi1>, vector<16x2048xf32>
    %select_n3A_1742 = arith.select %xor3A_1740, %select_n3A_1697, %select_n3A_1734 : vector<16x2048xi1>, vector<16x2048xi32>
    %slice3A_1743 = vector.extract_strided_slice %select_n3A_1719 {offsets = [0, 2032], sizes = [16, 16], strides = [1, 1]} : vector<16x2048xf32> to vector<16x16xf32>
    %slice3A_1744 = vector.extract_strided_slice %select_n3A_1719 {offsets = [0, 0], sizes = [16, 2032], strides = [1, 1]} : vector<16x2048xf32> to vector<16x2032xf32>
    %concatenate3A_1745 = tpu.concatenate %slice3A_1743, %slice3A_1744 in 1 : vector<16x16xf32>, vector<16x2032xf32> -> vector<16x2048xf32>
    %slice3A_1746 = vector.extract_strided_slice %select_n3A_1719 {offsets = [0, 16], sizes = [16, 2032], strides = [1, 1]} : vector<16x2048xf32> to vector<16x2032xf32>
    %slice3A_1747 = vector.extract_strided_slice %select_n3A_1719 {offsets = [0, 0], sizes = [16, 16], strides = [1, 1]} : vector<16x2048xf32> to vector<16x16xf32>
    %concatenate3A_1748 = tpu.concatenate %slice3A_1746, %slice3A_1747 in 1 : vector<16x2032xf32>, vector<16x16xf32> -> vector<16x2048xf32>
    %select_n3A_1749 = arith.select %ne3A_32, %concatenate3A_1745, %concatenate3A_1748 : vector<16x2048xi1>, vector<16x2048xf32>
    %slice3A_1750 = vector.extract_strided_slice %select_n3A_1720 {offsets = [0, 2032], sizes = [16, 16], strides = [1, 1]} : vector<16x2048xi32> to vector<16x16xi32>
    %slice3A_1751 = vector.extract_strided_slice %select_n3A_1720 {offsets = [0, 0], sizes = [16, 2032], strides = [1, 1]} : vector<16x2048xi32> to vector<16x2032xi32>
    %concatenate3A_1752 = tpu.concatenate %slice3A_1750, %slice3A_1751 in 1 : vector<16x16xi32>, vector<16x2032xi32> -> vector<16x2048xi32>
    %slice3A_1753 = vector.extract_strided_slice %select_n3A_1720 {offsets = [0, 16], sizes = [16, 2032], strides = [1, 1]} : vector<16x2048xi32> to vector<16x2032xi32>
    %slice3A_1754 = vector.extract_strided_slice %select_n3A_1720 {offsets = [0, 0], sizes = [16, 16], strides = [1, 1]} : vector<16x2048xi32> to vector<16x16xi32>
    %concatenate3A_1755 = tpu.concatenate %slice3A_1753, %slice3A_1754 in 1 : vector<16x2032xi32>, vector<16x16xi32> -> vector<16x2048xi32>
    %select_n3A_1756 = arith.select %ne3A_32, %concatenate3A_1752, %concatenate3A_1755 : vector<16x2048xi1>, vector<16x2048xi32>
    %gt3A_1757 = arith.cmpf ogt, %select_n3A_1719, %select_n3A_1749 : vector<16x2048xf32>
    %eq3A_1758 = arith.cmpf oeq, %select_n3A_1719, %select_n3A_1749 : vector<16x2048xf32>
    %lt3A_1759 = arith.cmpi slt, %select_n3A_1720, %select_n3A_1756 : vector<16x2048xi32>
    %and3A_1760 = arith.andi %eq3A_1758, %lt3A_1759 : vector<16x2048xi1>
    %or3A_1761 = arith.ori %gt3A_1757, %and3A_1760 : vector<16x2048xi1>
    %xor3A_1762 = arith.xori %or3A_1761, %ne3A_32 : vector<16x2048xi1>
    %select_n3A_1763 = arith.select %xor3A_1762, %select_n3A_1719, %select_n3A_1749 : vector<16x2048xi1>, vector<16x2048xf32>
    %select_n3A_1764 = arith.select %xor3A_1762, %select_n3A_1720, %select_n3A_1756 : vector<16x2048xi1>, vector<16x2048xi32>
    %slice3A_1765 = vector.extract_strided_slice %select_n3A_1741 {offsets = [0, 2040], sizes = [16, 8], strides = [1, 1]} : vector<16x2048xf32> to vector<16x8xf32>
    %slice3A_1766 = vector.extract_strided_slice %select_n3A_1741 {offsets = [0, 0], sizes = [16, 2040], strides = [1, 1]} : vector<16x2048xf32> to vector<16x2040xf32>
    %concatenate3A_1767 = tpu.concatenate %slice3A_1765, %slice3A_1766 in 1 : vector<16x8xf32>, vector<16x2040xf32> -> vector<16x2048xf32>
    %slice3A_1768 = vector.extract_strided_slice %select_n3A_1741 {offsets = [0, 8], sizes = [16, 2040], strides = [1, 1]} : vector<16x2048xf32> to vector<16x2040xf32>
    %slice3A_1769 = vector.extract_strided_slice %select_n3A_1741 {offsets = [0, 0], sizes = [16, 8], strides = [1, 1]} : vector<16x2048xf32> to vector<16x8xf32>
    %concatenate3A_1770 = tpu.concatenate %slice3A_1768, %slice3A_1769 in 1 : vector<16x2040xf32>, vector<16x8xf32> -> vector<16x2048xf32>
    %select_n3A_1771 = arith.select %ne3A_26, %concatenate3A_1767, %concatenate3A_1770 : vector<16x2048xi1>, vector<16x2048xf32>
    %slice3A_1772 = vector.extract_strided_slice %select_n3A_1742 {offsets = [0, 2040], sizes = [16, 8], strides = [1, 1]} : vector<16x2048xi32> to vector<16x8xi32>
    %slice3A_1773 = vector.extract_strided_slice %select_n3A_1742 {offsets = [0, 0], sizes = [16, 2040], strides = [1, 1]} : vector<16x2048xi32> to vector<16x2040xi32>
    %concatenate3A_1774 = tpu.concatenate %slice3A_1772, %slice3A_1773 in 1 : vector<16x8xi32>, vector<16x2040xi32> -> vector<16x2048xi32>
    %slice3A_1775 = vector.extract_strided_slice %select_n3A_1742 {offsets = [0, 8], sizes = [16, 2040], strides = [1, 1]} : vector<16x2048xi32> to vector<16x2040xi32>
    %slice3A_1776 = vector.extract_strided_slice %select_n3A_1742 {offsets = [0, 0], sizes = [16, 8], strides = [1, 1]} : vector<16x2048xi32> to vector<16x8xi32>
    %concatenate3A_1777 = tpu.concatenate %slice3A_1775, %slice3A_1776 in 1 : vector<16x2040xi32>, vector<16x8xi32> -> vector<16x2048xi32>
    %select_n3A_1778 = arith.select %ne3A_26, %concatenate3A_1774, %concatenate3A_1777 : vector<16x2048xi1>, vector<16x2048xi32>
    %gt3A_1779 = arith.cmpf ogt, %select_n3A_1741, %select_n3A_1771 : vector<16x2048xf32>
    %eq3A_1780 = arith.cmpf oeq, %select_n3A_1741, %select_n3A_1771 : vector<16x2048xf32>
    %lt3A_1781 = arith.cmpi slt, %select_n3A_1742, %select_n3A_1778 : vector<16x2048xi32>
    %and3A_1782 = arith.andi %eq3A_1780, %lt3A_1781 : vector<16x2048xi1>
    %or3A_1783 = arith.ori %gt3A_1779, %and3A_1782 : vector<16x2048xi1>
    %xor3A_1784 = arith.xori %or3A_1783, %ne3A_26 : vector<16x2048xi1>
    %xor3A_1785 = arith.xori %xor3A_1784, %ne3A_38 : vector<16x2048xi1>
    %select_n3A_1786 = arith.select %xor3A_1785, %select_n3A_1771, %select_n3A_1741 : vector<16x2048xi1>, vector<16x2048xf32>
    %select_n3A_1787 = arith.select %xor3A_1785, %select_n3A_1778, %select_n3A_1742 : vector<16x2048xi1>, vector<16x2048xi32>
    %slice3A_1788 = vector.extract_strided_slice %select_n3A_1763 {offsets = [0, 2040], sizes = [16, 8], strides = [1, 1]} : vector<16x2048xf32> to vector<16x8xf32>
    %slice3A_1789 = vector.extract_strided_slice %select_n3A_1763 {offsets = [0, 0], sizes = [16, 2040], strides = [1, 1]} : vector<16x2048xf32> to vector<16x2040xf32>
    %concatenate3A_1790 = tpu.concatenate %slice3A_1788, %slice3A_1789 in 1 : vector<16x8xf32>, vector<16x2040xf32> -> vector<16x2048xf32>
    %slice3A_1791 = vector.extract_strided_slice %select_n3A_1763 {offsets = [0, 8], sizes = [16, 2040], strides = [1, 1]} : vector<16x2048xf32> to vector<16x2040xf32>
    %slice3A_1792 = vector.extract_strided_slice %select_n3A_1763 {offsets = [0, 0], sizes = [16, 8], strides = [1, 1]} : vector<16x2048xf32> to vector<16x8xf32>
    %concatenate3A_1793 = tpu.concatenate %slice3A_1791, %slice3A_1792 in 1 : vector<16x2040xf32>, vector<16x8xf32> -> vector<16x2048xf32>
    %select_n3A_1794 = arith.select %ne3A_26, %concatenate3A_1790, %concatenate3A_1793 : vector<16x2048xi1>, vector<16x2048xf32>
    %slice3A_1795 = vector.extract_strided_slice %select_n3A_1764 {offsets = [0, 2040], sizes = [16, 8], strides = [1, 1]} : vector<16x2048xi32> to vector<16x8xi32>
    %slice3A_1796 = vector.extract_strided_slice %select_n3A_1764 {offsets = [0, 0], sizes = [16, 2040], strides = [1, 1]} : vector<16x2048xi32> to vector<16x2040xi32>
    %concatenate3A_1797 = tpu.concatenate %slice3A_1795, %slice3A_1796 in 1 : vector<16x8xi32>, vector<16x2040xi32> -> vector<16x2048xi32>
    %slice3A_1798 = vector.extract_strided_slice %select_n3A_1764 {offsets = [0, 8], sizes = [16, 2040], strides = [1, 1]} : vector<16x2048xi32> to vector<16x2040xi32>
    %slice3A_1799 = vector.extract_strided_slice %select_n3A_1764 {offsets = [0, 0], sizes = [16, 8], strides = [1, 1]} : vector<16x2048xi32> to vector<16x8xi32>
    %concatenate3A_1800 = tpu.concatenate %slice3A_1798, %slice3A_1799 in 1 : vector<16x2040xi32>, vector<16x8xi32> -> vector<16x2048xi32>
    %select_n3A_1801 = arith.select %ne3A_26, %concatenate3A_1797, %concatenate3A_1800 : vector<16x2048xi1>, vector<16x2048xi32>
    %gt3A_1802 = arith.cmpf ogt, %select_n3A_1763, %select_n3A_1794 : vector<16x2048xf32>
    %eq3A_1803 = arith.cmpf oeq, %select_n3A_1763, %select_n3A_1794 : vector<16x2048xf32>
    %lt3A_1804 = arith.cmpi slt, %select_n3A_1764, %select_n3A_1801 : vector<16x2048xi32>
    %and3A_1805 = arith.andi %eq3A_1803, %lt3A_1804 : vector<16x2048xi1>
    %or3A_1806 = arith.ori %gt3A_1802, %and3A_1805 : vector<16x2048xi1>
    %xor3A_1807 = arith.xori %or3A_1806, %ne3A_26 : vector<16x2048xi1>
    %xor3A_1808 = arith.xori %xor3A_1807, %ne3A_38 : vector<16x2048xi1>
    %select_n3A_1809 = arith.select %xor3A_1808, %select_n3A_1794, %select_n3A_1763 : vector<16x2048xi1>, vector<16x2048xf32>
    %select_n3A_1810 = arith.select %xor3A_1808, %select_n3A_1801, %select_n3A_1764 : vector<16x2048xi1>, vector<16x2048xi32>
    %slice3A_1811 = vector.extract_strided_slice %select_n3A_1786 {offsets = [0, 2044], sizes = [16, 4], strides = [1, 1]} : vector<16x2048xf32> to vector<16x4xf32>
    %slice3A_1812 = vector.extract_strided_slice %select_n3A_1786 {offsets = [0, 0], sizes = [16, 2044], strides = [1, 1]} : vector<16x2048xf32> to vector<16x2044xf32>
    %concatenate3A_1813 = tpu.concatenate %slice3A_1811, %slice3A_1812 in 1 : vector<16x4xf32>, vector<16x2044xf32> -> vector<16x2048xf32>
    %slice3A_1814 = vector.extract_strided_slice %select_n3A_1786 {offsets = [0, 4], sizes = [16, 2044], strides = [1, 1]} : vector<16x2048xf32> to vector<16x2044xf32>
    %slice3A_1815 = vector.extract_strided_slice %select_n3A_1786 {offsets = [0, 0], sizes = [16, 4], strides = [1, 1]} : vector<16x2048xf32> to vector<16x4xf32>
    %concatenate3A_1816 = tpu.concatenate %slice3A_1814, %slice3A_1815 in 1 : vector<16x2044xf32>, vector<16x4xf32> -> vector<16x2048xf32>
    %select_n3A_1817 = arith.select %ne3A_20, %concatenate3A_1813, %concatenate3A_1816 : vector<16x2048xi1>, vector<16x2048xf32>
    %slice3A_1818 = vector.extract_strided_slice %select_n3A_1787 {offsets = [0, 2044], sizes = [16, 4], strides = [1, 1]} : vector<16x2048xi32> to vector<16x4xi32>
    %slice3A_1819 = vector.extract_strided_slice %select_n3A_1787 {offsets = [0, 0], sizes = [16, 2044], strides = [1, 1]} : vector<16x2048xi32> to vector<16x2044xi32>
    %concatenate3A_1820 = tpu.concatenate %slice3A_1818, %slice3A_1819 in 1 : vector<16x4xi32>, vector<16x2044xi32> -> vector<16x2048xi32>
    %slice3A_1821 = vector.extract_strided_slice %select_n3A_1787 {offsets = [0, 4], sizes = [16, 2044], strides = [1, 1]} : vector<16x2048xi32> to vector<16x2044xi32>
    %slice3A_1822 = vector.extract_strided_slice %select_n3A_1787 {offsets = [0, 0], sizes = [16, 4], strides = [1, 1]} : vector<16x2048xi32> to vector<16x4xi32>
    %concatenate3A_1823 = tpu.concatenate %slice3A_1821, %slice3A_1822 in 1 : vector<16x2044xi32>, vector<16x4xi32> -> vector<16x2048xi32>
    %select_n3A_1824 = arith.select %ne3A_20, %concatenate3A_1820, %concatenate3A_1823 : vector<16x2048xi1>, vector<16x2048xi32>
    %gt3A_1825 = arith.cmpf ogt, %select_n3A_1786, %select_n3A_1817 : vector<16x2048xf32>
    %eq3A_1826 = arith.cmpf oeq, %select_n3A_1786, %select_n3A_1817 : vector<16x2048xf32>
    %lt3A_1827 = arith.cmpi slt, %select_n3A_1787, %select_n3A_1824 : vector<16x2048xi32>
    %and3A_1828 = arith.andi %eq3A_1826, %lt3A_1827 : vector<16x2048xi1>
    %or3A_1829 = arith.ori %gt3A_1825, %and3A_1828 : vector<16x2048xi1>
    %xor3A_1830 = arith.xori %or3A_1829, %ne3A_20 : vector<16x2048xi1>
    %xor3A_1831 = arith.xori %xor3A_1830, %ne3A_38 : vector<16x2048xi1>
    %select_n3A_1832 = arith.select %xor3A_1831, %select_n3A_1817, %select_n3A_1786 : vector<16x2048xi1>, vector<16x2048xf32>
    %select_n3A_1833 = arith.select %xor3A_1831, %select_n3A_1824, %select_n3A_1787 : vector<16x2048xi1>, vector<16x2048xi32>
    %slice3A_1834 = vector.extract_strided_slice %select_n3A_1809 {offsets = [0, 2044], sizes = [16, 4], strides = [1, 1]} : vector<16x2048xf32> to vector<16x4xf32>
    %slice3A_1835 = vector.extract_strided_slice %select_n3A_1809 {offsets = [0, 0], sizes = [16, 2044], strides = [1, 1]} : vector<16x2048xf32> to vector<16x2044xf32>
    %concatenate3A_1836 = tpu.concatenate %slice3A_1834, %slice3A_1835 in 1 : vector<16x4xf32>, vector<16x2044xf32> -> vector<16x2048xf32>
    %slice3A_1837 = vector.extract_strided_slice %select_n3A_1809 {offsets = [0, 4], sizes = [16, 2044], strides = [1, 1]} : vector<16x2048xf32> to vector<16x2044xf32>
    %slice3A_1838 = vector.extract_strided_slice %select_n3A_1809 {offsets = [0, 0], sizes = [16, 4], strides = [1, 1]} : vector<16x2048xf32> to vector<16x4xf32>
    %concatenate3A_1839 = tpu.concatenate %slice3A_1837, %slice3A_1838 in 1 : vector<16x2044xf32>, vector<16x4xf32> -> vector<16x2048xf32>
    %select_n3A_1840 = arith.select %ne3A_20, %concatenate3A_1836, %concatenate3A_1839 : vector<16x2048xi1>, vector<16x2048xf32>
    %slice3A_1841 = vector.extract_strided_slice %select_n3A_1810 {offsets = [0, 2044], sizes = [16, 4], strides = [1, 1]} : vector<16x2048xi32> to vector<16x4xi32>
    %slice3A_1842 = vector.extract_strided_slice %select_n3A_1810 {offsets = [0, 0], sizes = [16, 2044], strides = [1, 1]} : vector<16x2048xi32> to vector<16x2044xi32>
    %concatenate3A_1843 = tpu.concatenate %slice3A_1841, %slice3A_1842 in 1 : vector<16x4xi32>, vector<16x2044xi32> -> vector<16x2048xi32>
    %slice3A_1844 = vector.extract_strided_slice %select_n3A_1810 {offsets = [0, 4], sizes = [16, 2044], strides = [1, 1]} : vector<16x2048xi32> to vector<16x2044xi32>
    %slice3A_1845 = vector.extract_strided_slice %select_n3A_1810 {offsets = [0, 0], sizes = [16, 4], strides = [1, 1]} : vector<16x2048xi32> to vector<16x4xi32>
    %concatenate3A_1846 = tpu.concatenate %slice3A_1844, %slice3A_1845 in 1 : vector<16x2044xi32>, vector<16x4xi32> -> vector<16x2048xi32>
    %select_n3A_1847 = arith.select %ne3A_20, %concatenate3A_1843, %concatenate3A_1846 : vector<16x2048xi1>, vector<16x2048xi32>
    %gt3A_1848 = arith.cmpf ogt, %select_n3A_1809, %select_n3A_1840 : vector<16x2048xf32>
    %eq3A_1849 = arith.cmpf oeq, %select_n3A_1809, %select_n3A_1840 : vector<16x2048xf32>
    %lt3A_1850 = arith.cmpi slt, %select_n3A_1810, %select_n3A_1847 : vector<16x2048xi32>
    %and3A_1851 = arith.andi %eq3A_1849, %lt3A_1850 : vector<16x2048xi1>
    %or3A_1852 = arith.ori %gt3A_1848, %and3A_1851 : vector<16x2048xi1>
    %xor3A_1853 = arith.xori %or3A_1852, %ne3A_20 : vector<16x2048xi1>
    %xor3A_1854 = arith.xori %xor3A_1853, %ne3A_38 : vector<16x2048xi1>
    %select_n3A_1855 = arith.select %xor3A_1854, %select_n3A_1840, %select_n3A_1809 : vector<16x2048xi1>, vector<16x2048xf32>
    %select_n3A_1856 = arith.select %xor3A_1854, %select_n3A_1847, %select_n3A_1810 : vector<16x2048xi1>, vector<16x2048xi32>
    %slice3A_1857 = vector.extract_strided_slice %select_n3A_1832 {offsets = [0, 2046], sizes = [16, 2], strides = [1, 1]} : vector<16x2048xf32> to vector<16x2xf32>
    %slice3A_1858 = vector.extract_strided_slice %select_n3A_1832 {offsets = [0, 0], sizes = [16, 2046], strides = [1, 1]} : vector<16x2048xf32> to vector<16x2046xf32>
    %concatenate3A_1859 = tpu.concatenate %slice3A_1857, %slice3A_1858 in 1 : vector<16x2xf32>, vector<16x2046xf32> -> vector<16x2048xf32>
    %slice3A_1860 = vector.extract_strided_slice %select_n3A_1832 {offsets = [0, 2], sizes = [16, 2046], strides = [1, 1]} : vector<16x2048xf32> to vector<16x2046xf32>
    %slice3A_1861 = vector.extract_strided_slice %select_n3A_1832 {offsets = [0, 0], sizes = [16, 2], strides = [1, 1]} : vector<16x2048xf32> to vector<16x2xf32>
    %concatenate3A_1862 = tpu.concatenate %slice3A_1860, %slice3A_1861 in 1 : vector<16x2046xf32>, vector<16x2xf32> -> vector<16x2048xf32>
    %select_n3A_1863 = arith.select %ne3A_14, %concatenate3A_1859, %concatenate3A_1862 : vector<16x2048xi1>, vector<16x2048xf32>
    %slice3A_1864 = vector.extract_strided_slice %select_n3A_1833 {offsets = [0, 2046], sizes = [16, 2], strides = [1, 1]} : vector<16x2048xi32> to vector<16x2xi32>
    %slice3A_1865 = vector.extract_strided_slice %select_n3A_1833 {offsets = [0, 0], sizes = [16, 2046], strides = [1, 1]} : vector<16x2048xi32> to vector<16x2046xi32>
    %concatenate3A_1866 = tpu.concatenate %slice3A_1864, %slice3A_1865 in 1 : vector<16x2xi32>, vector<16x2046xi32> -> vector<16x2048xi32>
    %slice3A_1867 = vector.extract_strided_slice %select_n3A_1833 {offsets = [0, 2], sizes = [16, 2046], strides = [1, 1]} : vector<16x2048xi32> to vector<16x2046xi32>
    %slice3A_1868 = vector.extract_strided_slice %select_n3A_1833 {offsets = [0, 0], sizes = [16, 2], strides = [1, 1]} : vector<16x2048xi32> to vector<16x2xi32>
    %concatenate3A_1869 = tpu.concatenate %slice3A_1867, %slice3A_1868 in 1 : vector<16x2046xi32>, vector<16x2xi32> -> vector<16x2048xi32>
    %select_n3A_1870 = arith.select %ne3A_14, %concatenate3A_1866, %concatenate3A_1869 : vector<16x2048xi1>, vector<16x2048xi32>
    %gt3A_1871 = arith.cmpf ogt, %select_n3A_1832, %select_n3A_1863 : vector<16x2048xf32>
    %eq3A_1872 = arith.cmpf oeq, %select_n3A_1832, %select_n3A_1863 : vector<16x2048xf32>
    %lt3A_1873 = arith.cmpi slt, %select_n3A_1833, %select_n3A_1870 : vector<16x2048xi32>
    %and3A_1874 = arith.andi %eq3A_1872, %lt3A_1873 : vector<16x2048xi1>
    %or3A_1875 = arith.ori %gt3A_1871, %and3A_1874 : vector<16x2048xi1>
    %xor3A_1876 = arith.xori %or3A_1875, %ne3A_14 : vector<16x2048xi1>
    %xor3A_1877 = arith.xori %xor3A_1876, %ne3A_38 : vector<16x2048xi1>
    %select_n3A_1878 = arith.select %xor3A_1877, %select_n3A_1863, %select_n3A_1832 : vector<16x2048xi1>, vector<16x2048xf32>
    %select_n3A_1879 = arith.select %xor3A_1877, %select_n3A_1870, %select_n3A_1833 : vector<16x2048xi1>, vector<16x2048xi32>
    %slice3A_1880 = vector.extract_strided_slice %select_n3A_1855 {offsets = [0, 2046], sizes = [16, 2], strides = [1, 1]} : vector<16x2048xf32> to vector<16x2xf32>
    %slice3A_1881 = vector.extract_strided_slice %select_n3A_1855 {offsets = [0, 0], sizes = [16, 2046], strides = [1, 1]} : vector<16x2048xf32> to vector<16x2046xf32>
    %concatenate3A_1882 = tpu.concatenate %slice3A_1880, %slice3A_1881 in 1 : vector<16x2xf32>, vector<16x2046xf32> -> vector<16x2048xf32>
    %slice3A_1883 = vector.extract_strided_slice %select_n3A_1855 {offsets = [0, 2], sizes = [16, 2046], strides = [1, 1]} : vector<16x2048xf32> to vector<16x2046xf32>
    %slice3A_1884 = vector.extract_strided_slice %select_n3A_1855 {offsets = [0, 0], sizes = [16, 2], strides = [1, 1]} : vector<16x2048xf32> to vector<16x2xf32>
    %concatenate3A_1885 = tpu.concatenate %slice3A_1883, %slice3A_1884 in 1 : vector<16x2046xf32>, vector<16x2xf32> -> vector<16x2048xf32>
    %select_n3A_1886 = arith.select %ne3A_14, %concatenate3A_1882, %concatenate3A_1885 : vector<16x2048xi1>, vector<16x2048xf32>
    %slice3A_1887 = vector.extract_strided_slice %select_n3A_1856 {offsets = [0, 2046], sizes = [16, 2], strides = [1, 1]} : vector<16x2048xi32> to vector<16x2xi32>
    %slice3A_1888 = vector.extract_strided_slice %select_n3A_1856 {offsets = [0, 0], sizes = [16, 2046], strides = [1, 1]} : vector<16x2048xi32> to vector<16x2046xi32>
    %concatenate3A_1889 = tpu.concatenate %slice3A_1887, %slice3A_1888 in 1 : vector<16x2xi32>, vector<16x2046xi32> -> vector<16x2048xi32>
    %slice3A_1890 = vector.extract_strided_slice %select_n3A_1856 {offsets = [0, 2], sizes = [16, 2046], strides = [1, 1]} : vector<16x2048xi32> to vector<16x2046xi32>
    %slice3A_1891 = vector.extract_strided_slice %select_n3A_1856 {offsets = [0, 0], sizes = [16, 2], strides = [1, 1]} : vector<16x2048xi32> to vector<16x2xi32>
    %concatenate3A_1892 = tpu.concatenate %slice3A_1890, %slice3A_1891 in 1 : vector<16x2046xi32>, vector<16x2xi32> -> vector<16x2048xi32>
    %select_n3A_1893 = arith.select %ne3A_14, %concatenate3A_1889, %concatenate3A_1892 : vector<16x2048xi1>, vector<16x2048xi32>
    %gt3A_1894 = arith.cmpf ogt, %select_n3A_1855, %select_n3A_1886 : vector<16x2048xf32>
    %eq3A_1895 = arith.cmpf oeq, %select_n3A_1855, %select_n3A_1886 : vector<16x2048xf32>
    %lt3A_1896 = arith.cmpi slt, %select_n3A_1856, %select_n3A_1893 : vector<16x2048xi32>
    %and3A_1897 = arith.andi %eq3A_1895, %lt3A_1896 : vector<16x2048xi1>
    %or3A_1898 = arith.ori %gt3A_1894, %and3A_1897 : vector<16x2048xi1>
    %xor3A_1899 = arith.xori %or3A_1898, %ne3A_14 : vector<16x2048xi1>
    %xor3A_1900 = arith.xori %xor3A_1899, %ne3A_38 : vector<16x2048xi1>
    %select_n3A_1901 = arith.select %xor3A_1900, %select_n3A_1886, %select_n3A_1855 : vector<16x2048xi1>, vector<16x2048xf32>
    %select_n3A_1902 = arith.select %xor3A_1900, %select_n3A_1893, %select_n3A_1856 : vector<16x2048xi1>, vector<16x2048xi32>
    %slice3A_1903 = vector.extract_strided_slice %select_n3A_1878 {offsets = [0, 2047], sizes = [16, 1], strides = [1, 1]} : vector<16x2048xf32> to vector<16x1xf32>
    %slice3A_1904 = vector.extract_strided_slice %select_n3A_1878 {offsets = [0, 0], sizes = [16, 2047], strides = [1, 1]} : vector<16x2048xf32> to vector<16x2047xf32>
    %concatenate3A_1905 = tpu.concatenate %slice3A_1903, %slice3A_1904 in 1 : vector<16x1xf32>, vector<16x2047xf32> -> vector<16x2048xf32>
    %slice3A_1906 = vector.extract_strided_slice %select_n3A_1878 {offsets = [0, 1], sizes = [16, 2047], strides = [1, 1]} : vector<16x2048xf32> to vector<16x2047xf32>
    %slice3A_1907 = vector.extract_strided_slice %select_n3A_1878 {offsets = [0, 0], sizes = [16, 1], strides = [1, 1]} : vector<16x2048xf32> to vector<16x1xf32>
    %concatenate3A_1908 = tpu.concatenate %slice3A_1906, %slice3A_1907 in 1 : vector<16x2047xf32>, vector<16x1xf32> -> vector<16x2048xf32>
    %select_n3A_1909 = arith.select %ne3A_8, %concatenate3A_1905, %concatenate3A_1908 : vector<16x2048xi1>, vector<16x2048xf32>
    %slice3A_1910 = vector.extract_strided_slice %select_n3A_1879 {offsets = [0, 2047], sizes = [16, 1], strides = [1, 1]} : vector<16x2048xi32> to vector<16x1xi32>
    %slice3A_1911 = vector.extract_strided_slice %select_n3A_1879 {offsets = [0, 0], sizes = [16, 2047], strides = [1, 1]} : vector<16x2048xi32> to vector<16x2047xi32>
    %concatenate3A_1912 = tpu.concatenate %slice3A_1910, %slice3A_1911 in 1 : vector<16x1xi32>, vector<16x2047xi32> -> vector<16x2048xi32>
    %slice3A_1913 = vector.extract_strided_slice %select_n3A_1879 {offsets = [0, 1], sizes = [16, 2047], strides = [1, 1]} : vector<16x2048xi32> to vector<16x2047xi32>
    %slice3A_1914 = vector.extract_strided_slice %select_n3A_1879 {offsets = [0, 0], sizes = [16, 1], strides = [1, 1]} : vector<16x2048xi32> to vector<16x1xi32>
    %concatenate3A_1915 = tpu.concatenate %slice3A_1913, %slice3A_1914 in 1 : vector<16x2047xi32>, vector<16x1xi32> -> vector<16x2048xi32>
    %select_n3A_1916 = arith.select %ne3A_8, %concatenate3A_1912, %concatenate3A_1915 : vector<16x2048xi1>, vector<16x2048xi32>
    %gt3A_1917 = arith.cmpf ogt, %select_n3A_1878, %select_n3A_1909 : vector<16x2048xf32>
    %eq3A_1918 = arith.cmpf oeq, %select_n3A_1878, %select_n3A_1909 : vector<16x2048xf32>
    %lt3A_1919 = arith.cmpi slt, %select_n3A_1879, %select_n3A_1916 : vector<16x2048xi32>
    %and3A_1920 = arith.andi %eq3A_1918, %lt3A_1919 : vector<16x2048xi1>
    %or3A_1921 = arith.ori %gt3A_1917, %and3A_1920 : vector<16x2048xi1>
    %xor3A_1922 = arith.xori %or3A_1921, %ne3A_8 : vector<16x2048xi1>
    %xor3A_1923 = arith.xori %xor3A_1922, %ne3A_38 : vector<16x2048xi1>
    %select_n3A_1924 = arith.select %xor3A_1923, %select_n3A_1909, %select_n3A_1878 : vector<16x2048xi1>, vector<16x2048xf32>
    %select_n3A_1925 = arith.select %xor3A_1923, %select_n3A_1916, %select_n3A_1879 : vector<16x2048xi1>, vector<16x2048xi32>
    %slice3A_1926 = vector.extract_strided_slice %select_n3A_1901 {offsets = [0, 2047], sizes = [16, 1], strides = [1, 1]} : vector<16x2048xf32> to vector<16x1xf32>
    %slice3A_1927 = vector.extract_strided_slice %select_n3A_1901 {offsets = [0, 0], sizes = [16, 2047], strides = [1, 1]} : vector<16x2048xf32> to vector<16x2047xf32>
    %concatenate3A_1928 = tpu.concatenate %slice3A_1926, %slice3A_1927 in 1 : vector<16x1xf32>, vector<16x2047xf32> -> vector<16x2048xf32>
    %slice3A_1929 = vector.extract_strided_slice %select_n3A_1901 {offsets = [0, 1], sizes = [16, 2047], strides = [1, 1]} : vector<16x2048xf32> to vector<16x2047xf32>
    %slice3A_1930 = vector.extract_strided_slice %select_n3A_1901 {offsets = [0, 0], sizes = [16, 1], strides = [1, 1]} : vector<16x2048xf32> to vector<16x1xf32>
    %concatenate3A_1931 = tpu.concatenate %slice3A_1929, %slice3A_1930 in 1 : vector<16x2047xf32>, vector<16x1xf32> -> vector<16x2048xf32>
    %select_n3A_1932 = arith.select %ne3A_8, %concatenate3A_1928, %concatenate3A_1931 : vector<16x2048xi1>, vector<16x2048xf32>
    %slice3A_1933 = vector.extract_strided_slice %select_n3A_1902 {offsets = [0, 2047], sizes = [16, 1], strides = [1, 1]} : vector<16x2048xi32> to vector<16x1xi32>
    %slice3A_1934 = vector.extract_strided_slice %select_n3A_1902 {offsets = [0, 0], sizes = [16, 2047], strides = [1, 1]} : vector<16x2048xi32> to vector<16x2047xi32>
    %concatenate3A_1935 = tpu.concatenate %slice3A_1933, %slice3A_1934 in 1 : vector<16x1xi32>, vector<16x2047xi32> -> vector<16x2048xi32>
    %slice3A_1936 = vector.extract_strided_slice %select_n3A_1902 {offsets = [0, 1], sizes = [16, 2047], strides = [1, 1]} : vector<16x2048xi32> to vector<16x2047xi32>
    %slice3A_1937 = vector.extract_strided_slice %select_n3A_1902 {offsets = [0, 0], sizes = [16, 1], strides = [1, 1]} : vector<16x2048xi32> to vector<16x1xi32>
    %concatenate3A_1938 = tpu.concatenate %slice3A_1936, %slice3A_1937 in 1 : vector<16x2047xi32>, vector<16x1xi32> -> vector<16x2048xi32>
    %select_n3A_1939 = arith.select %ne3A_8, %concatenate3A_1935, %concatenate3A_1938 : vector<16x2048xi1>, vector<16x2048xi32>
    %gt3A_1940 = arith.cmpf ogt, %select_n3A_1901, %select_n3A_1932 : vector<16x2048xf32>
    %eq3A_1941 = arith.cmpf oeq, %select_n3A_1901, %select_n3A_1932 : vector<16x2048xf32>
    %lt3A_1942 = arith.cmpi slt, %select_n3A_1902, %select_n3A_1939 : vector<16x2048xi32>
    %and3A_1943 = arith.andi %eq3A_1941, %lt3A_1942 : vector<16x2048xi1>
    %or3A_1944 = arith.ori %gt3A_1940, %and3A_1943 : vector<16x2048xi1>
    %xor3A_1945 = arith.xori %or3A_1944, %ne3A_8 : vector<16x2048xi1>
    %xor3A_1946 = arith.xori %xor3A_1945, %ne3A_38 : vector<16x2048xi1>
    %select_n3A_1947 = arith.select %xor3A_1946, %select_n3A_1932, %select_n3A_1901 : vector<16x2048xi1>, vector<16x2048xf32>
    %select_n3A_1948 = arith.select %xor3A_1946, %select_n3A_1939, %select_n3A_1902 : vector<16x2048xi1>, vector<16x2048xi32>
    %slice3A_1949 = vector.extract_strided_slice %select_n3A_1924 {offsets = [0, 1024], sizes = [16, 1024], strides = [1, 1]} : vector<16x2048xf32> to vector<16x1024xf32>
    %slice3A_1950 = vector.extract_strided_slice %select_n3A_1924 {offsets = [0, 0], sizes = [16, 1024], strides = [1, 1]} : vector<16x2048xf32> to vector<16x1024xf32>
    %concatenate3A_1951 = tpu.concatenate %slice3A_1949, %slice3A_1950 in 1 : vector<16x1024xf32>, vector<16x1024xf32> -> vector<16x2048xf32>
    %slice3A_1952 = vector.extract_strided_slice %select_n3A_1924 {offsets = [0, 1024], sizes = [16, 1024], strides = [1, 1]} : vector<16x2048xf32> to vector<16x1024xf32>
    %slice3A_1953 = vector.extract_strided_slice %select_n3A_1924 {offsets = [0, 0], sizes = [16, 1024], strides = [1, 1]} : vector<16x2048xf32> to vector<16x1024xf32>
    %concatenate3A_1954 = tpu.concatenate %slice3A_1952, %slice3A_1953 in 1 : vector<16x1024xf32>, vector<16x1024xf32> -> vector<16x2048xf32>
    %select_n3A_1955 = arith.select %ne3A_68, %concatenate3A_1951, %concatenate3A_1954 : vector<16x2048xi1>, vector<16x2048xf32>
    %slice3A_1956 = vector.extract_strided_slice %select_n3A_1925 {offsets = [0, 1024], sizes = [16, 1024], strides = [1, 1]} : vector<16x2048xi32> to vector<16x1024xi32>
    %slice3A_1957 = vector.extract_strided_slice %select_n3A_1925 {offsets = [0, 0], sizes = [16, 1024], strides = [1, 1]} : vector<16x2048xi32> to vector<16x1024xi32>
    %concatenate3A_1958 = tpu.concatenate %slice3A_1956, %slice3A_1957 in 1 : vector<16x1024xi32>, vector<16x1024xi32> -> vector<16x2048xi32>
    %slice3A_1959 = vector.extract_strided_slice %select_n3A_1925 {offsets = [0, 1024], sizes = [16, 1024], strides = [1, 1]} : vector<16x2048xi32> to vector<16x1024xi32>
    %slice3A_1960 = vector.extract_strided_slice %select_n3A_1925 {offsets = [0, 0], sizes = [16, 1024], strides = [1, 1]} : vector<16x2048xi32> to vector<16x1024xi32>
    %concatenate3A_1961 = tpu.concatenate %slice3A_1959, %slice3A_1960 in 1 : vector<16x1024xi32>, vector<16x1024xi32> -> vector<16x2048xi32>
    %select_n3A_1962 = arith.select %ne3A_68, %concatenate3A_1958, %concatenate3A_1961 : vector<16x2048xi1>, vector<16x2048xi32>
    %gt3A_1963 = arith.cmpf ogt, %select_n3A_1924, %select_n3A_1955 : vector<16x2048xf32>
    %eq3A_1964 = arith.cmpf oeq, %select_n3A_1924, %select_n3A_1955 : vector<16x2048xf32>
    %lt3A_1965 = arith.cmpi slt, %select_n3A_1925, %select_n3A_1962 : vector<16x2048xi32>
    %and3A_1966 = arith.andi %eq3A_1964, %lt3A_1965 : vector<16x2048xi1>
    %or3A_1967 = arith.ori %gt3A_1963, %and3A_1966 : vector<16x2048xi1>
    %xor3A_1968 = arith.xori %or3A_1967, %ne3A_68 : vector<16x2048xi1>
    %xor3A_1969 = arith.xori %xor3A_1968, %ne3A_38 : vector<16x2048xi1>
    %select_n3A_1970 = arith.select %xor3A_1969, %select_n3A_1955, %select_n3A_1924 : vector<16x2048xi1>, vector<16x2048xf32>
    %select_n3A_1971 = arith.select %xor3A_1969, %select_n3A_1962, %select_n3A_1925 : vector<16x2048xi1>, vector<16x2048xi32>
    %slice3A_1972 = vector.extract_strided_slice %select_n3A_1947 {offsets = [0, 1024], sizes = [16, 1024], strides = [1, 1]} : vector<16x2048xf32> to vector<16x1024xf32>
    %slice3A_1973 = vector.extract_strided_slice %select_n3A_1947 {offsets = [0, 0], sizes = [16, 1024], strides = [1, 1]} : vector<16x2048xf32> to vector<16x1024xf32>
    %concatenate3A_1974 = tpu.concatenate %slice3A_1972, %slice3A_1973 in 1 : vector<16x1024xf32>, vector<16x1024xf32> -> vector<16x2048xf32>
    %slice3A_1975 = vector.extract_strided_slice %select_n3A_1947 {offsets = [0, 1024], sizes = [16, 1024], strides = [1, 1]} : vector<16x2048xf32> to vector<16x1024xf32>
    %slice3A_1976 = vector.extract_strided_slice %select_n3A_1947 {offsets = [0, 0], sizes = [16, 1024], strides = [1, 1]} : vector<16x2048xf32> to vector<16x1024xf32>
    %concatenate3A_1977 = tpu.concatenate %slice3A_1975, %slice3A_1976 in 1 : vector<16x1024xf32>, vector<16x1024xf32> -> vector<16x2048xf32>
    %select_n3A_1978 = arith.select %ne3A_68, %concatenate3A_1974, %concatenate3A_1977 : vector<16x2048xi1>, vector<16x2048xf32>
    %slice3A_1979 = vector.extract_strided_slice %select_n3A_1948 {offsets = [0, 1024], sizes = [16, 1024], strides = [1, 1]} : vector<16x2048xi32> to vector<16x1024xi32>
    %slice3A_1980 = vector.extract_strided_slice %select_n3A_1948 {offsets = [0, 0], sizes = [16, 1024], strides = [1, 1]} : vector<16x2048xi32> to vector<16x1024xi32>
    %concatenate3A_1981 = tpu.concatenate %slice3A_1979, %slice3A_1980 in 1 : vector<16x1024xi32>, vector<16x1024xi32> -> vector<16x2048xi32>
    %slice3A_1982 = vector.extract_strided_slice %select_n3A_1948 {offsets = [0, 1024], sizes = [16, 1024], strides = [1, 1]} : vector<16x2048xi32> to vector<16x1024xi32>
    %slice3A_1983 = vector.extract_strided_slice %select_n3A_1948 {offsets = [0, 0], sizes = [16, 1024], strides = [1, 1]} : vector<16x2048xi32> to vector<16x1024xi32>
    %concatenate3A_1984 = tpu.concatenate %slice3A_1982, %slice3A_1983 in 1 : vector<16x1024xi32>, vector<16x1024xi32> -> vector<16x2048xi32>
    %select_n3A_1985 = arith.select %ne3A_68, %concatenate3A_1981, %concatenate3A_1984 : vector<16x2048xi1>, vector<16x2048xi32>
    %gt3A_1986 = arith.cmpf ogt, %select_n3A_1947, %select_n3A_1978 : vector<16x2048xf32>
    %eq3A_1987 = arith.cmpf oeq, %select_n3A_1947, %select_n3A_1978 : vector<16x2048xf32>
    %lt3A_1988 = arith.cmpi slt, %select_n3A_1948, %select_n3A_1985 : vector<16x2048xi32>
    %and3A_1989 = arith.andi %eq3A_1987, %lt3A_1988 : vector<16x2048xi1>
    %or3A_1990 = arith.ori %gt3A_1986, %and3A_1989 : vector<16x2048xi1>
    %xor3A_1991 = arith.xori %or3A_1990, %ne3A_68 : vector<16x2048xi1>
    %xor3A_1992 = arith.xori %xor3A_1991, %ne3A_38 : vector<16x2048xi1>
    %select_n3A_1993 = arith.select %xor3A_1992, %select_n3A_1978, %select_n3A_1947 : vector<16x2048xi1>, vector<16x2048xf32>
    %select_n3A_1994 = arith.select %xor3A_1992, %select_n3A_1985, %select_n3A_1948 : vector<16x2048xi1>, vector<16x2048xi32>
    %slice3A_1995 = vector.extract_strided_slice %select_n3A_1970 {offsets = [0, 1536], sizes = [16, 512], strides = [1, 1]} : vector<16x2048xf32> to vector<16x512xf32>
    %slice3A_1996 = vector.extract_strided_slice %select_n3A_1970 {offsets = [0, 0], sizes = [16, 1536], strides = [1, 1]} : vector<16x2048xf32> to vector<16x1536xf32>
    %concatenate3A_1997 = tpu.concatenate %slice3A_1995, %slice3A_1996 in 1 : vector<16x512xf32>, vector<16x1536xf32> -> vector<16x2048xf32>
    %slice3A_1998 = vector.extract_strided_slice %select_n3A_1970 {offsets = [0, 512], sizes = [16, 1536], strides = [1, 1]} : vector<16x2048xf32> to vector<16x1536xf32>
    %slice3A_1999 = vector.extract_strided_slice %select_n3A_1970 {offsets = [0, 0], sizes = [16, 512], strides = [1, 1]} : vector<16x2048xf32> to vector<16x512xf32>
    %concatenate3A_2000 = tpu.concatenate %slice3A_1998, %slice3A_1999 in 1 : vector<16x1536xf32>, vector<16x512xf32> -> vector<16x2048xf32>
    %select_n3A_2001 = arith.select %ne3A_62, %concatenate3A_1997, %concatenate3A_2000 : vector<16x2048xi1>, vector<16x2048xf32>
    %slice3A_2002 = vector.extract_strided_slice %select_n3A_1971 {offsets = [0, 1536], sizes = [16, 512], strides = [1, 1]} : vector<16x2048xi32> to vector<16x512xi32>
    %slice3A_2003 = vector.extract_strided_slice %select_n3A_1971 {offsets = [0, 0], sizes = [16, 1536], strides = [1, 1]} : vector<16x2048xi32> to vector<16x1536xi32>
    %concatenate3A_2004 = tpu.concatenate %slice3A_2002, %slice3A_2003 in 1 : vector<16x512xi32>, vector<16x1536xi32> -> vector<16x2048xi32>
    %slice3A_2005 = vector.extract_strided_slice %select_n3A_1971 {offsets = [0, 512], sizes = [16, 1536], strides = [1, 1]} : vector<16x2048xi32> to vector<16x1536xi32>
    %slice3A_2006 = vector.extract_strided_slice %select_n3A_1971 {offsets = [0, 0], sizes = [16, 512], strides = [1, 1]} : vector<16x2048xi32> to vector<16x512xi32>
    %concatenate3A_2007 = tpu.concatenate %slice3A_2005, %slice3A_2006 in 1 : vector<16x1536xi32>, vector<16x512xi32> -> vector<16x2048xi32>
    %select_n3A_2008 = arith.select %ne3A_62, %concatenate3A_2004, %concatenate3A_2007 : vector<16x2048xi1>, vector<16x2048xi32>
    %gt3A_2009 = arith.cmpf ogt, %select_n3A_1970, %select_n3A_2001 : vector<16x2048xf32>
    %eq3A_2010 = arith.cmpf oeq, %select_n3A_1970, %select_n3A_2001 : vector<16x2048xf32>
    %lt3A_2011 = arith.cmpi slt, %select_n3A_1971, %select_n3A_2008 : vector<16x2048xi32>
    %and3A_2012 = arith.andi %eq3A_2010, %lt3A_2011 : vector<16x2048xi1>
    %or3A_2013 = arith.ori %gt3A_2009, %and3A_2012 : vector<16x2048xi1>
    %xor3A_2014 = arith.xori %or3A_2013, %ne3A_62 : vector<16x2048xi1>
    %xor3A_2015 = arith.xori %xor3A_2014, %ne3A_38 : vector<16x2048xi1>
    %select_n3A_2016 = arith.select %xor3A_2015, %select_n3A_2001, %select_n3A_1970 : vector<16x2048xi1>, vector<16x2048xf32>
    %select_n3A_2017 = arith.select %xor3A_2015, %select_n3A_2008, %select_n3A_1971 : vector<16x2048xi1>, vector<16x2048xi32>
    %slice3A_2018 = vector.extract_strided_slice %select_n3A_1993 {offsets = [0, 1536], sizes = [16, 512], strides = [1, 1]} : vector<16x2048xf32> to vector<16x512xf32>
    %slice3A_2019 = vector.extract_strided_slice %select_n3A_1993 {offsets = [0, 0], sizes = [16, 1536], strides = [1, 1]} : vector<16x2048xf32> to vector<16x1536xf32>
    %concatenate3A_2020 = tpu.concatenate %slice3A_2018, %slice3A_2019 in 1 : vector<16x512xf32>, vector<16x1536xf32> -> vector<16x2048xf32>
    %slice3A_2021 = vector.extract_strided_slice %select_n3A_1993 {offsets = [0, 512], sizes = [16, 1536], strides = [1, 1]} : vector<16x2048xf32> to vector<16x1536xf32>
    %slice3A_2022 = vector.extract_strided_slice %select_n3A_1993 {offsets = [0, 0], sizes = [16, 512], strides = [1, 1]} : vector<16x2048xf32> to vector<16x512xf32>
    %concatenate3A_2023 = tpu.concatenate %slice3A_2021, %slice3A_2022 in 1 : vector<16x1536xf32>, vector<16x512xf32> -> vector<16x2048xf32>
    %select_n3A_2024 = arith.select %ne3A_62, %concatenate3A_2020, %concatenate3A_2023 : vector<16x2048xi1>, vector<16x2048xf32>
    %slice3A_2025 = vector.extract_strided_slice %select_n3A_1994 {offsets = [0, 1536], sizes = [16, 512], strides = [1, 1]} : vector<16x2048xi32> to vector<16x512xi32>
    %slice3A_2026 = vector.extract_strided_slice %select_n3A_1994 {offsets = [0, 0], sizes = [16, 1536], strides = [1, 1]} : vector<16x2048xi32> to vector<16x1536xi32>
    %concatenate3A_2027 = tpu.concatenate %slice3A_2025, %slice3A_2026 in 1 : vector<16x512xi32>, vector<16x1536xi32> -> vector<16x2048xi32>
    %slice3A_2028 = vector.extract_strided_slice %select_n3A_1994 {offsets = [0, 512], sizes = [16, 1536], strides = [1, 1]} : vector<16x2048xi32> to vector<16x1536xi32>
    %slice3A_2029 = vector.extract_strided_slice %select_n3A_1994 {offsets = [0, 0], sizes = [16, 512], strides = [1, 1]} : vector<16x2048xi32> to vector<16x512xi32>
    %concatenate3A_2030 = tpu.concatenate %slice3A_2028, %slice3A_2029 in 1 : vector<16x1536xi32>, vector<16x512xi32> -> vector<16x2048xi32>
    %select_n3A_2031 = arith.select %ne3A_62, %concatenate3A_2027, %concatenate3A_2030 : vector<16x2048xi1>, vector<16x2048xi32>
    %gt3A_2032 = arith.cmpf ogt, %select_n3A_1993, %select_n3A_2024 : vector<16x2048xf32>
    %eq3A_2033 = arith.cmpf oeq, %select_n3A_1993, %select_n3A_2024 : vector<16x2048xf32>
    %lt3A_2034 = arith.cmpi slt, %select_n3A_1994, %select_n3A_2031 : vector<16x2048xi32>
    %and3A_2035 = arith.andi %eq3A_2033, %lt3A_2034 : vector<16x2048xi1>
    %or3A_2036 = arith.ori %gt3A_2032, %and3A_2035 : vector<16x2048xi1>
    %xor3A_2037 = arith.xori %or3A_2036, %ne3A_62 : vector<16x2048xi1>
    %xor3A_2038 = arith.xori %xor3A_2037, %ne3A_38 : vector<16x2048xi1>
    %select_n3A_2039 = arith.select %xor3A_2038, %select_n3A_2024, %select_n3A_1993 : vector<16x2048xi1>, vector<16x2048xf32>
    %select_n3A_2040 = arith.select %xor3A_2038, %select_n3A_2031, %select_n3A_1994 : vector<16x2048xi1>, vector<16x2048xi32>
    %slice3A_2041 = vector.extract_strided_slice %select_n3A_2016 {offsets = [0, 1792], sizes = [16, 256], strides = [1, 1]} : vector<16x2048xf32> to vector<16x256xf32>
    %slice3A_2042 = vector.extract_strided_slice %select_n3A_2016 {offsets = [0, 0], sizes = [16, 1792], strides = [1, 1]} : vector<16x2048xf32> to vector<16x1792xf32>
    %concatenate3A_2043 = tpu.concatenate %slice3A_2041, %slice3A_2042 in 1 : vector<16x256xf32>, vector<16x1792xf32> -> vector<16x2048xf32>
    %slice3A_2044 = vector.extract_strided_slice %select_n3A_2016 {offsets = [0, 256], sizes = [16, 1792], strides = [1, 1]} : vector<16x2048xf32> to vector<16x1792xf32>
    %slice3A_2045 = vector.extract_strided_slice %select_n3A_2016 {offsets = [0, 0], sizes = [16, 256], strides = [1, 1]} : vector<16x2048xf32> to vector<16x256xf32>
    %concatenate3A_2046 = tpu.concatenate %slice3A_2044, %slice3A_2045 in 1 : vector<16x1792xf32>, vector<16x256xf32> -> vector<16x2048xf32>
    %select_n3A_2047 = arith.select %ne3A_56, %concatenate3A_2043, %concatenate3A_2046 : vector<16x2048xi1>, vector<16x2048xf32>
    %slice3A_2048 = vector.extract_strided_slice %select_n3A_2017 {offsets = [0, 1792], sizes = [16, 256], strides = [1, 1]} : vector<16x2048xi32> to vector<16x256xi32>
    %slice3A_2049 = vector.extract_strided_slice %select_n3A_2017 {offsets = [0, 0], sizes = [16, 1792], strides = [1, 1]} : vector<16x2048xi32> to vector<16x1792xi32>
    %concatenate3A_2050 = tpu.concatenate %slice3A_2048, %slice3A_2049 in 1 : vector<16x256xi32>, vector<16x1792xi32> -> vector<16x2048xi32>
    %slice3A_2051 = vector.extract_strided_slice %select_n3A_2017 {offsets = [0, 256], sizes = [16, 1792], strides = [1, 1]} : vector<16x2048xi32> to vector<16x1792xi32>
    %slice3A_2052 = vector.extract_strided_slice %select_n3A_2017 {offsets = [0, 0], sizes = [16, 256], strides = [1, 1]} : vector<16x2048xi32> to vector<16x256xi32>
    %concatenate3A_2053 = tpu.concatenate %slice3A_2051, %slice3A_2052 in 1 : vector<16x1792xi32>, vector<16x256xi32> -> vector<16x2048xi32>
    %select_n3A_2054 = arith.select %ne3A_56, %concatenate3A_2050, %concatenate3A_2053 : vector<16x2048xi1>, vector<16x2048xi32>
    %gt3A_2055 = arith.cmpf ogt, %select_n3A_2016, %select_n3A_2047 : vector<16x2048xf32>
    %eq3A_2056 = arith.cmpf oeq, %select_n3A_2016, %select_n3A_2047 : vector<16x2048xf32>
    %lt3A_2057 = arith.cmpi slt, %select_n3A_2017, %select_n3A_2054 : vector<16x2048xi32>
    %and3A_2058 = arith.andi %eq3A_2056, %lt3A_2057 : vector<16x2048xi1>
    %or3A_2059 = arith.ori %gt3A_2055, %and3A_2058 : vector<16x2048xi1>
    %xor3A_2060 = arith.xori %or3A_2059, %ne3A_56 : vector<16x2048xi1>
    %xor3A_2061 = arith.xori %xor3A_2060, %ne3A_38 : vector<16x2048xi1>
    %select_n3A_2062 = arith.select %xor3A_2061, %select_n3A_2047, %select_n3A_2016 : vector<16x2048xi1>, vector<16x2048xf32>
    %select_n3A_2063 = arith.select %xor3A_2061, %select_n3A_2054, %select_n3A_2017 : vector<16x2048xi1>, vector<16x2048xi32>
    %slice3A_2064 = vector.extract_strided_slice %select_n3A_2039 {offsets = [0, 1792], sizes = [16, 256], strides = [1, 1]} : vector<16x2048xf32> to vector<16x256xf32>
    %slice3A_2065 = vector.extract_strided_slice %select_n3A_2039 {offsets = [0, 0], sizes = [16, 1792], strides = [1, 1]} : vector<16x2048xf32> to vector<16x1792xf32>
    %concatenate3A_2066 = tpu.concatenate %slice3A_2064, %slice3A_2065 in 1 : vector<16x256xf32>, vector<16x1792xf32> -> vector<16x2048xf32>
    %slice3A_2067 = vector.extract_strided_slice %select_n3A_2039 {offsets = [0, 256], sizes = [16, 1792], strides = [1, 1]} : vector<16x2048xf32> to vector<16x1792xf32>
    %slice3A_2068 = vector.extract_strided_slice %select_n3A_2039 {offsets = [0, 0], sizes = [16, 256], strides = [1, 1]} : vector<16x2048xf32> to vector<16x256xf32>
    %concatenate3A_2069 = tpu.concatenate %slice3A_2067, %slice3A_2068 in 1 : vector<16x1792xf32>, vector<16x256xf32> -> vector<16x2048xf32>
    %select_n3A_2070 = arith.select %ne3A_56, %concatenate3A_2066, %concatenate3A_2069 : vector<16x2048xi1>, vector<16x2048xf32>
    %slice3A_2071 = vector.extract_strided_slice %select_n3A_2040 {offsets = [0, 1792], sizes = [16, 256], strides = [1, 1]} : vector<16x2048xi32> to vector<16x256xi32>
    %slice3A_2072 = vector.extract_strided_slice %select_n3A_2040 {offsets = [0, 0], sizes = [16, 1792], strides = [1, 1]} : vector<16x2048xi32> to vector<16x1792xi32>
    %concatenate3A_2073 = tpu.concatenate %slice3A_2071, %slice3A_2072 in 1 : vector<16x256xi32>, vector<16x1792xi32> -> vector<16x2048xi32>
    %slice3A_2074 = vector.extract_strided_slice %select_n3A_2040 {offsets = [0, 256], sizes = [16, 1792], strides = [1, 1]} : vector<16x2048xi32> to vector<16x1792xi32>
    %slice3A_2075 = vector.extract_strided_slice %select_n3A_2040 {offsets = [0, 0], sizes = [16, 256], strides = [1, 1]} : vector<16x2048xi32> to vector<16x256xi32>
    %concatenate3A_2076 = tpu.concatenate %slice3A_2074, %slice3A_2075 in 1 : vector<16x1792xi32>, vector<16x256xi32> -> vector<16x2048xi32>
    %select_n3A_2077 = arith.select %ne3A_56, %concatenate3A_2073, %concatenate3A_2076 : vector<16x2048xi1>, vector<16x2048xi32>
    %gt3A_2078 = arith.cmpf ogt, %select_n3A_2039, %select_n3A_2070 : vector<16x2048xf32>
    %eq3A_2079 = arith.cmpf oeq, %select_n3A_2039, %select_n3A_2070 : vector<16x2048xf32>
    %lt3A_2080 = arith.cmpi slt, %select_n3A_2040, %select_n3A_2077 : vector<16x2048xi32>
    %and3A_2081 = arith.andi %eq3A_2079, %lt3A_2080 : vector<16x2048xi1>
    %or3A_2082 = arith.ori %gt3A_2078, %and3A_2081 : vector<16x2048xi1>
    %xor3A_2083 = arith.xori %or3A_2082, %ne3A_56 : vector<16x2048xi1>
    %xor3A_2084 = arith.xori %xor3A_2083, %ne3A_38 : vector<16x2048xi1>
    %select_n3A_2085 = arith.select %xor3A_2084, %select_n3A_2070, %select_n3A_2039 : vector<16x2048xi1>, vector<16x2048xf32>
    %select_n3A_2086 = arith.select %xor3A_2084, %select_n3A_2077, %select_n3A_2040 : vector<16x2048xi1>, vector<16x2048xi32>
    %slice3A_2087 = vector.extract_strided_slice %select_n3A_2062 {offsets = [0, 1920], sizes = [16, 128], strides = [1, 1]} : vector<16x2048xf32> to vector<16x128xf32>
    %slice3A_2088 = vector.extract_strided_slice %select_n3A_2062 {offsets = [0, 0], sizes = [16, 1920], strides = [1, 1]} : vector<16x2048xf32> to vector<16x1920xf32>
    %concatenate3A_2089 = tpu.concatenate %slice3A_2087, %slice3A_2088 in 1 : vector<16x128xf32>, vector<16x1920xf32> -> vector<16x2048xf32>
    %slice3A_2090 = vector.extract_strided_slice %select_n3A_2062 {offsets = [0, 128], sizes = [16, 1920], strides = [1, 1]} : vector<16x2048xf32> to vector<16x1920xf32>
    %slice3A_2091 = vector.extract_strided_slice %select_n3A_2062 {offsets = [0, 0], sizes = [16, 128], strides = [1, 1]} : vector<16x2048xf32> to vector<16x128xf32>
    %concatenate3A_2092 = tpu.concatenate %slice3A_2090, %slice3A_2091 in 1 : vector<16x1920xf32>, vector<16x128xf32> -> vector<16x2048xf32>
    %select_n3A_2093 = arith.select %ne3A_50, %concatenate3A_2089, %concatenate3A_2092 : vector<16x2048xi1>, vector<16x2048xf32>
    %slice3A_2094 = vector.extract_strided_slice %select_n3A_2063 {offsets = [0, 1920], sizes = [16, 128], strides = [1, 1]} : vector<16x2048xi32> to vector<16x128xi32>
    %slice3A_2095 = vector.extract_strided_slice %select_n3A_2063 {offsets = [0, 0], sizes = [16, 1920], strides = [1, 1]} : vector<16x2048xi32> to vector<16x1920xi32>
    %concatenate3A_2096 = tpu.concatenate %slice3A_2094, %slice3A_2095 in 1 : vector<16x128xi32>, vector<16x1920xi32> -> vector<16x2048xi32>
    %slice3A_2097 = vector.extract_strided_slice %select_n3A_2063 {offsets = [0, 128], sizes = [16, 1920], strides = [1, 1]} : vector<16x2048xi32> to vector<16x1920xi32>
    %slice3A_2098 = vector.extract_strided_slice %select_n3A_2063 {offsets = [0, 0], sizes = [16, 128], strides = [1, 1]} : vector<16x2048xi32> to vector<16x128xi32>
    %concatenate3A_2099 = tpu.concatenate %slice3A_2097, %slice3A_2098 in 1 : vector<16x1920xi32>, vector<16x128xi32> -> vector<16x2048xi32>
    %select_n3A_2100 = arith.select %ne3A_50, %concatenate3A_2096, %concatenate3A_2099 : vector<16x2048xi1>, vector<16x2048xi32>
    %gt3A_2101 = arith.cmpf ogt, %select_n3A_2062, %select_n3A_2093 : vector<16x2048xf32>
    %eq3A_2102 = arith.cmpf oeq, %select_n3A_2062, %select_n3A_2093 : vector<16x2048xf32>
    %lt3A_2103 = arith.cmpi slt, %select_n3A_2063, %select_n3A_2100 : vector<16x2048xi32>
    %and3A_2104 = arith.andi %eq3A_2102, %lt3A_2103 : vector<16x2048xi1>
    %or3A_2105 = arith.ori %gt3A_2101, %and3A_2104 : vector<16x2048xi1>
    %xor3A_2106 = arith.xori %or3A_2105, %ne3A_50 : vector<16x2048xi1>
    %xor3A_2107 = arith.xori %xor3A_2106, %ne3A_38 : vector<16x2048xi1>
    %select_n3A_2108 = arith.select %xor3A_2107, %select_n3A_2093, %select_n3A_2062 : vector<16x2048xi1>, vector<16x2048xf32>
    %select_n3A_2109 = arith.select %xor3A_2107, %select_n3A_2100, %select_n3A_2063 : vector<16x2048xi1>, vector<16x2048xi32>
    %slice3A_2110 = vector.extract_strided_slice %select_n3A_2085 {offsets = [0, 1920], sizes = [16, 128], strides = [1, 1]} : vector<16x2048xf32> to vector<16x128xf32>
    %slice3A_2111 = vector.extract_strided_slice %select_n3A_2085 {offsets = [0, 0], sizes = [16, 1920], strides = [1, 1]} : vector<16x2048xf32> to vector<16x1920xf32>
    %concatenate3A_2112 = tpu.concatenate %slice3A_2110, %slice3A_2111 in 1 : vector<16x128xf32>, vector<16x1920xf32> -> vector<16x2048xf32>
    %slice3A_2113 = vector.extract_strided_slice %select_n3A_2085 {offsets = [0, 128], sizes = [16, 1920], strides = [1, 1]} : vector<16x2048xf32> to vector<16x1920xf32>
    %slice3A_2114 = vector.extract_strided_slice %select_n3A_2085 {offsets = [0, 0], sizes = [16, 128], strides = [1, 1]} : vector<16x2048xf32> to vector<16x128xf32>
    %concatenate3A_2115 = tpu.concatenate %slice3A_2113, %slice3A_2114 in 1 : vector<16x1920xf32>, vector<16x128xf32> -> vector<16x2048xf32>
    %select_n3A_2116 = arith.select %ne3A_50, %concatenate3A_2112, %concatenate3A_2115 : vector<16x2048xi1>, vector<16x2048xf32>
    %slice3A_2117 = vector.extract_strided_slice %select_n3A_2086 {offsets = [0, 1920], sizes = [16, 128], strides = [1, 1]} : vector<16x2048xi32> to vector<16x128xi32>
    %slice3A_2118 = vector.extract_strided_slice %select_n3A_2086 {offsets = [0, 0], sizes = [16, 1920], strides = [1, 1]} : vector<16x2048xi32> to vector<16x1920xi32>
    %concatenate3A_2119 = tpu.concatenate %slice3A_2117, %slice3A_2118 in 1 : vector<16x128xi32>, vector<16x1920xi32> -> vector<16x2048xi32>
    %slice3A_2120 = vector.extract_strided_slice %select_n3A_2086 {offsets = [0, 128], sizes = [16, 1920], strides = [1, 1]} : vector<16x2048xi32> to vector<16x1920xi32>
    %slice3A_2121 = vector.extract_strided_slice %select_n3A_2086 {offsets = [0, 0], sizes = [16, 128], strides = [1, 1]} : vector<16x2048xi32> to vector<16x128xi32>
    %concatenate3A_2122 = tpu.concatenate %slice3A_2120, %slice3A_2121 in 1 : vector<16x1920xi32>, vector<16x128xi32> -> vector<16x2048xi32>
    %select_n3A_2123 = arith.select %ne3A_50, %concatenate3A_2119, %concatenate3A_2122 : vector<16x2048xi1>, vector<16x2048xi32>
    %gt3A_2124 = arith.cmpf ogt, %select_n3A_2085, %select_n3A_2116 : vector<16x2048xf32>
    %eq3A_2125 = arith.cmpf oeq, %select_n3A_2085, %select_n3A_2116 : vector<16x2048xf32>
    %lt3A_2126 = arith.cmpi slt, %select_n3A_2086, %select_n3A_2123 : vector<16x2048xi32>
    %and3A_2127 = arith.andi %eq3A_2125, %lt3A_2126 : vector<16x2048xi1>
    %or3A_2128 = arith.ori %gt3A_2124, %and3A_2127 : vector<16x2048xi1>
    %xor3A_2129 = arith.xori %or3A_2128, %ne3A_50 : vector<16x2048xi1>
    %xor3A_2130 = arith.xori %xor3A_2129, %ne3A_38 : vector<16x2048xi1>
    %select_n3A_2131 = arith.select %xor3A_2130, %select_n3A_2116, %select_n3A_2085 : vector<16x2048xi1>, vector<16x2048xf32>
    %select_n3A_2132 = arith.select %xor3A_2130, %select_n3A_2123, %select_n3A_2086 : vector<16x2048xi1>, vector<16x2048xi32>
    %slice3A_2133 = vector.extract_strided_slice %select_n3A_2108 {offsets = [0, 2016], sizes = [16, 32], strides = [1, 1]} : vector<16x2048xf32> to vector<16x32xf32>
    %slice3A_2134 = vector.extract_strided_slice %select_n3A_2108 {offsets = [0, 0], sizes = [16, 2016], strides = [1, 1]} : vector<16x2048xf32> to vector<16x2016xf32>
    %concatenate3A_2135 = tpu.concatenate %slice3A_2133, %slice3A_2134 in 1 : vector<16x32xf32>, vector<16x2016xf32> -> vector<16x2048xf32>
    %slice3A_2136 = vector.extract_strided_slice %select_n3A_2108 {offsets = [0, 32], sizes = [16, 2016], strides = [1, 1]} : vector<16x2048xf32> to vector<16x2016xf32>
    %slice3A_2137 = vector.extract_strided_slice %select_n3A_2108 {offsets = [0, 0], sizes = [16, 32], strides = [1, 1]} : vector<16x2048xf32> to vector<16x32xf32>
    %concatenate3A_2138 = tpu.concatenate %slice3A_2136, %slice3A_2137 in 1 : vector<16x2016xf32>, vector<16x32xf32> -> vector<16x2048xf32>
    %select_n3A_2139 = arith.select %ne3A_38, %concatenate3A_2135, %concatenate3A_2138 : vector<16x2048xi1>, vector<16x2048xf32>
    %slice3A_2140 = vector.extract_strided_slice %select_n3A_2109 {offsets = [0, 2016], sizes = [16, 32], strides = [1, 1]} : vector<16x2048xi32> to vector<16x32xi32>
    %slice3A_2141 = vector.extract_strided_slice %select_n3A_2109 {offsets = [0, 0], sizes = [16, 2016], strides = [1, 1]} : vector<16x2048xi32> to vector<16x2016xi32>
    %concatenate3A_2142 = tpu.concatenate %slice3A_2140, %slice3A_2141 in 1 : vector<16x32xi32>, vector<16x2016xi32> -> vector<16x2048xi32>
    %slice3A_2143 = vector.extract_strided_slice %select_n3A_2109 {offsets = [0, 32], sizes = [16, 2016], strides = [1, 1]} : vector<16x2048xi32> to vector<16x2016xi32>
    %slice3A_2144 = vector.extract_strided_slice %select_n3A_2109 {offsets = [0, 0], sizes = [16, 32], strides = [1, 1]} : vector<16x2048xi32> to vector<16x32xi32>
    %concatenate3A_2145 = tpu.concatenate %slice3A_2143, %slice3A_2144 in 1 : vector<16x2016xi32>, vector<16x32xi32> -> vector<16x2048xi32>
    %select_n3A_2146 = arith.select %ne3A_38, %concatenate3A_2142, %concatenate3A_2145 : vector<16x2048xi1>, vector<16x2048xi32>
    %gt3A_2147 = arith.cmpf ogt, %select_n3A_2108, %select_n3A_2139 : vector<16x2048xf32>
    %eq3A_2148 = arith.cmpf oeq, %select_n3A_2108, %select_n3A_2139 : vector<16x2048xf32>
    %lt3A_2149 = arith.cmpi slt, %select_n3A_2109, %select_n3A_2146 : vector<16x2048xi32>
    %and3A_2150 = arith.andi %eq3A_2148, %lt3A_2149 : vector<16x2048xi1>
    %or3A_2151 = arith.ori %gt3A_2147, %and3A_2150 : vector<16x2048xi1>
    %xor3A_2152 = arith.xori %or3A_2151, %ne3A_38 : vector<16x2048xi1>
    %select_n3A_2153 = arith.select %xor3A_2152, %select_n3A_2108, %select_n3A_2139 : vector<16x2048xi1>, vector<16x2048xf32>
    %select_n3A_2154 = arith.select %xor3A_2152, %select_n3A_2109, %select_n3A_2146 : vector<16x2048xi1>, vector<16x2048xi32>
    %slice3A_2155 = vector.extract_strided_slice %select_n3A_2131 {offsets = [0, 2016], sizes = [16, 32], strides = [1, 1]} : vector<16x2048xf32> to vector<16x32xf32>
    %slice3A_2156 = vector.extract_strided_slice %select_n3A_2131 {offsets = [0, 0], sizes = [16, 2016], strides = [1, 1]} : vector<16x2048xf32> to vector<16x2016xf32>
    %concatenate3A_2157 = tpu.concatenate %slice3A_2155, %slice3A_2156 in 1 : vector<16x32xf32>, vector<16x2016xf32> -> vector<16x2048xf32>
    %slice3A_2158 = vector.extract_strided_slice %select_n3A_2131 {offsets = [0, 32], sizes = [16, 2016], strides = [1, 1]} : vector<16x2048xf32> to vector<16x2016xf32>
    %slice3A_2159 = vector.extract_strided_slice %select_n3A_2131 {offsets = [0, 0], sizes = [16, 32], strides = [1, 1]} : vector<16x2048xf32> to vector<16x32xf32>
    %concatenate3A_2160 = tpu.concatenate %slice3A_2158, %slice3A_2159 in 1 : vector<16x2016xf32>, vector<16x32xf32> -> vector<16x2048xf32>
    %select_n3A_2161 = arith.select %ne3A_38, %concatenate3A_2157, %concatenate3A_2160 : vector<16x2048xi1>, vector<16x2048xf32>
    %slice3A_2162 = vector.extract_strided_slice %select_n3A_2132 {offsets = [0, 2016], sizes = [16, 32], strides = [1, 1]} : vector<16x2048xi32> to vector<16x32xi32>
    %slice3A_2163 = vector.extract_strided_slice %select_n3A_2132 {offsets = [0, 0], sizes = [16, 2016], strides = [1, 1]} : vector<16x2048xi32> to vector<16x2016xi32>
    %concatenate3A_2164 = tpu.concatenate %slice3A_2162, %slice3A_2163 in 1 : vector<16x32xi32>, vector<16x2016xi32> -> vector<16x2048xi32>
    %slice3A_2165 = vector.extract_strided_slice %select_n3A_2132 {offsets = [0, 32], sizes = [16, 2016], strides = [1, 1]} : vector<16x2048xi32> to vector<16x2016xi32>
    %slice3A_2166 = vector.extract_strided_slice %select_n3A_2132 {offsets = [0, 0], sizes = [16, 32], strides = [1, 1]} : vector<16x2048xi32> to vector<16x32xi32>
    %concatenate3A_2167 = tpu.concatenate %slice3A_2165, %slice3A_2166 in 1 : vector<16x2016xi32>, vector<16x32xi32> -> vector<16x2048xi32>
    %select_n3A_2168 = arith.select %ne3A_38, %concatenate3A_2164, %concatenate3A_2167 : vector<16x2048xi1>, vector<16x2048xi32>
    %gt3A_2169 = arith.cmpf ogt, %select_n3A_2131, %select_n3A_2161 : vector<16x2048xf32>
    %eq3A_2170 = arith.cmpf oeq, %select_n3A_2131, %select_n3A_2161 : vector<16x2048xf32>
    %lt3A_2171 = arith.cmpi slt, %select_n3A_2132, %select_n3A_2168 : vector<16x2048xi32>
    %and3A_2172 = arith.andi %eq3A_2170, %lt3A_2171 : vector<16x2048xi1>
    %or3A_2173 = arith.ori %gt3A_2169, %and3A_2172 : vector<16x2048xi1>
    %xor3A_2174 = arith.xori %or3A_2173, %ne3A_38 : vector<16x2048xi1>
    %select_n3A_2175 = arith.select %xor3A_2174, %select_n3A_2131, %select_n3A_2161 : vector<16x2048xi1>, vector<16x2048xf32>
    %select_n3A_2176 = arith.select %xor3A_2174, %select_n3A_2132, %select_n3A_2168 : vector<16x2048xi1>, vector<16x2048xi32>
    %slice3A_2177 = vector.extract_strided_slice %select_n3A_2153 {offsets = [0, 2040], sizes = [16, 8], strides = [1, 1]} : vector<16x2048xf32> to vector<16x8xf32>
    %slice3A_2178 = vector.extract_strided_slice %select_n3A_2153 {offsets = [0, 0], sizes = [16, 2040], strides = [1, 1]} : vector<16x2048xf32> to vector<16x2040xf32>
    %concatenate3A_2179 = tpu.concatenate %slice3A_2177, %slice3A_2178 in 1 : vector<16x8xf32>, vector<16x2040xf32> -> vector<16x2048xf32>
    %slice3A_2180 = vector.extract_strided_slice %select_n3A_2153 {offsets = [0, 8], sizes = [16, 2040], strides = [1, 1]} : vector<16x2048xf32> to vector<16x2040xf32>
    %slice3A_2181 = vector.extract_strided_slice %select_n3A_2153 {offsets = [0, 0], sizes = [16, 8], strides = [1, 1]} : vector<16x2048xf32> to vector<16x8xf32>
    %concatenate3A_2182 = tpu.concatenate %slice3A_2180, %slice3A_2181 in 1 : vector<16x2040xf32>, vector<16x8xf32> -> vector<16x2048xf32>
    %select_n3A_2183 = arith.select %ne3A_26, %concatenate3A_2179, %concatenate3A_2182 : vector<16x2048xi1>, vector<16x2048xf32>
    %slice3A_2184 = vector.extract_strided_slice %select_n3A_2154 {offsets = [0, 2040], sizes = [16, 8], strides = [1, 1]} : vector<16x2048xi32> to vector<16x8xi32>
    %slice3A_2185 = vector.extract_strided_slice %select_n3A_2154 {offsets = [0, 0], sizes = [16, 2040], strides = [1, 1]} : vector<16x2048xi32> to vector<16x2040xi32>
    %concatenate3A_2186 = tpu.concatenate %slice3A_2184, %slice3A_2185 in 1 : vector<16x8xi32>, vector<16x2040xi32> -> vector<16x2048xi32>
    %slice3A_2187 = vector.extract_strided_slice %select_n3A_2154 {offsets = [0, 8], sizes = [16, 2040], strides = [1, 1]} : vector<16x2048xi32> to vector<16x2040xi32>
    %slice3A_2188 = vector.extract_strided_slice %select_n3A_2154 {offsets = [0, 0], sizes = [16, 8], strides = [1, 1]} : vector<16x2048xi32> to vector<16x8xi32>
    %concatenate3A_2189 = tpu.concatenate %slice3A_2187, %slice3A_2188 in 1 : vector<16x2040xi32>, vector<16x8xi32> -> vector<16x2048xi32>
    %select_n3A_2190 = arith.select %ne3A_26, %concatenate3A_2186, %concatenate3A_2189 : vector<16x2048xi1>, vector<16x2048xi32>
    %gt3A_2191 = arith.cmpf ogt, %select_n3A_2153, %select_n3A_2183 : vector<16x2048xf32>
    %eq3A_2192 = arith.cmpf oeq, %select_n3A_2153, %select_n3A_2183 : vector<16x2048xf32>
    %lt3A_2193 = arith.cmpi slt, %select_n3A_2154, %select_n3A_2190 : vector<16x2048xi32>
    %and3A_2194 = arith.andi %eq3A_2192, %lt3A_2193 : vector<16x2048xi1>
    %or3A_2195 = arith.ori %gt3A_2191, %and3A_2194 : vector<16x2048xi1>
    %xor3A_2196 = arith.xori %or3A_2195, %ne3A_26 : vector<16x2048xi1>
    %xor3A_2197 = arith.xori %xor3A_2196, %ne3A_44 : vector<16x2048xi1>
    %select_n3A_2198 = arith.select %xor3A_2197, %select_n3A_2183, %select_n3A_2153 : vector<16x2048xi1>, vector<16x2048xf32>
    %select_n3A_2199 = arith.select %xor3A_2197, %select_n3A_2190, %select_n3A_2154 : vector<16x2048xi1>, vector<16x2048xi32>
    %slice3A_2200 = vector.extract_strided_slice %select_n3A_2175 {offsets = [0, 2040], sizes = [16, 8], strides = [1, 1]} : vector<16x2048xf32> to vector<16x8xf32>
    %slice3A_2201 = vector.extract_strided_slice %select_n3A_2175 {offsets = [0, 0], sizes = [16, 2040], strides = [1, 1]} : vector<16x2048xf32> to vector<16x2040xf32>
    %concatenate3A_2202 = tpu.concatenate %slice3A_2200, %slice3A_2201 in 1 : vector<16x8xf32>, vector<16x2040xf32> -> vector<16x2048xf32>
    %slice3A_2203 = vector.extract_strided_slice %select_n3A_2175 {offsets = [0, 8], sizes = [16, 2040], strides = [1, 1]} : vector<16x2048xf32> to vector<16x2040xf32>
    %slice3A_2204 = vector.extract_strided_slice %select_n3A_2175 {offsets = [0, 0], sizes = [16, 8], strides = [1, 1]} : vector<16x2048xf32> to vector<16x8xf32>
    %concatenate3A_2205 = tpu.concatenate %slice3A_2203, %slice3A_2204 in 1 : vector<16x2040xf32>, vector<16x8xf32> -> vector<16x2048xf32>
    %select_n3A_2206 = arith.select %ne3A_26, %concatenate3A_2202, %concatenate3A_2205 : vector<16x2048xi1>, vector<16x2048xf32>
    %slice3A_2207 = vector.extract_strided_slice %select_n3A_2176 {offsets = [0, 2040], sizes = [16, 8], strides = [1, 1]} : vector<16x2048xi32> to vector<16x8xi32>
    %slice3A_2208 = vector.extract_strided_slice %select_n3A_2176 {offsets = [0, 0], sizes = [16, 2040], strides = [1, 1]} : vector<16x2048xi32> to vector<16x2040xi32>
    %concatenate3A_2209 = tpu.concatenate %slice3A_2207, %slice3A_2208 in 1 : vector<16x8xi32>, vector<16x2040xi32> -> vector<16x2048xi32>
    %slice3A_2210 = vector.extract_strided_slice %select_n3A_2176 {offsets = [0, 8], sizes = [16, 2040], strides = [1, 1]} : vector<16x2048xi32> to vector<16x2040xi32>
    %slice3A_2211 = vector.extract_strided_slice %select_n3A_2176 {offsets = [0, 0], sizes = [16, 8], strides = [1, 1]} : vector<16x2048xi32> to vector<16x8xi32>
    %concatenate3A_2212 = tpu.concatenate %slice3A_2210, %slice3A_2211 in 1 : vector<16x2040xi32>, vector<16x8xi32> -> vector<16x2048xi32>
    %select_n3A_2213 = arith.select %ne3A_26, %concatenate3A_2209, %concatenate3A_2212 : vector<16x2048xi1>, vector<16x2048xi32>
    %gt3A_2214 = arith.cmpf ogt, %select_n3A_2175, %select_n3A_2206 : vector<16x2048xf32>
    %eq3A_2215 = arith.cmpf oeq, %select_n3A_2175, %select_n3A_2206 : vector<16x2048xf32>
    %lt3A_2216 = arith.cmpi slt, %select_n3A_2176, %select_n3A_2213 : vector<16x2048xi32>
    %and3A_2217 = arith.andi %eq3A_2215, %lt3A_2216 : vector<16x2048xi1>
    %or3A_2218 = arith.ori %gt3A_2214, %and3A_2217 : vector<16x2048xi1>
    %xor3A_2219 = arith.xori %or3A_2218, %ne3A_26 : vector<16x2048xi1>
    %xor3A_2220 = arith.xori %xor3A_2219, %ne3A_44 : vector<16x2048xi1>
    %select_n3A_2221 = arith.select %xor3A_2220, %select_n3A_2206, %select_n3A_2175 : vector<16x2048xi1>, vector<16x2048xf32>
    %select_n3A_2222 = arith.select %xor3A_2220, %select_n3A_2213, %select_n3A_2176 : vector<16x2048xi1>, vector<16x2048xi32>
    %slice3A_2223 = vector.extract_strided_slice %select_n3A_2198 {offsets = [0, 2044], sizes = [16, 4], strides = [1, 1]} : vector<16x2048xf32> to vector<16x4xf32>
    %slice3A_2224 = vector.extract_strided_slice %select_n3A_2198 {offsets = [0, 0], sizes = [16, 2044], strides = [1, 1]} : vector<16x2048xf32> to vector<16x2044xf32>
    %concatenate3A_2225 = tpu.concatenate %slice3A_2223, %slice3A_2224 in 1 : vector<16x4xf32>, vector<16x2044xf32> -> vector<16x2048xf32>
    %slice3A_2226 = vector.extract_strided_slice %select_n3A_2198 {offsets = [0, 4], sizes = [16, 2044], strides = [1, 1]} : vector<16x2048xf32> to vector<16x2044xf32>
    %slice3A_2227 = vector.extract_strided_slice %select_n3A_2198 {offsets = [0, 0], sizes = [16, 4], strides = [1, 1]} : vector<16x2048xf32> to vector<16x4xf32>
    %concatenate3A_2228 = tpu.concatenate %slice3A_2226, %slice3A_2227 in 1 : vector<16x2044xf32>, vector<16x4xf32> -> vector<16x2048xf32>
    %select_n3A_2229 = arith.select %ne3A_20, %concatenate3A_2225, %concatenate3A_2228 : vector<16x2048xi1>, vector<16x2048xf32>
    %slice3A_2230 = vector.extract_strided_slice %select_n3A_2199 {offsets = [0, 2044], sizes = [16, 4], strides = [1, 1]} : vector<16x2048xi32> to vector<16x4xi32>
    %slice3A_2231 = vector.extract_strided_slice %select_n3A_2199 {offsets = [0, 0], sizes = [16, 2044], strides = [1, 1]} : vector<16x2048xi32> to vector<16x2044xi32>
    %concatenate3A_2232 = tpu.concatenate %slice3A_2230, %slice3A_2231 in 1 : vector<16x4xi32>, vector<16x2044xi32> -> vector<16x2048xi32>
    %slice3A_2233 = vector.extract_strided_slice %select_n3A_2199 {offsets = [0, 4], sizes = [16, 2044], strides = [1, 1]} : vector<16x2048xi32> to vector<16x2044xi32>
    %slice3A_2234 = vector.extract_strided_slice %select_n3A_2199 {offsets = [0, 0], sizes = [16, 4], strides = [1, 1]} : vector<16x2048xi32> to vector<16x4xi32>
    %concatenate3A_2235 = tpu.concatenate %slice3A_2233, %slice3A_2234 in 1 : vector<16x2044xi32>, vector<16x4xi32> -> vector<16x2048xi32>
    %select_n3A_2236 = arith.select %ne3A_20, %concatenate3A_2232, %concatenate3A_2235 : vector<16x2048xi1>, vector<16x2048xi32>
    %gt3A_2237 = arith.cmpf ogt, %select_n3A_2198, %select_n3A_2229 : vector<16x2048xf32>
    %eq3A_2238 = arith.cmpf oeq, %select_n3A_2198, %select_n3A_2229 : vector<16x2048xf32>
    %lt3A_2239 = arith.cmpi slt, %select_n3A_2199, %select_n3A_2236 : vector<16x2048xi32>
    %and3A_2240 = arith.andi %eq3A_2238, %lt3A_2239 : vector<16x2048xi1>
    %or3A_2241 = arith.ori %gt3A_2237, %and3A_2240 : vector<16x2048xi1>
    %xor3A_2242 = arith.xori %or3A_2241, %ne3A_20 : vector<16x2048xi1>
    %xor3A_2243 = arith.xori %xor3A_2242, %ne3A_44 : vector<16x2048xi1>
    %select_n3A_2244 = arith.select %xor3A_2243, %select_n3A_2229, %select_n3A_2198 : vector<16x2048xi1>, vector<16x2048xf32>
    %select_n3A_2245 = arith.select %xor3A_2243, %select_n3A_2236, %select_n3A_2199 : vector<16x2048xi1>, vector<16x2048xi32>
    %slice3A_2246 = vector.extract_strided_slice %select_n3A_2221 {offsets = [0, 2044], sizes = [16, 4], strides = [1, 1]} : vector<16x2048xf32> to vector<16x4xf32>
    %slice3A_2247 = vector.extract_strided_slice %select_n3A_2221 {offsets = [0, 0], sizes = [16, 2044], strides = [1, 1]} : vector<16x2048xf32> to vector<16x2044xf32>
    %concatenate3A_2248 = tpu.concatenate %slice3A_2246, %slice3A_2247 in 1 : vector<16x4xf32>, vector<16x2044xf32> -> vector<16x2048xf32>
    %slice3A_2249 = vector.extract_strided_slice %select_n3A_2221 {offsets = [0, 4], sizes = [16, 2044], strides = [1, 1]} : vector<16x2048xf32> to vector<16x2044xf32>
    %slice3A_2250 = vector.extract_strided_slice %select_n3A_2221 {offsets = [0, 0], sizes = [16, 4], strides = [1, 1]} : vector<16x2048xf32> to vector<16x4xf32>
    %concatenate3A_2251 = tpu.concatenate %slice3A_2249, %slice3A_2250 in 1 : vector<16x2044xf32>, vector<16x4xf32> -> vector<16x2048xf32>
    %select_n3A_2252 = arith.select %ne3A_20, %concatenate3A_2248, %concatenate3A_2251 : vector<16x2048xi1>, vector<16x2048xf32>
    %slice3A_2253 = vector.extract_strided_slice %select_n3A_2222 {offsets = [0, 2044], sizes = [16, 4], strides = [1, 1]} : vector<16x2048xi32> to vector<16x4xi32>
    %slice3A_2254 = vector.extract_strided_slice %select_n3A_2222 {offsets = [0, 0], sizes = [16, 2044], strides = [1, 1]} : vector<16x2048xi32> to vector<16x2044xi32>
    %concatenate3A_2255 = tpu.concatenate %slice3A_2253, %slice3A_2254 in 1 : vector<16x4xi32>, vector<16x2044xi32> -> vector<16x2048xi32>
    %slice3A_2256 = vector.extract_strided_slice %select_n3A_2222 {offsets = [0, 4], sizes = [16, 2044], strides = [1, 1]} : vector<16x2048xi32> to vector<16x2044xi32>
    %slice3A_2257 = vector.extract_strided_slice %select_n3A_2222 {offsets = [0, 0], sizes = [16, 4], strides = [1, 1]} : vector<16x2048xi32> to vector<16x4xi32>
    %concatenate3A_2258 = tpu.concatenate %slice3A_2256, %slice3A_2257 in 1 : vector<16x2044xi32>, vector<16x4xi32> -> vector<16x2048xi32>
    %select_n3A_2259 = arith.select %ne3A_20, %concatenate3A_2255, %concatenate3A_2258 : vector<16x2048xi1>, vector<16x2048xi32>
    %gt3A_2260 = arith.cmpf ogt, %select_n3A_2221, %select_n3A_2252 : vector<16x2048xf32>
    %eq3A_2261 = arith.cmpf oeq, %select_n3A_2221, %select_n3A_2252 : vector<16x2048xf32>
    %lt3A_2262 = arith.cmpi slt, %select_n3A_2222, %select_n3A_2259 : vector<16x2048xi32>
    %and3A_2263 = arith.andi %eq3A_2261, %lt3A_2262 : vector<16x2048xi1>
    %or3A_2264 = arith.ori %gt3A_2260, %and3A_2263 : vector<16x2048xi1>
    %xor3A_2265 = arith.xori %or3A_2264, %ne3A_20 : vector<16x2048xi1>
    %xor3A_2266 = arith.xori %xor3A_2265, %ne3A_44 : vector<16x2048xi1>
    %select_n3A_2267 = arith.select %xor3A_2266, %select_n3A_2252, %select_n3A_2221 : vector<16x2048xi1>, vector<16x2048xf32>
    %select_n3A_2268 = arith.select %xor3A_2266, %select_n3A_2259, %select_n3A_2222 : vector<16x2048xi1>, vector<16x2048xi32>
    %slice3A_2269 = vector.extract_strided_slice %select_n3A_2244 {offsets = [0, 2046], sizes = [16, 2], strides = [1, 1]} : vector<16x2048xf32> to vector<16x2xf32>
    %slice3A_2270 = vector.extract_strided_slice %select_n3A_2244 {offsets = [0, 0], sizes = [16, 2046], strides = [1, 1]} : vector<16x2048xf32> to vector<16x2046xf32>
    %concatenate3A_2271 = tpu.concatenate %slice3A_2269, %slice3A_2270 in 1 : vector<16x2xf32>, vector<16x2046xf32> -> vector<16x2048xf32>
    %slice3A_2272 = vector.extract_strided_slice %select_n3A_2244 {offsets = [0, 2], sizes = [16, 2046], strides = [1, 1]} : vector<16x2048xf32> to vector<16x2046xf32>
    %slice3A_2273 = vector.extract_strided_slice %select_n3A_2244 {offsets = [0, 0], sizes = [16, 2], strides = [1, 1]} : vector<16x2048xf32> to vector<16x2xf32>
    %concatenate3A_2274 = tpu.concatenate %slice3A_2272, %slice3A_2273 in 1 : vector<16x2046xf32>, vector<16x2xf32> -> vector<16x2048xf32>
    %select_n3A_2275 = arith.select %ne3A_14, %concatenate3A_2271, %concatenate3A_2274 : vector<16x2048xi1>, vector<16x2048xf32>
    %slice3A_2276 = vector.extract_strided_slice %select_n3A_2245 {offsets = [0, 2046], sizes = [16, 2], strides = [1, 1]} : vector<16x2048xi32> to vector<16x2xi32>
    %slice3A_2277 = vector.extract_strided_slice %select_n3A_2245 {offsets = [0, 0], sizes = [16, 2046], strides = [1, 1]} : vector<16x2048xi32> to vector<16x2046xi32>
    %concatenate3A_2278 = tpu.concatenate %slice3A_2276, %slice3A_2277 in 1 : vector<16x2xi32>, vector<16x2046xi32> -> vector<16x2048xi32>
    %slice3A_2279 = vector.extract_strided_slice %select_n3A_2245 {offsets = [0, 2], sizes = [16, 2046], strides = [1, 1]} : vector<16x2048xi32> to vector<16x2046xi32>
    %slice3A_2280 = vector.extract_strided_slice %select_n3A_2245 {offsets = [0, 0], sizes = [16, 2], strides = [1, 1]} : vector<16x2048xi32> to vector<16x2xi32>
    %concatenate3A_2281 = tpu.concatenate %slice3A_2279, %slice3A_2280 in 1 : vector<16x2046xi32>, vector<16x2xi32> -> vector<16x2048xi32>
    %select_n3A_2282 = arith.select %ne3A_14, %concatenate3A_2278, %concatenate3A_2281 : vector<16x2048xi1>, vector<16x2048xi32>
    %gt3A_2283 = arith.cmpf ogt, %select_n3A_2244, %select_n3A_2275 : vector<16x2048xf32>
    %eq3A_2284 = arith.cmpf oeq, %select_n3A_2244, %select_n3A_2275 : vector<16x2048xf32>
    %lt3A_2285 = arith.cmpi slt, %select_n3A_2245, %select_n3A_2282 : vector<16x2048xi32>
    %and3A_2286 = arith.andi %eq3A_2284, %lt3A_2285 : vector<16x2048xi1>
    %or3A_2287 = arith.ori %gt3A_2283, %and3A_2286 : vector<16x2048xi1>
    %xor3A_2288 = arith.xori %or3A_2287, %ne3A_14 : vector<16x2048xi1>
    %xor3A_2289 = arith.xori %xor3A_2288, %ne3A_44 : vector<16x2048xi1>
    %select_n3A_2290 = arith.select %xor3A_2289, %select_n3A_2275, %select_n3A_2244 : vector<16x2048xi1>, vector<16x2048xf32>
    %select_n3A_2291 = arith.select %xor3A_2289, %select_n3A_2282, %select_n3A_2245 : vector<16x2048xi1>, vector<16x2048xi32>
    %slice3A_2292 = vector.extract_strided_slice %select_n3A_2267 {offsets = [0, 2046], sizes = [16, 2], strides = [1, 1]} : vector<16x2048xf32> to vector<16x2xf32>
    %slice3A_2293 = vector.extract_strided_slice %select_n3A_2267 {offsets = [0, 0], sizes = [16, 2046], strides = [1, 1]} : vector<16x2048xf32> to vector<16x2046xf32>
    %concatenate3A_2294 = tpu.concatenate %slice3A_2292, %slice3A_2293 in 1 : vector<16x2xf32>, vector<16x2046xf32> -> vector<16x2048xf32>
    %slice3A_2295 = vector.extract_strided_slice %select_n3A_2267 {offsets = [0, 2], sizes = [16, 2046], strides = [1, 1]} : vector<16x2048xf32> to vector<16x2046xf32>
    %slice3A_2296 = vector.extract_strided_slice %select_n3A_2267 {offsets = [0, 0], sizes = [16, 2], strides = [1, 1]} : vector<16x2048xf32> to vector<16x2xf32>
    %concatenate3A_2297 = tpu.concatenate %slice3A_2295, %slice3A_2296 in 1 : vector<16x2046xf32>, vector<16x2xf32> -> vector<16x2048xf32>
    %select_n3A_2298 = arith.select %ne3A_14, %concatenate3A_2294, %concatenate3A_2297 : vector<16x2048xi1>, vector<16x2048xf32>
    %slice3A_2299 = vector.extract_strided_slice %select_n3A_2268 {offsets = [0, 2046], sizes = [16, 2], strides = [1, 1]} : vector<16x2048xi32> to vector<16x2xi32>
    %slice3A_2300 = vector.extract_strided_slice %select_n3A_2268 {offsets = [0, 0], sizes = [16, 2046], strides = [1, 1]} : vector<16x2048xi32> to vector<16x2046xi32>
    %concatenate3A_2301 = tpu.concatenate %slice3A_2299, %slice3A_2300 in 1 : vector<16x2xi32>, vector<16x2046xi32> -> vector<16x2048xi32>
    %slice3A_2302 = vector.extract_strided_slice %select_n3A_2268 {offsets = [0, 2], sizes = [16, 2046], strides = [1, 1]} : vector<16x2048xi32> to vector<16x2046xi32>
    %slice3A_2303 = vector.extract_strided_slice %select_n3A_2268 {offsets = [0, 0], sizes = [16, 2], strides = [1, 1]} : vector<16x2048xi32> to vector<16x2xi32>
    %concatenate3A_2304 = tpu.concatenate %slice3A_2302, %slice3A_2303 in 1 : vector<16x2046xi32>, vector<16x2xi32> -> vector<16x2048xi32>
    %select_n3A_2305 = arith.select %ne3A_14, %concatenate3A_2301, %concatenate3A_2304 : vector<16x2048xi1>, vector<16x2048xi32>
    %gt3A_2306 = arith.cmpf ogt, %select_n3A_2267, %select_n3A_2298 : vector<16x2048xf32>
    %eq3A_2307 = arith.cmpf oeq, %select_n3A_2267, %select_n3A_2298 : vector<16x2048xf32>
    %lt3A_2308 = arith.cmpi slt, %select_n3A_2268, %select_n3A_2305 : vector<16x2048xi32>
    %and3A_2309 = arith.andi %eq3A_2307, %lt3A_2308 : vector<16x2048xi1>
    %or3A_2310 = arith.ori %gt3A_2306, %and3A_2309 : vector<16x2048xi1>
    %xor3A_2311 = arith.xori %or3A_2310, %ne3A_14 : vector<16x2048xi1>
    %xor3A_2312 = arith.xori %xor3A_2311, %ne3A_44 : vector<16x2048xi1>
    %select_n3A_2313 = arith.select %xor3A_2312, %select_n3A_2298, %select_n3A_2267 : vector<16x2048xi1>, vector<16x2048xf32>
    %select_n3A_2314 = arith.select %xor3A_2312, %select_n3A_2305, %select_n3A_2268 : vector<16x2048xi1>, vector<16x2048xi32>
    %slice3A_2315 = vector.extract_strided_slice %select_n3A_2290 {offsets = [0, 2047], sizes = [16, 1], strides = [1, 1]} : vector<16x2048xf32> to vector<16x1xf32>
    %slice3A_2316 = vector.extract_strided_slice %select_n3A_2290 {offsets = [0, 0], sizes = [16, 2047], strides = [1, 1]} : vector<16x2048xf32> to vector<16x2047xf32>
    %concatenate3A_2317 = tpu.concatenate %slice3A_2315, %slice3A_2316 in 1 : vector<16x1xf32>, vector<16x2047xf32> -> vector<16x2048xf32>
    %slice3A_2318 = vector.extract_strided_slice %select_n3A_2290 {offsets = [0, 1], sizes = [16, 2047], strides = [1, 1]} : vector<16x2048xf32> to vector<16x2047xf32>
    %slice3A_2319 = vector.extract_strided_slice %select_n3A_2290 {offsets = [0, 0], sizes = [16, 1], strides = [1, 1]} : vector<16x2048xf32> to vector<16x1xf32>
    %concatenate3A_2320 = tpu.concatenate %slice3A_2318, %slice3A_2319 in 1 : vector<16x2047xf32>, vector<16x1xf32> -> vector<16x2048xf32>
    %select_n3A_2321 = arith.select %ne3A_8, %concatenate3A_2317, %concatenate3A_2320 : vector<16x2048xi1>, vector<16x2048xf32>
    %slice3A_2322 = vector.extract_strided_slice %select_n3A_2291 {offsets = [0, 2047], sizes = [16, 1], strides = [1, 1]} : vector<16x2048xi32> to vector<16x1xi32>
    %slice3A_2323 = vector.extract_strided_slice %select_n3A_2291 {offsets = [0, 0], sizes = [16, 2047], strides = [1, 1]} : vector<16x2048xi32> to vector<16x2047xi32>
    %concatenate3A_2324 = tpu.concatenate %slice3A_2322, %slice3A_2323 in 1 : vector<16x1xi32>, vector<16x2047xi32> -> vector<16x2048xi32>
    %slice3A_2325 = vector.extract_strided_slice %select_n3A_2291 {offsets = [0, 1], sizes = [16, 2047], strides = [1, 1]} : vector<16x2048xi32> to vector<16x2047xi32>
    %slice3A_2326 = vector.extract_strided_slice %select_n3A_2291 {offsets = [0, 0], sizes = [16, 1], strides = [1, 1]} : vector<16x2048xi32> to vector<16x1xi32>
    %concatenate3A_2327 = tpu.concatenate %slice3A_2325, %slice3A_2326 in 1 : vector<16x2047xi32>, vector<16x1xi32> -> vector<16x2048xi32>
    %select_n3A_2328 = arith.select %ne3A_8, %concatenate3A_2324, %concatenate3A_2327 : vector<16x2048xi1>, vector<16x2048xi32>
    %gt3A_2329 = arith.cmpf ogt, %select_n3A_2290, %select_n3A_2321 : vector<16x2048xf32>
    %eq3A_2330 = arith.cmpf oeq, %select_n3A_2290, %select_n3A_2321 : vector<16x2048xf32>
    %lt3A_2331 = arith.cmpi slt, %select_n3A_2291, %select_n3A_2328 : vector<16x2048xi32>
    %and3A_2332 = arith.andi %eq3A_2330, %lt3A_2331 : vector<16x2048xi1>
    %or3A_2333 = arith.ori %gt3A_2329, %and3A_2332 : vector<16x2048xi1>
    %xor3A_2334 = arith.xori %or3A_2333, %ne3A_8 : vector<16x2048xi1>
    %xor3A_2335 = arith.xori %xor3A_2334, %ne3A_44 : vector<16x2048xi1>
    %select_n3A_2336 = arith.select %xor3A_2335, %select_n3A_2321, %select_n3A_2290 : vector<16x2048xi1>, vector<16x2048xf32>
    %select_n3A_2337 = arith.select %xor3A_2335, %select_n3A_2328, %select_n3A_2291 : vector<16x2048xi1>, vector<16x2048xi32>
    %slice3A_2338 = vector.extract_strided_slice %select_n3A_2313 {offsets = [0, 2047], sizes = [16, 1], strides = [1, 1]} : vector<16x2048xf32> to vector<16x1xf32>
    %slice3A_2339 = vector.extract_strided_slice %select_n3A_2313 {offsets = [0, 0], sizes = [16, 2047], strides = [1, 1]} : vector<16x2048xf32> to vector<16x2047xf32>
    %concatenate3A_2340 = tpu.concatenate %slice3A_2338, %slice3A_2339 in 1 : vector<16x1xf32>, vector<16x2047xf32> -> vector<16x2048xf32>
    %slice3A_2341 = vector.extract_strided_slice %select_n3A_2313 {offsets = [0, 1], sizes = [16, 2047], strides = [1, 1]} : vector<16x2048xf32> to vector<16x2047xf32>
    %slice3A_2342 = vector.extract_strided_slice %select_n3A_2313 {offsets = [0, 0], sizes = [16, 1], strides = [1, 1]} : vector<16x2048xf32> to vector<16x1xf32>
    %concatenate3A_2343 = tpu.concatenate %slice3A_2341, %slice3A_2342 in 1 : vector<16x2047xf32>, vector<16x1xf32> -> vector<16x2048xf32>
    %select_n3A_2344 = arith.select %ne3A_8, %concatenate3A_2340, %concatenate3A_2343 : vector<16x2048xi1>, vector<16x2048xf32>
    %slice3A_2345 = vector.extract_strided_slice %select_n3A_2314 {offsets = [0, 2047], sizes = [16, 1], strides = [1, 1]} : vector<16x2048xi32> to vector<16x1xi32>
    %slice3A_2346 = vector.extract_strided_slice %select_n3A_2314 {offsets = [0, 0], sizes = [16, 2047], strides = [1, 1]} : vector<16x2048xi32> to vector<16x2047xi32>
    %concatenate3A_2347 = tpu.concatenate %slice3A_2345, %slice3A_2346 in 1 : vector<16x1xi32>, vector<16x2047xi32> -> vector<16x2048xi32>
    %slice3A_2348 = vector.extract_strided_slice %select_n3A_2314 {offsets = [0, 1], sizes = [16, 2047], strides = [1, 1]} : vector<16x2048xi32> to vector<16x2047xi32>
    %slice3A_2349 = vector.extract_strided_slice %select_n3A_2314 {offsets = [0, 0], sizes = [16, 1], strides = [1, 1]} : vector<16x2048xi32> to vector<16x1xi32>
    %concatenate3A_2350 = tpu.concatenate %slice3A_2348, %slice3A_2349 in 1 : vector<16x2047xi32>, vector<16x1xi32> -> vector<16x2048xi32>
    %select_n3A_2351 = arith.select %ne3A_8, %concatenate3A_2347, %concatenate3A_2350 : vector<16x2048xi1>, vector<16x2048xi32>
    %gt3A_2352 = arith.cmpf ogt, %select_n3A_2313, %select_n3A_2344 : vector<16x2048xf32>
    %eq3A_2353 = arith.cmpf oeq, %select_n3A_2313, %select_n3A_2344 : vector<16x2048xf32>
    %lt3A_2354 = arith.cmpi slt, %select_n3A_2314, %select_n3A_2351 : vector<16x2048xi32>
    %and3A_2355 = arith.andi %eq3A_2353, %lt3A_2354 : vector<16x2048xi1>
    %or3A_2356 = arith.ori %gt3A_2352, %and3A_2355 : vector<16x2048xi1>
    %xor3A_2357 = arith.xori %or3A_2356, %ne3A_8 : vector<16x2048xi1>
    %xor3A_2358 = arith.xori %xor3A_2357, %ne3A_44 : vector<16x2048xi1>
    %select_n3A_2359 = arith.select %xor3A_2358, %select_n3A_2344, %select_n3A_2313 : vector<16x2048xi1>, vector<16x2048xf32>
    %select_n3A_2360 = arith.select %xor3A_2358, %select_n3A_2351, %select_n3A_2314 : vector<16x2048xi1>, vector<16x2048xi32>
    %slice3A_2361 = vector.extract_strided_slice %select_n3A_2336 {offsets = [0, 1024], sizes = [16, 1024], strides = [1, 1]} : vector<16x2048xf32> to vector<16x1024xf32>
    %slice3A_2362 = vector.extract_strided_slice %select_n3A_2336 {offsets = [0, 0], sizes = [16, 1024], strides = [1, 1]} : vector<16x2048xf32> to vector<16x1024xf32>
    %concatenate3A_2363 = tpu.concatenate %slice3A_2361, %slice3A_2362 in 1 : vector<16x1024xf32>, vector<16x1024xf32> -> vector<16x2048xf32>
    %slice3A_2364 = vector.extract_strided_slice %select_n3A_2336 {offsets = [0, 1024], sizes = [16, 1024], strides = [1, 1]} : vector<16x2048xf32> to vector<16x1024xf32>
    %slice3A_2365 = vector.extract_strided_slice %select_n3A_2336 {offsets = [0, 0], sizes = [16, 1024], strides = [1, 1]} : vector<16x2048xf32> to vector<16x1024xf32>
    %concatenate3A_2366 = tpu.concatenate %slice3A_2364, %slice3A_2365 in 1 : vector<16x1024xf32>, vector<16x1024xf32> -> vector<16x2048xf32>
    %select_n3A_2367 = arith.select %ne3A_68, %concatenate3A_2363, %concatenate3A_2366 : vector<16x2048xi1>, vector<16x2048xf32>
    %slice3A_2368 = vector.extract_strided_slice %select_n3A_2337 {offsets = [0, 1024], sizes = [16, 1024], strides = [1, 1]} : vector<16x2048xi32> to vector<16x1024xi32>
    %slice3A_2369 = vector.extract_strided_slice %select_n3A_2337 {offsets = [0, 0], sizes = [16, 1024], strides = [1, 1]} : vector<16x2048xi32> to vector<16x1024xi32>
    %concatenate3A_2370 = tpu.concatenate %slice3A_2368, %slice3A_2369 in 1 : vector<16x1024xi32>, vector<16x1024xi32> -> vector<16x2048xi32>
    %slice3A_2371 = vector.extract_strided_slice %select_n3A_2337 {offsets = [0, 1024], sizes = [16, 1024], strides = [1, 1]} : vector<16x2048xi32> to vector<16x1024xi32>
    %slice3A_2372 = vector.extract_strided_slice %select_n3A_2337 {offsets = [0, 0], sizes = [16, 1024], strides = [1, 1]} : vector<16x2048xi32> to vector<16x1024xi32>
    %concatenate3A_2373 = tpu.concatenate %slice3A_2371, %slice3A_2372 in 1 : vector<16x1024xi32>, vector<16x1024xi32> -> vector<16x2048xi32>
    %select_n3A_2374 = arith.select %ne3A_68, %concatenate3A_2370, %concatenate3A_2373 : vector<16x2048xi1>, vector<16x2048xi32>
    %gt3A_2375 = arith.cmpf ogt, %select_n3A_2336, %select_n3A_2367 : vector<16x2048xf32>
    %eq3A_2376 = arith.cmpf oeq, %select_n3A_2336, %select_n3A_2367 : vector<16x2048xf32>
    %lt3A_2377 = arith.cmpi slt, %select_n3A_2337, %select_n3A_2374 : vector<16x2048xi32>
    %and3A_2378 = arith.andi %eq3A_2376, %lt3A_2377 : vector<16x2048xi1>
    %or3A_2379 = arith.ori %gt3A_2375, %and3A_2378 : vector<16x2048xi1>
    %xor3A_2380 = arith.xori %or3A_2379, %ne3A_68 : vector<16x2048xi1>
    %xor3A_2381 = arith.xori %xor3A_2380, %ne3A_44 : vector<16x2048xi1>
    %select_n3A_2382 = arith.select %xor3A_2381, %select_n3A_2367, %select_n3A_2336 : vector<16x2048xi1>, vector<16x2048xf32>
    %select_n3A_2383 = arith.select %xor3A_2381, %select_n3A_2374, %select_n3A_2337 : vector<16x2048xi1>, vector<16x2048xi32>
    %slice3A_2384 = vector.extract_strided_slice %select_n3A_2359 {offsets = [0, 1024], sizes = [16, 1024], strides = [1, 1]} : vector<16x2048xf32> to vector<16x1024xf32>
    %slice3A_2385 = vector.extract_strided_slice %select_n3A_2359 {offsets = [0, 0], sizes = [16, 1024], strides = [1, 1]} : vector<16x2048xf32> to vector<16x1024xf32>
    %concatenate3A_2386 = tpu.concatenate %slice3A_2384, %slice3A_2385 in 1 : vector<16x1024xf32>, vector<16x1024xf32> -> vector<16x2048xf32>
    %slice3A_2387 = vector.extract_strided_slice %select_n3A_2359 {offsets = [0, 1024], sizes = [16, 1024], strides = [1, 1]} : vector<16x2048xf32> to vector<16x1024xf32>
    %slice3A_2388 = vector.extract_strided_slice %select_n3A_2359 {offsets = [0, 0], sizes = [16, 1024], strides = [1, 1]} : vector<16x2048xf32> to vector<16x1024xf32>
    %concatenate3A_2389 = tpu.concatenate %slice3A_2387, %slice3A_2388 in 1 : vector<16x1024xf32>, vector<16x1024xf32> -> vector<16x2048xf32>
    %select_n3A_2390 = arith.select %ne3A_68, %concatenate3A_2386, %concatenate3A_2389 : vector<16x2048xi1>, vector<16x2048xf32>
    %slice3A_2391 = vector.extract_strided_slice %select_n3A_2360 {offsets = [0, 1024], sizes = [16, 1024], strides = [1, 1]} : vector<16x2048xi32> to vector<16x1024xi32>
    %slice3A_2392 = vector.extract_strided_slice %select_n3A_2360 {offsets = [0, 0], sizes = [16, 1024], strides = [1, 1]} : vector<16x2048xi32> to vector<16x1024xi32>
    %concatenate3A_2393 = tpu.concatenate %slice3A_2391, %slice3A_2392 in 1 : vector<16x1024xi32>, vector<16x1024xi32> -> vector<16x2048xi32>
    %slice3A_2394 = vector.extract_strided_slice %select_n3A_2360 {offsets = [0, 1024], sizes = [16, 1024], strides = [1, 1]} : vector<16x2048xi32> to vector<16x1024xi32>
    %slice3A_2395 = vector.extract_strided_slice %select_n3A_2360 {offsets = [0, 0], sizes = [16, 1024], strides = [1, 1]} : vector<16x2048xi32> to vector<16x1024xi32>
    %concatenate3A_2396 = tpu.concatenate %slice3A_2394, %slice3A_2395 in 1 : vector<16x1024xi32>, vector<16x1024xi32> -> vector<16x2048xi32>
    %select_n3A_2397 = arith.select %ne3A_68, %concatenate3A_2393, %concatenate3A_2396 : vector<16x2048xi1>, vector<16x2048xi32>
    %gt3A_2398 = arith.cmpf ogt, %select_n3A_2359, %select_n3A_2390 : vector<16x2048xf32>
    %eq3A_2399 = arith.cmpf oeq, %select_n3A_2359, %select_n3A_2390 : vector<16x2048xf32>
    %lt3A_2400 = arith.cmpi slt, %select_n3A_2360, %select_n3A_2397 : vector<16x2048xi32>
    %and3A_2401 = arith.andi %eq3A_2399, %lt3A_2400 : vector<16x2048xi1>
    %or3A_2402 = arith.ori %gt3A_2398, %and3A_2401 : vector<16x2048xi1>
    %xor3A_2403 = arith.xori %or3A_2402, %ne3A_68 : vector<16x2048xi1>
    %xor3A_2404 = arith.xori %xor3A_2403, %ne3A_44 : vector<16x2048xi1>
    %select_n3A_2405 = arith.select %xor3A_2404, %select_n3A_2390, %select_n3A_2359 : vector<16x2048xi1>, vector<16x2048xf32>
    %select_n3A_2406 = arith.select %xor3A_2404, %select_n3A_2397, %select_n3A_2360 : vector<16x2048xi1>, vector<16x2048xi32>
    %slice3A_2407 = vector.extract_strided_slice %select_n3A_2382 {offsets = [0, 1536], sizes = [16, 512], strides = [1, 1]} : vector<16x2048xf32> to vector<16x512xf32>
    %slice3A_2408 = vector.extract_strided_slice %select_n3A_2382 {offsets = [0, 0], sizes = [16, 1536], strides = [1, 1]} : vector<16x2048xf32> to vector<16x1536xf32>
    %concatenate3A_2409 = tpu.concatenate %slice3A_2407, %slice3A_2408 in 1 : vector<16x512xf32>, vector<16x1536xf32> -> vector<16x2048xf32>
    %slice3A_2410 = vector.extract_strided_slice %select_n3A_2382 {offsets = [0, 512], sizes = [16, 1536], strides = [1, 1]} : vector<16x2048xf32> to vector<16x1536xf32>
    %slice3A_2411 = vector.extract_strided_slice %select_n3A_2382 {offsets = [0, 0], sizes = [16, 512], strides = [1, 1]} : vector<16x2048xf32> to vector<16x512xf32>
    %concatenate3A_2412 = tpu.concatenate %slice3A_2410, %slice3A_2411 in 1 : vector<16x1536xf32>, vector<16x512xf32> -> vector<16x2048xf32>
    %select_n3A_2413 = arith.select %ne3A_62, %concatenate3A_2409, %concatenate3A_2412 : vector<16x2048xi1>, vector<16x2048xf32>
    %slice3A_2414 = vector.extract_strided_slice %select_n3A_2383 {offsets = [0, 1536], sizes = [16, 512], strides = [1, 1]} : vector<16x2048xi32> to vector<16x512xi32>
    %slice3A_2415 = vector.extract_strided_slice %select_n3A_2383 {offsets = [0, 0], sizes = [16, 1536], strides = [1, 1]} : vector<16x2048xi32> to vector<16x1536xi32>
    %concatenate3A_2416 = tpu.concatenate %slice3A_2414, %slice3A_2415 in 1 : vector<16x512xi32>, vector<16x1536xi32> -> vector<16x2048xi32>
    %slice3A_2417 = vector.extract_strided_slice %select_n3A_2383 {offsets = [0, 512], sizes = [16, 1536], strides = [1, 1]} : vector<16x2048xi32> to vector<16x1536xi32>
    %slice3A_2418 = vector.extract_strided_slice %select_n3A_2383 {offsets = [0, 0], sizes = [16, 512], strides = [1, 1]} : vector<16x2048xi32> to vector<16x512xi32>
    %concatenate3A_2419 = tpu.concatenate %slice3A_2417, %slice3A_2418 in 1 : vector<16x1536xi32>, vector<16x512xi32> -> vector<16x2048xi32>
    %select_n3A_2420 = arith.select %ne3A_62, %concatenate3A_2416, %concatenate3A_2419 : vector<16x2048xi1>, vector<16x2048xi32>
    %gt3A_2421 = arith.cmpf ogt, %select_n3A_2382, %select_n3A_2413 : vector<16x2048xf32>
    %eq3A_2422 = arith.cmpf oeq, %select_n3A_2382, %select_n3A_2413 : vector<16x2048xf32>
    %lt3A_2423 = arith.cmpi slt, %select_n3A_2383, %select_n3A_2420 : vector<16x2048xi32>
    %and3A_2424 = arith.andi %eq3A_2422, %lt3A_2423 : vector<16x2048xi1>
    %or3A_2425 = arith.ori %gt3A_2421, %and3A_2424 : vector<16x2048xi1>
    %xor3A_2426 = arith.xori %or3A_2425, %ne3A_62 : vector<16x2048xi1>
    %xor3A_2427 = arith.xori %xor3A_2426, %ne3A_44 : vector<16x2048xi1>
    %select_n3A_2428 = arith.select %xor3A_2427, %select_n3A_2413, %select_n3A_2382 : vector<16x2048xi1>, vector<16x2048xf32>
    %select_n3A_2429 = arith.select %xor3A_2427, %select_n3A_2420, %select_n3A_2383 : vector<16x2048xi1>, vector<16x2048xi32>
    %slice3A_2430 = vector.extract_strided_slice %select_n3A_2405 {offsets = [0, 1536], sizes = [16, 512], strides = [1, 1]} : vector<16x2048xf32> to vector<16x512xf32>
    %slice3A_2431 = vector.extract_strided_slice %select_n3A_2405 {offsets = [0, 0], sizes = [16, 1536], strides = [1, 1]} : vector<16x2048xf32> to vector<16x1536xf32>
    %concatenate3A_2432 = tpu.concatenate %slice3A_2430, %slice3A_2431 in 1 : vector<16x512xf32>, vector<16x1536xf32> -> vector<16x2048xf32>
    %slice3A_2433 = vector.extract_strided_slice %select_n3A_2405 {offsets = [0, 512], sizes = [16, 1536], strides = [1, 1]} : vector<16x2048xf32> to vector<16x1536xf32>
    %slice3A_2434 = vector.extract_strided_slice %select_n3A_2405 {offsets = [0, 0], sizes = [16, 512], strides = [1, 1]} : vector<16x2048xf32> to vector<16x512xf32>
    %concatenate3A_2435 = tpu.concatenate %slice3A_2433, %slice3A_2434 in 1 : vector<16x1536xf32>, vector<16x512xf32> -> vector<16x2048xf32>
    %select_n3A_2436 = arith.select %ne3A_62, %concatenate3A_2432, %concatenate3A_2435 : vector<16x2048xi1>, vector<16x2048xf32>
    %slice3A_2437 = vector.extract_strided_slice %select_n3A_2406 {offsets = [0, 1536], sizes = [16, 512], strides = [1, 1]} : vector<16x2048xi32> to vector<16x512xi32>
    %slice3A_2438 = vector.extract_strided_slice %select_n3A_2406 {offsets = [0, 0], sizes = [16, 1536], strides = [1, 1]} : vector<16x2048xi32> to vector<16x1536xi32>
    %concatenate3A_2439 = tpu.concatenate %slice3A_2437, %slice3A_2438 in 1 : vector<16x512xi32>, vector<16x1536xi32> -> vector<16x2048xi32>
    %slice3A_2440 = vector.extract_strided_slice %select_n3A_2406 {offsets = [0, 512], sizes = [16, 1536], strides = [1, 1]} : vector<16x2048xi32> to vector<16x1536xi32>
    %slice3A_2441 = vector.extract_strided_slice %select_n3A_2406 {offsets = [0, 0], sizes = [16, 512], strides = [1, 1]} : vector<16x2048xi32> to vector<16x512xi32>
    %concatenate3A_2442 = tpu.concatenate %slice3A_2440, %slice3A_2441 in 1 : vector<16x1536xi32>, vector<16x512xi32> -> vector<16x2048xi32>
    %select_n3A_2443 = arith.select %ne3A_62, %concatenate3A_2439, %concatenate3A_2442 : vector<16x2048xi1>, vector<16x2048xi32>
    %gt3A_2444 = arith.cmpf ogt, %select_n3A_2405, %select_n3A_2436 : vector<16x2048xf32>
    %eq3A_2445 = arith.cmpf oeq, %select_n3A_2405, %select_n3A_2436 : vector<16x2048xf32>
    %lt3A_2446 = arith.cmpi slt, %select_n3A_2406, %select_n3A_2443 : vector<16x2048xi32>
    %and3A_2447 = arith.andi %eq3A_2445, %lt3A_2446 : vector<16x2048xi1>
    %or3A_2448 = arith.ori %gt3A_2444, %and3A_2447 : vector<16x2048xi1>
    %xor3A_2449 = arith.xori %or3A_2448, %ne3A_62 : vector<16x2048xi1>
    %xor3A_2450 = arith.xori %xor3A_2449, %ne3A_44 : vector<16x2048xi1>
    %select_n3A_2451 = arith.select %xor3A_2450, %select_n3A_2436, %select_n3A_2405 : vector<16x2048xi1>, vector<16x2048xf32>
    %select_n3A_2452 = arith.select %xor3A_2450, %select_n3A_2443, %select_n3A_2406 : vector<16x2048xi1>, vector<16x2048xi32>
    %slice3A_2453 = vector.extract_strided_slice %select_n3A_2428 {offsets = [0, 1792], sizes = [16, 256], strides = [1, 1]} : vector<16x2048xf32> to vector<16x256xf32>
    %slice3A_2454 = vector.extract_strided_slice %select_n3A_2428 {offsets = [0, 0], sizes = [16, 1792], strides = [1, 1]} : vector<16x2048xf32> to vector<16x1792xf32>
    %concatenate3A_2455 = tpu.concatenate %slice3A_2453, %slice3A_2454 in 1 : vector<16x256xf32>, vector<16x1792xf32> -> vector<16x2048xf32>
    %slice3A_2456 = vector.extract_strided_slice %select_n3A_2428 {offsets = [0, 256], sizes = [16, 1792], strides = [1, 1]} : vector<16x2048xf32> to vector<16x1792xf32>
    %slice3A_2457 = vector.extract_strided_slice %select_n3A_2428 {offsets = [0, 0], sizes = [16, 256], strides = [1, 1]} : vector<16x2048xf32> to vector<16x256xf32>
    %concatenate3A_2458 = tpu.concatenate %slice3A_2456, %slice3A_2457 in 1 : vector<16x1792xf32>, vector<16x256xf32> -> vector<16x2048xf32>
    %select_n3A_2459 = arith.select %ne3A_56, %concatenate3A_2455, %concatenate3A_2458 : vector<16x2048xi1>, vector<16x2048xf32>
    %slice3A_2460 = vector.extract_strided_slice %select_n3A_2429 {offsets = [0, 1792], sizes = [16, 256], strides = [1, 1]} : vector<16x2048xi32> to vector<16x256xi32>
    %slice3A_2461 = vector.extract_strided_slice %select_n3A_2429 {offsets = [0, 0], sizes = [16, 1792], strides = [1, 1]} : vector<16x2048xi32> to vector<16x1792xi32>
    %concatenate3A_2462 = tpu.concatenate %slice3A_2460, %slice3A_2461 in 1 : vector<16x256xi32>, vector<16x1792xi32> -> vector<16x2048xi32>
    %slice3A_2463 = vector.extract_strided_slice %select_n3A_2429 {offsets = [0, 256], sizes = [16, 1792], strides = [1, 1]} : vector<16x2048xi32> to vector<16x1792xi32>
    %slice3A_2464 = vector.extract_strided_slice %select_n3A_2429 {offsets = [0, 0], sizes = [16, 256], strides = [1, 1]} : vector<16x2048xi32> to vector<16x256xi32>
    %concatenate3A_2465 = tpu.concatenate %slice3A_2463, %slice3A_2464 in 1 : vector<16x1792xi32>, vector<16x256xi32> -> vector<16x2048xi32>
    %select_n3A_2466 = arith.select %ne3A_56, %concatenate3A_2462, %concatenate3A_2465 : vector<16x2048xi1>, vector<16x2048xi32>
    %gt3A_2467 = arith.cmpf ogt, %select_n3A_2428, %select_n3A_2459 : vector<16x2048xf32>
    %eq3A_2468 = arith.cmpf oeq, %select_n3A_2428, %select_n3A_2459 : vector<16x2048xf32>
    %lt3A_2469 = arith.cmpi slt, %select_n3A_2429, %select_n3A_2466 : vector<16x2048xi32>
    %and3A_2470 = arith.andi %eq3A_2468, %lt3A_2469 : vector<16x2048xi1>
    %or3A_2471 = arith.ori %gt3A_2467, %and3A_2470 : vector<16x2048xi1>
    %xor3A_2472 = arith.xori %or3A_2471, %ne3A_56 : vector<16x2048xi1>
    %xor3A_2473 = arith.xori %xor3A_2472, %ne3A_44 : vector<16x2048xi1>
    %select_n3A_2474 = arith.select %xor3A_2473, %select_n3A_2459, %select_n3A_2428 : vector<16x2048xi1>, vector<16x2048xf32>
    %select_n3A_2475 = arith.select %xor3A_2473, %select_n3A_2466, %select_n3A_2429 : vector<16x2048xi1>, vector<16x2048xi32>
    %slice3A_2476 = vector.extract_strided_slice %select_n3A_2451 {offsets = [0, 1792], sizes = [16, 256], strides = [1, 1]} : vector<16x2048xf32> to vector<16x256xf32>
    %slice3A_2477 = vector.extract_strided_slice %select_n3A_2451 {offsets = [0, 0], sizes = [16, 1792], strides = [1, 1]} : vector<16x2048xf32> to vector<16x1792xf32>
    %concatenate3A_2478 = tpu.concatenate %slice3A_2476, %slice3A_2477 in 1 : vector<16x256xf32>, vector<16x1792xf32> -> vector<16x2048xf32>
    %slice3A_2479 = vector.extract_strided_slice %select_n3A_2451 {offsets = [0, 256], sizes = [16, 1792], strides = [1, 1]} : vector<16x2048xf32> to vector<16x1792xf32>
    %slice3A_2480 = vector.extract_strided_slice %select_n3A_2451 {offsets = [0, 0], sizes = [16, 256], strides = [1, 1]} : vector<16x2048xf32> to vector<16x256xf32>
    %concatenate3A_2481 = tpu.concatenate %slice3A_2479, %slice3A_2480 in 1 : vector<16x1792xf32>, vector<16x256xf32> -> vector<16x2048xf32>
    %select_n3A_2482 = arith.select %ne3A_56, %concatenate3A_2478, %concatenate3A_2481 : vector<16x2048xi1>, vector<16x2048xf32>
    %slice3A_2483 = vector.extract_strided_slice %select_n3A_2452 {offsets = [0, 1792], sizes = [16, 256], strides = [1, 1]} : vector<16x2048xi32> to vector<16x256xi32>
    %slice3A_2484 = vector.extract_strided_slice %select_n3A_2452 {offsets = [0, 0], sizes = [16, 1792], strides = [1, 1]} : vector<16x2048xi32> to vector<16x1792xi32>
    %concatenate3A_2485 = tpu.concatenate %slice3A_2483, %slice3A_2484 in 1 : vector<16x256xi32>, vector<16x1792xi32> -> vector<16x2048xi32>
    %slice3A_2486 = vector.extract_strided_slice %select_n3A_2452 {offsets = [0, 256], sizes = [16, 1792], strides = [1, 1]} : vector<16x2048xi32> to vector<16x1792xi32>
    %slice3A_2487 = vector.extract_strided_slice %select_n3A_2452 {offsets = [0, 0], sizes = [16, 256], strides = [1, 1]} : vector<16x2048xi32> to vector<16x256xi32>
    %concatenate3A_2488 = tpu.concatenate %slice3A_2486, %slice3A_2487 in 1 : vector<16x1792xi32>, vector<16x256xi32> -> vector<16x2048xi32>
    %select_n3A_2489 = arith.select %ne3A_56, %concatenate3A_2485, %concatenate3A_2488 : vector<16x2048xi1>, vector<16x2048xi32>
    %gt3A_2490 = arith.cmpf ogt, %select_n3A_2451, %select_n3A_2482 : vector<16x2048xf32>
    %eq3A_2491 = arith.cmpf oeq, %select_n3A_2451, %select_n3A_2482 : vector<16x2048xf32>
    %lt3A_2492 = arith.cmpi slt, %select_n3A_2452, %select_n3A_2489 : vector<16x2048xi32>
    %and3A_2493 = arith.andi %eq3A_2491, %lt3A_2492 : vector<16x2048xi1>
    %or3A_2494 = arith.ori %gt3A_2490, %and3A_2493 : vector<16x2048xi1>
    %xor3A_2495 = arith.xori %or3A_2494, %ne3A_56 : vector<16x2048xi1>
    %xor3A_2496 = arith.xori %xor3A_2495, %ne3A_44 : vector<16x2048xi1>
    %select_n3A_2497 = arith.select %xor3A_2496, %select_n3A_2482, %select_n3A_2451 : vector<16x2048xi1>, vector<16x2048xf32>
    %select_n3A_2498 = arith.select %xor3A_2496, %select_n3A_2489, %select_n3A_2452 : vector<16x2048xi1>, vector<16x2048xi32>
    %slice3A_2499 = vector.extract_strided_slice %select_n3A_2474 {offsets = [0, 1920], sizes = [16, 128], strides = [1, 1]} : vector<16x2048xf32> to vector<16x128xf32>
    %slice3A_2500 = vector.extract_strided_slice %select_n3A_2474 {offsets = [0, 0], sizes = [16, 1920], strides = [1, 1]} : vector<16x2048xf32> to vector<16x1920xf32>
    %concatenate3A_2501 = tpu.concatenate %slice3A_2499, %slice3A_2500 in 1 : vector<16x128xf32>, vector<16x1920xf32> -> vector<16x2048xf32>
    %slice3A_2502 = vector.extract_strided_slice %select_n3A_2474 {offsets = [0, 128], sizes = [16, 1920], strides = [1, 1]} : vector<16x2048xf32> to vector<16x1920xf32>
    %slice3A_2503 = vector.extract_strided_slice %select_n3A_2474 {offsets = [0, 0], sizes = [16, 128], strides = [1, 1]} : vector<16x2048xf32> to vector<16x128xf32>
    %concatenate3A_2504 = tpu.concatenate %slice3A_2502, %slice3A_2503 in 1 : vector<16x1920xf32>, vector<16x128xf32> -> vector<16x2048xf32>
    %select_n3A_2505 = arith.select %ne3A_50, %concatenate3A_2501, %concatenate3A_2504 : vector<16x2048xi1>, vector<16x2048xf32>
    %slice3A_2506 = vector.extract_strided_slice %select_n3A_2475 {offsets = [0, 1920], sizes = [16, 128], strides = [1, 1]} : vector<16x2048xi32> to vector<16x128xi32>
    %slice3A_2507 = vector.extract_strided_slice %select_n3A_2475 {offsets = [0, 0], sizes = [16, 1920], strides = [1, 1]} : vector<16x2048xi32> to vector<16x1920xi32>
    %concatenate3A_2508 = tpu.concatenate %slice3A_2506, %slice3A_2507 in 1 : vector<16x128xi32>, vector<16x1920xi32> -> vector<16x2048xi32>
    %slice3A_2509 = vector.extract_strided_slice %select_n3A_2475 {offsets = [0, 128], sizes = [16, 1920], strides = [1, 1]} : vector<16x2048xi32> to vector<16x1920xi32>
    %slice3A_2510 = vector.extract_strided_slice %select_n3A_2475 {offsets = [0, 0], sizes = [16, 128], strides = [1, 1]} : vector<16x2048xi32> to vector<16x128xi32>
    %concatenate3A_2511 = tpu.concatenate %slice3A_2509, %slice3A_2510 in 1 : vector<16x1920xi32>, vector<16x128xi32> -> vector<16x2048xi32>
    %select_n3A_2512 = arith.select %ne3A_50, %concatenate3A_2508, %concatenate3A_2511 : vector<16x2048xi1>, vector<16x2048xi32>
    %gt3A_2513 = arith.cmpf ogt, %select_n3A_2474, %select_n3A_2505 : vector<16x2048xf32>
    %eq3A_2514 = arith.cmpf oeq, %select_n3A_2474, %select_n3A_2505 : vector<16x2048xf32>
    %lt3A_2515 = arith.cmpi slt, %select_n3A_2475, %select_n3A_2512 : vector<16x2048xi32>
    %and3A_2516 = arith.andi %eq3A_2514, %lt3A_2515 : vector<16x2048xi1>
    %or3A_2517 = arith.ori %gt3A_2513, %and3A_2516 : vector<16x2048xi1>
    %xor3A_2518 = arith.xori %or3A_2517, %ne3A_50 : vector<16x2048xi1>
    %xor3A_2519 = arith.xori %xor3A_2518, %ne3A_44 : vector<16x2048xi1>
    %select_n3A_2520 = arith.select %xor3A_2519, %select_n3A_2505, %select_n3A_2474 : vector<16x2048xi1>, vector<16x2048xf32>
    %select_n3A_2521 = arith.select %xor3A_2519, %select_n3A_2512, %select_n3A_2475 : vector<16x2048xi1>, vector<16x2048xi32>
    %slice3A_2522 = vector.extract_strided_slice %select_n3A_2497 {offsets = [0, 1920], sizes = [16, 128], strides = [1, 1]} : vector<16x2048xf32> to vector<16x128xf32>
    %slice3A_2523 = vector.extract_strided_slice %select_n3A_2497 {offsets = [0, 0], sizes = [16, 1920], strides = [1, 1]} : vector<16x2048xf32> to vector<16x1920xf32>
    %concatenate3A_2524 = tpu.concatenate %slice3A_2522, %slice3A_2523 in 1 : vector<16x128xf32>, vector<16x1920xf32> -> vector<16x2048xf32>
    %slice3A_2525 = vector.extract_strided_slice %select_n3A_2497 {offsets = [0, 128], sizes = [16, 1920], strides = [1, 1]} : vector<16x2048xf32> to vector<16x1920xf32>
    %slice3A_2526 = vector.extract_strided_slice %select_n3A_2497 {offsets = [0, 0], sizes = [16, 128], strides = [1, 1]} : vector<16x2048xf32> to vector<16x128xf32>
    %concatenate3A_2527 = tpu.concatenate %slice3A_2525, %slice3A_2526 in 1 : vector<16x1920xf32>, vector<16x128xf32> -> vector<16x2048xf32>
    %select_n3A_2528 = arith.select %ne3A_50, %concatenate3A_2524, %concatenate3A_2527 : vector<16x2048xi1>, vector<16x2048xf32>
    %slice3A_2529 = vector.extract_strided_slice %select_n3A_2498 {offsets = [0, 1920], sizes = [16, 128], strides = [1, 1]} : vector<16x2048xi32> to vector<16x128xi32>
    %slice3A_2530 = vector.extract_strided_slice %select_n3A_2498 {offsets = [0, 0], sizes = [16, 1920], strides = [1, 1]} : vector<16x2048xi32> to vector<16x1920xi32>
    %concatenate3A_2531 = tpu.concatenate %slice3A_2529, %slice3A_2530 in 1 : vector<16x128xi32>, vector<16x1920xi32> -> vector<16x2048xi32>
    %slice3A_2532 = vector.extract_strided_slice %select_n3A_2498 {offsets = [0, 128], sizes = [16, 1920], strides = [1, 1]} : vector<16x2048xi32> to vector<16x1920xi32>
    %slice3A_2533 = vector.extract_strided_slice %select_n3A_2498 {offsets = [0, 0], sizes = [16, 128], strides = [1, 1]} : vector<16x2048xi32> to vector<16x128xi32>
    %concatenate3A_2534 = tpu.concatenate %slice3A_2532, %slice3A_2533 in 1 : vector<16x1920xi32>, vector<16x128xi32> -> vector<16x2048xi32>
    %select_n3A_2535 = arith.select %ne3A_50, %concatenate3A_2531, %concatenate3A_2534 : vector<16x2048xi1>, vector<16x2048xi32>
    %gt3A_2536 = arith.cmpf ogt, %select_n3A_2497, %select_n3A_2528 : vector<16x2048xf32>
    %eq3A_2537 = arith.cmpf oeq, %select_n3A_2497, %select_n3A_2528 : vector<16x2048xf32>
    %lt3A_2538 = arith.cmpi slt, %select_n3A_2498, %select_n3A_2535 : vector<16x2048xi32>
    %and3A_2539 = arith.andi %eq3A_2537, %lt3A_2538 : vector<16x2048xi1>
    %or3A_2540 = arith.ori %gt3A_2536, %and3A_2539 : vector<16x2048xi1>
    %xor3A_2541 = arith.xori %or3A_2540, %ne3A_50 : vector<16x2048xi1>
    %xor3A_2542 = arith.xori %xor3A_2541, %ne3A_44 : vector<16x2048xi1>
    %select_n3A_2543 = arith.select %xor3A_2542, %select_n3A_2528, %select_n3A_2497 : vector<16x2048xi1>, vector<16x2048xf32>
    %select_n3A_2544 = arith.select %xor3A_2542, %select_n3A_2535, %select_n3A_2498 : vector<16x2048xi1>, vector<16x2048xi32>
    %slice3A_2545 = vector.extract_strided_slice %select_n3A_2520 {offsets = [0, 1984], sizes = [16, 64], strides = [1, 1]} : vector<16x2048xf32> to vector<16x64xf32>
    %slice3A_2546 = vector.extract_strided_slice %select_n3A_2520 {offsets = [0, 0], sizes = [16, 1984], strides = [1, 1]} : vector<16x2048xf32> to vector<16x1984xf32>
    %concatenate3A_2547 = tpu.concatenate %slice3A_2545, %slice3A_2546 in 1 : vector<16x64xf32>, vector<16x1984xf32> -> vector<16x2048xf32>
    %slice3A_2548 = vector.extract_strided_slice %select_n3A_2520 {offsets = [0, 64], sizes = [16, 1984], strides = [1, 1]} : vector<16x2048xf32> to vector<16x1984xf32>
    %slice3A_2549 = vector.extract_strided_slice %select_n3A_2520 {offsets = [0, 0], sizes = [16, 64], strides = [1, 1]} : vector<16x2048xf32> to vector<16x64xf32>
    %concatenate3A_2550 = tpu.concatenate %slice3A_2548, %slice3A_2549 in 1 : vector<16x1984xf32>, vector<16x64xf32> -> vector<16x2048xf32>
    %select_n3A_2551 = arith.select %ne3A_44, %concatenate3A_2547, %concatenate3A_2550 : vector<16x2048xi1>, vector<16x2048xf32>
    %slice3A_2552 = vector.extract_strided_slice %select_n3A_2521 {offsets = [0, 1984], sizes = [16, 64], strides = [1, 1]} : vector<16x2048xi32> to vector<16x64xi32>
    %slice3A_2553 = vector.extract_strided_slice %select_n3A_2521 {offsets = [0, 0], sizes = [16, 1984], strides = [1, 1]} : vector<16x2048xi32> to vector<16x1984xi32>
    %concatenate3A_2554 = tpu.concatenate %slice3A_2552, %slice3A_2553 in 1 : vector<16x64xi32>, vector<16x1984xi32> -> vector<16x2048xi32>
    %slice3A_2555 = vector.extract_strided_slice %select_n3A_2521 {offsets = [0, 64], sizes = [16, 1984], strides = [1, 1]} : vector<16x2048xi32> to vector<16x1984xi32>
    %slice3A_2556 = vector.extract_strided_slice %select_n3A_2521 {offsets = [0, 0], sizes = [16, 64], strides = [1, 1]} : vector<16x2048xi32> to vector<16x64xi32>
    %concatenate3A_2557 = tpu.concatenate %slice3A_2555, %slice3A_2556 in 1 : vector<16x1984xi32>, vector<16x64xi32> -> vector<16x2048xi32>
    %select_n3A_2558 = arith.select %ne3A_44, %concatenate3A_2554, %concatenate3A_2557 : vector<16x2048xi1>, vector<16x2048xi32>
    %gt3A_2559 = arith.cmpf ogt, %select_n3A_2520, %select_n3A_2551 : vector<16x2048xf32>
    %eq3A_2560 = arith.cmpf oeq, %select_n3A_2520, %select_n3A_2551 : vector<16x2048xf32>
    %lt3A_2561 = arith.cmpi slt, %select_n3A_2521, %select_n3A_2558 : vector<16x2048xi32>
    %and3A_2562 = arith.andi %eq3A_2560, %lt3A_2561 : vector<16x2048xi1>
    %or3A_2563 = arith.ori %gt3A_2559, %and3A_2562 : vector<16x2048xi1>
    %xor3A_2564 = arith.xori %or3A_2563, %ne3A_44 : vector<16x2048xi1>
    %select_n3A_2565 = arith.select %xor3A_2564, %select_n3A_2520, %select_n3A_2551 : vector<16x2048xi1>, vector<16x2048xf32>
    %select_n3A_2566 = arith.select %xor3A_2564, %select_n3A_2521, %select_n3A_2558 : vector<16x2048xi1>, vector<16x2048xi32>
    %slice3A_2567 = vector.extract_strided_slice %select_n3A_2543 {offsets = [0, 1984], sizes = [16, 64], strides = [1, 1]} : vector<16x2048xf32> to vector<16x64xf32>
    %slice3A_2568 = vector.extract_strided_slice %select_n3A_2543 {offsets = [0, 0], sizes = [16, 1984], strides = [1, 1]} : vector<16x2048xf32> to vector<16x1984xf32>
    %concatenate3A_2569 = tpu.concatenate %slice3A_2567, %slice3A_2568 in 1 : vector<16x64xf32>, vector<16x1984xf32> -> vector<16x2048xf32>
    %slice3A_2570 = vector.extract_strided_slice %select_n3A_2543 {offsets = [0, 64], sizes = [16, 1984], strides = [1, 1]} : vector<16x2048xf32> to vector<16x1984xf32>
    %slice3A_2571 = vector.extract_strided_slice %select_n3A_2543 {offsets = [0, 0], sizes = [16, 64], strides = [1, 1]} : vector<16x2048xf32> to vector<16x64xf32>
    %concatenate3A_2572 = tpu.concatenate %slice3A_2570, %slice3A_2571 in 1 : vector<16x1984xf32>, vector<16x64xf32> -> vector<16x2048xf32>
    %select_n3A_2573 = arith.select %ne3A_44, %concatenate3A_2569, %concatenate3A_2572 : vector<16x2048xi1>, vector<16x2048xf32>
    %slice3A_2574 = vector.extract_strided_slice %select_n3A_2544 {offsets = [0, 1984], sizes = [16, 64], strides = [1, 1]} : vector<16x2048xi32> to vector<16x64xi32>
    %slice3A_2575 = vector.extract_strided_slice %select_n3A_2544 {offsets = [0, 0], sizes = [16, 1984], strides = [1, 1]} : vector<16x2048xi32> to vector<16x1984xi32>
    %concatenate3A_2576 = tpu.concatenate %slice3A_2574, %slice3A_2575 in 1 : vector<16x64xi32>, vector<16x1984xi32> -> vector<16x2048xi32>
    %slice3A_2577 = vector.extract_strided_slice %select_n3A_2544 {offsets = [0, 64], sizes = [16, 1984], strides = [1, 1]} : vector<16x2048xi32> to vector<16x1984xi32>
    %slice3A_2578 = vector.extract_strided_slice %select_n3A_2544 {offsets = [0, 0], sizes = [16, 64], strides = [1, 1]} : vector<16x2048xi32> to vector<16x64xi32>
    %concatenate3A_2579 = tpu.concatenate %slice3A_2577, %slice3A_2578 in 1 : vector<16x1984xi32>, vector<16x64xi32> -> vector<16x2048xi32>
    %select_n3A_2580 = arith.select %ne3A_44, %concatenate3A_2576, %concatenate3A_2579 : vector<16x2048xi1>, vector<16x2048xi32>
    %gt3A_2581 = arith.cmpf ogt, %select_n3A_2543, %select_n3A_2573 : vector<16x2048xf32>
    %eq3A_2582 = arith.cmpf oeq, %select_n3A_2543, %select_n3A_2573 : vector<16x2048xf32>
    %lt3A_2583 = arith.cmpi slt, %select_n3A_2544, %select_n3A_2580 : vector<16x2048xi32>
    %and3A_2584 = arith.andi %eq3A_2582, %lt3A_2583 : vector<16x2048xi1>
    %or3A_2585 = arith.ori %gt3A_2581, %and3A_2584 : vector<16x2048xi1>
    %xor3A_2586 = arith.xori %or3A_2585, %ne3A_44 : vector<16x2048xi1>
    %select_n3A_2587 = arith.select %xor3A_2586, %select_n3A_2543, %select_n3A_2573 : vector<16x2048xi1>, vector<16x2048xf32>
    %select_n3A_2588 = arith.select %xor3A_2586, %select_n3A_2544, %select_n3A_2580 : vector<16x2048xi1>, vector<16x2048xi32>
    %slice3A_2589 = vector.extract_strided_slice %select_n3A_2565 {offsets = [0, 2040], sizes = [16, 8], strides = [1, 1]} : vector<16x2048xf32> to vector<16x8xf32>
    %slice3A_2590 = vector.extract_strided_slice %select_n3A_2565 {offsets = [0, 0], sizes = [16, 2040], strides = [1, 1]} : vector<16x2048xf32> to vector<16x2040xf32>
    %concatenate3A_2591 = tpu.concatenate %slice3A_2589, %slice3A_2590 in 1 : vector<16x8xf32>, vector<16x2040xf32> -> vector<16x2048xf32>
    %slice3A_2592 = vector.extract_strided_slice %select_n3A_2565 {offsets = [0, 8], sizes = [16, 2040], strides = [1, 1]} : vector<16x2048xf32> to vector<16x2040xf32>
    %slice3A_2593 = vector.extract_strided_slice %select_n3A_2565 {offsets = [0, 0], sizes = [16, 8], strides = [1, 1]} : vector<16x2048xf32> to vector<16x8xf32>
    %concatenate3A_2594 = tpu.concatenate %slice3A_2592, %slice3A_2593 in 1 : vector<16x2040xf32>, vector<16x8xf32> -> vector<16x2048xf32>
    %select_n3A_2595 = arith.select %ne3A_26, %concatenate3A_2591, %concatenate3A_2594 : vector<16x2048xi1>, vector<16x2048xf32>
    %slice3A_2596 = vector.extract_strided_slice %select_n3A_2566 {offsets = [0, 2040], sizes = [16, 8], strides = [1, 1]} : vector<16x2048xi32> to vector<16x8xi32>
    %slice3A_2597 = vector.extract_strided_slice %select_n3A_2566 {offsets = [0, 0], sizes = [16, 2040], strides = [1, 1]} : vector<16x2048xi32> to vector<16x2040xi32>
    %concatenate3A_2598 = tpu.concatenate %slice3A_2596, %slice3A_2597 in 1 : vector<16x8xi32>, vector<16x2040xi32> -> vector<16x2048xi32>
    %slice3A_2599 = vector.extract_strided_slice %select_n3A_2566 {offsets = [0, 8], sizes = [16, 2040], strides = [1, 1]} : vector<16x2048xi32> to vector<16x2040xi32>
    %slice3A_2600 = vector.extract_strided_slice %select_n3A_2566 {offsets = [0, 0], sizes = [16, 8], strides = [1, 1]} : vector<16x2048xi32> to vector<16x8xi32>
    %concatenate3A_2601 = tpu.concatenate %slice3A_2599, %slice3A_2600 in 1 : vector<16x2040xi32>, vector<16x8xi32> -> vector<16x2048xi32>
    %select_n3A_2602 = arith.select %ne3A_26, %concatenate3A_2598, %concatenate3A_2601 : vector<16x2048xi1>, vector<16x2048xi32>
    %gt3A_2603 = arith.cmpf ogt, %select_n3A_2565, %select_n3A_2595 : vector<16x2048xf32>
    %eq3A_2604 = arith.cmpf oeq, %select_n3A_2565, %select_n3A_2595 : vector<16x2048xf32>
    %lt3A_2605 = arith.cmpi slt, %select_n3A_2566, %select_n3A_2602 : vector<16x2048xi32>
    %and3A_2606 = arith.andi %eq3A_2604, %lt3A_2605 : vector<16x2048xi1>
    %or3A_2607 = arith.ori %gt3A_2603, %and3A_2606 : vector<16x2048xi1>
    %xor3A_2608 = arith.xori %or3A_2607, %ne3A_26 : vector<16x2048xi1>
    %select_n3A_2609 = arith.select %xor3A_2608, %select_n3A_2595, %select_n3A_2565 : vector<16x2048xi1>, vector<16x2048xf32>
    %select_n3A_2610 = arith.select %xor3A_2608, %select_n3A_2602, %select_n3A_2566 : vector<16x2048xi1>, vector<16x2048xi32>
    %slice3A_2611 = vector.extract_strided_slice %select_n3A_2587 {offsets = [0, 2040], sizes = [16, 8], strides = [1, 1]} : vector<16x2048xf32> to vector<16x8xf32>
    %slice3A_2612 = vector.extract_strided_slice %select_n3A_2587 {offsets = [0, 0], sizes = [16, 2040], strides = [1, 1]} : vector<16x2048xf32> to vector<16x2040xf32>
    %concatenate3A_2613 = tpu.concatenate %slice3A_2611, %slice3A_2612 in 1 : vector<16x8xf32>, vector<16x2040xf32> -> vector<16x2048xf32>
    %slice3A_2614 = vector.extract_strided_slice %select_n3A_2587 {offsets = [0, 8], sizes = [16, 2040], strides = [1, 1]} : vector<16x2048xf32> to vector<16x2040xf32>
    %slice3A_2615 = vector.extract_strided_slice %select_n3A_2587 {offsets = [0, 0], sizes = [16, 8], strides = [1, 1]} : vector<16x2048xf32> to vector<16x8xf32>
    %concatenate3A_2616 = tpu.concatenate %slice3A_2614, %slice3A_2615 in 1 : vector<16x2040xf32>, vector<16x8xf32> -> vector<16x2048xf32>
    %select_n3A_2617 = arith.select %ne3A_26, %concatenate3A_2613, %concatenate3A_2616 : vector<16x2048xi1>, vector<16x2048xf32>
    %slice3A_2618 = vector.extract_strided_slice %select_n3A_2588 {offsets = [0, 2040], sizes = [16, 8], strides = [1, 1]} : vector<16x2048xi32> to vector<16x8xi32>
    %slice3A_2619 = vector.extract_strided_slice %select_n3A_2588 {offsets = [0, 0], sizes = [16, 2040], strides = [1, 1]} : vector<16x2048xi32> to vector<16x2040xi32>
    %concatenate3A_2620 = tpu.concatenate %slice3A_2618, %slice3A_2619 in 1 : vector<16x8xi32>, vector<16x2040xi32> -> vector<16x2048xi32>
    %slice3A_2621 = vector.extract_strided_slice %select_n3A_2588 {offsets = [0, 8], sizes = [16, 2040], strides = [1, 1]} : vector<16x2048xi32> to vector<16x2040xi32>
    %slice3A_2622 = vector.extract_strided_slice %select_n3A_2588 {offsets = [0, 0], sizes = [16, 8], strides = [1, 1]} : vector<16x2048xi32> to vector<16x8xi32>
    %concatenate3A_2623 = tpu.concatenate %slice3A_2621, %slice3A_2622 in 1 : vector<16x2040xi32>, vector<16x8xi32> -> vector<16x2048xi32>
    %select_n3A_2624 = arith.select %ne3A_26, %concatenate3A_2620, %concatenate3A_2623 : vector<16x2048xi1>, vector<16x2048xi32>
    %gt3A_2625 = arith.cmpf ogt, %select_n3A_2587, %select_n3A_2617 : vector<16x2048xf32>
    %eq3A_2626 = arith.cmpf oeq, %select_n3A_2587, %select_n3A_2617 : vector<16x2048xf32>
    %lt3A_2627 = arith.cmpi slt, %select_n3A_2588, %select_n3A_2624 : vector<16x2048xi32>
    %and3A_2628 = arith.andi %eq3A_2626, %lt3A_2627 : vector<16x2048xi1>
    %or3A_2629 = arith.ori %gt3A_2625, %and3A_2628 : vector<16x2048xi1>
    %xor3A_2630 = arith.xori %or3A_2629, %ne3A_26 : vector<16x2048xi1>
    %select_n3A_2631 = arith.select %xor3A_2630, %select_n3A_2587, %select_n3A_2617 : vector<16x2048xi1>, vector<16x2048xf32>
    %select_n3A_2632 = arith.select %xor3A_2630, %select_n3A_2588, %select_n3A_2624 : vector<16x2048xi1>, vector<16x2048xi32>
    %slice3A_2633 = vector.extract_strided_slice %select_n3A_2609 {offsets = [0, 2044], sizes = [16, 4], strides = [1, 1]} : vector<16x2048xf32> to vector<16x4xf32>
    %slice3A_2634 = vector.extract_strided_slice %select_n3A_2609 {offsets = [0, 0], sizes = [16, 2044], strides = [1, 1]} : vector<16x2048xf32> to vector<16x2044xf32>
    %concatenate3A_2635 = tpu.concatenate %slice3A_2633, %slice3A_2634 in 1 : vector<16x4xf32>, vector<16x2044xf32> -> vector<16x2048xf32>
    %slice3A_2636 = vector.extract_strided_slice %select_n3A_2609 {offsets = [0, 4], sizes = [16, 2044], strides = [1, 1]} : vector<16x2048xf32> to vector<16x2044xf32>
    %slice3A_2637 = vector.extract_strided_slice %select_n3A_2609 {offsets = [0, 0], sizes = [16, 4], strides = [1, 1]} : vector<16x2048xf32> to vector<16x4xf32>
    %concatenate3A_2638 = tpu.concatenate %slice3A_2636, %slice3A_2637 in 1 : vector<16x2044xf32>, vector<16x4xf32> -> vector<16x2048xf32>
    %select_n3A_2639 = arith.select %ne3A_20, %concatenate3A_2635, %concatenate3A_2638 : vector<16x2048xi1>, vector<16x2048xf32>
    %slice3A_2640 = vector.extract_strided_slice %select_n3A_2610 {offsets = [0, 2044], sizes = [16, 4], strides = [1, 1]} : vector<16x2048xi32> to vector<16x4xi32>
    %slice3A_2641 = vector.extract_strided_slice %select_n3A_2610 {offsets = [0, 0], sizes = [16, 2044], strides = [1, 1]} : vector<16x2048xi32> to vector<16x2044xi32>
    %concatenate3A_2642 = tpu.concatenate %slice3A_2640, %slice3A_2641 in 1 : vector<16x4xi32>, vector<16x2044xi32> -> vector<16x2048xi32>
    %slice3A_2643 = vector.extract_strided_slice %select_n3A_2610 {offsets = [0, 4], sizes = [16, 2044], strides = [1, 1]} : vector<16x2048xi32> to vector<16x2044xi32>
    %slice3A_2644 = vector.extract_strided_slice %select_n3A_2610 {offsets = [0, 0], sizes = [16, 4], strides = [1, 1]} : vector<16x2048xi32> to vector<16x4xi32>
    %concatenate3A_2645 = tpu.concatenate %slice3A_2643, %slice3A_2644 in 1 : vector<16x2044xi32>, vector<16x4xi32> -> vector<16x2048xi32>
    %select_n3A_2646 = arith.select %ne3A_20, %concatenate3A_2642, %concatenate3A_2645 : vector<16x2048xi1>, vector<16x2048xi32>
    %gt3A_2647 = arith.cmpf ogt, %select_n3A_2609, %select_n3A_2639 : vector<16x2048xf32>
    %eq3A_2648 = arith.cmpf oeq, %select_n3A_2609, %select_n3A_2639 : vector<16x2048xf32>
    %lt3A_2649 = arith.cmpi slt, %select_n3A_2610, %select_n3A_2646 : vector<16x2048xi32>
    %and3A_2650 = arith.andi %eq3A_2648, %lt3A_2649 : vector<16x2048xi1>
    %or3A_2651 = arith.ori %gt3A_2647, %and3A_2650 : vector<16x2048xi1>
    %xor3A_2652 = arith.xori %or3A_2651, %ne3A_20 : vector<16x2048xi1>
    %select_n3A_2653 = arith.select %xor3A_2652, %select_n3A_2639, %select_n3A_2609 : vector<16x2048xi1>, vector<16x2048xf32>
    %select_n3A_2654 = arith.select %xor3A_2652, %select_n3A_2646, %select_n3A_2610 : vector<16x2048xi1>, vector<16x2048xi32>
    %slice3A_2655 = vector.extract_strided_slice %select_n3A_2631 {offsets = [0, 2044], sizes = [16, 4], strides = [1, 1]} : vector<16x2048xf32> to vector<16x4xf32>
    %slice3A_2656 = vector.extract_strided_slice %select_n3A_2631 {offsets = [0, 0], sizes = [16, 2044], strides = [1, 1]} : vector<16x2048xf32> to vector<16x2044xf32>
    %concatenate3A_2657 = tpu.concatenate %slice3A_2655, %slice3A_2656 in 1 : vector<16x4xf32>, vector<16x2044xf32> -> vector<16x2048xf32>
    %slice3A_2658 = vector.extract_strided_slice %select_n3A_2631 {offsets = [0, 4], sizes = [16, 2044], strides = [1, 1]} : vector<16x2048xf32> to vector<16x2044xf32>
    %slice3A_2659 = vector.extract_strided_slice %select_n3A_2631 {offsets = [0, 0], sizes = [16, 4], strides = [1, 1]} : vector<16x2048xf32> to vector<16x4xf32>
    %concatenate3A_2660 = tpu.concatenate %slice3A_2658, %slice3A_2659 in 1 : vector<16x2044xf32>, vector<16x4xf32> -> vector<16x2048xf32>
    %select_n3A_2661 = arith.select %ne3A_20, %concatenate3A_2657, %concatenate3A_2660 : vector<16x2048xi1>, vector<16x2048xf32>
    %slice3A_2662 = vector.extract_strided_slice %select_n3A_2632 {offsets = [0, 2044], sizes = [16, 4], strides = [1, 1]} : vector<16x2048xi32> to vector<16x4xi32>
    %slice3A_2663 = vector.extract_strided_slice %select_n3A_2632 {offsets = [0, 0], sizes = [16, 2044], strides = [1, 1]} : vector<16x2048xi32> to vector<16x2044xi32>
    %concatenate3A_2664 = tpu.concatenate %slice3A_2662, %slice3A_2663 in 1 : vector<16x4xi32>, vector<16x2044xi32> -> vector<16x2048xi32>
    %slice3A_2665 = vector.extract_strided_slice %select_n3A_2632 {offsets = [0, 4], sizes = [16, 2044], strides = [1, 1]} : vector<16x2048xi32> to vector<16x2044xi32>
    %slice3A_2666 = vector.extract_strided_slice %select_n3A_2632 {offsets = [0, 0], sizes = [16, 4], strides = [1, 1]} : vector<16x2048xi32> to vector<16x4xi32>
    %concatenate3A_2667 = tpu.concatenate %slice3A_2665, %slice3A_2666 in 1 : vector<16x2044xi32>, vector<16x4xi32> -> vector<16x2048xi32>
    %select_n3A_2668 = arith.select %ne3A_20, %concatenate3A_2664, %concatenate3A_2667 : vector<16x2048xi1>, vector<16x2048xi32>
    %gt3A_2669 = arith.cmpf ogt, %select_n3A_2631, %select_n3A_2661 : vector<16x2048xf32>
    %eq3A_2670 = arith.cmpf oeq, %select_n3A_2631, %select_n3A_2661 : vector<16x2048xf32>
    %lt3A_2671 = arith.cmpi slt, %select_n3A_2632, %select_n3A_2668 : vector<16x2048xi32>
    %and3A_2672 = arith.andi %eq3A_2670, %lt3A_2671 : vector<16x2048xi1>
    %or3A_2673 = arith.ori %gt3A_2669, %and3A_2672 : vector<16x2048xi1>
    %xor3A_2674 = arith.xori %or3A_2673, %ne3A_20 : vector<16x2048xi1>
    %select_n3A_2675 = arith.select %xor3A_2674, %select_n3A_2631, %select_n3A_2661 : vector<16x2048xi1>, vector<16x2048xf32>
    %select_n3A_2676 = arith.select %xor3A_2674, %select_n3A_2632, %select_n3A_2668 : vector<16x2048xi1>, vector<16x2048xi32>
    %slice3A_2677 = vector.extract_strided_slice %select_n3A_2653 {offsets = [0, 2046], sizes = [16, 2], strides = [1, 1]} : vector<16x2048xf32> to vector<16x2xf32>
    %slice3A_2678 = vector.extract_strided_slice %select_n3A_2653 {offsets = [0, 0], sizes = [16, 2046], strides = [1, 1]} : vector<16x2048xf32> to vector<16x2046xf32>
    %concatenate3A_2679 = tpu.concatenate %slice3A_2677, %slice3A_2678 in 1 : vector<16x2xf32>, vector<16x2046xf32> -> vector<16x2048xf32>
    %slice3A_2680 = vector.extract_strided_slice %select_n3A_2653 {offsets = [0, 2], sizes = [16, 2046], strides = [1, 1]} : vector<16x2048xf32> to vector<16x2046xf32>
    %slice3A_2681 = vector.extract_strided_slice %select_n3A_2653 {offsets = [0, 0], sizes = [16, 2], strides = [1, 1]} : vector<16x2048xf32> to vector<16x2xf32>
    %concatenate3A_2682 = tpu.concatenate %slice3A_2680, %slice3A_2681 in 1 : vector<16x2046xf32>, vector<16x2xf32> -> vector<16x2048xf32>
    %select_n3A_2683 = arith.select %ne3A_14, %concatenate3A_2679, %concatenate3A_2682 : vector<16x2048xi1>, vector<16x2048xf32>
    %slice3A_2684 = vector.extract_strided_slice %select_n3A_2654 {offsets = [0, 2046], sizes = [16, 2], strides = [1, 1]} : vector<16x2048xi32> to vector<16x2xi32>
    %slice3A_2685 = vector.extract_strided_slice %select_n3A_2654 {offsets = [0, 0], sizes = [16, 2046], strides = [1, 1]} : vector<16x2048xi32> to vector<16x2046xi32>
    %concatenate3A_2686 = tpu.concatenate %slice3A_2684, %slice3A_2685 in 1 : vector<16x2xi32>, vector<16x2046xi32> -> vector<16x2048xi32>
    %slice3A_2687 = vector.extract_strided_slice %select_n3A_2654 {offsets = [0, 2], sizes = [16, 2046], strides = [1, 1]} : vector<16x2048xi32> to vector<16x2046xi32>
    %slice3A_2688 = vector.extract_strided_slice %select_n3A_2654 {offsets = [0, 0], sizes = [16, 2], strides = [1, 1]} : vector<16x2048xi32> to vector<16x2xi32>
    %concatenate3A_2689 = tpu.concatenate %slice3A_2687, %slice3A_2688 in 1 : vector<16x2046xi32>, vector<16x2xi32> -> vector<16x2048xi32>
    %select_n3A_2690 = arith.select %ne3A_14, %concatenate3A_2686, %concatenate3A_2689 : vector<16x2048xi1>, vector<16x2048xi32>
    %gt3A_2691 = arith.cmpf ogt, %select_n3A_2653, %select_n3A_2683 : vector<16x2048xf32>
    %eq3A_2692 = arith.cmpf oeq, %select_n3A_2653, %select_n3A_2683 : vector<16x2048xf32>
    %lt3A_2693 = arith.cmpi slt, %select_n3A_2654, %select_n3A_2690 : vector<16x2048xi32>
    %and3A_2694 = arith.andi %eq3A_2692, %lt3A_2693 : vector<16x2048xi1>
    %or3A_2695 = arith.ori %gt3A_2691, %and3A_2694 : vector<16x2048xi1>
    %xor3A_2696 = arith.xori %or3A_2695, %ne3A_14 : vector<16x2048xi1>
    %select_n3A_2697 = arith.select %xor3A_2696, %select_n3A_2683, %select_n3A_2653 : vector<16x2048xi1>, vector<16x2048xf32>
    %select_n3A_2698 = arith.select %xor3A_2696, %select_n3A_2690, %select_n3A_2654 : vector<16x2048xi1>, vector<16x2048xi32>
    %slice3A_2699 = vector.extract_strided_slice %select_n3A_2675 {offsets = [0, 2046], sizes = [16, 2], strides = [1, 1]} : vector<16x2048xf32> to vector<16x2xf32>
    %slice3A_2700 = vector.extract_strided_slice %select_n3A_2675 {offsets = [0, 0], sizes = [16, 2046], strides = [1, 1]} : vector<16x2048xf32> to vector<16x2046xf32>
    %concatenate3A_2701 = tpu.concatenate %slice3A_2699, %slice3A_2700 in 1 : vector<16x2xf32>, vector<16x2046xf32> -> vector<16x2048xf32>
    %slice3A_2702 = vector.extract_strided_slice %select_n3A_2675 {offsets = [0, 2], sizes = [16, 2046], strides = [1, 1]} : vector<16x2048xf32> to vector<16x2046xf32>
    %slice3A_2703 = vector.extract_strided_slice %select_n3A_2675 {offsets = [0, 0], sizes = [16, 2], strides = [1, 1]} : vector<16x2048xf32> to vector<16x2xf32>
    %concatenate3A_2704 = tpu.concatenate %slice3A_2702, %slice3A_2703 in 1 : vector<16x2046xf32>, vector<16x2xf32> -> vector<16x2048xf32>
    %select_n3A_2705 = arith.select %ne3A_14, %concatenate3A_2701, %concatenate3A_2704 : vector<16x2048xi1>, vector<16x2048xf32>
    %slice3A_2706 = vector.extract_strided_slice %select_n3A_2676 {offsets = [0, 2046], sizes = [16, 2], strides = [1, 1]} : vector<16x2048xi32> to vector<16x2xi32>
    %slice3A_2707 = vector.extract_strided_slice %select_n3A_2676 {offsets = [0, 0], sizes = [16, 2046], strides = [1, 1]} : vector<16x2048xi32> to vector<16x2046xi32>
    %concatenate3A_2708 = tpu.concatenate %slice3A_2706, %slice3A_2707 in 1 : vector<16x2xi32>, vector<16x2046xi32> -> vector<16x2048xi32>
    %slice3A_2709 = vector.extract_strided_slice %select_n3A_2676 {offsets = [0, 2], sizes = [16, 2046], strides = [1, 1]} : vector<16x2048xi32> to vector<16x2046xi32>
    %slice3A_2710 = vector.extract_strided_slice %select_n3A_2676 {offsets = [0, 0], sizes = [16, 2], strides = [1, 1]} : vector<16x2048xi32> to vector<16x2xi32>
    %concatenate3A_2711 = tpu.concatenate %slice3A_2709, %slice3A_2710 in 1 : vector<16x2046xi32>, vector<16x2xi32> -> vector<16x2048xi32>
    %select_n3A_2712 = arith.select %ne3A_14, %concatenate3A_2708, %concatenate3A_2711 : vector<16x2048xi1>, vector<16x2048xi32>
    %gt3A_2713 = arith.cmpf ogt, %select_n3A_2675, %select_n3A_2705 : vector<16x2048xf32>
    %eq3A_2714 = arith.cmpf oeq, %select_n3A_2675, %select_n3A_2705 : vector<16x2048xf32>
    %lt3A_2715 = arith.cmpi slt, %select_n3A_2676, %select_n3A_2712 : vector<16x2048xi32>
    %and3A_2716 = arith.andi %eq3A_2714, %lt3A_2715 : vector<16x2048xi1>
    %or3A_2717 = arith.ori %gt3A_2713, %and3A_2716 : vector<16x2048xi1>
    %xor3A_2718 = arith.xori %or3A_2717, %ne3A_14 : vector<16x2048xi1>
    %select_n3A_2719 = arith.select %xor3A_2718, %select_n3A_2675, %select_n3A_2705 : vector<16x2048xi1>, vector<16x2048xf32>
    %select_n3A_2720 = arith.select %xor3A_2718, %select_n3A_2676, %select_n3A_2712 : vector<16x2048xi1>, vector<16x2048xi32>
    %slice3A_2721 = vector.extract_strided_slice %select_n3A_2697 {offsets = [0, 2047], sizes = [16, 1], strides = [1, 1]} : vector<16x2048xf32> to vector<16x1xf32>
    %slice3A_2722 = vector.extract_strided_slice %select_n3A_2697 {offsets = [0, 0], sizes = [16, 2047], strides = [1, 1]} : vector<16x2048xf32> to vector<16x2047xf32>
    %concatenate3A_2723 = tpu.concatenate %slice3A_2721, %slice3A_2722 in 1 : vector<16x1xf32>, vector<16x2047xf32> -> vector<16x2048xf32>
    %slice3A_2724 = vector.extract_strided_slice %select_n3A_2697 {offsets = [0, 1], sizes = [16, 2047], strides = [1, 1]} : vector<16x2048xf32> to vector<16x2047xf32>
    %slice3A_2725 = vector.extract_strided_slice %select_n3A_2697 {offsets = [0, 0], sizes = [16, 1], strides = [1, 1]} : vector<16x2048xf32> to vector<16x1xf32>
    %concatenate3A_2726 = tpu.concatenate %slice3A_2724, %slice3A_2725 in 1 : vector<16x2047xf32>, vector<16x1xf32> -> vector<16x2048xf32>
    %select_n3A_2727 = arith.select %ne3A_8, %concatenate3A_2723, %concatenate3A_2726 : vector<16x2048xi1>, vector<16x2048xf32>
    %slice3A_2728 = vector.extract_strided_slice %select_n3A_2698 {offsets = [0, 2047], sizes = [16, 1], strides = [1, 1]} : vector<16x2048xi32> to vector<16x1xi32>
    %slice3A_2729 = vector.extract_strided_slice %select_n3A_2698 {offsets = [0, 0], sizes = [16, 2047], strides = [1, 1]} : vector<16x2048xi32> to vector<16x2047xi32>
    %concatenate3A_2730 = tpu.concatenate %slice3A_2728, %slice3A_2729 in 1 : vector<16x1xi32>, vector<16x2047xi32> -> vector<16x2048xi32>
    %slice3A_2731 = vector.extract_strided_slice %select_n3A_2698 {offsets = [0, 1], sizes = [16, 2047], strides = [1, 1]} : vector<16x2048xi32> to vector<16x2047xi32>
    %slice3A_2732 = vector.extract_strided_slice %select_n3A_2698 {offsets = [0, 0], sizes = [16, 1], strides = [1, 1]} : vector<16x2048xi32> to vector<16x1xi32>
    %concatenate3A_2733 = tpu.concatenate %slice3A_2731, %slice3A_2732 in 1 : vector<16x2047xi32>, vector<16x1xi32> -> vector<16x2048xi32>
    %select_n3A_2734 = arith.select %ne3A_8, %concatenate3A_2730, %concatenate3A_2733 : vector<16x2048xi1>, vector<16x2048xi32>
    %gt3A_2735 = arith.cmpf ogt, %select_n3A_2697, %select_n3A_2727 : vector<16x2048xf32>
    %eq3A_2736 = arith.cmpf oeq, %select_n3A_2697, %select_n3A_2727 : vector<16x2048xf32>
    %lt3A_2737 = arith.cmpi slt, %select_n3A_2698, %select_n3A_2734 : vector<16x2048xi32>
    %and3A_2738 = arith.andi %eq3A_2736, %lt3A_2737 : vector<16x2048xi1>
    %or3A_2739 = arith.ori %gt3A_2735, %and3A_2738 : vector<16x2048xi1>
    %xor3A_2740 = arith.xori %or3A_2739, %ne3A_8 : vector<16x2048xi1>
    %select_n3A_2741 = arith.select %xor3A_2740, %select_n3A_2727, %select_n3A_2697 : vector<16x2048xi1>, vector<16x2048xf32>
    %select_n3A_2742 = arith.select %xor3A_2740, %select_n3A_2734, %select_n3A_2698 : vector<16x2048xi1>, vector<16x2048xi32>
    %slice3A_2743 = vector.extract_strided_slice %select_n3A_2719 {offsets = [0, 2047], sizes = [16, 1], strides = [1, 1]} : vector<16x2048xf32> to vector<16x1xf32>
    %slice3A_2744 = vector.extract_strided_slice %select_n3A_2719 {offsets = [0, 0], sizes = [16, 2047], strides = [1, 1]} : vector<16x2048xf32> to vector<16x2047xf32>
    %concatenate3A_2745 = tpu.concatenate %slice3A_2743, %slice3A_2744 in 1 : vector<16x1xf32>, vector<16x2047xf32> -> vector<16x2048xf32>
    %slice3A_2746 = vector.extract_strided_slice %select_n3A_2719 {offsets = [0, 1], sizes = [16, 2047], strides = [1, 1]} : vector<16x2048xf32> to vector<16x2047xf32>
    %slice3A_2747 = vector.extract_strided_slice %select_n3A_2719 {offsets = [0, 0], sizes = [16, 1], strides = [1, 1]} : vector<16x2048xf32> to vector<16x1xf32>
    %concatenate3A_2748 = tpu.concatenate %slice3A_2746, %slice3A_2747 in 1 : vector<16x2047xf32>, vector<16x1xf32> -> vector<16x2048xf32>
    %select_n3A_2749 = arith.select %ne3A_8, %concatenate3A_2745, %concatenate3A_2748 : vector<16x2048xi1>, vector<16x2048xf32>
    %slice3A_2750 = vector.extract_strided_slice %select_n3A_2720 {offsets = [0, 2047], sizes = [16, 1], strides = [1, 1]} : vector<16x2048xi32> to vector<16x1xi32>
    %slice3A_2751 = vector.extract_strided_slice %select_n3A_2720 {offsets = [0, 0], sizes = [16, 2047], strides = [1, 1]} : vector<16x2048xi32> to vector<16x2047xi32>
    %concatenate3A_2752 = tpu.concatenate %slice3A_2750, %slice3A_2751 in 1 : vector<16x1xi32>, vector<16x2047xi32> -> vector<16x2048xi32>
    %slice3A_2753 = vector.extract_strided_slice %select_n3A_2720 {offsets = [0, 1], sizes = [16, 2047], strides = [1, 1]} : vector<16x2048xi32> to vector<16x2047xi32>
    %slice3A_2754 = vector.extract_strided_slice %select_n3A_2720 {offsets = [0, 0], sizes = [16, 1], strides = [1, 1]} : vector<16x2048xi32> to vector<16x1xi32>
    %concatenate3A_2755 = tpu.concatenate %slice3A_2753, %slice3A_2754 in 1 : vector<16x2047xi32>, vector<16x1xi32> -> vector<16x2048xi32>
    %select_n3A_2756 = arith.select %ne3A_8, %concatenate3A_2752, %concatenate3A_2755 : vector<16x2048xi1>, vector<16x2048xi32>
    %gt3A_2757 = arith.cmpf ogt, %select_n3A_2719, %select_n3A_2749 : vector<16x2048xf32>
    %eq3A_2758 = arith.cmpf oeq, %select_n3A_2719, %select_n3A_2749 : vector<16x2048xf32>
    %lt3A_2759 = arith.cmpi slt, %select_n3A_2720, %select_n3A_2756 : vector<16x2048xi32>
    %and3A_2760 = arith.andi %eq3A_2758, %lt3A_2759 : vector<16x2048xi1>
    %or3A_2761 = arith.ori %gt3A_2757, %and3A_2760 : vector<16x2048xi1>
    %xor3A_2762 = arith.xori %or3A_2761, %ne3A_8 : vector<16x2048xi1>
    %select_n3A_2763 = arith.select %xor3A_2762, %select_n3A_2719, %select_n3A_2749 : vector<16x2048xi1>, vector<16x2048xf32>
    %select_n3A_2764 = arith.select %xor3A_2762, %select_n3A_2720, %select_n3A_2756 : vector<16x2048xi1>, vector<16x2048xi32>
    %slice3A_2765 = vector.extract_strided_slice %select_n3A_2741 {offsets = [0, 1024], sizes = [16, 1024], strides = [1, 1]} : vector<16x2048xf32> to vector<16x1024xf32>
    %slice3A_2766 = vector.extract_strided_slice %select_n3A_2741 {offsets = [0, 0], sizes = [16, 1024], strides = [1, 1]} : vector<16x2048xf32> to vector<16x1024xf32>
    %concatenate3A_2767 = tpu.concatenate %slice3A_2765, %slice3A_2766 in 1 : vector<16x1024xf32>, vector<16x1024xf32> -> vector<16x2048xf32>
    %slice3A_2768 = vector.extract_strided_slice %select_n3A_2741 {offsets = [0, 1024], sizes = [16, 1024], strides = [1, 1]} : vector<16x2048xf32> to vector<16x1024xf32>
    %slice3A_2769 = vector.extract_strided_slice %select_n3A_2741 {offsets = [0, 0], sizes = [16, 1024], strides = [1, 1]} : vector<16x2048xf32> to vector<16x1024xf32>
    %concatenate3A_2770 = tpu.concatenate %slice3A_2768, %slice3A_2769 in 1 : vector<16x1024xf32>, vector<16x1024xf32> -> vector<16x2048xf32>
    %select_n3A_2771 = arith.select %ne3A_68, %concatenate3A_2767, %concatenate3A_2770 : vector<16x2048xi1>, vector<16x2048xf32>
    %slice3A_2772 = vector.extract_strided_slice %select_n3A_2742 {offsets = [0, 1024], sizes = [16, 1024], strides = [1, 1]} : vector<16x2048xi32> to vector<16x1024xi32>
    %slice3A_2773 = vector.extract_strided_slice %select_n3A_2742 {offsets = [0, 0], sizes = [16, 1024], strides = [1, 1]} : vector<16x2048xi32> to vector<16x1024xi32>
    %concatenate3A_2774 = tpu.concatenate %slice3A_2772, %slice3A_2773 in 1 : vector<16x1024xi32>, vector<16x1024xi32> -> vector<16x2048xi32>
    %slice3A_2775 = vector.extract_strided_slice %select_n3A_2742 {offsets = [0, 1024], sizes = [16, 1024], strides = [1, 1]} : vector<16x2048xi32> to vector<16x1024xi32>
    %slice3A_2776 = vector.extract_strided_slice %select_n3A_2742 {offsets = [0, 0], sizes = [16, 1024], strides = [1, 1]} : vector<16x2048xi32> to vector<16x1024xi32>
    %concatenate3A_2777 = tpu.concatenate %slice3A_2775, %slice3A_2776 in 1 : vector<16x1024xi32>, vector<16x1024xi32> -> vector<16x2048xi32>
    %select_n3A_2778 = arith.select %ne3A_68, %concatenate3A_2774, %concatenate3A_2777 : vector<16x2048xi1>, vector<16x2048xi32>
    %gt3A_2779 = arith.cmpf ogt, %select_n3A_2741, %select_n3A_2771 : vector<16x2048xf32>
    %eq3A_2780 = arith.cmpf oeq, %select_n3A_2741, %select_n3A_2771 : vector<16x2048xf32>
    %lt3A_2781 = arith.cmpi slt, %select_n3A_2742, %select_n3A_2778 : vector<16x2048xi32>
    %and3A_2782 = arith.andi %eq3A_2780, %lt3A_2781 : vector<16x2048xi1>
    %or3A_2783 = arith.ori %gt3A_2779, %and3A_2782 : vector<16x2048xi1>
    %xor3A_2784 = arith.xori %or3A_2783, %ne3A_68 : vector<16x2048xi1>
    %select_n3A_2785 = arith.select %xor3A_2784, %select_n3A_2771, %select_n3A_2741 : vector<16x2048xi1>, vector<16x2048xf32>
    %select_n3A_2786 = arith.select %xor3A_2784, %select_n3A_2778, %select_n3A_2742 : vector<16x2048xi1>, vector<16x2048xi32>
    %slice3A_2787 = vector.extract_strided_slice %select_n3A_2763 {offsets = [0, 1024], sizes = [16, 1024], strides = [1, 1]} : vector<16x2048xf32> to vector<16x1024xf32>
    %slice3A_2788 = vector.extract_strided_slice %select_n3A_2763 {offsets = [0, 0], sizes = [16, 1024], strides = [1, 1]} : vector<16x2048xf32> to vector<16x1024xf32>
    %concatenate3A_2789 = tpu.concatenate %slice3A_2787, %slice3A_2788 in 1 : vector<16x1024xf32>, vector<16x1024xf32> -> vector<16x2048xf32>
    %slice3A_2790 = vector.extract_strided_slice %select_n3A_2763 {offsets = [0, 1024], sizes = [16, 1024], strides = [1, 1]} : vector<16x2048xf32> to vector<16x1024xf32>
    %slice3A_2791 = vector.extract_strided_slice %select_n3A_2763 {offsets = [0, 0], sizes = [16, 1024], strides = [1, 1]} : vector<16x2048xf32> to vector<16x1024xf32>
    %concatenate3A_2792 = tpu.concatenate %slice3A_2790, %slice3A_2791 in 1 : vector<16x1024xf32>, vector<16x1024xf32> -> vector<16x2048xf32>
    %select_n3A_2793 = arith.select %ne3A_68, %concatenate3A_2789, %concatenate3A_2792 : vector<16x2048xi1>, vector<16x2048xf32>
    %slice3A_2794 = vector.extract_strided_slice %select_n3A_2764 {offsets = [0, 1024], sizes = [16, 1024], strides = [1, 1]} : vector<16x2048xi32> to vector<16x1024xi32>
    %slice3A_2795 = vector.extract_strided_slice %select_n3A_2764 {offsets = [0, 0], sizes = [16, 1024], strides = [1, 1]} : vector<16x2048xi32> to vector<16x1024xi32>
    %concatenate3A_2796 = tpu.concatenate %slice3A_2794, %slice3A_2795 in 1 : vector<16x1024xi32>, vector<16x1024xi32> -> vector<16x2048xi32>
    %slice3A_2797 = vector.extract_strided_slice %select_n3A_2764 {offsets = [0, 1024], sizes = [16, 1024], strides = [1, 1]} : vector<16x2048xi32> to vector<16x1024xi32>
    %slice3A_2798 = vector.extract_strided_slice %select_n3A_2764 {offsets = [0, 0], sizes = [16, 1024], strides = [1, 1]} : vector<16x2048xi32> to vector<16x1024xi32>
    %concatenate3A_2799 = tpu.concatenate %slice3A_2797, %slice3A_2798 in 1 : vector<16x1024xi32>, vector<16x1024xi32> -> vector<16x2048xi32>
    %select_n3A_2800 = arith.select %ne3A_68, %concatenate3A_2796, %concatenate3A_2799 : vector<16x2048xi1>, vector<16x2048xi32>
    %gt3A_2801 = arith.cmpf ogt, %select_n3A_2763, %select_n3A_2793 : vector<16x2048xf32>
    %eq3A_2802 = arith.cmpf oeq, %select_n3A_2763, %select_n3A_2793 : vector<16x2048xf32>
    %lt3A_2803 = arith.cmpi slt, %select_n3A_2764, %select_n3A_2800 : vector<16x2048xi32>
    %and3A_2804 = arith.andi %eq3A_2802, %lt3A_2803 : vector<16x2048xi1>
    %or3A_2805 = arith.ori %gt3A_2801, %and3A_2804 : vector<16x2048xi1>
    %xor3A_2806 = arith.xori %or3A_2805, %ne3A_68 : vector<16x2048xi1>
    %select_n3A_2807 = arith.select %xor3A_2806, %select_n3A_2763, %select_n3A_2793 : vector<16x2048xi1>, vector<16x2048xf32>
    %select_n3A_2808 = arith.select %xor3A_2806, %select_n3A_2764, %select_n3A_2800 : vector<16x2048xi1>, vector<16x2048xi32>
    %slice3A_2809 = vector.extract_strided_slice %select_n3A_2785 {offsets = [0, 1536], sizes = [16, 512], strides = [1, 1]} : vector<16x2048xf32> to vector<16x512xf32>
    %slice3A_2810 = vector.extract_strided_slice %select_n3A_2785 {offsets = [0, 0], sizes = [16, 1536], strides = [1, 1]} : vector<16x2048xf32> to vector<16x1536xf32>
    %concatenate3A_2811 = tpu.concatenate %slice3A_2809, %slice3A_2810 in 1 : vector<16x512xf32>, vector<16x1536xf32> -> vector<16x2048xf32>
    %slice3A_2812 = vector.extract_strided_slice %select_n3A_2785 {offsets = [0, 512], sizes = [16, 1536], strides = [1, 1]} : vector<16x2048xf32> to vector<16x1536xf32>
    %slice3A_2813 = vector.extract_strided_slice %select_n3A_2785 {offsets = [0, 0], sizes = [16, 512], strides = [1, 1]} : vector<16x2048xf32> to vector<16x512xf32>
    %concatenate3A_2814 = tpu.concatenate %slice3A_2812, %slice3A_2813 in 1 : vector<16x1536xf32>, vector<16x512xf32> -> vector<16x2048xf32>
    %select_n3A_2815 = arith.select %ne3A_62, %concatenate3A_2811, %concatenate3A_2814 : vector<16x2048xi1>, vector<16x2048xf32>
    %slice3A_2816 = vector.extract_strided_slice %select_n3A_2786 {offsets = [0, 1536], sizes = [16, 512], strides = [1, 1]} : vector<16x2048xi32> to vector<16x512xi32>
    %slice3A_2817 = vector.extract_strided_slice %select_n3A_2786 {offsets = [0, 0], sizes = [16, 1536], strides = [1, 1]} : vector<16x2048xi32> to vector<16x1536xi32>
    %concatenate3A_2818 = tpu.concatenate %slice3A_2816, %slice3A_2817 in 1 : vector<16x512xi32>, vector<16x1536xi32> -> vector<16x2048xi32>
    %slice3A_2819 = vector.extract_strided_slice %select_n3A_2786 {offsets = [0, 512], sizes = [16, 1536], strides = [1, 1]} : vector<16x2048xi32> to vector<16x1536xi32>
    %slice3A_2820 = vector.extract_strided_slice %select_n3A_2786 {offsets = [0, 0], sizes = [16, 512], strides = [1, 1]} : vector<16x2048xi32> to vector<16x512xi32>
    %concatenate3A_2821 = tpu.concatenate %slice3A_2819, %slice3A_2820 in 1 : vector<16x1536xi32>, vector<16x512xi32> -> vector<16x2048xi32>
    %select_n3A_2822 = arith.select %ne3A_62, %concatenate3A_2818, %concatenate3A_2821 : vector<16x2048xi1>, vector<16x2048xi32>
    %gt3A_2823 = arith.cmpf ogt, %select_n3A_2785, %select_n3A_2815 : vector<16x2048xf32>
    %eq3A_2824 = arith.cmpf oeq, %select_n3A_2785, %select_n3A_2815 : vector<16x2048xf32>
    %lt3A_2825 = arith.cmpi slt, %select_n3A_2786, %select_n3A_2822 : vector<16x2048xi32>
    %and3A_2826 = arith.andi %eq3A_2824, %lt3A_2825 : vector<16x2048xi1>
    %or3A_2827 = arith.ori %gt3A_2823, %and3A_2826 : vector<16x2048xi1>
    %xor3A_2828 = arith.xori %or3A_2827, %ne3A_62 : vector<16x2048xi1>
    %select_n3A_2829 = arith.select %xor3A_2828, %select_n3A_2815, %select_n3A_2785 : vector<16x2048xi1>, vector<16x2048xf32>
    %select_n3A_2830 = arith.select %xor3A_2828, %select_n3A_2822, %select_n3A_2786 : vector<16x2048xi1>, vector<16x2048xi32>
    %slice3A_2831 = vector.extract_strided_slice %select_n3A_2807 {offsets = [0, 1536], sizes = [16, 512], strides = [1, 1]} : vector<16x2048xf32> to vector<16x512xf32>
    %slice3A_2832 = vector.extract_strided_slice %select_n3A_2807 {offsets = [0, 0], sizes = [16, 1536], strides = [1, 1]} : vector<16x2048xf32> to vector<16x1536xf32>
    %concatenate3A_2833 = tpu.concatenate %slice3A_2831, %slice3A_2832 in 1 : vector<16x512xf32>, vector<16x1536xf32> -> vector<16x2048xf32>
    %slice3A_2834 = vector.extract_strided_slice %select_n3A_2807 {offsets = [0, 512], sizes = [16, 1536], strides = [1, 1]} : vector<16x2048xf32> to vector<16x1536xf32>
    %slice3A_2835 = vector.extract_strided_slice %select_n3A_2807 {offsets = [0, 0], sizes = [16, 512], strides = [1, 1]} : vector<16x2048xf32> to vector<16x512xf32>
    %concatenate3A_2836 = tpu.concatenate %slice3A_2834, %slice3A_2835 in 1 : vector<16x1536xf32>, vector<16x512xf32> -> vector<16x2048xf32>
    %select_n3A_2837 = arith.select %ne3A_62, %concatenate3A_2833, %concatenate3A_2836 : vector<16x2048xi1>, vector<16x2048xf32>
    %slice3A_2838 = vector.extract_strided_slice %select_n3A_2808 {offsets = [0, 1536], sizes = [16, 512], strides = [1, 1]} : vector<16x2048xi32> to vector<16x512xi32>
    %slice3A_2839 = vector.extract_strided_slice %select_n3A_2808 {offsets = [0, 0], sizes = [16, 1536], strides = [1, 1]} : vector<16x2048xi32> to vector<16x1536xi32>
    %concatenate3A_2840 = tpu.concatenate %slice3A_2838, %slice3A_2839 in 1 : vector<16x512xi32>, vector<16x1536xi32> -> vector<16x2048xi32>
    %slice3A_2841 = vector.extract_strided_slice %select_n3A_2808 {offsets = [0, 512], sizes = [16, 1536], strides = [1, 1]} : vector<16x2048xi32> to vector<16x1536xi32>
    %slice3A_2842 = vector.extract_strided_slice %select_n3A_2808 {offsets = [0, 0], sizes = [16, 512], strides = [1, 1]} : vector<16x2048xi32> to vector<16x512xi32>
    %concatenate3A_2843 = tpu.concatenate %slice3A_2841, %slice3A_2842 in 1 : vector<16x1536xi32>, vector<16x512xi32> -> vector<16x2048xi32>
    %select_n3A_2844 = arith.select %ne3A_62, %concatenate3A_2840, %concatenate3A_2843 : vector<16x2048xi1>, vector<16x2048xi32>
    %gt3A_2845 = arith.cmpf ogt, %select_n3A_2807, %select_n3A_2837 : vector<16x2048xf32>
    %eq3A_2846 = arith.cmpf oeq, %select_n3A_2807, %select_n3A_2837 : vector<16x2048xf32>
    %lt3A_2847 = arith.cmpi slt, %select_n3A_2808, %select_n3A_2844 : vector<16x2048xi32>
    %and3A_2848 = arith.andi %eq3A_2846, %lt3A_2847 : vector<16x2048xi1>
    %or3A_2849 = arith.ori %gt3A_2845, %and3A_2848 : vector<16x2048xi1>
    %xor3A_2850 = arith.xori %or3A_2849, %ne3A_62 : vector<16x2048xi1>
    %select_n3A_2851 = arith.select %xor3A_2850, %select_n3A_2807, %select_n3A_2837 : vector<16x2048xi1>, vector<16x2048xf32>
    %select_n3A_2852 = arith.select %xor3A_2850, %select_n3A_2808, %select_n3A_2844 : vector<16x2048xi1>, vector<16x2048xi32>
    %slice3A_2853 = vector.extract_strided_slice %select_n3A_2829 {offsets = [0, 1792], sizes = [16, 256], strides = [1, 1]} : vector<16x2048xf32> to vector<16x256xf32>
    %slice3A_2854 = vector.extract_strided_slice %select_n3A_2829 {offsets = [0, 0], sizes = [16, 1792], strides = [1, 1]} : vector<16x2048xf32> to vector<16x1792xf32>
    %concatenate3A_2855 = tpu.concatenate %slice3A_2853, %slice3A_2854 in 1 : vector<16x256xf32>, vector<16x1792xf32> -> vector<16x2048xf32>
    %slice3A_2856 = vector.extract_strided_slice %select_n3A_2829 {offsets = [0, 256], sizes = [16, 1792], strides = [1, 1]} : vector<16x2048xf32> to vector<16x1792xf32>
    %slice3A_2857 = vector.extract_strided_slice %select_n3A_2829 {offsets = [0, 0], sizes = [16, 256], strides = [1, 1]} : vector<16x2048xf32> to vector<16x256xf32>
    %concatenate3A_2858 = tpu.concatenate %slice3A_2856, %slice3A_2857 in 1 : vector<16x1792xf32>, vector<16x256xf32> -> vector<16x2048xf32>
    %select_n3A_2859 = arith.select %ne3A_56, %concatenate3A_2855, %concatenate3A_2858 : vector<16x2048xi1>, vector<16x2048xf32>
    %slice3A_2860 = vector.extract_strided_slice %select_n3A_2830 {offsets = [0, 1792], sizes = [16, 256], strides = [1, 1]} : vector<16x2048xi32> to vector<16x256xi32>
    %slice3A_2861 = vector.extract_strided_slice %select_n3A_2830 {offsets = [0, 0], sizes = [16, 1792], strides = [1, 1]} : vector<16x2048xi32> to vector<16x1792xi32>
    %concatenate3A_2862 = tpu.concatenate %slice3A_2860, %slice3A_2861 in 1 : vector<16x256xi32>, vector<16x1792xi32> -> vector<16x2048xi32>
    %slice3A_2863 = vector.extract_strided_slice %select_n3A_2830 {offsets = [0, 256], sizes = [16, 1792], strides = [1, 1]} : vector<16x2048xi32> to vector<16x1792xi32>
    %slice3A_2864 = vector.extract_strided_slice %select_n3A_2830 {offsets = [0, 0], sizes = [16, 256], strides = [1, 1]} : vector<16x2048xi32> to vector<16x256xi32>
    %concatenate3A_2865 = tpu.concatenate %slice3A_2863, %slice3A_2864 in 1 : vector<16x1792xi32>, vector<16x256xi32> -> vector<16x2048xi32>
    %select_n3A_2866 = arith.select %ne3A_56, %concatenate3A_2862, %concatenate3A_2865 : vector<16x2048xi1>, vector<16x2048xi32>
    %gt3A_2867 = arith.cmpf ogt, %select_n3A_2829, %select_n3A_2859 : vector<16x2048xf32>
    %eq3A_2868 = arith.cmpf oeq, %select_n3A_2829, %select_n3A_2859 : vector<16x2048xf32>
    %lt3A_2869 = arith.cmpi slt, %select_n3A_2830, %select_n3A_2866 : vector<16x2048xi32>
    %and3A_2870 = arith.andi %eq3A_2868, %lt3A_2869 : vector<16x2048xi1>
    %or3A_2871 = arith.ori %gt3A_2867, %and3A_2870 : vector<16x2048xi1>
    %xor3A_2872 = arith.xori %or3A_2871, %ne3A_56 : vector<16x2048xi1>
    %select_n3A_2873 = arith.select %xor3A_2872, %select_n3A_2859, %select_n3A_2829 : vector<16x2048xi1>, vector<16x2048xf32>
    %select_n3A_2874 = arith.select %xor3A_2872, %select_n3A_2866, %select_n3A_2830 : vector<16x2048xi1>, vector<16x2048xi32>
    %slice3A_2875 = vector.extract_strided_slice %select_n3A_2851 {offsets = [0, 1792], sizes = [16, 256], strides = [1, 1]} : vector<16x2048xf32> to vector<16x256xf32>
    %slice3A_2876 = vector.extract_strided_slice %select_n3A_2851 {offsets = [0, 0], sizes = [16, 1792], strides = [1, 1]} : vector<16x2048xf32> to vector<16x1792xf32>
    %concatenate3A_2877 = tpu.concatenate %slice3A_2875, %slice3A_2876 in 1 : vector<16x256xf32>, vector<16x1792xf32> -> vector<16x2048xf32>
    %slice3A_2878 = vector.extract_strided_slice %select_n3A_2851 {offsets = [0, 256], sizes = [16, 1792], strides = [1, 1]} : vector<16x2048xf32> to vector<16x1792xf32>
    %slice3A_2879 = vector.extract_strided_slice %select_n3A_2851 {offsets = [0, 0], sizes = [16, 256], strides = [1, 1]} : vector<16x2048xf32> to vector<16x256xf32>
    %concatenate3A_2880 = tpu.concatenate %slice3A_2878, %slice3A_2879 in 1 : vector<16x1792xf32>, vector<16x256xf32> -> vector<16x2048xf32>
    %select_n3A_2881 = arith.select %ne3A_56, %concatenate3A_2877, %concatenate3A_2880 : vector<16x2048xi1>, vector<16x2048xf32>
    %slice3A_2882 = vector.extract_strided_slice %select_n3A_2852 {offsets = [0, 1792], sizes = [16, 256], strides = [1, 1]} : vector<16x2048xi32> to vector<16x256xi32>
    %slice3A_2883 = vector.extract_strided_slice %select_n3A_2852 {offsets = [0, 0], sizes = [16, 1792], strides = [1, 1]} : vector<16x2048xi32> to vector<16x1792xi32>
    %concatenate3A_2884 = tpu.concatenate %slice3A_2882, %slice3A_2883 in 1 : vector<16x256xi32>, vector<16x1792xi32> -> vector<16x2048xi32>
    %slice3A_2885 = vector.extract_strided_slice %select_n3A_2852 {offsets = [0, 256], sizes = [16, 1792], strides = [1, 1]} : vector<16x2048xi32> to vector<16x1792xi32>
    %slice3A_2886 = vector.extract_strided_slice %select_n3A_2852 {offsets = [0, 0], sizes = [16, 256], strides = [1, 1]} : vector<16x2048xi32> to vector<16x256xi32>
    %concatenate3A_2887 = tpu.concatenate %slice3A_2885, %slice3A_2886 in 1 : vector<16x1792xi32>, vector<16x256xi32> -> vector<16x2048xi32>
    %select_n3A_2888 = arith.select %ne3A_56, %concatenate3A_2884, %concatenate3A_2887 : vector<16x2048xi1>, vector<16x2048xi32>
    %gt3A_2889 = arith.cmpf ogt, %select_n3A_2851, %select_n3A_2881 : vector<16x2048xf32>
    %eq3A_2890 = arith.cmpf oeq, %select_n3A_2851, %select_n3A_2881 : vector<16x2048xf32>
    %lt3A_2891 = arith.cmpi slt, %select_n3A_2852, %select_n3A_2888 : vector<16x2048xi32>
    %and3A_2892 = arith.andi %eq3A_2890, %lt3A_2891 : vector<16x2048xi1>
    %or3A_2893 = arith.ori %gt3A_2889, %and3A_2892 : vector<16x2048xi1>
    %xor3A_2894 = arith.xori %or3A_2893, %ne3A_56 : vector<16x2048xi1>
    %select_n3A_2895 = arith.select %xor3A_2894, %select_n3A_2851, %select_n3A_2881 : vector<16x2048xi1>, vector<16x2048xf32>
    %select_n3A_2896 = arith.select %xor3A_2894, %select_n3A_2852, %select_n3A_2888 : vector<16x2048xi1>, vector<16x2048xi32>
    %slice3A_2897 = vector.extract_strided_slice %select_n3A_2873 {offsets = [0, 1920], sizes = [16, 128], strides = [1, 1]} : vector<16x2048xf32> to vector<16x128xf32>
    %slice3A_2898 = vector.extract_strided_slice %select_n3A_2873 {offsets = [0, 0], sizes = [16, 1920], strides = [1, 1]} : vector<16x2048xf32> to vector<16x1920xf32>
    %concatenate3A_2899 = tpu.concatenate %slice3A_2897, %slice3A_2898 in 1 : vector<16x128xf32>, vector<16x1920xf32> -> vector<16x2048xf32>
    %slice3A_2900 = vector.extract_strided_slice %select_n3A_2873 {offsets = [0, 128], sizes = [16, 1920], strides = [1, 1]} : vector<16x2048xf32> to vector<16x1920xf32>
    %slice3A_2901 = vector.extract_strided_slice %select_n3A_2873 {offsets = [0, 0], sizes = [16, 128], strides = [1, 1]} : vector<16x2048xf32> to vector<16x128xf32>
    %concatenate3A_2902 = tpu.concatenate %slice3A_2900, %slice3A_2901 in 1 : vector<16x1920xf32>, vector<16x128xf32> -> vector<16x2048xf32>
    %select_n3A_2903 = arith.select %ne3A_50, %concatenate3A_2899, %concatenate3A_2902 : vector<16x2048xi1>, vector<16x2048xf32>
    %slice3A_2904 = vector.extract_strided_slice %select_n3A_2874 {offsets = [0, 1920], sizes = [16, 128], strides = [1, 1]} : vector<16x2048xi32> to vector<16x128xi32>
    %slice3A_2905 = vector.extract_strided_slice %select_n3A_2874 {offsets = [0, 0], sizes = [16, 1920], strides = [1, 1]} : vector<16x2048xi32> to vector<16x1920xi32>
    %concatenate3A_2906 = tpu.concatenate %slice3A_2904, %slice3A_2905 in 1 : vector<16x128xi32>, vector<16x1920xi32> -> vector<16x2048xi32>
    %slice3A_2907 = vector.extract_strided_slice %select_n3A_2874 {offsets = [0, 128], sizes = [16, 1920], strides = [1, 1]} : vector<16x2048xi32> to vector<16x1920xi32>
    %slice3A_2908 = vector.extract_strided_slice %select_n3A_2874 {offsets = [0, 0], sizes = [16, 128], strides = [1, 1]} : vector<16x2048xi32> to vector<16x128xi32>
    %concatenate3A_2909 = tpu.concatenate %slice3A_2907, %slice3A_2908 in 1 : vector<16x1920xi32>, vector<16x128xi32> -> vector<16x2048xi32>
    %select_n3A_2910 = arith.select %ne3A_50, %concatenate3A_2906, %concatenate3A_2909 : vector<16x2048xi1>, vector<16x2048xi32>
    %gt3A_2911 = arith.cmpf ogt, %select_n3A_2873, %select_n3A_2903 : vector<16x2048xf32>
    %eq3A_2912 = arith.cmpf oeq, %select_n3A_2873, %select_n3A_2903 : vector<16x2048xf32>
    %lt3A_2913 = arith.cmpi slt, %select_n3A_2874, %select_n3A_2910 : vector<16x2048xi32>
    %and3A_2914 = arith.andi %eq3A_2912, %lt3A_2913 : vector<16x2048xi1>
    %or3A_2915 = arith.ori %gt3A_2911, %and3A_2914 : vector<16x2048xi1>
    %xor3A_2916 = arith.xori %or3A_2915, %ne3A_50 : vector<16x2048xi1>
    %select_n3A_2917 = arith.select %xor3A_2916, %select_n3A_2903, %select_n3A_2873 : vector<16x2048xi1>, vector<16x2048xf32>
    %select_n3A_2918 = arith.select %xor3A_2916, %select_n3A_2910, %select_n3A_2874 : vector<16x2048xi1>, vector<16x2048xi32>
    %slice3A_2919 = vector.extract_strided_slice %select_n3A_2895 {offsets = [0, 1920], sizes = [16, 128], strides = [1, 1]} : vector<16x2048xf32> to vector<16x128xf32>
    %slice3A_2920 = vector.extract_strided_slice %select_n3A_2895 {offsets = [0, 0], sizes = [16, 1920], strides = [1, 1]} : vector<16x2048xf32> to vector<16x1920xf32>
    %concatenate3A_2921 = tpu.concatenate %slice3A_2919, %slice3A_2920 in 1 : vector<16x128xf32>, vector<16x1920xf32> -> vector<16x2048xf32>
    %slice3A_2922 = vector.extract_strided_slice %select_n3A_2895 {offsets = [0, 128], sizes = [16, 1920], strides = [1, 1]} : vector<16x2048xf32> to vector<16x1920xf32>
    %slice3A_2923 = vector.extract_strided_slice %select_n3A_2895 {offsets = [0, 0], sizes = [16, 128], strides = [1, 1]} : vector<16x2048xf32> to vector<16x128xf32>
    %concatenate3A_2924 = tpu.concatenate %slice3A_2922, %slice3A_2923 in 1 : vector<16x1920xf32>, vector<16x128xf32> -> vector<16x2048xf32>
    %select_n3A_2925 = arith.select %ne3A_50, %concatenate3A_2921, %concatenate3A_2924 : vector<16x2048xi1>, vector<16x2048xf32>
    %slice3A_2926 = vector.extract_strided_slice %select_n3A_2896 {offsets = [0, 1920], sizes = [16, 128], strides = [1, 1]} : vector<16x2048xi32> to vector<16x128xi32>
    %slice3A_2927 = vector.extract_strided_slice %select_n3A_2896 {offsets = [0, 0], sizes = [16, 1920], strides = [1, 1]} : vector<16x2048xi32> to vector<16x1920xi32>
    %concatenate3A_2928 = tpu.concatenate %slice3A_2926, %slice3A_2927 in 1 : vector<16x128xi32>, vector<16x1920xi32> -> vector<16x2048xi32>
    %slice3A_2929 = vector.extract_strided_slice %select_n3A_2896 {offsets = [0, 128], sizes = [16, 1920], strides = [1, 1]} : vector<16x2048xi32> to vector<16x1920xi32>
    %slice3A_2930 = vector.extract_strided_slice %select_n3A_2896 {offsets = [0, 0], sizes = [16, 128], strides = [1, 1]} : vector<16x2048xi32> to vector<16x128xi32>
    %concatenate3A_2931 = tpu.concatenate %slice3A_2929, %slice3A_2930 in 1 : vector<16x1920xi32>, vector<16x128xi32> -> vector<16x2048xi32>
    %select_n3A_2932 = arith.select %ne3A_50, %concatenate3A_2928, %concatenate3A_2931 : vector<16x2048xi1>, vector<16x2048xi32>
    %gt3A_2933 = arith.cmpf ogt, %select_n3A_2895, %select_n3A_2925 : vector<16x2048xf32>
    %eq3A_2934 = arith.cmpf oeq, %select_n3A_2895, %select_n3A_2925 : vector<16x2048xf32>
    %lt3A_2935 = arith.cmpi slt, %select_n3A_2896, %select_n3A_2932 : vector<16x2048xi32>
    %and3A_2936 = arith.andi %eq3A_2934, %lt3A_2935 : vector<16x2048xi1>
    %or3A_2937 = arith.ori %gt3A_2933, %and3A_2936 : vector<16x2048xi1>
    %xor3A_2938 = arith.xori %or3A_2937, %ne3A_50 : vector<16x2048xi1>
    %select_n3A_2939 = arith.select %xor3A_2938, %select_n3A_2895, %select_n3A_2925 : vector<16x2048xi1>, vector<16x2048xf32>
    %select_n3A_2940 = arith.select %xor3A_2938, %select_n3A_2896, %select_n3A_2932 : vector<16x2048xi1>, vector<16x2048xi32>
    %gt3A_2941 = arith.cmpf ogt, %select_n3A_2917, %select_n3A_2939 : vector<16x2048xf32>
    %eq3A_2942 = arith.cmpf oeq, %select_n3A_2917, %select_n3A_2939 : vector<16x2048xf32>
    %lt3A_2943 = arith.cmpi slt, %select_n3A_2918, %select_n3A_2940 : vector<16x2048xi32>
    %and3A_2944 = arith.andi %eq3A_2942, %lt3A_2943 : vector<16x2048xi1>
    %or3A_2945 = arith.ori %gt3A_2941, %and3A_2944 : vector<16x2048xi1>
    %select_n3A_2946 = arith.select %or3A_2945, %select_n3A_2917, %select_n3A_2939 : vector<16x2048xi1>, vector<16x2048xf32>
    %select_n3A_2947 = arith.select %or3A_2945, %select_n3A_2918, %select_n3A_2940 : vector<16x2048xi1>, vector<16x2048xi32>
    %slice3A_2948 = vector.extract_strided_slice %select_n3A_2946 {offsets = [0, 2040], sizes = [16, 8], strides = [1, 1]} : vector<16x2048xf32> to vector<16x8xf32>
    %slice3A_2949 = vector.extract_strided_slice %select_n3A_2946 {offsets = [0, 0], sizes = [16, 2040], strides = [1, 1]} : vector<16x2048xf32> to vector<16x2040xf32>
    %concatenate3A_2950 = tpu.concatenate %slice3A_2948, %slice3A_2949 in 1 : vector<16x8xf32>, vector<16x2040xf32> -> vector<16x2048xf32>
    %slice3A_2951 = vector.extract_strided_slice %select_n3A_2946 {offsets = [0, 8], sizes = [16, 2040], strides = [1, 1]} : vector<16x2048xf32> to vector<16x2040xf32>
    %slice3A_2952 = vector.extract_strided_slice %select_n3A_2946 {offsets = [0, 0], sizes = [16, 8], strides = [1, 1]} : vector<16x2048xf32> to vector<16x8xf32>
    %concatenate3A_2953 = tpu.concatenate %slice3A_2951, %slice3A_2952 in 1 : vector<16x2040xf32>, vector<16x8xf32> -> vector<16x2048xf32>
    %select_n3A_2954 = arith.select %ne3A_26, %concatenate3A_2950, %concatenate3A_2953 : vector<16x2048xi1>, vector<16x2048xf32>
    %slice3A_2955 = vector.extract_strided_slice %select_n3A_2947 {offsets = [0, 2040], sizes = [16, 8], strides = [1, 1]} : vector<16x2048xi32> to vector<16x8xi32>
    %slice3A_2956 = vector.extract_strided_slice %select_n3A_2947 {offsets = [0, 0], sizes = [16, 2040], strides = [1, 1]} : vector<16x2048xi32> to vector<16x2040xi32>
    %concatenate3A_2957 = tpu.concatenate %slice3A_2955, %slice3A_2956 in 1 : vector<16x8xi32>, vector<16x2040xi32> -> vector<16x2048xi32>
    %slice3A_2958 = vector.extract_strided_slice %select_n3A_2947 {offsets = [0, 8], sizes = [16, 2040], strides = [1, 1]} : vector<16x2048xi32> to vector<16x2040xi32>
    %slice3A_2959 = vector.extract_strided_slice %select_n3A_2947 {offsets = [0, 0], sizes = [16, 8], strides = [1, 1]} : vector<16x2048xi32> to vector<16x8xi32>
    %concatenate3A_2960 = tpu.concatenate %slice3A_2958, %slice3A_2959 in 1 : vector<16x2040xi32>, vector<16x8xi32> -> vector<16x2048xi32>
    %select_n3A_2961 = arith.select %ne3A_26, %concatenate3A_2957, %concatenate3A_2960 : vector<16x2048xi1>, vector<16x2048xi32>
    %gt3A_2962 = arith.cmpf ogt, %select_n3A_2946, %select_n3A_2954 : vector<16x2048xf32>
    %eq3A_2963 = arith.cmpf oeq, %select_n3A_2946, %select_n3A_2954 : vector<16x2048xf32>
    %lt3A_2964 = arith.cmpi slt, %select_n3A_2947, %select_n3A_2961 : vector<16x2048xi32>
    %and3A_2965 = arith.andi %eq3A_2963, %lt3A_2964 : vector<16x2048xi1>
    %or3A_2966 = arith.ori %gt3A_2962, %and3A_2965 : vector<16x2048xi1>
    %xor3A_2967 = arith.xori %or3A_2966, %ne3A_26 : vector<16x2048xi1>
    %select_n3A_2968 = arith.select %xor3A_2967, %select_n3A_2946, %select_n3A_2954 : vector<16x2048xi1>, vector<16x2048xf32>
    %select_n3A_2969 = arith.select %xor3A_2967, %select_n3A_2947, %select_n3A_2961 : vector<16x2048xi1>, vector<16x2048xi32>
    %slice3A_2970 = vector.extract_strided_slice %select_n3A_2968 {offsets = [0, 2044], sizes = [16, 4], strides = [1, 1]} : vector<16x2048xf32> to vector<16x4xf32>
    %slice3A_2971 = vector.extract_strided_slice %select_n3A_2968 {offsets = [0, 0], sizes = [16, 2044], strides = [1, 1]} : vector<16x2048xf32> to vector<16x2044xf32>
    %concatenate3A_2972 = tpu.concatenate %slice3A_2970, %slice3A_2971 in 1 : vector<16x4xf32>, vector<16x2044xf32> -> vector<16x2048xf32>
    %slice3A_2973 = vector.extract_strided_slice %select_n3A_2968 {offsets = [0, 4], sizes = [16, 2044], strides = [1, 1]} : vector<16x2048xf32> to vector<16x2044xf32>
    %slice3A_2974 = vector.extract_strided_slice %select_n3A_2968 {offsets = [0, 0], sizes = [16, 4], strides = [1, 1]} : vector<16x2048xf32> to vector<16x4xf32>
    %concatenate3A_2975 = tpu.concatenate %slice3A_2973, %slice3A_2974 in 1 : vector<16x2044xf32>, vector<16x4xf32> -> vector<16x2048xf32>
    %select_n3A_2976 = arith.select %ne3A_20, %concatenate3A_2972, %concatenate3A_2975 : vector<16x2048xi1>, vector<16x2048xf32>
    %slice3A_2977 = vector.extract_strided_slice %select_n3A_2969 {offsets = [0, 2044], sizes = [16, 4], strides = [1, 1]} : vector<16x2048xi32> to vector<16x4xi32>
    %slice3A_2978 = vector.extract_strided_slice %select_n3A_2969 {offsets = [0, 0], sizes = [16, 2044], strides = [1, 1]} : vector<16x2048xi32> to vector<16x2044xi32>
    %concatenate3A_2979 = tpu.concatenate %slice3A_2977, %slice3A_2978 in 1 : vector<16x4xi32>, vector<16x2044xi32> -> vector<16x2048xi32>
    %slice3A_2980 = vector.extract_strided_slice %select_n3A_2969 {offsets = [0, 4], sizes = [16, 2044], strides = [1, 1]} : vector<16x2048xi32> to vector<16x2044xi32>
    %slice3A_2981 = vector.extract_strided_slice %select_n3A_2969 {offsets = [0, 0], sizes = [16, 4], strides = [1, 1]} : vector<16x2048xi32> to vector<16x4xi32>
    %concatenate3A_2982 = tpu.concatenate %slice3A_2980, %slice3A_2981 in 1 : vector<16x2044xi32>, vector<16x4xi32> -> vector<16x2048xi32>
    %select_n3A_2983 = arith.select %ne3A_20, %concatenate3A_2979, %concatenate3A_2982 : vector<16x2048xi1>, vector<16x2048xi32>
    %gt3A_2984 = arith.cmpf ogt, %select_n3A_2968, %select_n3A_2976 : vector<16x2048xf32>
    %eq3A_2985 = arith.cmpf oeq, %select_n3A_2968, %select_n3A_2976 : vector<16x2048xf32>
    %lt3A_2986 = arith.cmpi slt, %select_n3A_2969, %select_n3A_2983 : vector<16x2048xi32>
    %and3A_2987 = arith.andi %eq3A_2985, %lt3A_2986 : vector<16x2048xi1>
    %or3A_2988 = arith.ori %gt3A_2984, %and3A_2987 : vector<16x2048xi1>
    %xor3A_2989 = arith.xori %or3A_2988, %ne3A_20 : vector<16x2048xi1>
    %select_n3A_2990 = arith.select %xor3A_2989, %select_n3A_2968, %select_n3A_2976 : vector<16x2048xi1>, vector<16x2048xf32>
    %select_n3A_2991 = arith.select %xor3A_2989, %select_n3A_2969, %select_n3A_2983 : vector<16x2048xi1>, vector<16x2048xi32>
    %slice3A_2992 = vector.extract_strided_slice %select_n3A_2990 {offsets = [0, 2046], sizes = [16, 2], strides = [1, 1]} : vector<16x2048xf32> to vector<16x2xf32>
    %slice3A_2993 = vector.extract_strided_slice %select_n3A_2990 {offsets = [0, 0], sizes = [16, 2046], strides = [1, 1]} : vector<16x2048xf32> to vector<16x2046xf32>
    %concatenate3A_2994 = tpu.concatenate %slice3A_2992, %slice3A_2993 in 1 : vector<16x2xf32>, vector<16x2046xf32> -> vector<16x2048xf32>
    %slice3A_2995 = vector.extract_strided_slice %select_n3A_2990 {offsets = [0, 2], sizes = [16, 2046], strides = [1, 1]} : vector<16x2048xf32> to vector<16x2046xf32>
    %slice3A_2996 = vector.extract_strided_slice %select_n3A_2990 {offsets = [0, 0], sizes = [16, 2], strides = [1, 1]} : vector<16x2048xf32> to vector<16x2xf32>
    %concatenate3A_2997 = tpu.concatenate %slice3A_2995, %slice3A_2996 in 1 : vector<16x2046xf32>, vector<16x2xf32> -> vector<16x2048xf32>
    %select_n3A_2998 = arith.select %ne3A_14, %concatenate3A_2994, %concatenate3A_2997 : vector<16x2048xi1>, vector<16x2048xf32>
    %slice3A_2999 = vector.extract_strided_slice %select_n3A_2991 {offsets = [0, 2046], sizes = [16, 2], strides = [1, 1]} : vector<16x2048xi32> to vector<16x2xi32>
    %slice3A_3000 = vector.extract_strided_slice %select_n3A_2991 {offsets = [0, 0], sizes = [16, 2046], strides = [1, 1]} : vector<16x2048xi32> to vector<16x2046xi32>
    %concatenate3A_3001 = tpu.concatenate %slice3A_2999, %slice3A_3000 in 1 : vector<16x2xi32>, vector<16x2046xi32> -> vector<16x2048xi32>
    %slice3A_3002 = vector.extract_strided_slice %select_n3A_2991 {offsets = [0, 2], sizes = [16, 2046], strides = [1, 1]} : vector<16x2048xi32> to vector<16x2046xi32>
    %slice3A_3003 = vector.extract_strided_slice %select_n3A_2991 {offsets = [0, 0], sizes = [16, 2], strides = [1, 1]} : vector<16x2048xi32> to vector<16x2xi32>
    %concatenate3A_3004 = tpu.concatenate %slice3A_3002, %slice3A_3003 in 1 : vector<16x2046xi32>, vector<16x2xi32> -> vector<16x2048xi32>
    %select_n3A_3005 = arith.select %ne3A_14, %concatenate3A_3001, %concatenate3A_3004 : vector<16x2048xi1>, vector<16x2048xi32>
    %gt3A_3006 = arith.cmpf ogt, %select_n3A_2990, %select_n3A_2998 : vector<16x2048xf32>
    %eq3A_3007 = arith.cmpf oeq, %select_n3A_2990, %select_n3A_2998 : vector<16x2048xf32>
    %lt3A_3008 = arith.cmpi slt, %select_n3A_2991, %select_n3A_3005 : vector<16x2048xi32>
    %and3A_3009 = arith.andi %eq3A_3007, %lt3A_3008 : vector<16x2048xi1>
    %or3A_3010 = arith.ori %gt3A_3006, %and3A_3009 : vector<16x2048xi1>
    %xor3A_3011 = arith.xori %or3A_3010, %ne3A_14 : vector<16x2048xi1>
    %select_n3A_3012 = arith.select %xor3A_3011, %select_n3A_2990, %select_n3A_2998 : vector<16x2048xi1>, vector<16x2048xf32>
    %select_n3A_3013 = arith.select %xor3A_3011, %select_n3A_2991, %select_n3A_3005 : vector<16x2048xi1>, vector<16x2048xi32>
    %slice3A_3014 = vector.extract_strided_slice %select_n3A_3012 {offsets = [0, 2047], sizes = [16, 1], strides = [1, 1]} : vector<16x2048xf32> to vector<16x1xf32>
    %slice3A_3015 = vector.extract_strided_slice %select_n3A_3012 {offsets = [0, 0], sizes = [16, 2047], strides = [1, 1]} : vector<16x2048xf32> to vector<16x2047xf32>
    %concatenate3A_3016 = tpu.concatenate %slice3A_3014, %slice3A_3015 in 1 : vector<16x1xf32>, vector<16x2047xf32> -> vector<16x2048xf32>
    %slice3A_3017 = vector.extract_strided_slice %select_n3A_3012 {offsets = [0, 1], sizes = [16, 2047], strides = [1, 1]} : vector<16x2048xf32> to vector<16x2047xf32>
    %slice3A_3018 = vector.extract_strided_slice %select_n3A_3012 {offsets = [0, 0], sizes = [16, 1], strides = [1, 1]} : vector<16x2048xf32> to vector<16x1xf32>
    %concatenate3A_3019 = tpu.concatenate %slice3A_3017, %slice3A_3018 in 1 : vector<16x2047xf32>, vector<16x1xf32> -> vector<16x2048xf32>
    %select_n3A_3020 = arith.select %ne3A_8, %concatenate3A_3016, %concatenate3A_3019 : vector<16x2048xi1>, vector<16x2048xf32>
    %slice3A_3021 = vector.extract_strided_slice %select_n3A_3013 {offsets = [0, 2047], sizes = [16, 1], strides = [1, 1]} : vector<16x2048xi32> to vector<16x1xi32>
    %slice3A_3022 = vector.extract_strided_slice %select_n3A_3013 {offsets = [0, 0], sizes = [16, 2047], strides = [1, 1]} : vector<16x2048xi32> to vector<16x2047xi32>
    %concatenate3A_3023 = tpu.concatenate %slice3A_3021, %slice3A_3022 in 1 : vector<16x1xi32>, vector<16x2047xi32> -> vector<16x2048xi32>
    %slice3A_3024 = vector.extract_strided_slice %select_n3A_3013 {offsets = [0, 1], sizes = [16, 2047], strides = [1, 1]} : vector<16x2048xi32> to vector<16x2047xi32>
    %slice3A_3025 = vector.extract_strided_slice %select_n3A_3013 {offsets = [0, 0], sizes = [16, 1], strides = [1, 1]} : vector<16x2048xi32> to vector<16x1xi32>
    %concatenate3A_3026 = tpu.concatenate %slice3A_3024, %slice3A_3025 in 1 : vector<16x2047xi32>, vector<16x1xi32> -> vector<16x2048xi32>
    %select_n3A_3027 = arith.select %ne3A_8, %concatenate3A_3023, %concatenate3A_3026 : vector<16x2048xi1>, vector<16x2048xi32>
    %gt3A_3028 = arith.cmpf ogt, %select_n3A_3012, %select_n3A_3020 : vector<16x2048xf32>
    %eq3A_3029 = arith.cmpf oeq, %select_n3A_3012, %select_n3A_3020 : vector<16x2048xf32>
    %lt3A_3030 = arith.cmpi slt, %select_n3A_3013, %select_n3A_3027 : vector<16x2048xi32>
    %and3A_3031 = arith.andi %eq3A_3029, %lt3A_3030 : vector<16x2048xi1>
    %or3A_3032 = arith.ori %gt3A_3028, %and3A_3031 : vector<16x2048xi1>
    %xor3A_3033 = arith.xori %or3A_3032, %ne3A_8 : vector<16x2048xi1>
    %select_n3A_3034 = arith.select %xor3A_3033, %select_n3A_3012, %select_n3A_3020 : vector<16x2048xi1>, vector<16x2048xf32>
    %select_n3A_3035 = arith.select %xor3A_3033, %select_n3A_3013, %select_n3A_3027 : vector<16x2048xi1>, vector<16x2048xi32>
    %slice3A_3036 = vector.extract_strided_slice %select_n3A_3034 {offsets = [0, 1024], sizes = [16, 1024], strides = [1, 1]} : vector<16x2048xf32> to vector<16x1024xf32>
    %slice3A_3037 = vector.extract_strided_slice %select_n3A_3034 {offsets = [0, 0], sizes = [16, 1024], strides = [1, 1]} : vector<16x2048xf32> to vector<16x1024xf32>
    %concatenate3A_3038 = tpu.concatenate %slice3A_3036, %slice3A_3037 in 1 : vector<16x1024xf32>, vector<16x1024xf32> -> vector<16x2048xf32>
    %slice3A_3039 = vector.extract_strided_slice %select_n3A_3034 {offsets = [0, 1024], sizes = [16, 1024], strides = [1, 1]} : vector<16x2048xf32> to vector<16x1024xf32>
    %slice3A_3040 = vector.extract_strided_slice %select_n3A_3034 {offsets = [0, 0], sizes = [16, 1024], strides = [1, 1]} : vector<16x2048xf32> to vector<16x1024xf32>
    %concatenate3A_3041 = tpu.concatenate %slice3A_3039, %slice3A_3040 in 1 : vector<16x1024xf32>, vector<16x1024xf32> -> vector<16x2048xf32>
    %select_n3A_3042 = arith.select %ne3A_68, %concatenate3A_3038, %concatenate3A_3041 : vector<16x2048xi1>, vector<16x2048xf32>
    %slice3A_3043 = vector.extract_strided_slice %select_n3A_3035 {offsets = [0, 1024], sizes = [16, 1024], strides = [1, 1]} : vector<16x2048xi32> to vector<16x1024xi32>
    %slice3A_3044 = vector.extract_strided_slice %select_n3A_3035 {offsets = [0, 0], sizes = [16, 1024], strides = [1, 1]} : vector<16x2048xi32> to vector<16x1024xi32>
    %concatenate3A_3045 = tpu.concatenate %slice3A_3043, %slice3A_3044 in 1 : vector<16x1024xi32>, vector<16x1024xi32> -> vector<16x2048xi32>
    %slice3A_3046 = vector.extract_strided_slice %select_n3A_3035 {offsets = [0, 1024], sizes = [16, 1024], strides = [1, 1]} : vector<16x2048xi32> to vector<16x1024xi32>
    %slice3A_3047 = vector.extract_strided_slice %select_n3A_3035 {offsets = [0, 0], sizes = [16, 1024], strides = [1, 1]} : vector<16x2048xi32> to vector<16x1024xi32>
    %concatenate3A_3048 = tpu.concatenate %slice3A_3046, %slice3A_3047 in 1 : vector<16x1024xi32>, vector<16x1024xi32> -> vector<16x2048xi32>
    %select_n3A_3049 = arith.select %ne3A_68, %concatenate3A_3045, %concatenate3A_3048 : vector<16x2048xi1>, vector<16x2048xi32>
    %gt3A_3050 = arith.cmpf ogt, %select_n3A_3034, %select_n3A_3042 : vector<16x2048xf32>
    %eq3A_3051 = arith.cmpf oeq, %select_n3A_3034, %select_n3A_3042 : vector<16x2048xf32>
    %lt3A_3052 = arith.cmpi slt, %select_n3A_3035, %select_n3A_3049 : vector<16x2048xi32>
    %and3A_3053 = arith.andi %eq3A_3051, %lt3A_3052 : vector<16x2048xi1>
    %or3A_3054 = arith.ori %gt3A_3050, %and3A_3053 : vector<16x2048xi1>
    %xor3A_3055 = arith.xori %or3A_3054, %ne3A_68 : vector<16x2048xi1>
    %select_n3A_3056 = arith.select %xor3A_3055, %select_n3A_3034, %select_n3A_3042 : vector<16x2048xi1>, vector<16x2048xf32>
    %select_n3A_3057 = arith.select %xor3A_3055, %select_n3A_3035, %select_n3A_3049 : vector<16x2048xi1>, vector<16x2048xi32>
    %slice3A_3058 = vector.extract_strided_slice %select_n3A_3056 {offsets = [0, 1536], sizes = [16, 512], strides = [1, 1]} : vector<16x2048xf32> to vector<16x512xf32>
    %slice3A_3059 = vector.extract_strided_slice %select_n3A_3056 {offsets = [0, 0], sizes = [16, 1536], strides = [1, 1]} : vector<16x2048xf32> to vector<16x1536xf32>
    %concatenate3A_3060 = tpu.concatenate %slice3A_3058, %slice3A_3059 in 1 : vector<16x512xf32>, vector<16x1536xf32> -> vector<16x2048xf32>
    %slice3A_3061 = vector.extract_strided_slice %select_n3A_3056 {offsets = [0, 512], sizes = [16, 1536], strides = [1, 1]} : vector<16x2048xf32> to vector<16x1536xf32>
    %slice3A_3062 = vector.extract_strided_slice %select_n3A_3056 {offsets = [0, 0], sizes = [16, 512], strides = [1, 1]} : vector<16x2048xf32> to vector<16x512xf32>
    %concatenate3A_3063 = tpu.concatenate %slice3A_3061, %slice3A_3062 in 1 : vector<16x1536xf32>, vector<16x512xf32> -> vector<16x2048xf32>
    %select_n3A_3064 = arith.select %ne3A_62, %concatenate3A_3060, %concatenate3A_3063 : vector<16x2048xi1>, vector<16x2048xf32>
    %slice3A_3065 = vector.extract_strided_slice %select_n3A_3057 {offsets = [0, 1536], sizes = [16, 512], strides = [1, 1]} : vector<16x2048xi32> to vector<16x512xi32>
    %slice3A_3066 = vector.extract_strided_slice %select_n3A_3057 {offsets = [0, 0], sizes = [16, 1536], strides = [1, 1]} : vector<16x2048xi32> to vector<16x1536xi32>
    %concatenate3A_3067 = tpu.concatenate %slice3A_3065, %slice3A_3066 in 1 : vector<16x512xi32>, vector<16x1536xi32> -> vector<16x2048xi32>
    %slice3A_3068 = vector.extract_strided_slice %select_n3A_3057 {offsets = [0, 512], sizes = [16, 1536], strides = [1, 1]} : vector<16x2048xi32> to vector<16x1536xi32>
    %slice3A_3069 = vector.extract_strided_slice %select_n3A_3057 {offsets = [0, 0], sizes = [16, 512], strides = [1, 1]} : vector<16x2048xi32> to vector<16x512xi32>
    %concatenate3A_3070 = tpu.concatenate %slice3A_3068, %slice3A_3069 in 1 : vector<16x1536xi32>, vector<16x512xi32> -> vector<16x2048xi32>
    %select_n3A_3071 = arith.select %ne3A_62, %concatenate3A_3067, %concatenate3A_3070 : vector<16x2048xi1>, vector<16x2048xi32>
    %gt3A_3072 = arith.cmpf ogt, %select_n3A_3056, %select_n3A_3064 : vector<16x2048xf32>
    %eq3A_3073 = arith.cmpf oeq, %select_n3A_3056, %select_n3A_3064 : vector<16x2048xf32>
    %lt3A_3074 = arith.cmpi slt, %select_n3A_3057, %select_n3A_3071 : vector<16x2048xi32>
    %and3A_3075 = arith.andi %eq3A_3073, %lt3A_3074 : vector<16x2048xi1>
    %or3A_3076 = arith.ori %gt3A_3072, %and3A_3075 : vector<16x2048xi1>
    %xor3A_3077 = arith.xori %or3A_3076, %ne3A_62 : vector<16x2048xi1>
    %select_n3A_3078 = arith.select %xor3A_3077, %select_n3A_3056, %select_n3A_3064 : vector<16x2048xi1>, vector<16x2048xf32>
    %select_n3A_3079 = arith.select %xor3A_3077, %select_n3A_3057, %select_n3A_3071 : vector<16x2048xi1>, vector<16x2048xi32>
    %slice3A_3080 = vector.extract_strided_slice %select_n3A_3078 {offsets = [0, 1792], sizes = [16, 256], strides = [1, 1]} : vector<16x2048xf32> to vector<16x256xf32>
    %slice3A_3081 = vector.extract_strided_slice %select_n3A_3078 {offsets = [0, 0], sizes = [16, 1792], strides = [1, 1]} : vector<16x2048xf32> to vector<16x1792xf32>
    %concatenate3A_3082 = tpu.concatenate %slice3A_3080, %slice3A_3081 in 1 : vector<16x256xf32>, vector<16x1792xf32> -> vector<16x2048xf32>
    %slice3A_3083 = vector.extract_strided_slice %select_n3A_3078 {offsets = [0, 256], sizes = [16, 1792], strides = [1, 1]} : vector<16x2048xf32> to vector<16x1792xf32>
    %slice3A_3084 = vector.extract_strided_slice %select_n3A_3078 {offsets = [0, 0], sizes = [16, 256], strides = [1, 1]} : vector<16x2048xf32> to vector<16x256xf32>
    %concatenate3A_3085 = tpu.concatenate %slice3A_3083, %slice3A_3084 in 1 : vector<16x1792xf32>, vector<16x256xf32> -> vector<16x2048xf32>
    %select_n3A_3086 = arith.select %ne3A_56, %concatenate3A_3082, %concatenate3A_3085 : vector<16x2048xi1>, vector<16x2048xf32>
    %slice3A_3087 = vector.extract_strided_slice %select_n3A_3079 {offsets = [0, 1792], sizes = [16, 256], strides = [1, 1]} : vector<16x2048xi32> to vector<16x256xi32>
    %slice3A_3088 = vector.extract_strided_slice %select_n3A_3079 {offsets = [0, 0], sizes = [16, 1792], strides = [1, 1]} : vector<16x2048xi32> to vector<16x1792xi32>
    %concatenate3A_3089 = tpu.concatenate %slice3A_3087, %slice3A_3088 in 1 : vector<16x256xi32>, vector<16x1792xi32> -> vector<16x2048xi32>
    %slice3A_3090 = vector.extract_strided_slice %select_n3A_3079 {offsets = [0, 256], sizes = [16, 1792], strides = [1, 1]} : vector<16x2048xi32> to vector<16x1792xi32>
    %slice3A_3091 = vector.extract_strided_slice %select_n3A_3079 {offsets = [0, 0], sizes = [16, 256], strides = [1, 1]} : vector<16x2048xi32> to vector<16x256xi32>
    %concatenate3A_3092 = tpu.concatenate %slice3A_3090, %slice3A_3091 in 1 : vector<16x1792xi32>, vector<16x256xi32> -> vector<16x2048xi32>
    %select_n3A_3093 = arith.select %ne3A_56, %concatenate3A_3089, %concatenate3A_3092 : vector<16x2048xi1>, vector<16x2048xi32>
    %gt3A_3094 = arith.cmpf ogt, %select_n3A_3078, %select_n3A_3086 : vector<16x2048xf32>
    %eq3A_3095 = arith.cmpf oeq, %select_n3A_3078, %select_n3A_3086 : vector<16x2048xf32>
    %lt3A_3096 = arith.cmpi slt, %select_n3A_3079, %select_n3A_3093 : vector<16x2048xi32>
    %and3A_3097 = arith.andi %eq3A_3095, %lt3A_3096 : vector<16x2048xi1>
    %or3A_3098 = arith.ori %gt3A_3094, %and3A_3097 : vector<16x2048xi1>
    %xor3A_3099 = arith.xori %or3A_3098, %ne3A_56 : vector<16x2048xi1>
    %select_n3A_3100 = arith.select %xor3A_3099, %select_n3A_3078, %select_n3A_3086 : vector<16x2048xi1>, vector<16x2048xf32>
    %select_n3A_3101 = arith.select %xor3A_3099, %select_n3A_3079, %select_n3A_3093 : vector<16x2048xi1>, vector<16x2048xi32>
    %slice3A_3102 = vector.extract_strided_slice %select_n3A_3100 {offsets = [0, 1920], sizes = [16, 128], strides = [1, 1]} : vector<16x2048xf32> to vector<16x128xf32>
    %slice3A_3103 = vector.extract_strided_slice %select_n3A_3100 {offsets = [0, 0], sizes = [16, 1920], strides = [1, 1]} : vector<16x2048xf32> to vector<16x1920xf32>
    %concatenate3A_3104 = tpu.concatenate %slice3A_3102, %slice3A_3103 in 1 : vector<16x128xf32>, vector<16x1920xf32> -> vector<16x2048xf32>
    %slice3A_3105 = vector.extract_strided_slice %select_n3A_3100 {offsets = [0, 128], sizes = [16, 1920], strides = [1, 1]} : vector<16x2048xf32> to vector<16x1920xf32>
    %slice3A_3106 = vector.extract_strided_slice %select_n3A_3100 {offsets = [0, 0], sizes = [16, 128], strides = [1, 1]} : vector<16x2048xf32> to vector<16x128xf32>
    %concatenate3A_3107 = tpu.concatenate %slice3A_3105, %slice3A_3106 in 1 : vector<16x1920xf32>, vector<16x128xf32> -> vector<16x2048xf32>
    %select_n3A_3108 = arith.select %ne3A_50, %concatenate3A_3104, %concatenate3A_3107 : vector<16x2048xi1>, vector<16x2048xf32>
    %slice3A_3109 = vector.extract_strided_slice %select_n3A_3101 {offsets = [0, 1920], sizes = [16, 128], strides = [1, 1]} : vector<16x2048xi32> to vector<16x128xi32>
    %slice3A_3110 = vector.extract_strided_slice %select_n3A_3101 {offsets = [0, 0], sizes = [16, 1920], strides = [1, 1]} : vector<16x2048xi32> to vector<16x1920xi32>
    %concatenate3A_3111 = tpu.concatenate %slice3A_3109, %slice3A_3110 in 1 : vector<16x128xi32>, vector<16x1920xi32> -> vector<16x2048xi32>
    %slice3A_3112 = vector.extract_strided_slice %select_n3A_3101 {offsets = [0, 128], sizes = [16, 1920], strides = [1, 1]} : vector<16x2048xi32> to vector<16x1920xi32>
    %slice3A_3113 = vector.extract_strided_slice %select_n3A_3101 {offsets = [0, 0], sizes = [16, 128], strides = [1, 1]} : vector<16x2048xi32> to vector<16x128xi32>
    %concatenate3A_3114 = tpu.concatenate %slice3A_3112, %slice3A_3113 in 1 : vector<16x1920xi32>, vector<16x128xi32> -> vector<16x2048xi32>
    %select_n3A_3115 = arith.select %ne3A_50, %concatenate3A_3111, %concatenate3A_3114 : vector<16x2048xi1>, vector<16x2048xi32>
    %gt3A_3116 = arith.cmpf ogt, %select_n3A_3100, %select_n3A_3108 : vector<16x2048xf32>
    %eq3A_3117 = arith.cmpf oeq, %select_n3A_3100, %select_n3A_3108 : vector<16x2048xf32>
    %lt3A_3118 = arith.cmpi slt, %select_n3A_3101, %select_n3A_3115 : vector<16x2048xi32>
    %and3A_3119 = arith.andi %eq3A_3117, %lt3A_3118 : vector<16x2048xi1>
    %or3A_3120 = arith.ori %gt3A_3116, %and3A_3119 : vector<16x2048xi1>
    %xor3A_3121 = arith.xori %or3A_3120, %ne3A_50 : vector<16x2048xi1>
    %select_n3A_3122 = arith.select %xor3A_3121, %select_n3A_3100, %select_n3A_3108 : vector<16x2048xi1>, vector<16x2048xf32>
    %select_n3A_3123 = arith.select %xor3A_3121, %select_n3A_3101, %select_n3A_3115 : vector<16x2048xi1>, vector<16x2048xi32>
    %dot_general3A = arith.constant dense<0.000000e+00> : vector<16x256xf32>
    %dot_general3A_3124 = tpu.matmul %select_n3A_3122, %get3A_4, %dot_general3A {dimension_numbers = #tpu.dot_dimension_numbers<[1], [0], [0], [1], [0, 0, 1, 1], [], []>, precision = #tpu.contract_precision<fp32>, transpose_lhs_hint = false} : vector<16x2048xf32>, vector<2048x256xf32>, vector<16x256xf32> -> vector<16x256xf32>
    %convert_element_type3A = arith.sitofp %select_n3A_3123 : vector<16x2048xi32> to vector<16x2048xf32>
    %dot_general3A_3125 = arith.constant dense<0.000000e+00> : vector<16x256xf32>
    %dot_general3A_3126 = tpu.matmul %convert_element_type3A, %get3A_4, %dot_general3A_3125 {dimension_numbers = #tpu.dot_dimension_numbers<[1], [0], [0], [1], [0, 0, 1, 1], [], []>, precision = #tpu.contract_precision<fp32>, transpose_lhs_hint = false} : vector<16x2048xf32>, vector<2048x256xf32>, vector<16x256xf32> -> vector<16x256xf32>
    %convert_element_type3A_3127 = arith.fptosi %dot_general3A_3126 : vector<16x256xf32> to vector<16x256xi32>
    %swap3A = arith.constant 0 : index
    %swap3A_3128 = arith.constant 0 : index
    %swap3A_3129 = vector.load %arg3[%swap3A, %swap3A_3128] : memref<16x256xf32, #tpu.memory_space<vmem>>, vector<16x256xf32>
    tpu.vector_store %arg3[%swap3A, %swap3A_3128], %dot_general3A_3124 {strides = array<i32>} : memref<16x256xf32, #tpu.memory_space<vmem>>, vector<16x256xf32>,
    %swap3A_3130 = arith.constant 0 : index
    %swap3A_3131 = arith.constant 0 : index
    %swap3A_3132 = vector.load %arg4[%swap3A_3130, %swap3A_3131] : memref<16x256xi32, #tpu.memory_space<vmem>>, vector<16x256xi32>
    tpu.vector_store %arg4[%swap3A_3130, %swap3A_3131], %convert_element_type3A_3127 {strides = array<i32>} : memref<16x256xi32, #tpu.memory_space<vmem>>, vector<16x256xi32>,
    return
  }
  func.func @transform_0(%arg0: i32) -> (i32, i32) {
    %c0_i32 = arith.constant 0 : i32
    %c0_i32_0 = arith.constant 0 : i32
    return %arg0, %c0_i32 : i32, i32
  }
  func.func @transform_1(%arg0: i32) -> (i32, i32) {
    %c0_i32 = arith.constant 0 : i32
    %c0_i32_0 = arith.constant 0 : i32
    %c0_i32_1 = arith.constant 0 : i32
    return %c0_i32, %c0_i32_0 : i32, i32
  }
  func.func @transform_2(%arg0: i32) -> (i32, i32) {
    %c0_i32 = arith.constant 0 : i32
    %c0_i32_0 = arith.constant 0 : i32
    return %arg0, %c0_i32 : i32, i32
  }
  func.func @transform_3(%arg0: i32) -> (i32, i32) {
    %c0_i32 = arith.constant 0 : i32
    %c0_i32_0 = arith.constant 0 : i32
    return %arg0, %c0_i32 : i32, i32
  }
}

</mosaic_0001>

<sc_bundles>
// kernel: kernel.4.cloned.1.call-start
scs
__scs_entry_jumppad:
0x0: {  	(pc) =	sbr.rel $0x88, $3  }
0x1: {  	(tag) =	ssettag $0x0;
	lr =	simm.s32 $0x1  }
0x2: {  	[smem:$0x3F9F] =	sst lr;
	_ =	strace $0xD0000000  }
0x3: {  	_ = 	snop  }
0x4: {  	_ = 	snop  }
0x5: {  	_ = 	snop  }
0x6: {  	_ = 	snop  }
0x7: {  	_ = 	snop  }
__scs_overlays_trampoline_lowered:
0x8: {  	[smem:$0x3FAE] =	sst s0  }
0x9: {  	[smem:$0x3FAF] =	sst s1  }
0xa: {  	[smem:$0x3FB0] =	sst s2  }
0xb: {  	[smem:$0x3FB1] =	sst s3  }
0xc: {  	[smem:$0x3FB2] =	sst s4  }
0xd: {  	[smem:$0x3FB3] =	sst s5  }
0xe: {  	[smem:$0x3FB4] =	sst s6  }
0xf: {  	[smem:$0x3FB5] =	sst s7  }
0x10: {  	[smem:$0x3FB6] =	sst s8  }
0x11: {  	[smem:$0x3FB7] =	sst s9;
	s0 =	simm.s32 @!p0 $0x0  }
0x12: {  	s1 =	sld [smem:$0x3F9D];
	s0 =	simm.s32 @p0 $0x1  }
0x13: {  	[smem:$0x3FB8] =	sst s0;
	s0 =	simm.s32 @!p1 $0x0  }
0x14: {  	s2 =	sld [smem:$0x3F9C];
	s0 =	simm.s32 @p1 $0x1  }
0x15: {  	[smem:$0x3FB9] =	sst s0;
	s0 =	simm.s32 @!p2 $0x0  }
0x16: {  	s3 =	sld [smem:$0x3FDB];
	s0 =	simm.s32 @p2 $0x1  }
0x17: {  	s4 =	simm.s32 $0x1BF5;
	[smem:$0x3FBB] =	sst s0  }
0x18: {  	s0 =	sld [smem:$0x3F9E];
	_ =	swait.ge [sflag:s4], $0x0  }
0x19: {  	s7 =	sld [smem:$0x3F9F]  }
0x1a: {  	s8 =	sadd.s32 $0xFFFFE003, lr  }
0x1b: {  	s9 =	sadd.s32 $0xFFFFFEF7, lr;
	s5 =	simm.s32 $0xFFFFFFFF;
	p2 =	slt.u32 s8, $0xFFFFF086  }
0x1c: {  	p1 =	slt.u32 s9, $0xF7A;
	s5 =	simm.s32 @!p2 $0x0  }
0x1d: {  	s5 =	simm.s32 @p1 $0x1;
	p0 =	seq.s32 s7, s2  }
0x1e: {  	s7 =	smul.u32 @!p0 $0xF7A, s2;
	p2 =	seq.s32 @!p0 s5, $0x0  }
0x1f: {  	s9 =	smul.u32 $0xF7A, s1;
	s8 =	simm.s32 @!p0 $0x1BF5;
	p2 =	por !p2, p0  }
0x20: {  	[sflag:s8] =	ssyncset.s32 @!p0 $0xFFFFF086;
	s6 =	sadd.s32 @!p0 s3, s7;
	s7 =	simm.s32 @!p0 $0x108  }
0x21: {  	s3 =	sadd.s32 s3, s9;
	s6 =	sadd.s32 @!p0 $0x88, s6;
	s7 =	simm.s32 @p2 $0x1082  }
0x22: {  	[simem:s7], [sflag:s8] =	dma.local @!p0 [hbm:s6], $0xF7A  }
0x23: {  	s9 =	sor.u32 $0xD0000000, s2;
	s6 =	simm.s32 $0x108;
	_ =	swait.ge @!p0 [sflag:s8], $0x0  }
0x24: {  	s3 =	sadd.s32 $0x88, s3;
	s6 =	simm.s32 @!p1 $0x1082;
	[sflag:s4] =	ssyncset.s32 $0xFFFFF086  }
0x25: {  	[simem:s6], [sflag:s4] =	dma.local [hbm:s3], $0xF7A  }
0x26: {  	[smem:$0x3F9F] =	sst s1;
	(tag) =	ssettag s2;
	_ =	strace s9  }
0x27: {  	s1 =	sld [smem:$0x3FAF]  }
0x28: {  	s2 =	sld [smem:$0x3FB0]  }
0x29: {  	s4 =	sld [smem:$0x3FB2]  }
0x2a: {  	p0 =	seq.s32 s5, $0x0;
	s5 =	sld [smem:$0x3FB3]  }
0x2b: {  	s6 =	sld [smem:$0x3FB4]  }
0x2c: {  	s7 =	sld [smem:$0x3FB5]  }
0x2d: {  	s3 =	simm.s32 $0x108;
	s8 =	sld [smem:$0x3FB6]  }
0x2e: {  	s3 =	simm.s32 @!p0 $0x1082;
	s9 =	sld [smem:$0x3FB7]  }
0x2f: {  	lr =	sadd.s32 s0, s3;
	s0 =	sld [smem:$0x3FAE]  }
0x30: {  	s3 =	sld [smem:$0x3FB1]  }
0x31: {  	[smem:$0x3FBA] =	sst s10  }
0x32: {  	s10 =	sld [smem:$0x3FB8];
	_ =	sdelay $0x3  }
0x33: {  	p0 =	seq.s32 s10, $0x1;
	s10 =	sld [smem:$0x3FBA];
	_ =	sdelay $0x3  }
0x34: {  	[smem:$0x3FBA] =	sst s10  }
0x35: {  	s10 =	sld [smem:$0x3FB9];
	_ =	sdelay $0x3  }
0x36: {  	p1 =	seq.s32 s10, $0x1;
	s10 =	sld [smem:$0x3FBA];
	_ =	sdelay $0x3  }
0x37: {  	[smem:$0x3FBA] =	sst s10  }
0x38: {  	s10 =	sld [smem:$0x3FBB]  }
0x39: {  	_ = 	snop;
	(pc) =	sbr.ind lr, $3  }
0x3a: {  	_ = 	snop  }
0x3b: {  	_ = 	snop  }
0x3c: {  	p2 =	seq.s32 s10, $0x1;
	s10 =	sld [smem:$0x3FBA]  }
0x3d: {  	_ =	shalt  }
0x3e: {  	_ =	shalt  }
0x3f: {  	_ =	shalt  }
0x40: {  	_ =	shalt  }
0x41: {  	_ =	shalt  }
0x42: {  	_ =	shalt  }
0x43: {  	_ =	shalt  }
0x44: {  	_ =	shalt  }
0x45: {  	_ =	shalt  }
0x46: {  	_ =	shalt  }
0x47: {  	_ =	shalt  }
0x48: {  	_ =	shalt  }
0x49: {  	_ =	shalt  }
0x4a: {  	_ =	shalt  }
0x4b: {  	_ =	shalt  }
0x4c: {  	_ =	shalt  }
0x4d: {  	_ =	shalt  }
0x4e: {  	_ =	shalt  }
0x4f: {  	_ =	shalt  }
0x50: {  	_ =	shalt  }
0x51: {  	_ =	shalt  }
0x52: {  	_ =	shalt  }
0x53: {  	_ =	shalt  }
0x54: {  	_ =	shalt  }
0x55: {  	_ =	shalt  }
0x56: {  	_ =	shalt  }
0x57: {  	_ =	shalt  }
0x58: {  	_ =	shalt  }
0x59: {  	_ =	shalt  }
0x5a: {  	_ =	shalt  }
0x5b: {  	_ =	shalt  }
0x5c: {  	_ =	shalt  }
0x5d: {  	_ =	shalt  }
0x5e: {  	_ =	shalt  }
0x5f: {  	_ =	shalt  }
0x60: {  	_ =	shalt  }
0x61: {  	_ =	shalt  }
0x62: {  	_ =	shalt  }
0x63: {  	_ =	shalt  }
0x64: {  	_ =	shalt  }
0x65: {  	_ =	shalt  }
0x66: {  	_ =	shalt  }
0x67: {  	_ =	shalt  }
0x68: {  	_ =	shalt  }
0x69: {  	_ =	shalt  }
0x6a: {  	_ =	shalt  }
0x6b: {  	_ =	shalt  }
0x6c: {  	_ =	shalt  }
0x6d: {  	_ =	shalt  }
0x6e: {  	_ =	shalt  }
0x6f: {  	_ =	shalt  }
0x70: {  	_ =	shalt  }
0x71: {  	_ =	shalt  }
0x72: {  	_ =	shalt  }
0x73: {  	_ =	shalt  }
0x74: {  	_ =	shalt  }
0x75: {  	_ =	shalt  }
0x76: {  	_ =	shalt  }
0x77: {  	_ =	shalt  }
0x78: {  	_ =	shalt  }
0x79: {  	_ =	shalt  }
0x7a: {  	_ =	shalt  }
0x7b: {  	_ =	shalt  }
0x7c: {  	_ =	shalt  }
0x7d: {  	_ =	shalt  }
0x7e: {  	_ =	shalt  }
0x7f: {  	_ =	shalt  }
0x80: {  	_ =	shalt  }
0x81: {  	_ =	shalt  }
0x82: {  	_ =	shalt  }
0x83: {  	_ =	shalt  }
0x84: {  	_ =	shalt  }
0x85: {  	_ =	shalt  }
0x86: {  	_ =	shalt  }
0x87: {  	_ =	shalt  }
.Lfunc_end0:
.L_simem_size_0:
called_computation_lowered:
.L_overlay_start_0:
0x88: {  	s2 =	sld [smem:$0x3FD9]  }
0x89: {  	s3 =	sld [smem:$0x3FFE];
	_ =	sdelay $0x1  }
0x8a: {  	s1 =	srdreg.scid  }
0x8b: {  	s0 =	sand.u32 $0x1, s1  }
0x8c: {  	s14 =	sshll.u32 s0, $0xA;
	s2 =	sadd.s32 s3, s2  }
0x8d: {  	s2 =	sadd.s32 s2, s14  }
0x8e: {  	[smem:$0x3FC6] =	sst s2  }
0x8f: {  	_ = 	snop  }
0x90: {  	s2 =	sld [smem:$0x3FD0];
	_ =	sdelay $0x2  }
0x91: {  	s15 =	simm.s32 $0xA;
	s4 =	simm.s32 $0x10  }
0x92: {  	[smem:s4], [sflag:s15] =	dma.local [hbm:s2], $0x1  }
0x93: {  	_ =	swait.eq [sflag:s15], $0x1  }
0x94: {  	[sflag:s15] =	ssyncset.done $0x0  }
0x95: {  	s16 =	sld [smem:$0x10];
	[sflag:s15] =	ssyncadd.s32 $0xFFFFFFFF  }
0x96: {  	s17 =	sld [smem:$0x11];
	(tm) =	ssettm $0x1  }
0x97: {  	s18 =	sld [smem:$0x3FFB];
	_ =	sdelay $0x3  }
0x98: {  	_ =	strace s18  }
0x99: {  	s4 =	sld [smem:$0x3FFC];
	_ =	sdelay $0x3  }
0x9a: {  	_ =	strace s4  }
0x9b: {  	s4 =	sld [smem:$0x3FFD];
	_ =	sdelay $0x3  }
0x9c: {  	_ =	strace s4  }
0x9d: {  	_ =	strace $0x8FFFFFFF  }
0x9e: {  	s19 =	sld [smem:$0x3FDB];
	_ =	sdelay $0x1  }
0x9f: {  	s5 =	simm.s32 $_scs_section_size  }
0xa0: {  	s6 =	simm.s32 $_size__tile_overlayer_lowered;
	s7 =	simm.s32 $_tile_overlayer_lowered  }
0xa1: {  	s22 =	simm.s32 $0x1BFF;
	s21 =	sshll.u32 s7, $0x1;
	s4 =	sadd.s32 s5, s19  }
0xa2: {  	s8 =	simm.s32 $0x0;
	s20 =	sshll.u32 s6, $0x1;
	s6 =	sadd.s32 s21, s4  }
0xa3: {  	[timem:s8], [sflag:s22] =	dma.local [hbm:s6], s20  }
0xa4: {  	_ =	swait.ge [sflag:s22], s20  }
0xa5: {  	s5 =	ssub.s32 $0x0, s20;
	[sflag:s22] =	ssyncset.done $0x0  }
0xa6: {  	[sflag:s22] =	ssyncadd.s32 s5;
	_ =	sdelay $0x1  }
0xa7: {  	s23 =	simm.s32 $0x1B8B  }
0xa8: {  	_ =	swait.ge [sflag:s23], $0x1  }
0xa9: {  	[sflag:s23] =	ssyncset.done $0x0  }
0xaa: {  	s25 =	simm.s32 $0x1B8E;
	s24 =	sld [smem:$0x3FFE];
	[sflag:s23] =	ssyncadd.s32 $0xFFFFFFFF  }
0xab: {  	s26 =	simm.s32 $execute0_lowered;
	[smem:$0x3FD2] =	sst s25  }
0xac: {  	s6 =	sshll.u32 s26, $0x1;
	_ =	strace $0x80000046;
	[dreg:$0x1] =	wrdreg $0xFFFFFFFF  }
0xad: {  	s28 =	simm.s32 $_size_execute0_lowered;
	s4 =	sadd.s32 s4, s6;
	[dreg:$0x0] =	wrdreg $0x0  }
0xae: {  	s6 =	sshll.u32 s28, $0x1;
	[dreg:$0x2] =	wrdreg s4  }
0xaf: {  	[dreg:$0x3] =	wrdreg s6  }
0xb0: {  	[dreg:$0x4] =	wrdreg $0xC0  }
0xb1: {  	_ =	task [dreg:s8], $0x5FFFF  }
0xb2: {  	[dreg:$0x1] =	wrdreg $0xFFFFFFFF  }
0xb3: {  	[dreg:$0x0] =	wrdreg $0x60  }
0xb4: {  	[dreg:$0x2] =	wrdreg s24  }
0xb5: {  	[dreg:$0x3] =	wrdreg s16  }
0xb6: {  	[dreg:$0x4] =	wrdreg s17  }
0xb7: {  	[dreg:$0x5] =	wrdreg $0x9  }
0xb8: {  	_ =	task.clear_ibuf [dreg:s8], $0x6FFFF;
	_ =	strace $0x90000046  }
0xb9: {  	s29 =	simm.s32 $0x9;
	_ =	strace $0x80000048  }
0xba: {  	_ =	swait.ge [sflag:s29], $0x1  }
0xbb: {  	[sflag:s29] =	ssyncadd.s32 $0xFFFFFFFF  }
0xbc: {  	_ =	strace $0x90000048  }
0xbd: {  	_ =	sfence  }
0xbe: {  	s30 =	sld [smem:$0x0];
	_ =	sdelay $0x2  }
0xbf: {  	s31 =	sshll.u32 s1, $0xD;
	s1 =	sshrl.u32 s1, $0x2  }
0xc0: {  	s3 =	sand.u32 $0x4000, s31;
	s1 =	sadd.s32 s1, s30  }
0xc1: {  	s0 =	sor.u32 s3, s0;
	s1 =	sshll.u32 s1, $0x11  }
0xc2: {  	s0 =	sor.u32 s1, s0  }
0xc3: {  	s0 =	sadd.s32 $0x8F2B, s0  }
0xc4: {  	[sflag:s0] =	ssyncadd.remote.s32 $0x1  }
0xc5: {  	_ =	sfence.sel $0xFFFF  }
0xc6: {  	[dreg:$0x0] =	wrdreg $0xFFFFFFFF;
	(pc) =	sbr.abs _section_cstart, $3  }
0xc7: {  	[dreg:$0x1] =	wrdreg $0xFFFFFFFF  }
0xc8: {  	_ =	task.clear_ibuf [dreg:s8], $0x2FFFF;
	_ =	strace $0x9FFFFFFF  }
0xc9: {  	(tm) =	ssettm $0x7FFFFFFF  }
tec
execute0_lowered:
.L_overlay_start_1:
0x0: {  	(tag) =	ssettag $0x1  }
0x1: {  	s0 =	rddreg [dreg:$0x0]  }
0x2: {  	s1 =	rddreg [dreg:$0x1]  }
0x3: {  	s4 =	rddreg [dreg:$0x2]  }
0x4: {  	s2 =	srdreg.scid;
	s3 =	stileid.u32  }
0x5: {  	s15 =	simm.s32 $0x2;
	s17 =	simm.s32 $0x880;
	s18 =	simm.s32 $0x1080  }
0x6: {  	s19 =	simm.s32 $0x1880;
	s20 =	simm.s32 $0x2080;
	s28 =	simm.s32 $0x5080  }
0x7: {  	s29 =	simm.s32 $0x5880;
	s30 =	simm.s32 $0x6080;
	s31 =	simm.s32 $0x6880  }
0x8: {  	s10 =	simm.s32 $0x9880;
	s11 =	simm.s32 $0xA080;
	s12 =	simm.s32 $0xA880  }
0x9: {  	s13 =	simm.s32 $0xB080;
	s5 =	sand.u32 $0x1, s2;
	s2 =	simm.s32 $0x0  }
0xa: {  	s3 =	sshll.u32 s3, $0x9;
	s7 =	sadd.s32 $0xE00, s0;
	s6 =	sshll.u32 s5, $0x8  }
0xb: {  	[smem:$0x7FF] =	sst s2;
	s5 =	ssub.s32 $0x2, s5;
	s6 =	sor.u32 s6, s3  }
0xc: {  	_ =	strace $0x80000047;
	s3 =	sadd.s32 $0x1200, s0;
	s24 =	sshrl.u32 s5, $0x1  }
0xd: {  	s8 =	sshrl.u32 s6, $0x3;
	s9 =	sshll.u32 s6, $0x5;
	s6 =	sor.u32 $0x80, s6  }
0xe: {  	s26 =	ssub.s32 s5, s24;
	s24 =	simm.s32 $0x3880;
	s8 =	sadd.s32 s7, s8  }
0xf: {  	s21 =	sadd.s32 s1, s9;
	s22 =	sadd.s32 s4, s9;
	s23 =	sshrl.u32 s6, $0x3  }
0x10: {  	s6 =	sshll.u32 s6, $0x5;
	s5 =	smax.u32 s26, $0x1;
	[dreg:$0x4] =	wrdreg s8  }
0x11: {  	s26 =	simm.s32 $0x4880;
	s9 =	simm.s32 $0x9080;
	[dreg:$0x5] =	wrdreg s21  }
0x12: {  	[dreg:$0x6] =	wrdreg s22;
	s7 =	sadd.s32 s7, s23;
	s1 =	sadd.s32 s1, s6  }
0x13: {  	s25 =	sadd.s32 s4, s6;
	s4 =	sadd.s32 $0x9000, s0;
	s6 =	simm.s32 $0x3  }
0x14: {  	v2 =	vlaneseq.u32;
	s21 =	simm.s32 $0x2880;
	s22 =	simm.s32 $0x3080;
	[dreg:$0x7] =	wrdreg s7  }
0x15: {  	vm0 =	vmmov $0xffff;
	v1 =	vshrl.u32 v2, $0x3;
	s23 =	simm.s32 $0x7080;
	s8 =	simm.s32 $0x8880;
	[dreg:$0x8] =	wrdreg s1  }
0x16: {  	v0 =	vand.u32 $0x7, v2;
	v2 =	vor.u32 $0x8, v2;
	v1 =	vmul.u32 $0x8, v1;
	[dreg:$0x9] =	wrdreg s25;
	s1 =	simm.s32 $0x1;
	s25 =	simm.s32 $0x4080  }
.LBB2_1:
0x17: {  	s16 =	rddreg [dreg:$0x4]  }
0x18: {  	[tilespmem:s2], [sflag:$0x3] =	stream.linear.gather [hbm4b:s16+s2], $0x80, $0x38;
	[tilespmem:$0x10080] =	vst v63  }
0x19: {  	_ =	swait.ge [sflag:s6], $0x80  }
0x1a: {  	[sflag:s6] =	ssyncset.done $0x0  }
0x1b: {  	[sflag:s6] =	ssyncadd.s32 $0xFFFFFF80  }
0x1c: {  	v3 =	vld [tilespmem:$0x0];
	_ =	sdelay $0x4  }
0x1d: {  	v4 =	vshll.u32 v3, $0x1  }
0x1e: {  	v3 =	vand.u32 $0x7, v3;
	v4 =	vand.u32 $0xFFFFFFF0, v4  }
0x1f: {  	v3 =	vor.u32 v3, v4  }
0x20: {  	v4 =	vperm.xlane v3, v0;
	_ =	sdelay $0x1  }
0x21: {  	v3 =	vperm.xlane v3, v2;
	v4 =	vadd.s32 v1, v4;
	_ =	sdelay $0x1  }
0x22: {  	v3 =	vadd.s32 v1, v3;
	_ =	sdelay $0x1  }
0x23: {  	s0 =	simm.s32 $0x80  }
0x24: {  	[tilespmem:s0], [sflag:$0x1] =	stream.indirect_vreg.gather [hbm4b:s3+s2], $0x80, v4, vm0, $0xb8;
	[tilespmem:$0x10080] =	vst v63  }
0x25: {  	_ = 	snop  }
0x26: {  	[tilespmem:s17], [sflag:$0x1] =	stream.indirect_vreg.gather [hbm4b:s3+s2], $0x80, v3, vm0, $0xb8;
	[tilespmem:$0x10080] =	vst v63  }
0x27: {  	v3 =	vld [tilespmem:$0x10];
	_ =	sdelay $0x4  }
0x28: {  	v33 =	vshll.u32 v3, $0x1  }
0x29: {  	v3 =	vand.u32 $0x7, v3;
	v4 =	vand.u32 $0xFFFFFFF0, v33  }
0x2a: {  	v3 =	vor.u32 v3, v4  }
0x2b: {  	v4 =	vperm.xlane v3, v0;
	_ =	sdelay $0x1  }
0x2c: {  	v3 =	vperm.xlane v3, v2;
	v4 =	vadd.s32 v1, v4;
	_ =	sdelay $0x1  }
0x2d: {  	v3 =	vadd.s32 v1, v3;
	_ =	sdelay $0x2  }
0x2e: {  	[tilespmem:s18], [sflag:$0x1] =	stream.indirect_vreg.gather [hbm4b:s3+s2], $0x80, v4, vm0, $0xb8;
	[tilespmem:$0x10080] =	vst v63  }
0x2f: {  	_ = 	snop  }
0x30: {  	[tilespmem:s19], [sflag:$0x1] =	stream.indirect_vreg.gather [hbm4b:s3+s2], $0x80, v3, vm0, $0xb8;
	[tilespmem:$0x10080] =	vst v63  }
0x31: {  	v3 =	vld [tilespmem:$0x20];
	_ =	sdelay $0x4  }
0x32: {  	v34 =	vshll.u32 v3, $0x1  }
0x33: {  	v3 =	vand.u32 $0x7, v3;
	v4 =	vand.u32 $0xFFFFFFF0, v34  }
0x34: {  	v3 =	vor.u32 v3, v4  }
0x35: {  	v4 =	vperm.xlane v3, v0;
	_ =	sdelay $0x1  }
0x36: {  	v3 =	vperm.xlane v3, v2;
	v4 =	vadd.s32 v1, v4;
	_ =	sdelay $0x1  }
0x37: {  	v3 =	vadd.s32 v1, v3;
	_ =	sdelay $0x2  }
0x38: {  	[tilespmem:s20], [sflag:$0x1] =	stream.indirect_vreg.gather [hbm4b:s3+s2], $0x80, v4, vm0, $0xb8;
	[tilespmem:$0x10080] =	vst v63  }
0x39: {  	_ = 	snop  }
0x3a: {  	[tilespmem:s21], [sflag:$0x1] =	stream.indirect_vreg.gather [hbm4b:s3+s2], $0x80, v3, vm0, $0xb8;
	[tilespmem:$0x10080] =	vst v63  }
0x3b: {  	v3 =	vld [tilespmem:$0x30];
	_ =	sdelay $0x4  }
0x3c: {  	v35 =	vshll.u32 v3, $0x1  }
0x3d: {  	v3 =	vand.u32 $0x7, v3;
	v4 =	vand.u32 $0xFFFFFFF0, v35  }
0x3e: {  	v3 =	vor.u32 v3, v4  }
0x3f: {  	v4 =	vperm.xlane v3, v0;
	_ =	sdelay $0x1  }
0x40: {  	v3 =	vperm.xlane v3, v2;
	v4 =	vadd.s32 v1, v4;
	_ =	sdelay $0x1  }
0x41: {  	v3 =	vadd.s32 v1, v3;
	_ =	sdelay $0x2  }
0x42: {  	[tilespmem:s22], [sflag:$0x1] =	stream.indirect_vreg.gather [hbm4b:s3+s2], $0x80, v4, vm0, $0xb8;
	[tilespmem:$0x10080] =	vst v63  }
0x43: {  	_ = 	snop  }
0x44: {  	[tilespmem:s24], [sflag:$0x1] =	stream.indirect_vreg.gather [hbm4b:s3+s2], $0x80, v3, vm0, $0xb8;
	[tilespmem:$0x10080] =	vst v63  }
0x45: {  	v3 =	vld [tilespmem:$0x40];
	_ =	sdelay $0x4  }
0x46: {  	v36 =	vshll.u32 v3, $0x1  }
0x47: {  	v3 =	vand.u32 $0x7, v3;
	v4 =	vand.u32 $0xFFFFFFF0, v36  }
0x48: {  	v3 =	vor.u32 v3, v4  }
0x49: {  	v4 =	vperm.xlane v3, v0;
	_ =	sdelay $0x1  }
0x4a: {  	v3 =	vperm.xlane v3, v2;
	v4 =	vadd.s32 v1, v4;
	_ =	sdelay $0x1  }
0x4b: {  	v3 =	vadd.s32 v1, v3;
	_ =	sdelay $0x2  }
0x4c: {  	[tilespmem:s25], [sflag:$0x1] =	stream.indirect_vreg.gather [hbm4b:s3+s2], $0x80, v4, vm0, $0xb8;
	[tilespmem:$0x10080] =	vst v63  }
0x4d: {  	_ = 	snop  }
0x4e: {  	[tilespmem:s26], [sflag:$0x1] =	stream.indirect_vreg.gather [hbm4b:s3+s2], $0x80, v3, vm0, $0xb8;
	[tilespmem:$0x10080] =	vst v63  }
0x4f: {  	v3 =	vld [tilespmem:$0x50];
	_ =	sdelay $0x4  }
0x50: {  	v37 =	vshll.u32 v3, $0x1  }
0x51: {  	v3 =	vand.u32 $0x7, v3;
	v4 =	vand.u32 $0xFFFFFFF0, v37  }
0x52: {  	v3 =	vor.u32 v3, v4  }
0x53: {  	v4 =	vperm.xlane v3, v0;
	_ =	sdelay $0x1  }
0x54: {  	v3 =	vperm.xlane v3, v2;
	v4 =	vadd.s32 v1, v4;
	_ =	sdelay $0x1  }
0x55: {  	v3 =	vadd.s32 v1, v3;
	_ =	sdelay $0x2  }
0x56: {  	[tilespmem:s28], [sflag:$0x1] =	stream.indirect_vreg.gather [hbm4b:s3+s2], $0x80, v4, vm0, $0xb8;
	[tilespmem:$0x10080] =	vst v63  }
0x57: {  	_ = 	snop  }
0x58: {  	[tilespmem:s29], [sflag:$0x1] =	stream.indirect_vreg.gather [hbm4b:s3+s2], $0x80, v3, vm0, $0xb8;
	[tilespmem:$0x10080] =	vst v63  }
0x59: {  	v3 =	vld [tilespmem:$0x60];
	_ =	sdelay $0x4  }
0x5a: {  	v38 =	vshll.u32 v3, $0x1  }
0x5b: {  	v3 =	vand.u32 $0x7, v3;
	v4 =	vand.u32 $0xFFFFFFF0, v38  }
0x5c: {  	v3 =	vor.u32 v3, v4  }
0x5d: {  	v4 =	vperm.xlane v3, v0;
	_ =	sdelay $0x1  }
0x5e: {  	v3 =	vperm.xlane v3, v2;
	v4 =	vadd.s32 v1, v4;
	_ =	sdelay $0x1  }
0x5f: {  	v3 =	vadd.s32 v1, v3;
	_ =	sdelay $0x2  }
0x60: {  	[tilespmem:s30], [sflag:$0x1] =	stream.indirect_vreg.gather [hbm4b:s3+s2], $0x80, v4, vm0, $0xb8;
	[tilespmem:$0x10080] =	vst v63  }
0x61: {  	_ = 	snop  }
0x62: {  	[tilespmem:s31], [sflag:$0x1] =	stream.indirect_vreg.gather [hbm4b:s3+s2], $0x80, v3, vm0, $0xb8;
	[tilespmem:$0x10080] =	vst v63  }
0x63: {  	v3 =	vld [tilespmem:$0x70];
	_ =	sdelay $0x4  }
0x64: {  	v39 =	vshll.u32 v3, $0x1  }
0x65: {  	v3 =	vand.u32 $0x7, v3;
	v4 =	vand.u32 $0xFFFFFFF0, v39  }
0x66: {  	v3 =	vor.u32 v3, v4  }
0x67: {  	v4 =	vperm.xlane v3, v0;
	_ =	sdelay $0x1  }
0x68: {  	v3 =	vperm.xlane v3, v2;
	v4 =	vadd.s32 v1, v4;
	_ =	sdelay $0x1  }
0x69: {  	v3 =	vadd.s32 v1, v3;
	_ =	sdelay $0x2  }
0x6a: {  	[tilespmem:s23], [sflag:$0x1] =	stream.indirect_vreg.gather [hbm4b:s3+s2], $0x80, v4, vm0, $0xb8;
	[tilespmem:$0x10080] =	vst v63  }
0x6b: {  	s14 =	simm.s32 $0x7880  }
0x6c: {  	[tilespmem:s14], [sflag:$0x1] =	stream.indirect_vreg.gather [hbm4b:s3+s2], $0x80, v3, vm0, $0xb8;
	[tilespmem:$0x10080] =	vst v63  }
0x6d: {  	v3 =	vld [tilespmem:$0x0];
	_ =	sdelay $0x4  }
0x6e: {  	v40 =	vshll.u32 v3, $0x1  }
0x6f: {  	v3 =	vand.u32 $0x7, v3;
	v4 =	vand.u32 $0xFFFFFFF0, v40  }
0x70: {  	v3 =	vor.u32 v3, v4  }
0x71: {  	v4 =	vperm.xlane v3, v0;
	_ =	sdelay $0x1  }
0x72: {  	v3 =	vperm.xlane v3, v2;
	v4 =	vadd.s32 v1, v4;
	_ =	sdelay $0x1  }
0x73: {  	v3 =	vadd.s32 v1, v3;
	_ =	sdelay $0x1  }
0x74: {  	s0 =	simm.s32 $0x8080  }
0x75: {  	[tilespmem:s0], [sflag:$0x2] =	stream.indirect_vreg.gather [hbm4b:s4+s2], $0x80, v4, vm0, $0xb8;
	[tilespmem:$0x10080] =	vst v63  }
0x76: {  	_ = 	snop  }
0x77: {  	[tilespmem:s8], [sflag:$0x2] =	stream.indirect_vreg.gather [hbm4b:s4+s2], $0x80, v3, vm0, $0xb8;
	[tilespmem:$0x10080] =	vst v63  }
0x78: {  	v3 =	vld [tilespmem:$0x10];
	_ =	sdelay $0x4  }
0x79: {  	v41 =	vshll.u32 v3, $0x1  }
0x7a: {  	v3 =	vand.u32 $0x7, v3;
	v4 =	vand.u32 $0xFFFFFFF0, v41  }
0x7b: {  	v3 =	vor.u32 v3, v4  }
0x7c: {  	v4 =	vperm.xlane v3, v0;
	_ =	sdelay $0x1  }
0x7d: {  	v3 =	vperm.xlane v3, v2;
	v4 =	vadd.s32 v1, v4;
	_ =	sdelay $0x1  }
0x7e: {  	v3 =	vadd.s32 v1, v3;
	_ =	sdelay $0x2  }
0x7f: {  	[tilespmem:s9], [sflag:$0x2] =	stream.indirect_vreg.gather [hbm4b:s4+s2], $0x80, v4, vm0, $0xb8;
	[tilespmem:$0x10080] =	vst v63  }
0x80: {  	_ = 	snop  }
0x81: {  	[tilespmem:s10], [sflag:$0x2] =	stream.indirect_vreg.gather [hbm4b:s4+s2], $0x80, v3, vm0, $0xb8;
	[tilespmem:$0x10080] =	vst v63  }
0x82: {  	v3 =	vld [tilespmem:$0x20];
	_ =	sdelay $0x4  }
0x83: {  	v42 =	vshll.u32 v3, $0x1  }
0x84: {  	v3 =	vand.u32 $0x7, v3;
	v4 =	vand.u32 $0xFFFFFFF0, v42  }
0x85: {  	v3 =	vor.u32 v3, v4  }
0x86: {  	v4 =	vperm.xlane v3, v0;
	_ =	sdelay $0x1  }
0x87: {  	v3 =	vperm.xlane v3, v2;
	v4 =	vadd.s32 v1, v4;
	_ =	sdelay $0x1  }
0x88: {  	v3 =	vadd.s32 v1, v3;
	_ =	sdelay $0x2  }
0x89: {  	[tilespmem:s11], [sflag:$0x2] =	stream.indirect_vreg.gather [hbm4b:s4+s2], $0x80, v4, vm0, $0xb8;
	[tilespmem:$0x10080] =	vst v63  }
0x8a: {  	_ = 	snop  }
0x8b: {  	[tilespmem:s12], [sflag:$0x2] =	stream.indirect_vreg.gather [hbm4b:s4+s2], $0x80, v3, vm0, $0xb8;
	[tilespmem:$0x10080] =	vst v63  }
0x8c: {  	v3 =	vld [tilespmem:$0x30];
	_ =	sdelay $0x4  }
0x8d: {  	v43 =	vshll.u32 v3, $0x1  }
0x8e: {  	v3 =	vand.u32 $0x7, v3;
	v4 =	vand.u32 $0xFFFFFFF0, v43  }
0x8f: {  	v3 =	vor.u32 v3, v4  }
0x90: {  	v4 =	vperm.xlane v3, v0;
	_ =	sdelay $0x1  }
0x91: {  	v3 =	vperm.xlane v3, v2;
	v4 =	vadd.s32 v1, v4;
	_ =	sdelay $0x1  }
0x92: {  	v3 =	vadd.s32 v1, v3;
	_ =	sdelay $0x2  }
0x93: {  	[tilespmem:s13], [sflag:$0x2] =	stream.indirect_vreg.gather [hbm4b:s4+s2], $0x80, v4, vm0, $0xb8;
	[tilespmem:$0x10080] =	vst v63  }
0x94: {  	s7 =	simm.s32 $0xB880  }
0x95: {  	[tilespmem:s7], [sflag:$0x2] =	stream.indirect_vreg.gather [hbm4b:s4+s2], $0x80, v3, vm0, $0xb8;
	[tilespmem:$0x10080] =	vst v63  }
0x96: {  	v3 =	vld [tilespmem:$0x40];
	_ =	sdelay $0x4  }
0x97: {  	v44 =	vshll.u32 v3, $0x1  }
0x98: {  	v3 =	vand.u32 $0x7, v3;
	v4 =	vand.u32 $0xFFFFFFF0, v44  }
0x99: {  	v3 =	vor.u32 v3, v4  }
0x9a: {  	v4 =	vperm.xlane v3, v0;
	_ =	sdelay $0x1  }
0x9b: {  	v3 =	vperm.xlane v3, v2;
	v4 =	vadd.s32 v1, v4;
	_ =	sdelay $0x1  }
0x9c: {  	v3 =	vadd.s32 v1, v3;
	_ =	sdelay $0x1  }
0x9d: {  	s14 =	simm.s32 $0xC080  }
0x9e: {  	[tilespmem:s14], [sflag:$0x2] =	stream.indirect_vreg.gather [hbm4b:s4+s2], $0x80, v4, vm0, $0xb8;
	[tilespmem:$0x10080] =	vst v63  }
0x9f: {  	s16 =	simm.s32 $0xC880  }
0xa0: {  	[tilespmem:s16], [sflag:$0x2] =	stream.indirect_vreg.gather [hbm4b:s4+s2], $0x80, v3, vm0, $0xb8;
	[tilespmem:$0x10080] =	vst v63  }
0xa1: {  	v3 =	vld [tilespmem:$0x50];
	_ =	sdelay $0x4  }
0xa2: {  	v45 =	vshll.u32 v3, $0x1  }
0xa3: {  	v3 =	vand.u32 $0x7, v3;
	v4 =	vand.u32 $0xFFFFFFF0, v45  }
0xa4: {  	v3 =	vor.u32 v3, v4  }
0xa5: {  	v4 =	vperm.xlane v3, v0;
	_ =	sdelay $0x1  }
0xa6: {  	v3 =	vperm.xlane v3, v2;
	v4 =	vadd.s32 v1, v4;
	_ =	sdelay $0x1  }
0xa7: {  	v3 =	vadd.s32 v1, v3;
	_ =	sdelay $0x1  }
0xa8: {  	s16 =	simm.s32 $0xD080  }
0xa9: {  	[tilespmem:s16], [sflag:$0x2] =	stream.indirect_vreg.gather [hbm4b:s4+s2], $0x80, v4, vm0, $0xb8;
	[tilespmem:$0x10080] =	vst v63  }
0xaa: {  	s16 =	simm.s32 $0xD880  }
0xab: {  	[tilespmem:s16], [sflag:$0x2] =	stream.indirect_vreg.gather [hbm4b:s4+s2], $0x80, v3, vm0, $0xb8;
	[tilespmem:$0x10080] =	vst v63  }
0xac: {  	v3 =	vld [tilespmem:$0x60];
	_ =	sdelay $0x4  }
0xad: {  	v46 =	vshll.u32 v3, $0x1  }
0xae: {  	v3 =	vand.u32 $0x7, v3;
	v4 =	vand.u32 $0xFFFFFFF0, v46  }
0xaf: {  	v3 =	vor.u32 v3, v4  }
0xb0: {  	v4 =	vperm.xlane v3, v0;
	_ =	sdelay $0x1  }
0xb1: {  	v3 =	vperm.xlane v3, v2;
	v4 =	vadd.s32 v1, v4;
	_ =	sdelay $0x1  }
0xb2: {  	v3 =	vadd.s32 v1, v3;
	_ =	sdelay $0x1  }
0xb3: {  	s16 =	simm.s32 $0xE080  }
0xb4: {  	[tilespmem:s16], [sflag:$0x2] =	stream.indirect_vreg.gather [hbm4b:s4+s2], $0x80, v4, vm0, $0xb8;
	[tilespmem:$0x10080] =	vst v63  }
0xb5: {  	s16 =	simm.s32 $0xE880  }
0xb6: {  	[tilespmem:s16], [sflag:$0x2] =	stream.indirect_vreg.gather [hbm4b:s4+s2], $0x80, v3, vm0, $0xb8;
	[tilespmem:$0x10080] =	vst v63  }
0xb7: {  	v3 =	vld [tilespmem:$0x70];
	_ =	sdelay $0x4  }
0xb8: {  	v47 =	vshll.u32 v3, $0x1  }
0xb9: {  	v3 =	vand.u32 $0x7, v3;
	v4 =	vand.u32 $0xFFFFFFF0, v47  }
0xba: {  	v3 =	vor.u32 v3, v4  }
0xbb: {  	v4 =	vperm.xlane v3, v0;
	_ =	sdelay $0x1  }
0xbc: {  	v3 =	vperm.xlane v3, v2;
	v4 =	vadd.s32 v1, v4;
	_ =	sdelay $0x1  }
0xbd: {  	v3 =	vadd.s32 v1, v3;
	_ =	sdelay $0x1  }
0xbe: {  	s16 =	simm.s32 $0xF080  }
0xbf: {  	[tilespmem:s16], [sflag:$0x2] =	stream.indirect_vreg.gather [hbm4b:s4+s2], $0x80, v4, vm0, $0xb8;
	[tilespmem:$0x10080] =	vst v63  }
0xc0: {  	s16 =	simm.s32 $0xF880  }
0xc1: {  	[tilespmem:s16], [sflag:$0x2] =	stream.indirect_vreg.gather [hbm4b:s4+s2], $0x80, v3, vm0, $0xb8;
	[tilespmem:$0x10080] =	vst v63  }
0xc2: {  	_ =	swait.ge [sflag:s1], $0x8000  }
0xc3: {  	[sflag:s1] =	ssyncset.done $0x0  }
0xc4: {  	[sflag:s1] =	ssyncadd.s32 $0xFFFF8000  }
0xc5: {  	_ =	swait.ge [sflag:s15], $0x8000  }
0xc6: {  	[sflag:s15] =	ssyncset.done $0x0  }
0xc7: {  	s14 =	simm.s32 $0x80;
	s16 =	rddreg [dreg:$0x5];
	[sflag:s15] =	ssyncadd.s32 $0xFFFF8000  }
0xc8: {  	[hbm4b:s16+s2] =	stream.linear.scatter [tilespmem:s14], [sflag:$0x3], $0x8000, $0x38;
	[tilespmem:$0x10080] =	vst v63  }
0xc9: {  	_ =	swait.ge [sflag:s6], $0x8000  }
0xca: {  	[sflag:s6] =	ssyncset.done $0x0  }
0xcb: {  	s16 =	rddreg [dreg:$0x6];
	[sflag:s6] =	ssyncadd.s32 $0xFFFF8000  }
0xcc: {  	[hbm4b:s16+s2] =	stream.linear.scatter [tilespmem:s0], [sflag:$0x3], $0x8000, $0x38;
	[tilespmem:$0x10080] =	vst v63  }
0xcd: {  	_ =	swait.ge [sflag:s6], $0x8000  }
0xce: {  	[sflag:s6] =	ssyncset.done $0x0  }
0xcf: {  	s16 =	rddreg [dreg:$0x7];
	[sflag:s6] =	ssyncadd.s32 $0xFFFF8000  }
0xd0: {  	[tilespmem:s2], [sflag:$0x3] =	stream.linear.gather [hbm4b:s16+s2], $0x80, $0x38;
	[tilespmem:$0x10080] =	vst v63  }
0xd1: {  	_ =	swait.ge [sflag:s6], $0x80  }
0xd2: {  	[sflag:s6] =	ssyncset.done $0x0  }
0xd3: {  	[sflag:s6] =	ssyncadd.s32 $0xFFFFFF80  }
0xd4: {  	v3 =	vld [tilespmem:$0x0];
	_ =	sdelay $0x4  }
0xd5: {  	v48 =	vshll.u32 v3, $0x1  }
0xd6: {  	v3 =	vand.u32 $0x7, v3;
	v4 =	vand.u32 $0xFFFFFFF0, v48  }
0xd7: {  	v3 =	vor.u32 v3, v4  }
0xd8: {  	v4 =	vperm.xlane v3, v0;
	_ =	sdelay $0x1  }
0xd9: {  	v3 =	vperm.xlane v3, v2;
	v4 =	vadd.s32 v1, v4;
	_ =	sdelay $0x1  }
0xda: {  	v3 =	vadd.s32 v1, v3;
	_ =	sdelay $0x2  }
0xdb: {  	[tilespmem:s14], [sflag:$0x1] =	stream.indirect_vreg.gather [hbm4b:s3+s2], $0x80, v4, vm0, $0xb8;
	[tilespmem:$0x10080] =	vst v63  }
0xdc: {  	_ = 	snop  }
0xdd: {  	[tilespmem:s17], [sflag:$0x1] =	stream.indirect_vreg.gather [hbm4b:s3+s2], $0x80, v3, vm0, $0xb8;
	[tilespmem:$0x10080] =	vst v63  }
0xde: {  	v3 =	vld [tilespmem:$0x10];
	_ =	sdelay $0x4  }
0xdf: {  	v49 =	vshll.u32 v3, $0x1  }
0xe0: {  	v3 =	vand.u32 $0x7, v3;
	v4 =	vand.u32 $0xFFFFFFF0, v49  }
0xe1: {  	v3 =	vor.u32 v3, v4  }
0xe2: {  	v4 =	vperm.xlane v3, v0;
	_ =	sdelay $0x1  }
0xe3: {  	v3 =	vperm.xlane v3, v2;
	v4 =	vadd.s32 v1, v4;
	_ =	sdelay $0x1  }
0xe4: {  	v3 =	vadd.s32 v1, v3;
	_ =	sdelay $0x2  }
0xe5: {  	[tilespmem:s18], [sflag:$0x1] =	stream.indirect_vreg.gather [hbm4b:s3+s2], $0x80, v4, vm0, $0xb8;
	[tilespmem:$0x10080] =	vst v63  }
0xe6: {  	_ = 	snop  }
0xe7: {  	[tilespmem:s19], [sflag:$0x1] =	stream.indirect_vreg.gather [hbm4b:s3+s2], $0x80, v3, vm0, $0xb8;
	[tilespmem:$0x10080] =	vst v63  }
0xe8: {  	v3 =	vld [tilespmem:$0x20];
	_ =	sdelay $0x4  }
0xe9: {  	v50 =	vshll.u32 v3, $0x1  }
0xea: {  	v3 =	vand.u32 $0x7, v3;
	v4 =	vand.u32 $0xFFFFFFF0, v50  }
0xeb: {  	v3 =	vor.u32 v3, v4  }
0xec: {  	v4 =	vperm.xlane v3, v0;
	_ =	sdelay $0x1  }
0xed: {  	v3 =	vperm.xlane v3, v2;
	v4 =	vadd.s32 v1, v4;
	_ =	sdelay $0x1  }
0xee: {  	v3 =	vadd.s32 v1, v3;
	_ =	sdelay $0x2  }
0xef: {  	[tilespmem:s20], [sflag:$0x1] =	stream.indirect_vreg.gather [hbm4b:s3+s2], $0x80, v4, vm0, $0xb8;
	[tilespmem:$0x10080] =	vst v63  }
0xf0: {  	_ = 	snop  }
0xf1: {  	[tilespmem:s21], [sflag:$0x1] =	stream.indirect_vreg.gather [hbm4b:s3+s2], $0x80, v3, vm0, $0xb8;
	[tilespmem:$0x10080] =	vst v63  }
0xf2: {  	v3 =	vld [tilespmem:$0x30];
	_ =	sdelay $0x4  }
0xf3: {  	v51 =	vshll.u32 v3, $0x1  }
0xf4: {  	v3 =	vand.u32 $0x7, v3;
	v4 =	vand.u32 $0xFFFFFFF0, v51  }
0xf5: {  	v3 =	vor.u32 v3, v4  }
0xf6: {  	v4 =	vperm.xlane v3, v0;
	_ =	sdelay $0x1  }
0xf7: {  	v3 =	vperm.xlane v3, v2;
	v4 =	vadd.s32 v1, v4;
	_ =	sdelay $0x1  }
0xf8: {  	v3 =	vadd.s32 v1, v3;
	_ =	sdelay $0x2  }
0xf9: {  	[tilespmem:s22], [sflag:$0x1] =	stream.indirect_vreg.gather [hbm4b:s3+s2], $0x80, v4, vm0, $0xb8;
	[tilespmem:$0x10080] =	vst v63  }
0xfa: {  	_ = 	snop  }
0xfb: {  	[tilespmem:s24], [sflag:$0x1] =	stream.indirect_vreg.gather [hbm4b:s3+s2], $0x80, v3, vm0, $0xb8;
	[tilespmem:$0x10080] =	vst v63  }
0xfc: {  	v3 =	vld [tilespmem:$0x40];
	_ =	sdelay $0x4  }
0xfd: {  	v52 =	vshll.u32 v3, $0x1  }
0xfe: {  	v3 =	vand.u32 $0x7, v3;
	v4 =	vand.u32 $0xFFFFFFF0, v52  }
0xff: {  	v3 =	vor.u32 v3, v4  }
0x100: {  	v4 =	vperm.xlane v3, v0;
	_ =	sdelay $0x1  }
0x101: {  	v3 =	vperm.xlane v3, v2;
	v4 =	vadd.s32 v1, v4;
	_ =	sdelay $0x1  }
0x102: {  	v3 =	vadd.s32 v1, v3;
	_ =	sdelay $0x2  }
0x103: {  	[tilespmem:s25], [sflag:$0x1] =	stream.indirect_vreg.gather [hbm4b:s3+s2], $0x80, v4, vm0, $0xb8;
	[tilespmem:$0x10080] =	vst v63  }
0x104: {  	_ = 	snop  }
0x105: {  	[tilespmem:s26], [sflag:$0x1] =	stream.indirect_vreg.gather [hbm4b:s3+s2], $0x80, v3, vm0, $0xb8;
	[tilespmem:$0x10080] =	vst v63  }
0x106: {  	v3 =	vld [tilespmem:$0x50];
	_ =	sdelay $0x4  }
0x107: {  	v53 =	vshll.u32 v3, $0x1  }
0x108: {  	v3 =	vand.u32 $0x7, v3;
	v4 =	vand.u32 $0xFFFFFFF0, v53  }
0x109: {  	v3 =	vor.u32 v3, v4  }
0x10a: {  	v4 =	vperm.xlane v3, v0;
	_ =	sdelay $0x1  }
0x10b: {  	v3 =	vperm.xlane v3, v2;
	v4 =	vadd.s32 v1, v4;
	_ =	sdelay $0x1  }
0x10c: {  	v3 =	vadd.s32 v1, v3;
	_ =	sdelay $0x2  }
0x10d: {  	[tilespmem:s28], [sflag:$0x1] =	stream.indirect_vreg.gather [hbm4b:s3+s2], $0x80, v4, vm0, $0xb8;
	[tilespmem:$0x10080] =	vst v63  }
0x10e: {  	_ = 	snop  }
0x10f: {  	[tilespmem:s29], [sflag:$0x1] =	stream.indirect_vreg.gather [hbm4b:s3+s2], $0x80, v3, vm0, $0xb8;
	[tilespmem:$0x10080] =	vst v63  }
0x110: {  	v3 =	vld [tilespmem:$0x60];
	_ =	sdelay $0x4  }
0x111: {  	v54 =	vshll.u32 v3, $0x1  }
0x112: {  	v3 =	vand.u32 $0x7, v3;
	v4 =	vand.u32 $0xFFFFFFF0, v54  }
0x113: {  	v3 =	vor.u32 v3, v4  }
0x114: {  	v4 =	vperm.xlane v3, v0;
	_ =	sdelay $0x1  }
0x115: {  	v3 =	vperm.xlane v3, v2;
	v4 =	vadd.s32 v1, v4;
	_ =	sdelay $0x1  }
0x116: {  	v3 =	vadd.s32 v1, v3;
	_ =	sdelay $0x2  }
0x117: {  	[tilespmem:s30], [sflag:$0x1] =	stream.indirect_vreg.gather [hbm4b:s3+s2], $0x80, v4, vm0, $0xb8;
	[tilespmem:$0x10080] =	vst v63  }
0x118: {  	_ = 	snop  }
0x119: {  	[tilespmem:s31], [sflag:$0x1] =	stream.indirect_vreg.gather [hbm4b:s3+s2], $0x80, v3, vm0, $0xb8;
	[tilespmem:$0x10080] =	vst v63  }
0x11a: {  	v3 =	vld [tilespmem:$0x70];
	_ =	sdelay $0x4  }
0x11b: {  	v55 =	vshll.u32 v3, $0x1  }
0x11c: {  	v3 =	vand.u32 $0x7, v3;
	v4 =	vand.u32 $0xFFFFFFF0, v55  }
0x11d: {  	v3 =	vor.u32 v3, v4  }
0x11e: {  	v4 =	vperm.xlane v3, v0;
	_ =	sdelay $0x1  }
0x11f: {  	v3 =	vperm.xlane v3, v2;
	v4 =	vadd.s32 v1, v4;
	_ =	sdelay $0x1  }
0x120: {  	v3 =	vadd.s32 v1, v3;
	_ =	sdelay $0x2  }
0x121: {  	[tilespmem:s23], [sflag:$0x1] =	stream.indirect_vreg.gather [hbm4b:s3+s2], $0x80, v4, vm0, $0xb8;
	[tilespmem:$0x10080] =	vst v63  }
0x122: {  	s16 =	simm.s32 $0x7880  }
0x123: {  	[tilespmem:s16], [sflag:$0x1] =	stream.indirect_vreg.gather [hbm4b:s3+s2], $0x80, v3, vm0, $0xb8;
	[tilespmem:$0x10080] =	vst v63  }
0x124: {  	v3 =	vld [tilespmem:$0x0];
	_ =	sdelay $0x4  }
0x125: {  	v56 =	vshll.u32 v3, $0x1  }
0x126: {  	v3 =	vand.u32 $0x7, v3;
	v4 =	vand.u32 $0xFFFFFFF0, v56  }
0x127: {  	v3 =	vor.u32 v3, v4  }
0x128: {  	v4 =	vperm.xlane v3, v0;
	_ =	sdelay $0x1  }
0x129: {  	v3 =	vperm.xlane v3, v2;
	v4 =	vadd.s32 v1, v4;
	_ =	sdelay $0x1  }
0x12a: {  	v3 =	vadd.s32 v1, v3;
	_ =	sdelay $0x2  }
0x12b: {  	[tilespmem:s0], [sflag:$0x2] =	stream.indirect_vreg.gather [hbm4b:s4+s2], $0x80, v4, vm0, $0xb8;
	[tilespmem:$0x10080] =	vst v63  }
0x12c: {  	_ = 	snop  }
0x12d: {  	[tilespmem:s8], [sflag:$0x2] =	stream.indirect_vreg.gather [hbm4b:s4+s2], $0x80, v3, vm0, $0xb8;
	[tilespmem:$0x10080] =	vst v63  }
0x12e: {  	v3 =	vld [tilespmem:$0x10];
	_ =	sdelay $0x4  }
0x12f: {  	v57 =	vshll.u32 v3, $0x1  }
0x130: {  	v3 =	vand.u32 $0x7, v3;
	v4 =	vand.u32 $0xFFFFFFF0, v57  }
0x131: {  	v3 =	vor.u32 v3, v4  }
0x132: {  	v4 =	vperm.xlane v3, v0;
	_ =	sdelay $0x1  }
0x133: {  	v3 =	vperm.xlane v3, v2;
	v4 =	vadd.s32 v1, v4;
	_ =	sdelay $0x1  }
0x134: {  	v3 =	vadd.s32 v1, v3;
	_ =	sdelay $0x2  }
0x135: {  	[tilespmem:s9], [sflag:$0x2] =	stream.indirect_vreg.gather [hbm4b:s4+s2], $0x80, v4, vm0, $0xb8;
	[tilespmem:$0x10080] =	vst v63  }
0x136: {  	_ = 	snop  }
0x137: {  	[tilespmem:s10], [sflag:$0x2] =	stream.indirect_vreg.gather [hbm4b:s4+s2], $0x80, v3, vm0, $0xb8;
	[tilespmem:$0x10080] =	vst v63  }
0x138: {  	v3 =	vld [tilespmem:$0x20];
	_ =	sdelay $0x4  }
0x139: {  	v58 =	vshll.u32 v3, $0x1  }
0x13a: {  	v3 =	vand.u32 $0x7, v3;
	v4 =	vand.u32 $0xFFFFFFF0, v58  }
0x13b: {  	v3 =	vor.u32 v3, v4  }
0x13c: {  	v4 =	vperm.xlane v3, v0;
	_ =	sdelay $0x1  }
0x13d: {  	v3 =	vperm.xlane v3, v2;
	v4 =	vadd.s32 v1, v4;
	_ =	sdelay $0x1  }
0x13e: {  	v3 =	vadd.s32 v1, v3;
	_ =	sdelay $0x2  }
0x13f: {  	[tilespmem:s11], [sflag:$0x2] =	stream.indirect_vreg.gather [hbm4b:s4+s2], $0x80, v4, vm0, $0xb8;
	[tilespmem:$0x10080] =	vst v63  }
0x140: {  	_ = 	snop  }
0x141: {  	[tilespmem:s12], [sflag:$0x2] =	stream.indirect_vreg.gather [hbm4b:s4+s2], $0x80, v3, vm0, $0xb8;
	[tilespmem:$0x10080] =	vst v63  }
0x142: {  	v3 =	vld [tilespmem:$0x30];
	_ =	sdelay $0x4  }
0x143: {  	v59 =	vshll.u32 v3, $0x1  }
0x144: {  	v3 =	vand.u32 $0x7, v3;
	v4 =	vand.u32 $0xFFFFFFF0, v59  }
0x145: {  	v3 =	vor.u32 v3, v4  }
0x146: {  	v4 =	vperm.xlane v3, v0;
	_ =	sdelay $0x1  }
0x147: {  	v3 =	vperm.xlane v3, v2;
	v4 =	vadd.s32 v1, v4;
	_ =	sdelay $0x1  }
0x148: {  	v3 =	vadd.s32 v1, v3;
	_ =	sdelay $0x2  }
0x149: {  	[tilespmem:s13], [sflag:$0x2] =	stream.indirect_vreg.gather [hbm4b:s4+s2], $0x80, v4, vm0, $0xb8;
	[tilespmem:$0x10080] =	vst v63  }
0x14a: {  	_ = 	snop  }
0x14b: {  	[tilespmem:s7], [sflag:$0x2] =	stream.indirect_vreg.gather [hbm4b:s4+s2], $0x80, v3, vm0, $0xb8;
	[tilespmem:$0x10080] =	vst v63  }
0x14c: {  	v3 =	vld [tilespmem:$0x40];
	_ =	sdelay $0x4  }
0x14d: {  	v60 =	vshll.u32 v3, $0x1  }
0x14e: {  	v3 =	vand.u32 $0x7, v3;
	v4 =	vand.u32 $0xFFFFFFF0, v60  }
0x14f: {  	v3 =	vor.u32 v3, v4  }
0x150: {  	v4 =	vperm.xlane v3, v0;
	_ =	sdelay $0x1  }
0x151: {  	v3 =	vperm.xlane v3, v2;
	v4 =	vadd.s32 v1, v4;
	_ =	sdelay $0x1  }
0x152: {  	v3 =	vadd.s32 v1, v3;
	_ =	sdelay $0x1  }
0x153: {  	s14 =	simm.s32 $0xC080  }
0x154: {  	[tilespmem:s14], [sflag:$0x2] =	stream.indirect_vreg.gather [hbm4b:s4+s2], $0x80, v4, vm0, $0xb8;
	[tilespmem:$0x10080] =	vst v63  }
0x155: {  	s16 =	simm.s32 $0xC880  }
0x156: {  	[tilespmem:s16], [sflag:$0x2] =	stream.indirect_vreg.gather [hbm4b:s4+s2], $0x80, v3, vm0, $0xb8;
	[tilespmem:$0x10080] =	vst v63  }
0x157: {  	v3 =	vld [tilespmem:$0x50];
	_ =	sdelay $0x4  }
0x158: {  	v61 =	vshll.u32 v3, $0x1  }
0x159: {  	v3 =	vand.u32 $0x7, v3;
	v4 =	vand.u32 $0xFFFFFFF0, v61  }
0x15a: {  	v3 =	vor.u32 v3, v4  }
0x15b: {  	v4 =	vperm.xlane v3, v0;
	_ =	sdelay $0x1  }
0x15c: {  	v3 =	vperm.xlane v3, v2;
	v4 =	vadd.s32 v1, v4;
	_ =	sdelay $0x1  }
0x15d: {  	v3 =	vadd.s32 v1, v3;
	_ =	sdelay $0x1  }
0x15e: {  	s14 =	simm.s32 $0xD080  }
0x15f: {  	[tilespmem:s14], [sflag:$0x2] =	stream.indirect_vreg.gather [hbm4b:s4+s2], $0x80, v4, vm0, $0xb8;
	[tilespmem:$0x10080] =	vst v63  }
0x160: {  	s16 =	simm.s32 $0xD880  }
0x161: {  	[tilespmem:s16], [sflag:$0x2] =	stream.indirect_vreg.gather [hbm4b:s4+s2], $0x80, v3, vm0, $0xb8;
	[tilespmem:$0x10080] =	vst v63  }
0x162: {  	v3 =	vld [tilespmem:$0x60];
	_ =	sdelay $0x4  }
0x163: {  	v62 =	vshll.u32 v3, $0x1  }
0x164: {  	v3 =	vand.u32 $0x7, v3;
	v4 =	vand.u32 $0xFFFFFFF0, v62  }
0x165: {  	v3 =	vor.u32 v3, v4  }
0x166: {  	v4 =	vperm.xlane v3, v0;
	_ =	sdelay $0x1  }
0x167: {  	v3 =	vperm.xlane v3, v2;
	v4 =	vadd.s32 v1, v4;
	_ =	sdelay $0x1  }
0x168: {  	v3 =	vadd.s32 v1, v3;
	_ =	sdelay $0x1  }
0x169: {  	s14 =	simm.s32 $0xE080  }
0x16a: {  	[tilespmem:s14], [sflag:$0x2] =	stream.indirect_vreg.gather [hbm4b:s4+s2], $0x80, v4, vm0, $0xb8;
	[tilespmem:$0x10080] =	vst v63  }
0x16b: {  	s16 =	simm.s32 $0xE880  }
0x16c: {  	[tilespmem:s16], [sflag:$0x2] =	stream.indirect_vreg.gather [hbm4b:s4+s2], $0x80, v3, vm0, $0xb8;
	[tilespmem:$0x10080] =	vst v63  }
0x16d: {  	v3 =	vld [tilespmem:$0x70];
	_ =	sdelay $0x4  }
0x16e: {  	v63 =	vshll.u32 v3, $0x1  }
0x16f: {  	v3 =	vand.u32 $0x7, v3;
	v4 =	vand.u32 $0xFFFFFFF0, v63  }
0x170: {  	v3 =	vor.u32 v3, v4  }
0x171: {  	v4 =	vperm.xlane v3, v0;
	_ =	sdelay $0x1  }
0x172: {  	v3 =	vperm.xlane v3, v2;
	v4 =	vadd.s32 v1, v4;
	_ =	sdelay $0x1  }
0x173: {  	v3 =	vadd.s32 v1, v3;
	_ =	sdelay $0x1  }
0x174: {  	s14 =	simm.s32 $0xF080  }
0x175: {  	[tilespmem:s14], [sflag:$0x2] =	stream.indirect_vreg.gather [hbm4b:s4+s2], $0x80, v4, vm0, $0xb8;
	[tilespmem:$0x10080] =	vst v63  }
0x176: {  	s16 =	simm.s32 $0xF880  }
0x177: {  	[tilespmem:s16], [sflag:$0x2] =	stream.indirect_vreg.gather [hbm4b:s4+s2], $0x80, v3, vm0, $0xb8;
	[tilespmem:$0x10080] =	vst v63  }
0x178: {  	_ =	swait.ge [sflag:s1], $0x8000  }
0x179: {  	[sflag:s1] =	ssyncset.done $0x0  }
0x17a: {  	[sflag:s1] =	ssyncadd.s32 $0xFFFF8000  }
0x17b: {  	_ =	swait.ge [sflag:s15], $0x8000  }
0x17c: {  	[sflag:s15] =	ssyncset.done $0x0  }
0x17d: {  	s14 =	simm.s32 $0x80;
	s7 =	rddreg [dreg:$0x8];
	[sflag:s15] =	ssyncadd.s32 $0xFFFF8000  }
0x17e: {  	[hbm4b:s7+s2] =	stream.linear.scatter [tilespmem:s14], [sflag:$0x3], $0x8000, $0x38;
	[tilespmem:$0x10080] =	vst v63  }
0x17f: {  	_ =	swait.ge [sflag:s6], $0x8000  }
0x180: {  	p0 =	sne.s32 s5, $0x1;
	[sflag:s6] =	ssyncset.done $0x0  }
.Ltmp0:
0x181: {  	s14 =	rddreg [dreg:$0x9];
	[sflag:s6] =	ssyncadd.s32 $0xFFFF8000;
	(pc) =	sbr.rel @p0 .LBB2_1-.Ltmp0, $4  }
0x182: {  	[hbm4b:s14+s2] =	stream.linear.scatter [tilespmem:s0], [sflag:$0x3], $0x8000, $0x38;
	[tilespmem:$0x10080] =	vst v63  }
0x183: {  	_ =	swait.ge [sflag:s6], $0x8000  }
0x184: {  	[sflag:s6] =	ssyncset.done $0x0  }
0x185: {  	s5 =	sadd.s32 $0xFFFFFFFF, s5;
	[sflag:s6] =	ssyncadd.s32 $0xFFFF8000  }
0x186: {  	_ =	sfence.sel $0x180000  }
0x187: {  	[bflag:$0x0] =	sbarrier.arrive $0xFFFF  }
0x188: {  	_ =	strace $0x90000047  }
0x189: {  	s0 =	stileid.u32;
	[bflag:$0x2] =	sbarrier.arrive $0xFFFF  }
0x18a: {  	p0 =	sne.s32 s0, $0x0;
	s0 =	rddreg [dreg:$0x3]  }
0x18b: {  	s0 =	sadd.s32 @!p0 $0x100000, s0  }
0x18c: {  	[sflag:s0] =	ssyncadd.tile.s32 @!p0 $0x1;
	_ =	shalt  }
.Lfunc_end2:
_tile_overlayer_lowered:
.L_overlay_start_2:
0x18d: {  	(tag) =	ssettag $0x2  }
0x18e: {  	s0 =	rddreg [dreg:$0x0];
	s2 =	stileid.u32  }
0x18f: {  	s1 =	rddreg [dreg:$0x1];
	p0 =	sne.s32 s2, $0x0  }
0x190: {  	s3 =	rddreg [dreg:$0x2];
	[bflag:$0x3] =	sbarrier.arrive $0xFFFF;
	s2 =	simm.s32 @!p0 $0x1C03  }
0x191: {  	[timem:s3], [sflag:s2] =	dma.local @!p0 [hbm:s0], s1  }
0x192: {  	s0 =	simm.s32 @!p0 $0x3  }
0x193: {  	_ =	swait.ge @!p0 [sflag:s0], s1  }
0x194: {  	s1 =	ssub.s32 @!p0 $0x0, s1;
	[sflag:s0] =	ssyncset.done @!p0 $0x0  }
0x195: {  	[sflag:s0] =	ssyncadd.s32 @!p0 s1  }
0x196: {  	[bflag:$0x3] =	sbarrier.arrive $0xFFFF  }
0x197: {  	_ =	shalt  }

</sc_bundles>
